<compile_context>
chip_gen: v7x
topology: tpu7x:2x2x1
jax: 0.10.2.dev20260603
libtpu: 0.0.44.dev20260713+nightly
codegen_flags: <defaults>
</compile_context>

<pallas_src>
import functools

import jax
import jax.numpy as jnp
from jax import lax
from jax.experimental import pallas as pl
from jax.experimental.pallas import tpu as pltpu
from jax.experimental.pallas import tpu_sc as plsc

F32 = jnp.float32
D = 128
NN = 10000
NE = 320000
NG = 256
NW = 32
C = 80
LN_EPS = 1e-5



def _sc_mesh():
    return plsc.VectorSubcoreMesh(core_axis_name="c", subcore_axis_name="s")


def _sc_gather_pair(hA, hB, dst, src):
    E = dst.shape[0]
    n_chunks = E // C
    per_w = n_chunks // NW

    @functools.partial(
        pl.kernel,
        out_type=(jax.ShapeDtypeStruct((E, D), F32),
                  jax.ShapeDtypeStruct((E, D), F32)),
        mesh=_sc_mesh(),
        scratch_types=[
            pltpu.VMEM((C,), jnp.int32),
            pltpu.VMEM((C,), jnp.int32),
            pltpu.VMEM((C, D), F32),
            pltpu.VMEM((C, D), F32),
            pltpu.SemaphoreType.DMA,
            pltpu.SemaphoreType.DMA,
        ],
    )
    def k(hA_hbm, hB_hbm, dst_hbm, src_hbm, gA_hbm, gB_hbm,
          iA, iB, bA, bB, semA, semB):
        wid = lax.axis_index("s") * 2 + lax.axis_index("c")

        def body(j, carry):
            base = pl.multiple_of((wid * per_w + j) * C, C)
            pltpu.sync_copy(dst_hbm.at[pl.ds(base, C)], iA)
            pltpu.sync_copy(src_hbm.at[pl.ds(base, C)], iB)
            cA = pltpu.async_copy(hA_hbm.at[iA], bA, semA)
            cB = pltpu.async_copy(hB_hbm.at[iB], bB, semB)
            cA.wait()
            cB.wait()
            pltpu.sync_copy(bA, gA_hbm.at[pl.ds(base, C)])
            pltpu.sync_copy(bB, gB_hbm.at[pl.ds(base, C)])
            return carry

        lax.fori_loop(0, per_w, body, 0)

    return k(hA, hB, dst, src)


def _sc_scatter_add(vals, idx, zeros):
    E = idx.shape[0]
    R = zeros.shape[0]
    n_chunks = E // C
    nj = -(-n_chunks // NW)
    rps = R // 16

    @functools.partial(
        pl.kernel,
        out_type=jax.ShapeDtypeStruct((2, R, D), F32),
        mesh=_sc_mesh(),
        scratch_types=[
            pltpu.VMEM((C,), jnp.int32),
            pltpu.VMEM((C, D), F32),
            pltpu.VMEM_SHARED((R, D), F32),
        ],
    )
    def k(vals_hbm, idx_hbm, zeros_hbm, out_hbm, ibuf, vbuf, acc):
        cid = lax.axis_index("c")
        sid = lax.axis_index("s")
        wid = sid * 2 + cid
        row0 = pl.multiple_of(sid * rps, 8)
        pltpu.sync_copy(zeros_hbm.at[pl.ds(row0, rps)], acc.at[pl.ds(row0, rps)])
        plsc.subcore_barrier()

        def body(j, carry):
            chunk = wid + NW * j

            @pl.when(chunk < n_chunks)
            def _():
                base = pl.multiple_of(chunk * C, C)
                pltpu.sync_copy(idx_hbm.at[pl.ds(base, C)], ibuf)
                pltpu.sync_copy(vals_hbm.at[pl.ds(base, C)], vbuf)
                pltpu.sync_copy(vbuf, acc.at[ibuf], add=True)

            return carry

        lax.fori_loop(0, nj, body, 0)
        plsc.subcore_barrier()
        pltpu.sync_copy(acc.at[pl.ds(row0, rps)],
                        out_hbm.at[cid, pl.ds(row0, rps)])

    return k(vals, idx, zeros)



def _ln_relu(x, g, b):
    mu = jnp.mean(x, axis=-1, keepdims=True)
    d = x - mu
    var = jnp.mean(d * d, axis=-1, keepdims=True)
    return jnp.maximum(d * lax.rsqrt(var + LN_EPS) * g + b, 0.0)


def _full(shape):
    return pl.BlockSpec(shape, lambda i: tuple(0 for _ in shape))


def _tc_embed_pre(atoms_f, emb, A, B, b1):
    Rb, grid = 1000, NN // 1000

    def body(a_ref, emb_ref, A_ref, B_ref, b_ref, h_ref, hA_ref, hB_ref):
        iota = lax.broadcasted_iota(jnp.int32, (Rb, 64), 1).astype(F32)
        oh = (a_ref[...] == iota).astype(F32)
        h = jnp.dot(oh, emb_ref[...], preferred_element_type=F32)
        h_ref[...] = h
        hA_ref[...] = jnp.dot(h, A_ref[...], preferred_element_type=F32) + b_ref[...]
        hB_ref[...] = jnp.dot(h, B_ref[...], preferred_element_type=F32)

    out = pl.pallas_call(
        body,
        grid=(grid,),
        in_specs=[pl.BlockSpec((Rb, 1), lambda i: (i, 0)),
                  _full((64, D)), _full((D, D)), _full((D, D)), _full((1, D))],
        out_specs=[pl.BlockSpec((Rb, D), lambda i: (i, 0))] * 3,
        out_shape=[jax.ShapeDtypeStruct((NN, D), F32)] * 3,
    )(atoms_f, emb, A, B, b1)
    return out


def _tc_edge_mlp(gA, gB, g1, B1, W2, b2, g2, B2):
    Rb = 2000
    grid = NE // Rb

    def body(gA_ref, gB_ref, g1r, B1r, W2r, b2r, g2r, B2r, m_ref):
        x = _ln_relu(gA_ref[...] + gB_ref[...], g1r[...], B1r[...])
        y = jnp.dot(x, W2r[...], preferred_element_type=F32) + b2r[...]
        m_ref[...] = _ln_relu(y, g2r[...], B2r[...])

    return pl.pallas_call(
        body,
        grid=(grid,),
        in_specs=[pl.BlockSpec((Rb, D), lambda i: (i, 0)),
                  pl.BlockSpec((Rb, D), lambda i: (i, 0)),
                  _full((1, D)), _full((1, D)), _full((D, D)),
                  _full((1, D)), _full((1, D)), _full((1, D))],
        out_specs=pl.BlockSpec((Rb, D), lambda i: (i, 0)),
        out_shape=jax.ShapeDtypeStruct((NE, D), F32),
    )(gA, gB, g1, B1, W2, b2, g2, B2)


def _tc_node_update(h, P, u, nxt):
    Rb, grid = 1000, NN // 1000
    uW1a, uW1b, ub1, ug1, uB1, uW2, ub2, ug2, uB2 = u

    def body(h_ref, P_ref, W1a, W1b, b1r, g1r, B1r, W2r, b2r, g2r, B2r,
             *rest):
        hv = h_ref[...]
        aggr = P_ref[0] + P_ref[1]
        x = (jnp.dot(hv, W1a[...], preferred_element_type=F32)
             + jnp.dot(aggr, W1b[...], preferred_element_type=F32) + b1r[...])
        x = _ln_relu(x, g1r[...], B1r[...])
        x = jnp.dot(x, W2r[...], preferred_element_type=F32) + b2r[...]
        hn = hv + _ln_relu(x, g2r[...], B2r[...])
        if nxt is None:
            (hn_ref,) = rest
            hn_ref[...] = hn
        else:
            An, Bn, bn, hn_ref, hAn_ref, hBn_ref = rest
            hn_ref[...] = hn
            hAn_ref[...] = jnp.dot(hn, An[...], preferred_element_type=F32) + bn[...]
            hBn_ref[...] = jnp.dot(hn, Bn[...], preferred_element_type=F32)

    w_specs = [_full((D, D)), _full((D, D)), _full((1, D)), _full((1, D)),
               _full((1, D)), _full((D, D)), _full((1, D)), _full((1, D)),
               _full((1, D))]
    in_specs = [pl.BlockSpec((Rb, D), lambda i: (i, 0)),
                pl.BlockSpec((2, Rb, D), lambda i: (0, i, 0))] + w_specs
    args = [h, P] + list(u)
    n_out = 1 if nxt is None else 3
    if nxt is not None:
        in_specs += [_full((D, D)), _full((D, D)), _full((1, D))]
        args += list(nxt)
    return pl.pallas_call(
        body,
        grid=(grid,),
        in_specs=in_specs,
        out_specs=[pl.BlockSpec((Rb, D), lambda i: (i, 0))] * n_out,
        out_shape=[jax.ShapeDtypeStruct((NN, D), F32)] * n_out,
    )(*args)


def _tc_head(Pp, W1, b1, W2p, b2p):
    def body(P_ref, W1r, b1r, W2r, b2r, out_ref):
        pooled = P_ref[0] + P_ref[1]
        hid = jnp.maximum(
            jnp.dot(pooled, W1r[...], preferred_element_type=F32) + b1r[...], 0.0)
        out_ref[...] = jnp.dot(hid, W2r[...], preferred_element_type=F32) + b2r[...]

    return pl.pallas_call(
        body,
        grid=(1,),
        in_specs=[_full((2, NG, D)), _full((D, D)), _full((1, D)),
                  _full((D, D)), _full((1, D))],
        out_specs=_full((NG, D)),
        out_shape=jax.ShapeDtypeStruct((NG, D), F32),
    )(Pp, W1, b1, W2p, b2p)



def kernel(atoms, edge_index, batch, params):
    src = edge_index[0]
    dst = edge_index[1]
    layers = params["layers"]
    atoms_f = atoms.astype(F32).reshape(NN, 1)
    NNp = -(-NN // 128) * 128
    z_nodes = jnp.zeros((NNp, D), F32)
    z_graphs = jnp.zeros((NG, D), F32)

    def row(v):
        return v.reshape(1, D)

    def pre_w(p):
        return p["mW1"][:D], p["mW1"][D:], row(p["mb1"])

    h, hA, hB = _tc_embed_pre(atoms_f, params["emb"], *pre_w(layers[0]))
    for li, p in enumerate(layers):
        gA, gB = _sc_gather_pair(hA, hB, dst, src)
        m = _tc_edge_mlp(gA, gB, row(p["mg1"]), row(p["mB1"]), p["mW2"],
                         row(p["mb2"]), row(p["mg2"]), row(p["mB2"]))
        P = _sc_scatter_add(m, dst, z_nodes)
        u = (p["uW1"][:D], p["uW1"][D:], row(p["ub1"]), row(p["ug1"]),
             row(p["uB1"]), p["uW2"], row(p["ub2"]), row(p["ug2"]),
             row(p["uB2"]))
        nxt = pre_w(layers[li + 1]) if li + 1 < len(layers) else None
        if nxt is None:
            (h,) = _tc_node_update(h, P, u, nxt)
        else:
            h, hA, hB = _tc_node_update(h, P, u, nxt)

    Pp = _sc_scatter_add(h, batch, z_graphs)
    W2p = jnp.pad(params["pW2"], ((0, 0), (0, D - params["pW2"].shape[1])))
    b2p = jnp.pad(params["pb2"], (0, D - params["pb2"].shape[0])).reshape(1, D)
    out_full = _tc_head(Pp, params["pW1"], row(params["pb1"]), W2p, b2p)
    return out_full[:, :1]

# --- scband reference (transcript-rebuilt; emitter-appended) ---
"""Pipeline reference for scband-mpnnmodel-29815662969340 (READ-ONLY COPY).

The authoritative reference and input builder live on the scoring server;
editing this copy changes nothing except your own understanding.
"""

import jax, jax.numpy as jnp
import numpy as np

NUM_LAYERS = 5
EMB = 128
IN_DIM = 64
OUT_DIM = 1
N_NODES = 10000
N_EDGES = 320000
N_GRAPHS = 256


def _init_linear(key, fan_in, fan_out):
    k1, k2 = jax.random.split(key)
    lim = 1.0 / np.sqrt(fan_in)
    W = jax.random.uniform(k1, (fan_in, fan_out), minval=-lim, maxval=lim, dtype=jnp.float32)
    b = jax.random.uniform(k2, (fan_out,), minval=-lim, maxval=lim, dtype=jnp.float32)
    return W, b


def setup_inputs(seed: int = 0) -> dict:
    key = jax.random.key(seed)
    ks = jax.random.split(key, 8)
    atoms = jax.random.randint(ks[0], (N_NODES,), 0, IN_DIM, dtype=jnp.int64 if jax.config.jax_enable_x64 else jnp.int32).astype(jnp.int32)
    edge_index = jax.random.randint(ks[1], (2, N_EDGES), 0, N_NODES).astype(jnp.int32)
    batch = jnp.sort(jax.random.randint(ks[2], (N_NODES,), 0, N_GRAPHS)).astype(jnp.int32)
    emb = jax.random.normal(ks[3], (IN_DIM, EMB), dtype=jnp.float32)
    layers = []
    lk = ks[4]
    for _ in range(NUM_LAYERS):
        lk, s0, s1, s2, s3 = jax.random.split(lk, 5)
        mW1, mb1 = _init_linear(s0, 2 * EMB, EMB)
        mW2, mb2 = _init_linear(s1, EMB, EMB)
        uW1, ub1 = _init_linear(s2, 2 * EMB, EMB)
        uW2, ub2 = _init_linear(s3, EMB, EMB)
        layers.append({
            'mW1': mW1, 'mb1': mb1, 'mg1': jnp.ones(EMB), 'mB1': jnp.zeros(EMB),
            'mW2': mW2, 'mb2': mb2, 'mg2': jnp.ones(EMB), 'mB2': jnp.zeros(EMB),
            'uW1': uW1, 'ub1': ub1, 'ug1': jnp.ones(EMB), 'uB1': jnp.zeros(EMB),
            'uW2': uW2, 'ub2': ub2, 'ug2': jnp.ones(EMB), 'uB2': jnp.zeros(EMB),
        })
    pk1, pk2 = jax.random.split(ks[5])
    pW1, pb1 = _init_linear(pk1, EMB, EMB)
    pW2, pb2 = _init_linear(pk2, EMB, OUT_DIM)
    params = {'emb': emb, 'layers': layers, 'pW1': pW1, 'pb1': pb1, 'pW2': pW2, 'pb2': pb2}
    return {'atoms': atoms, 'edge_index': edge_index, 'batch': batch, 'params': params}


def _layernorm(x, g, b):
    mu = jnp.mean(x, axis=-1, keepdims=True)
    var = jnp.mean((x - mu) ** 2, axis=-1, keepdims=True)
    return (x - mu) / jnp.sqrt(var + 1e-5) * g + b


def _conv(h, src, dst, p):
    # PyG MessagePassing (flow=source_to_target): h_i = h[dst], h_j = h[src]
    msg_in = jnp.concatenate([h[dst], h[src]], axis=-1)
    m = jax.nn.relu(_layernorm(msg_in @ p['mW1'] + p['mb1'], p['mg1'], p['mB1']))
    m = jax.nn.relu(_layernorm(m @ p['mW2'] + p['mb2'], p['mg2'], p['mB2']))
    aggr = jax.ops.segment_sum(m, dst, num_segments=h.shape[0])
    u_in = jnp.concatenate([h, aggr], axis=-1)
    u = jax.nn.relu(_layernorm(u_in @ p['uW1'] + p['ub1'], p['ug1'], p['uB1']))
    u = jax.nn.relu(_layernorm(u @ p['uW2'] + p['ub2'], p['ug2'], p['uB2']))
    return u


def reference(atoms, edge_index, batch, params):
    src = edge_index[0]
    dst = edge_index[1]
    h = jnp.take(params['emb'], atoms, axis=0)
    for p in params['layers']:
        h = h + _conv(h, src, dst, p)  # residual=True
    pooled = jax.ops.segment_sum(h, batch, num_segments=N_GRAPHS)  # global_add_pool
    hid = jax.nn.relu(pooled @ params['pW1'] + params['pb1'])
    out = hid @ params['pW2'] + params['pb2']
    return out

if __name__ == "__main__":
    import jax
    _d = setup_inputs()
    print(jax.jit(kernel)(*tuple(_d.values())))

</pallas_src>

<mosaic_0001>
#map = affine_map<(d0, d1) -> (0, 0)>
#map1 = affine_map<(d0, d1) -> (0)>
#map2 = affine_map<(d0, d1) -> (0, 0, 0)>
module attributes {stable_mosaic.version = 14 : i64} {
  func.func @k(%arg0: i32, %arg1: i32, %arg2: memref<320000x128xf32, #tpu.memory_space<hbm>>, %arg3: memref<320000xi32, #tpu.memory_space<hbm>>, %arg4: memref<10112x128xf32, #tpu.memory_space<hbm>>, %arg5: memref<2x10112x128xf32, #tpu.memory_space<hbm>>, %arg6: memref<80xi32, #tpu.memory_space<vmem>>, %arg7: memref<80x128xf32, #tpu.memory_space<vmem>>, %arg8: memref<10112x128xf32, #tpu.memory_space<vmem_shared>>) attributes {dimension_semantics = [#tpu.dimension_semantics<core_parallel>, #tpu.dimension_semantics<subcore_parallel>], iteration_bounds = array<i64: 2, 16>, scalar_prefetch = 0 : i64, scratch_operands = 3 : i64, tpu.core_type = #tpu.core_type<sc_vector_subcore>, window_params = [{transform_indices = #map}, {transform_indices = #map1}, {transform_indices = #map}, {transform_indices = #map2}]} {
    %mul3A = arith.constant 2 : i32
    %mul3A_0 = arith.muli %arg1, %mul3A : i32
    %add3A = arith.addi %mul3A_0, %arg0 : i32
    %mul3A_1 = arith.constant 632 : i32
    %mul3A_2 = arith.muli %arg1, %mul3A_1 : i32
    %multiple_of3A = tpu.assume_multiple %mul3A_2, 8 : i32
    "tpu.region"() ({
      %run_scoped3A = tpu.sem_alloc : memref<!tpu.dma_semaphore, #tpu.memory_space<semaphore_mem>>
      %dma_start3A = arith.constant 0 : i32
      %dma_start3A_9 = tpu.memref_slice %arg8[%multiple_of3A, %dma_start3A] : memref<10112x128xf32, #tpu.memory_space<vmem_shared>> -> memref<632x128xf32, #tpu.memory_space<vmem_shared>>
      %dma_start3A_10 = arith.constant 0 : i32
      %dma_start3A_11 = tpu.memref_slice %arg4[%multiple_of3A, %dma_start3A_10] : memref<10112x128xf32, #tpu.memory_space<hbm>> -> memref<632x128xf32, #tpu.memory_space<hbm>>
      tpu.enqueue_dma source(%dma_start3A_11 : memref<632x128xf32, #tpu.memory_space<hbm>>) target(%dma_start3A_9 : memref<632x128xf32, #tpu.memory_space<vmem_shared>>) target_semaphore(%run_scoped3A : memref<!tpu.dma_semaphore, #tpu.memory_space<semaphore_mem>>)
      %dma_wait3A = arith.constant 0 : i32
      %dma_wait3A_12 = tpu.memref_slice %arg8[%multiple_of3A, %dma_wait3A] : memref<10112x128xf32, #tpu.memory_space<vmem_shared>> -> memref<632x128xf32, #tpu.memory_space<vmem_shared>>
      %dma_wait3A_13 = arith.constant 0 : i32
      %dma_wait3A_14 = tpu.memref_slice %arg4[%multiple_of3A, %dma_wait3A_13] : memref<10112x128xf32, #tpu.memory_space<hbm>> -> memref<632x128xf32, #tpu.memory_space<hbm>>
      tpu.wait_dma2 semaphore(%run_scoped3A : memref<!tpu.dma_semaphore, #tpu.memory_space<semaphore_mem>>) src(%dma_wait3A_14 : memref<632x128xf32, #tpu.memory_space<hbm>>) dst(%dma_wait3A_12 : memref<632x128xf32, #tpu.memory_space<vmem_shared>>)
      tpu.yield
    }) : () -> ()
    %barrier3A = arith.constant 0 : index
    tpu.barrier barrier_id(%barrier3A)
    %scan3A = arith.constant 0 : i32
    %scan3A_3 = arith.constant 0 : i32
    %scan3A_4 = arith.constant 125 : i32
    %scan3A_5 = arith.addi %scan3A_3, %scan3A_4 : i32
    %scan3A_6 = arith.constant 1 : i32
    scf.for %scan3A_9 = %scan3A_3 to %scan3A_5 step %scan3A_6  : i32 {
      %mul3A_10 = arith.constant 32 : i32
      %mul3A_11 = arith.muli %mul3A_10, %scan3A_9 : i32
      %add3A_12 = arith.addi %add3A, %mul3A_11 : i32
      %lt3A = arith.constant 4000 : i32
      %lt3A_13 = arith.cmpi slt, %add3A_12, %lt3A : i32
      %convert_element_type3A = arith.extui %lt3A_13 : i1 to i32
      %cond3A = arith.constant 0 : i32
      %cond3A_14 = arith.cmpi ne, %convert_element_type3A, %cond3A : i32
      scf.if %cond3A_14 {
        %mul3A_15 = arith.constant 80 : i32
        %mul3A_16 = arith.muli %add3A_12, %mul3A_15 : i32
        %multiple_of3A_17 = tpu.assume_multiple %mul3A_16, 80 : i32
        "tpu.region"() ({
          %run_scoped3A = tpu.sem_alloc : memref<!tpu.dma_semaphore, #tpu.memory_space<semaphore_mem>>
          %dma_start3A = tpu.memref_slice %arg3[%multiple_of3A_17] : memref<320000xi32, #tpu.memory_space<hbm>> -> memref<80xi32, #tpu.memory_space<hbm>>
          %dma_start3A_18 = tpu.memref_slice %arg3[%multiple_of3A_17] : memref<320000xi32, #tpu.memory_space<hbm>> -> memref<80xi32, #tpu.memory_space<hbm>>
          tpu.enqueue_dma source(%dma_start3A_18 : memref<80xi32, #tpu.memory_space<hbm>>) target(%arg6 : memref<80xi32, #tpu.memory_space<vmem>>) target_semaphore(%run_scoped3A : memref<!tpu.dma_semaphore, #tpu.memory_space<semaphore_mem>>)
          %dma_wait3A = tpu.memref_slice %arg3[%multiple_of3A_17] : memref<320000xi32, #tpu.memory_space<hbm>> -> memref<80xi32, #tpu.memory_space<hbm>>
          %dma_wait3A_19 = tpu.memref_slice %arg3[%multiple_of3A_17] : memref<320000xi32, #tpu.memory_space<hbm>> -> memref<80xi32, #tpu.memory_space<hbm>>
          tpu.wait_dma2 semaphore(%run_scoped3A : memref<!tpu.dma_semaphore, #tpu.memory_space<semaphore_mem>>) src(%dma_wait3A_19 : memref<80xi32, #tpu.memory_space<hbm>>) dst(%arg6 : memref<80xi32, #tpu.memory_space<vmem>>)
          tpu.yield
        }) : () -> ()
        "tpu.region"() ({
          %run_scoped3A = tpu.sem_alloc : memref<!tpu.dma_semaphore, #tpu.memory_space<semaphore_mem>>
          %dma_start3A = arith.constant 0 : i32
          %dma_start3A_18 = tpu.memref_slice %arg2[%multiple_of3A_17, %dma_start3A] : memref<320000x128xf32, #tpu.memory_space<hbm>> -> memref<80x128xf32, #tpu.memory_space<hbm>>
          %dma_start3A_19 = arith.constant 0 : i32
          %dma_start3A_20 = tpu.memref_slice %arg2[%multiple_of3A_17, %dma_start3A_19] : memref<320000x128xf32, #tpu.memory_space<hbm>> -> memref<80x128xf32, #tpu.memory_space<hbm>>
          tpu.enqueue_dma source(%dma_start3A_20 : memref<80x128xf32, #tpu.memory_space<hbm>>) target(%arg7 : memref<80x128xf32, #tpu.memory_space<vmem>>) target_semaphore(%run_scoped3A : memref<!tpu.dma_semaphore, #tpu.memory_space<semaphore_mem>>)
          %dma_wait3A = arith.constant 0 : i32
          %dma_wait3A_21 = tpu.memref_slice %arg2[%multiple_of3A_17, %dma_wait3A] : memref<320000x128xf32, #tpu.memory_space<hbm>> -> memref<80x128xf32, #tpu.memory_space<hbm>>
          %dma_wait3A_22 = arith.constant 0 : i32
          %dma_wait3A_23 = tpu.memref_slice %arg2[%multiple_of3A_17, %dma_wait3A_22] : memref<320000x128xf32, #tpu.memory_space<hbm>> -> memref<80x128xf32, #tpu.memory_space<hbm>>
          tpu.wait_dma2 semaphore(%run_scoped3A : memref<!tpu.dma_semaphore, #tpu.memory_space<semaphore_mem>>) src(%dma_wait3A_23 : memref<80x128xf32, #tpu.memory_space<hbm>>) dst(%arg7 : memref<80x128xf32, #tpu.memory_space<vmem>>)
          tpu.yield
        }) : () -> ()
        "tpu.region"() ({
          %run_scoped3A = tpu.sem_alloc : memref<!tpu.dma_semaphore, #tpu.memory_space<semaphore_mem>>
          %dma_start3A = arith.constant 0 : i32
          %dma_start3A_18 = arith.constant 0 : i32
          %dma_start3A_19 = tpu.memref_slice %arg8[%dma_start3A, %dma_start3A_18] : memref<10112x128xf32, #tpu.memory_space<vmem_shared>> -> memref<10112x128xf32, #tpu.memory_space<vmem_shared>>
          tpu.enqueue_indirect_dma source(%arg7 : memref<80x128xf32, #tpu.memory_space<vmem>>) target(%dma_start3A_19 : memref<10112x128xf32, #tpu.memory_space<vmem_shared>>) offsets(%arg6 : memref<80xi32, #tpu.memory_space<vmem>>) semaphore(%run_scoped3A : memref<!tpu.dma_semaphore, #tpu.memory_space<semaphore_mem>>) {add = true}
          %dma_wait3A = arith.constant 0 : i32
          %dma_wait3A_20 = arith.constant 0 : i32
          %dma_wait3A_21 = tpu.memref_slice %arg8[%dma_wait3A, %dma_wait3A_20] : memref<10112x128xf32, #tpu.memory_space<vmem_shared>> -> memref<10112x128xf32, #tpu.memory_space<vmem_shared>>
          tpu.wait_indirect_dma semaphore(%run_scoped3A : memref<!tpu.dma_semaphore, #tpu.memory_space<semaphore_mem>>) src(%arg7 : memref<80x128xf32, #tpu.memory_space<vmem>>) dst(%dma_wait3A_21 : memref<10112x128xf32, #tpu.memory_space<vmem_shared>>)
          tpu.yield
        }) : () -> ()
      } else {
      }
    }
    %scan3A_7 = arith.constant 125 : i32
    %barrier3A_8 = arith.constant 0 : index
    tpu.barrier barrier_id(%barrier3A_8)
    "tpu.region"() ({
      %run_scoped3A = tpu.sem_alloc : memref<!tpu.dma_semaphore, #tpu.memory_space<semaphore_mem>>
      %dma_start3A = arith.constant 0 : i32
      %dma_start3A_9 = tpu.memref_slice %arg5[%arg0, %multiple_of3A, %dma_start3A] : memref<2x10112x128xf32, #tpu.memory_space<hbm>> -> memref<1x632x128xf32, #tpu.memory_space<hbm>>
      %dma_start3A_10 = tpu.memref_squeeze %dma_start3A_9 : memref<1x632x128xf32, #tpu.memory_space<hbm>> -> memref<632x128xf32, #tpu.memory_space<hbm>>
      %dma_start3A_11 = arith.constant 0 : i32
      %dma_start3A_12 = tpu.memref_slice %arg8[%multiple_of3A, %dma_start3A_11] : memref<10112x128xf32, #tpu.memory_space<vmem_shared>> -> memref<632x128xf32, #tpu.memory_space<vmem_shared>>
      tpu.enqueue_dma source(%dma_start3A_12 : memref<632x128xf32, #tpu.memory_space<vmem_shared>>) target(%dma_start3A_10 : memref<632x128xf32, #tpu.memory_space<hbm>>) target_semaphore(%run_scoped3A : memref<!tpu.dma_semaphore, #tpu.memory_space<semaphore_mem>>)
      %dma_wait3A = arith.constant 0 : i32
      %dma_wait3A_13 = tpu.memref_slice %arg5[%arg0, %multiple_of3A, %dma_wait3A] : memref<2x10112x128xf32, #tpu.memory_space<hbm>> -> memref<1x632x128xf32, #tpu.memory_space<hbm>>
      %dma_wait3A_14 = tpu.memref_squeeze %dma_wait3A_13 : memref<1x632x128xf32, #tpu.memory_space<hbm>> -> memref<632x128xf32, #tpu.memory_space<hbm>>
      %dma_wait3A_15 = arith.constant 0 : i32
      %dma_wait3A_16 = tpu.memref_slice %arg8[%multiple_of3A, %dma_wait3A_15] : memref<10112x128xf32, #tpu.memory_space<vmem_shared>> -> memref<632x128xf32, #tpu.memory_space<vmem_shared>>
      tpu.wait_dma2 semaphore(%run_scoped3A : memref<!tpu.dma_semaphore, #tpu.memory_space<semaphore_mem>>) src(%dma_wait3A_16 : memref<632x128xf32, #tpu.memory_space<vmem_shared>>) dst(%dma_wait3A_14 : memref<632x128xf32, #tpu.memory_space<hbm>>)
      tpu.yield
    }) : () -> ()
    return
  }
}

#map = affine_map<(d0, d1) -> (0, 0)>
#map1 = affine_map<(d0, d1) -> (0)>
module attributes {stable_mosaic.version = 14 : i64} {
  func.func @k(%arg0: i32, %arg1: i32, %arg2: memref<10000x128xf32, #tpu.memory_space<hbm>>, %arg3: memref<10000x128xf32, #tpu.memory_space<hbm>>, %arg4: memref<320000xi32, #tpu.memory_space<hbm>>, %arg5: memref<320000xi32, #tpu.memory_space<hbm>>, %arg6: memref<320000x128xf32, #tpu.memory_space<hbm>>, %arg7: memref<320000x128xf32, #tpu.memory_space<hbm>>, %arg8: memref<80xi32, #tpu.memory_space<vmem>>, %arg9: memref<80xi32, #tpu.memory_space<vmem>>, %arg10: memref<80x128xf32, #tpu.memory_space<vmem>>, %arg11: memref<80x128xf32, #tpu.memory_space<vmem>>, %arg12: memref<!tpu.dma_semaphore, #tpu.memory_space<semaphore_mem>>, %arg13: memref<!tpu.dma_semaphore, #tpu.memory_space<semaphore_mem>>) attributes {dimension_semantics = [#tpu.dimension_semantics<core_parallel>, #tpu.dimension_semantics<subcore_parallel>], iteration_bounds = array<i64: 2, 16>, scalar_prefetch = 0 : i64, scratch_operands = 6 : i64, tpu.core_type = #tpu.core_type<sc_vector_subcore>, window_params = [{transform_indices = #map}, {transform_indices = #map}, {transform_indices = #map1}, {transform_indices = #map1}, {transform_indices = #map}, {transform_indices = #map}]} {
    %mul3A = arith.constant 2 : i32
    %mul3A_0 = arith.muli %arg1, %mul3A : i32
    %add3A = arith.addi %mul3A_0, %arg0 : i32
    %scan3A = arith.constant 0 : i32
    %scan3A_1 = arith.constant 0 : i32
    %scan3A_2 = arith.constant 125 : i32
    %scan3A_3 = arith.addi %scan3A_1, %scan3A_2 : i32
    %scan3A_4 = arith.constant 1 : i32
    scf.for %scan3A_6 = %scan3A_1 to %scan3A_3 step %scan3A_4  : i32 {
      %mul3A_7 = arith.constant 125 : i32
      %mul3A_8 = arith.muli %add3A, %mul3A_7 : i32
      %add3A_9 = arith.addi %mul3A_8, %scan3A_6 : i32
      %mul3A_10 = arith.constant 80 : i32
      %mul3A_11 = arith.muli %add3A_9, %mul3A_10 : i32
      %multiple_of3A = tpu.assume_multiple %mul3A_11, 80 : i32
      "tpu.region"() ({
        %run_scoped3A = tpu.sem_alloc : memref<!tpu.dma_semaphore, #tpu.memory_space<semaphore_mem>>
        %dma_start3A_22 = tpu.memref_slice %arg4[%multiple_of3A] : memref<320000xi32, #tpu.memory_space<hbm>> -> memref<80xi32, #tpu.memory_space<hbm>>
        %dma_start3A_23 = tpu.memref_slice %arg4[%multiple_of3A] : memref<320000xi32, #tpu.memory_space<hbm>> -> memref<80xi32, #tpu.memory_space<hbm>>
        tpu.enqueue_dma source(%dma_start3A_23 : memref<80xi32, #tpu.memory_space<hbm>>) target(%arg8 : memref<80xi32, #tpu.memory_space<vmem>>) target_semaphore(%run_scoped3A : memref<!tpu.dma_semaphore, #tpu.memory_space<semaphore_mem>>)
        %dma_wait3A_24 = tpu.memref_slice %arg4[%multiple_of3A] : memref<320000xi32, #tpu.memory_space<hbm>> -> memref<80xi32, #tpu.memory_space<hbm>>
        %dma_wait3A_25 = tpu.memref_slice %arg4[%multiple_of3A] : memref<320000xi32, #tpu.memory_space<hbm>> -> memref<80xi32, #tpu.memory_space<hbm>>
        tpu.wait_dma2 semaphore(%run_scoped3A : memref<!tpu.dma_semaphore, #tpu.memory_space<semaphore_mem>>) src(%dma_wait3A_25 : memref<80xi32, #tpu.memory_space<hbm>>) dst(%arg8 : memref<80xi32, #tpu.memory_space<vmem>>)
        tpu.yield
      }) : () -> ()
      "tpu.region"() ({
        %run_scoped3A = tpu.sem_alloc : memref<!tpu.dma_semaphore, #tpu.memory_space<semaphore_mem>>
        %dma_start3A_22 = tpu.memref_slice %arg5[%multiple_of3A] : memref<320000xi32, #tpu.memory_space<hbm>> -> memref<80xi32, #tpu.memory_space<hbm>>
        %dma_start3A_23 = tpu.memref_slice %arg5[%multiple_of3A] : memref<320000xi32, #tpu.memory_space<hbm>> -> memref<80xi32, #tpu.memory_space<hbm>>
        tpu.enqueue_dma source(%dma_start3A_23 : memref<80xi32, #tpu.memory_space<hbm>>) target(%arg9 : memref<80xi32, #tpu.memory_space<vmem>>) target_semaphore(%run_scoped3A : memref<!tpu.dma_semaphore, #tpu.memory_space<semaphore_mem>>)
        %dma_wait3A_24 = tpu.memref_slice %arg5[%multiple_of3A] : memref<320000xi32, #tpu.memory_space<hbm>> -> memref<80xi32, #tpu.memory_space<hbm>>
        %dma_wait3A_25 = tpu.memref_slice %arg5[%multiple_of3A] : memref<320000xi32, #tpu.memory_space<hbm>> -> memref<80xi32, #tpu.memory_space<hbm>>
        tpu.wait_dma2 semaphore(%run_scoped3A : memref<!tpu.dma_semaphore, #tpu.memory_space<semaphore_mem>>) src(%dma_wait3A_25 : memref<80xi32, #tpu.memory_space<hbm>>) dst(%arg9 : memref<80xi32, #tpu.memory_space<vmem>>)
        tpu.yield
      }) : () -> ()
      %dma_start3A = arith.constant 0 : i32
      %dma_start3A_12 = arith.constant 0 : i32
      %dma_start3A_13 = tpu.memref_slice %arg2[%dma_start3A, %dma_start3A_12] : memref<10000x128xf32, #tpu.memory_space<hbm>> -> memref<10000x128xf32, #tpu.memory_space<hbm>>
      tpu.enqueue_indirect_dma source(%dma_start3A_13 : memref<10000x128xf32, #tpu.memory_space<hbm>>) target(%arg10 : memref<80x128xf32, #tpu.memory_space<vmem>>) offsets(%arg8 : memref<80xi32, #tpu.memory_space<vmem>>) semaphore(%arg12 : memref<!tpu.dma_semaphore, #tpu.memory_space<semaphore_mem>>)
      %dma_start3A_14 = arith.constant 0 : i32
      %dma_start3A_15 = arith.constant 0 : i32
      %dma_start3A_16 = tpu.memref_slice %arg3[%dma_start3A_14, %dma_start3A_15] : memref<10000x128xf32, #tpu.memory_space<hbm>> -> memref<10000x128xf32, #tpu.memory_space<hbm>>
      tpu.enqueue_indirect_dma source(%dma_start3A_16 : memref<10000x128xf32, #tpu.memory_space<hbm>>) target(%arg11 : memref<80x128xf32, #tpu.memory_space<vmem>>) offsets(%arg9 : memref<80xi32, #tpu.memory_space<vmem>>) semaphore(%arg13 : memref<!tpu.dma_semaphore, #tpu.memory_space<semaphore_mem>>)
      %dma_wait3A = arith.constant 0 : i32
      %dma_wait3A_17 = arith.constant 0 : i32
      %dma_wait3A_18 = tpu.memref_slice %arg2[%dma_wait3A, %dma_wait3A_17] : memref<10000x128xf32, #tpu.memory_space<hbm>> -> memref<10000x128xf32, #tpu.memory_space<hbm>>
      tpu.wait_indirect_dma semaphore(%arg12 : memref<!tpu.dma_semaphore, #tpu.memory_space<semaphore_mem>>) src(%dma_wait3A_18 : memref<10000x128xf32, #tpu.memory_space<hbm>>) dst(%arg10 : memref<80x128xf32, #tpu.memory_space<vmem>>)
      %dma_wait3A_19 = arith.constant 0 : i32
      %dma_wait3A_20 = arith.constant 0 : i32
      %dma_wait3A_21 = tpu.memref_slice %arg3[%dma_wait3A_19, %dma_wait3A_20] : memref<10000x128xf32, #tpu.memory_space<hbm>> -> memref<10000x128xf32, #tpu.memory_space<hbm>>
      tpu.wait_indirect_dma semaphore(%arg13 : memref<!tpu.dma_semaphore, #tpu.memory_space<semaphore_mem>>) src(%dma_wait3A_21 : memref<10000x128xf32, #tpu.memory_space<hbm>>) dst(%arg11 : memref<80x128xf32, #tpu.memory_space<vmem>>)
      "tpu.region"() ({
        %run_scoped3A = tpu.sem_alloc : memref<!tpu.dma_semaphore, #tpu.memory_space<semaphore_mem>>
        %dma_start3A_22 = arith.constant 0 : i32
        %dma_start3A_23 = tpu.memref_slice %arg6[%multiple_of3A, %dma_start3A_22] : memref<320000x128xf32, #tpu.memory_space<hbm>> -> memref<80x128xf32, #tpu.memory_space<hbm>>
        %dma_start3A_24 = arith.constant 0 : i32
        %dma_start3A_25 = tpu.memref_slice %arg6[%multiple_of3A, %dma_start3A_24] : memref<320000x128xf32, #tpu.memory_space<hbm>> -> memref<80x128xf32, #tpu.memory_space<hbm>>
        tpu.enqueue_dma source(%arg10 : memref<80x128xf32, #tpu.memory_space<vmem>>) target(%dma_start3A_25 : memref<80x128xf32, #tpu.memory_space<hbm>>) target_semaphore(%run_scoped3A : memref<!tpu.dma_semaphore, #tpu.memory_space<semaphore_mem>>)
        %dma_wait3A_26 = arith.constant 0 : i32
        %dma_wait3A_27 = tpu.memref_slice %arg6[%multiple_of3A, %dma_wait3A_26] : memref<320000x128xf32, #tpu.memory_space<hbm>> -> memref<80x128xf32, #tpu.memory_space<hbm>>
        %dma_wait3A_28 = arith.constant 0 : i32
        %dma_wait3A_29 = tpu.memref_slice %arg6[%multiple_of3A, %dma_wait3A_28] : memref<320000x128xf32, #tpu.memory_space<hbm>> -> memref<80x128xf32, #tpu.memory_space<hbm>>
        tpu.wait_dma2 semaphore(%run_scoped3A : memref<!tpu.dma_semaphore, #tpu.memory_space<semaphore_mem>>) src(%arg10 : memref<80x128xf32, #tpu.memory_space<vmem>>) dst(%dma_wait3A_29 : memref<80x128xf32, #tpu.memory_space<hbm>>)
        tpu.yield
      }) : () -> ()
      "tpu.region"() ({
        %run_scoped3A = tpu.sem_alloc : memref<!tpu.dma_semaphore, #tpu.memory_space<semaphore_mem>>
        %dma_start3A_22 = arith.constant 0 : i32
        %dma_start3A_23 = tpu.memref_slice %arg7[%multiple_of3A, %dma_start3A_22] : memref<320000x128xf32, #tpu.memory_space<hbm>> -> memref<80x128xf32, #tpu.memory_space<hbm>>
        %dma_start3A_24 = arith.constant 0 : i32
        %dma_start3A_25 = tpu.memref_slice %arg7[%multiple_of3A, %dma_start3A_24] : memref<320000x128xf32, #tpu.memory_space<hbm>> -> memref<80x128xf32, #tpu.memory_space<hbm>>
        tpu.enqueue_dma source(%arg11 : memref<80x128xf32, #tpu.memory_space<vmem>>) target(%dma_start3A_25 : memref<80x128xf32, #tpu.memory_space<hbm>>) target_semaphore(%run_scoped3A : memref<!tpu.dma_semaphore, #tpu.memory_space<semaphore_mem>>)
        %dma_wait3A_26 = arith.constant 0 : i32
        %dma_wait3A_27 = tpu.memref_slice %arg7[%multiple_of3A, %dma_wait3A_26] : memref<320000x128xf32, #tpu.memory_space<hbm>> -> memref<80x128xf32, #tpu.memory_space<hbm>>
        %dma_wait3A_28 = arith.constant 0 : i32
        %dma_wait3A_29 = tpu.memref_slice %arg7[%multiple_of3A, %dma_wait3A_28] : memref<320000x128xf32, #tpu.memory_space<hbm>> -> memref<80x128xf32, #tpu.memory_space<hbm>>
        tpu.wait_dma2 semaphore(%run_scoped3A : memref<!tpu.dma_semaphore, #tpu.memory_space<semaphore_mem>>) src(%arg11 : memref<80x128xf32, #tpu.memory_space<vmem>>) dst(%dma_wait3A_29 : memref<80x128xf32, #tpu.memory_space<hbm>>)
        tpu.yield
      }) : () -> ()
    }
    %scan3A_5 = arith.constant 125 : i32
    return
  }
}

#map = affine_map<(d0, d1) -> (0, 0)>
#map1 = affine_map<(d0, d1) -> (0)>
#map2 = affine_map<(d0, d1) -> (0, 0, 0)>
module attributes {stable_mosaic.version = 14 : i64} {
  func.func @k(%arg0: i32, %arg1: i32, %arg2: memref<320000x128xf32, #tpu.memory_space<hbm>>, %arg3: memref<320000xi32, #tpu.memory_space<hbm>>, %arg4: memref<10112x128xf32, #tpu.memory_space<hbm>>, %arg5: memref<2x10112x128xf32, #tpu.memory_space<hbm>>, %arg6: memref<80xi32, #tpu.memory_space<vmem>>, %arg7: memref<80x128xf32, #tpu.memory_space<vmem>>, %arg8: memref<10112x128xf32, #tpu.memory_space<vmem_shared>>) attributes {dimension_semantics = [#tpu.dimension_semantics<core_parallel>, #tpu.dimension_semantics<subcore_parallel>], iteration_bounds = array<i64: 2, 16>, scalar_prefetch = 0 : i64, scratch_operands = 3 : i64, tpu.core_type = #tpu.core_type<sc_vector_subcore>, window_params = [{transform_indices = #map}, {transform_indices = #map1}, {transform_indices = #map}, {transform_indices = #map2}]} {
    %mul3A = arith.constant 2 : i32
    %mul3A_0 = arith.muli %arg1, %mul3A : i32
    %add3A = arith.addi %mul3A_0, %arg0 : i32
    %mul3A_1 = arith.constant 632 : i32
    %mul3A_2 = arith.muli %arg1, %mul3A_1 : i32
    %multiple_of3A = tpu.assume_multiple %mul3A_2, 8 : i32
    "tpu.region"() ({
      %run_scoped3A = tpu.sem_alloc : memref<!tpu.dma_semaphore, #tpu.memory_space<semaphore_mem>>
      %dma_start3A = arith.constant 0 : i32
      %dma_start3A_9 = tpu.memref_slice %arg8[%multiple_of3A, %dma_start3A] : memref<10112x128xf32, #tpu.memory_space<vmem_shared>> -> memref<632x128xf32, #tpu.memory_space<vmem_shared>>
      %dma_start3A_10 = arith.constant 0 : i32
      %dma_start3A_11 = tpu.memref_slice %arg4[%multiple_of3A, %dma_start3A_10] : memref<10112x128xf32, #tpu.memory_space<hbm>> -> memref<632x128xf32, #tpu.memory_space<hbm>>
      tpu.enqueue_dma source(%dma_start3A_11 : memref<632x128xf32, #tpu.memory_space<hbm>>) target(%dma_start3A_9 : memref<632x128xf32, #tpu.memory_space<vmem_shared>>) target_semaphore(%run_scoped3A : memref<!tpu.dma_semaphore, #tpu.memory_space<semaphore_mem>>)
      %dma_wait3A = arith.constant 0 : i32
      %dma_wait3A_12 = tpu.memref_slice %arg8[%multiple_of3A, %dma_wait3A] : memref<10112x128xf32, #tpu.memory_space<vmem_shared>> -> memref<632x128xf32, #tpu.memory_space<vmem_shared>>
      %dma_wait3A_13 = arith.constant 0 : i32
      %dma_wait3A_14 = tpu.memref_slice %arg4[%multiple_of3A, %dma_wait3A_13] : memref<10112x128xf32, #tpu.memory_space<hbm>> -> memref<632x128xf32, #tpu.memory_space<hbm>>
      tpu.wait_dma2 semaphore(%run_scoped3A : memref<!tpu.dma_semaphore, #tpu.memory_space<semaphore_mem>>) src(%dma_wait3A_14 : memref<632x128xf32, #tpu.memory_space<hbm>>) dst(%dma_wait3A_12 : memref<632x128xf32, #tpu.memory_space<vmem_shared>>)
      tpu.yield
    }) : () -> ()
    %barrier3A = arith.constant 0 : index
    tpu.barrier barrier_id(%barrier3A)
    %scan3A = arith.constant 0 : i32
    %scan3A_3 = arith.constant 0 : i32
    %scan3A_4 = arith.constant 125 : i32
    %scan3A_5 = arith.addi %scan3A_3, %scan3A_4 : i32
    %scan3A_6 = arith.constant 1 : i32
    scf.for %scan3A_9 = %scan3A_3 to %scan3A_5 step %scan3A_6  : i32 {
      %mul3A_10 = arith.constant 32 : i32
      %mul3A_11 = arith.muli %mul3A_10, %scan3A_9 : i32
      %add3A_12 = arith.addi %add3A, %mul3A_11 : i32
      %lt3A = arith.constant 4000 : i32
      %lt3A_13 = arith.cmpi slt, %add3A_12, %lt3A : i32
      %convert_element_type3A = arith.extui %lt3A_13 : i1 to i32
      %cond3A = arith.constant 0 : i32
      %cond3A_14 = arith.cmpi ne, %convert_element_type3A, %cond3A : i32
      scf.if %cond3A_14 {
        %mul3A_15 = arith.constant 80 : i32
        %mul3A_16 = arith.muli %add3A_12, %mul3A_15 : i32
        %multiple_of3A_17 = tpu.assume_multiple %mul3A_16, 80 : i32
        "tpu.region"() ({
          %run_scoped3A = tpu.sem_alloc : memref<!tpu.dma_semaphore, #tpu.memory_space<semaphore_mem>>
          %dma_start3A = tpu.memref_slice %arg3[%multiple_of3A_17] : memref<320000xi32, #tpu.memory_space<hbm>> -> memref<80xi32, #tpu.memory_space<hbm>>
          %dma_start3A_18 = tpu.memref_slice %arg3[%multiple_of3A_17] : memref<320000xi32, #tpu.memory_space<hbm>> -> memref<80xi32, #tpu.memory_space<hbm>>
          tpu.enqueue_dma source(%dma_start3A_18 : memref<80xi32, #tpu.memory_space<hbm>>) target(%arg6 : memref<80xi32, #tpu.memory_space<vmem>>) target_semaphore(%run_scoped3A : memref<!tpu.dma_semaphore, #tpu.memory_space<semaphore_mem>>)
          %dma_wait3A = tpu.memref_slice %arg3[%multiple_of3A_17] : memref<320000xi32, #tpu.memory_space<hbm>> -> memref<80xi32, #tpu.memory_space<hbm>>
          %dma_wait3A_19 = tpu.memref_slice %arg3[%multiple_of3A_17] : memref<320000xi32, #tpu.memory_space<hbm>> -> memref<80xi32, #tpu.memory_space<hbm>>
          tpu.wait_dma2 semaphore(%run_scoped3A : memref<!tpu.dma_semaphore, #tpu.memory_space<semaphore_mem>>) src(%dma_wait3A_19 : memref<80xi32, #tpu.memory_space<hbm>>) dst(%arg6 : memref<80xi32, #tpu.memory_space<vmem>>)
          tpu.yield
        }) : () -> ()
        "tpu.region"() ({
          %run_scoped3A = tpu.sem_alloc : memref<!tpu.dma_semaphore, #tpu.memory_space<semaphore_mem>>
          %dma_start3A = arith.constant 0 : i32
          %dma_start3A_18 = tpu.memref_slice %arg2[%multiple_of3A_17, %dma_start3A] : memref<320000x128xf32, #tpu.memory_space<hbm>> -> memref<80x128xf32, #tpu.memory_space<hbm>>
          %dma_start3A_19 = arith.constant 0 : i32
          %dma_start3A_20 = tpu.memref_slice %arg2[%multiple_of3A_17, %dma_start3A_19] : memref<320000x128xf32, #tpu.memory_space<hbm>> -> memref<80x128xf32, #tpu.memory_space<hbm>>
          tpu.enqueue_dma source(%dma_start3A_20 : memref<80x128xf32, #tpu.memory_space<hbm>>) target(%arg7 : memref<80x128xf32, #tpu.memory_space<vmem>>) target_semaphore(%run_scoped3A : memref<!tpu.dma_semaphore, #tpu.memory_space<semaphore_mem>>)
          %dma_wait3A = arith.constant 0 : i32
          %dma_wait3A_21 = tpu.memref_slice %arg2[%multiple_of3A_17, %dma_wait3A] : memref<320000x128xf32, #tpu.memory_space<hbm>> -> memref<80x128xf32, #tpu.memory_space<hbm>>
          %dma_wait3A_22 = arith.constant 0 : i32
          %dma_wait3A_23 = tpu.memref_slice %arg2[%multiple_of3A_17, %dma_wait3A_22] : memref<320000x128xf32, #tpu.memory_space<hbm>> -> memref<80x128xf32, #tpu.memory_space<hbm>>
          tpu.wait_dma2 semaphore(%run_scoped3A : memref<!tpu.dma_semaphore, #tpu.memory_space<semaphore_mem>>) src(%dma_wait3A_23 : memref<80x128xf32, #tpu.memory_space<hbm>>) dst(%arg7 : memref<80x128xf32, #tpu.memory_space<vmem>>)
          tpu.yield
        }) : () -> ()
        "tpu.region"() ({
          %run_scoped3A = tpu.sem_alloc : memref<!tpu.dma_semaphore, #tpu.memory_space<semaphore_mem>>
          %dma_start3A = arith.constant 0 : i32
          %dma_start3A_18 = arith.constant 0 : i32
          %dma_start3A_19 = tpu.memref_slice %arg8[%dma_start3A, %dma_start3A_18] : memref<10112x128xf32, #tpu.memory_space<vmem_shared>> -> memref<10112x128xf32, #tpu.memory_space<vmem_shared>>
          tpu.enqueue_indirect_dma source(%arg7 : memref<80x128xf32, #tpu.memory_space<vmem>>) target(%dma_start3A_19 : memref<10112x128xf32, #tpu.memory_space<vmem_shared>>) offsets(%arg6 : memref<80xi32, #tpu.memory_space<vmem>>) semaphore(%run_scoped3A : memref<!tpu.dma_semaphore, #tpu.memory_space<semaphore_mem>>) {add = true}
          %dma_wait3A = arith.constant 0 : i32
          %dma_wait3A_20 = arith.constant 0 : i32
          %dma_wait3A_21 = tpu.memref_slice %arg8[%dma_wait3A, %dma_wait3A_20] : memref<10112x128xf32, #tpu.memory_space<vmem_shared>> -> memref<10112x128xf32, #tpu.memory_space<vmem_shared>>
          tpu.wait_indirect_dma semaphore(%run_scoped3A : memref<!tpu.dma_semaphore, #tpu.memory_space<semaphore_mem>>) src(%arg7 : memref<80x128xf32, #tpu.memory_space<vmem>>) dst(%dma_wait3A_21 : memref<10112x128xf32, #tpu.memory_space<vmem_shared>>)
          tpu.yield
        }) : () -> ()
      } else {
      }
    }
    %scan3A_7 = arith.constant 125 : i32
    %barrier3A_8 = arith.constant 0 : index
    tpu.barrier barrier_id(%barrier3A_8)
    "tpu.region"() ({
      %run_scoped3A = tpu.sem_alloc : memref<!tpu.dma_semaphore, #tpu.memory_space<semaphore_mem>>
      %dma_start3A = arith.constant 0 : i32
      %dma_start3A_9 = tpu.memref_slice %arg5[%arg0, %multiple_of3A, %dma_start3A] : memref<2x10112x128xf32, #tpu.memory_space<hbm>> -> memref<1x632x128xf32, #tpu.memory_space<hbm>>
      %dma_start3A_10 = tpu.memref_squeeze %dma_start3A_9 : memref<1x632x128xf32, #tpu.memory_space<hbm>> -> memref<632x128xf32, #tpu.memory_space<hbm>>
      %dma_start3A_11 = arith.constant 0 : i32
      %dma_start3A_12 = tpu.memref_slice %arg8[%multiple_of3A, %dma_start3A_11] : memref<10112x128xf32, #tpu.memory_space<vmem_shared>> -> memref<632x128xf32, #tpu.memory_space<vmem_shared>>
      tpu.enqueue_dma source(%dma_start3A_12 : memref<632x128xf32, #tpu.memory_space<vmem_shared>>) target(%dma_start3A_10 : memref<632x128xf32, #tpu.memory_space<hbm>>) target_semaphore(%run_scoped3A : memref<!tpu.dma_semaphore, #tpu.memory_space<semaphore_mem>>)
      %dma_wait3A = arith.constant 0 : i32
      %dma_wait3A_13 = tpu.memref_slice %arg5[%arg0, %multiple_of3A, %dma_wait3A] : memref<2x10112x128xf32, #tpu.memory_space<hbm>> -> memref<1x632x128xf32, #tpu.memory_space<hbm>>
      %dma_wait3A_14 = tpu.memref_squeeze %dma_wait3A_13 : memref<1x632x128xf32, #tpu.memory_space<hbm>> -> memref<632x128xf32, #tpu.memory_space<hbm>>
      %dma_wait3A_15 = arith.constant 0 : i32
      %dma_wait3A_16 = tpu.memref_slice %arg8[%multiple_of3A, %dma_wait3A_15] : memref<10112x128xf32, #tpu.memory_space<vmem_shared>> -> memref<632x128xf32, #tpu.memory_space<vmem_shared>>
      tpu.wait_dma2 semaphore(%run_scoped3A : memref<!tpu.dma_semaphore, #tpu.memory_space<semaphore_mem>>) src(%dma_wait3A_16 : memref<632x128xf32, #tpu.memory_space<vmem_shared>>) dst(%dma_wait3A_14 : memref<632x128xf32, #tpu.memory_space<hbm>>)
      tpu.yield
    }) : () -> ()
    return
  }
}

#map = affine_map<(d0, d1) -> (0, 0)>
#map1 = affine_map<(d0, d1) -> (0)>
module attributes {stable_mosaic.version = 14 : i64} {
  func.func @k(%arg0: i32, %arg1: i32, %arg2: memref<10000x128xf32, #tpu.memory_space<hbm>>, %arg3: memref<10000x128xf32, #tpu.memory_space<hbm>>, %arg4: memref<320000xi32, #tpu.memory_space<hbm>>, %arg5: memref<320000xi32, #tpu.memory_space<hbm>>, %arg6: memref<320000x128xf32, #tpu.memory_space<hbm>>, %arg7: memref<320000x128xf32, #tpu.memory_space<hbm>>, %arg8: memref<80xi32, #tpu.memory_space<vmem>>, %arg9: memref<80xi32, #tpu.memory_space<vmem>>, %arg10: memref<80x128xf32, #tpu.memory_space<vmem>>, %arg11: memref<80x128xf32, #tpu.memory_space<vmem>>, %arg12: memref<!tpu.dma_semaphore, #tpu.memory_space<semaphore_mem>>, %arg13: memref<!tpu.dma_semaphore, #tpu.memory_space<semaphore_mem>>) attributes {dimension_semantics = [#tpu.dimension_semantics<core_parallel>, #tpu.dimension_semantics<subcore_parallel>], iteration_bounds = array<i64: 2, 16>, scalar_prefetch = 0 : i64, scratch_operands = 6 : i64, tpu.core_type = #tpu.core_type<sc_vector_subcore>, window_params = [{transform_indices = #map}, {transform_indices = #map}, {transform_indices = #map1}, {transform_indices = #map1}, {transform_indices = #map}, {transform_indices = #map}]} {
    %mul3A = arith.constant 2 : i32
    %mul3A_0 = arith.muli %arg1, %mul3A : i32
    %add3A = arith.addi %mul3A_0, %arg0 : i32
    %scan3A = arith.constant 0 : i32
    %scan3A_1 = arith.constant 0 : i32
    %scan3A_2 = arith.constant 125 : i32
    %scan3A_3 = arith.addi %scan3A_1, %scan3A_2 : i32
    %scan3A_4 = arith.constant 1 : i32
    scf.for %scan3A_6 = %scan3A_1 to %scan3A_3 step %scan3A_4  : i32 {
      %mul3A_7 = arith.constant 125 : i32
      %mul3A_8 = arith.muli %add3A, %mul3A_7 : i32
      %add3A_9 = arith.addi %mul3A_8, %scan3A_6 : i32
      %mul3A_10 = arith.constant 80 : i32
      %mul3A_11 = arith.muli %add3A_9, %mul3A_10 : i32
      %multiple_of3A = tpu.assume_multiple %mul3A_11, 80 : i32
      "tpu.region"() ({
        %run_scoped3A = tpu.sem_alloc : memref<!tpu.dma_semaphore, #tpu.memory_space<semaphore_mem>>
        %dma_start3A_22 = tpu.memref_slice %arg4[%multiple_of3A] : memref<320000xi32, #tpu.memory_space<hbm>> -> memref<80xi32, #tpu.memory_space<hbm>>
        %dma_start3A_23 = tpu.memref_slice %arg4[%multiple_of3A] : memref<320000xi32, #tpu.memory_space<hbm>> -> memref<80xi32, #tpu.memory_space<hbm>>
        tpu.enqueue_dma source(%dma_start3A_23 : memref<80xi32, #tpu.memory_space<hbm>>) target(%arg8 : memref<80xi32, #tpu.memory_space<vmem>>) target_semaphore(%run_scoped3A : memref<!tpu.dma_semaphore, #tpu.memory_space<semaphore_mem>>)
        %dma_wait3A_24 = tpu.memref_slice %arg4[%multiple_of3A] : memref<320000xi32, #tpu.memory_space<hbm>> -> memref<80xi32, #tpu.memory_space<hbm>>
        %dma_wait3A_25 = tpu.memref_slice %arg4[%multiple_of3A] : memref<320000xi32, #tpu.memory_space<hbm>> -> memref<80xi32, #tpu.memory_space<hbm>>
        tpu.wait_dma2 semaphore(%run_scoped3A : memref<!tpu.dma_semaphore, #tpu.memory_space<semaphore_mem>>) src(%dma_wait3A_25 : memref<80xi32, #tpu.memory_space<hbm>>) dst(%arg8 : memref<80xi32, #tpu.memory_space<vmem>>)
        tpu.yield
      }) : () -> ()
      "tpu.region"() ({
        %run_scoped3A = tpu.sem_alloc : memref<!tpu.dma_semaphore, #tpu.memory_space<semaphore_mem>>
        %dma_start3A_22 = tpu.memref_slice %arg5[%multiple_of3A] : memref<320000xi32, #tpu.memory_space<hbm>> -> memref<80xi32, #tpu.memory_space<hbm>>
        %dma_start3A_23 = tpu.memref_slice %arg5[%multiple_of3A] : memref<320000xi32, #tpu.memory_space<hbm>> -> memref<80xi32, #tpu.memory_space<hbm>>
        tpu.enqueue_dma source(%dma_start3A_23 : memref<80xi32, #tpu.memory_space<hbm>>) target(%arg9 : memref<80xi32, #tpu.memory_space<vmem>>) target_semaphore(%run_scoped3A : memref<!tpu.dma_semaphore, #tpu.memory_space<semaphore_mem>>)
        %dma_wait3A_24 = tpu.memref_slice %arg5[%multiple_of3A] : memref<320000xi32, #tpu.memory_space<hbm>> -> memref<80xi32, #tpu.memory_space<hbm>>
        %dma_wait3A_25 = tpu.memref_slice %arg5[%multiple_of3A] : memref<320000xi32, #tpu.memory_space<hbm>> -> memref<80xi32, #tpu.memory_space<hbm>>
        tpu.wait_dma2 semaphore(%run_scoped3A : memref<!tpu.dma_semaphore, #tpu.memory_space<semaphore_mem>>) src(%dma_wait3A_25 : memref<80xi32, #tpu.memory_space<hbm>>) dst(%arg9 : memref<80xi32, #tpu.memory_space<vmem>>)
        tpu.yield
      }) : () -> ()
      %dma_start3A = arith.constant 0 : i32
      %dma_start3A_12 = arith.constant 0 : i32
      %dma_start3A_13 = tpu.memref_slice %arg2[%dma_start3A, %dma_start3A_12] : memref<10000x128xf32, #tpu.memory_space<hbm>> -> memref<10000x128xf32, #tpu.memory_space<hbm>>
      tpu.enqueue_indirect_dma source(%dma_start3A_13 : memref<10000x128xf32, #tpu.memory_space<hbm>>) target(%arg10 : memref<80x128xf32, #tpu.memory_space<vmem>>) offsets(%arg8 : memref<80xi32, #tpu.memory_space<vmem>>) semaphore(%arg12 : memref<!tpu.dma_semaphore, #tpu.memory_space<semaphore_mem>>)
      %dma_start3A_14 = arith.constant 0 : i32
      %dma_start3A_15 = arith.constant 0 : i32
      %dma_start3A_16 = tpu.memref_slice %arg3[%dma_start3A_14, %dma_start3A_15] : memref<10000x128xf32, #tpu.memory_space<hbm>> -> memref<10000x128xf32, #tpu.memory_space<hbm>>
      tpu.enqueue_indirect_dma source(%dma_start3A_16 : memref<10000x128xf32, #tpu.memory_space<hbm>>) target(%arg11 : memref<80x128xf32, #tpu.memory_space<vmem>>) offsets(%arg9 : memref<80xi32, #tpu.memory_space<vmem>>) semaphore(%arg13 : memref<!tpu.dma_semaphore, #tpu.memory_space<semaphore_mem>>)
      %dma_wait3A = arith.constant 0 : i32
      %dma_wait3A_17 = arith.constant 0 : i32
      %dma_wait3A_18 = tpu.memref_slice %arg2[%dma_wait3A, %dma_wait3A_17] : memref<10000x128xf32, #tpu.memory_space<hbm>> -> memref<10000x128xf32, #tpu.memory_space<hbm>>
      tpu.wait_indirect_dma semaphore(%arg12 : memref<!tpu.dma_semaphore, #tpu.memory_space<semaphore_mem>>) src(%dma_wait3A_18 : memref<10000x128xf32, #tpu.memory_space<hbm>>) dst(%arg10 : memref<80x128xf32, #tpu.memory_space<vmem>>)
      %dma_wait3A_19 = arith.constant 0 : i32
      %dma_wait3A_20 = arith.constant 0 : i32
      %dma_wait3A_21 = tpu.memref_slice %arg3[%dma_wait3A_19, %dma_wait3A_20] : memref<10000x128xf32, #tpu.memory_space<hbm>> -> memref<10000x128xf32, #tpu.memory_space<hbm>>
      tpu.wait_indirect_dma semaphore(%arg13 : memref<!tpu.dma_semaphore, #tpu.memory_space<semaphore_mem>>) src(%dma_wait3A_21 : memref<10000x128xf32, #tpu.memory_space<hbm>>) dst(%arg11 : memref<80x128xf32, #tpu.memory_space<vmem>>)
      "tpu.region"() ({
        %run_scoped3A = tpu.sem_alloc : memref<!tpu.dma_semaphore, #tpu.memory_space<semaphore_mem>>
        %dma_start3A_22 = arith.constant 0 : i32
        %dma_start3A_23 = tpu.memref_slice %arg6[%multiple_of3A, %dma_start3A_22] : memref<320000x128xf32, #tpu.memory_space<hbm>> -> memref<80x128xf32, #tpu.memory_space<hbm>>
        %dma_start3A_24 = arith.constant 0 : i32
        %dma_start3A_25 = tpu.memref_slice %arg6[%multiple_of3A, %dma_start3A_24] : memref<320000x128xf32, #tpu.memory_space<hbm>> -> memref<80x128xf32, #tpu.memory_space<hbm>>
        tpu.enqueue_dma source(%arg10 : memref<80x128xf32, #tpu.memory_space<vmem>>) target(%dma_start3A_25 : memref<80x128xf32, #tpu.memory_space<hbm>>) target_semaphore(%run_scoped3A : memref<!tpu.dma_semaphore, #tpu.memory_space<semaphore_mem>>)
        %dma_wait3A_26 = arith.constant 0 : i32
        %dma_wait3A_27 = tpu.memref_slice %arg6[%multiple_of3A, %dma_wait3A_26] : memref<320000x128xf32, #tpu.memory_space<hbm>> -> memref<80x128xf32, #tpu.memory_space<hbm>>
        %dma_wait3A_28 = arith.constant 0 : i32
        %dma_wait3A_29 = tpu.memref_slice %arg6[%multiple_of3A, %dma_wait3A_28] : memref<320000x128xf32, #tpu.memory_space<hbm>> -> memref<80x128xf32, #tpu.memory_space<hbm>>
        tpu.wait_dma2 semaphore(%run_scoped3A : memref<!tpu.dma_semaphore, #tpu.memory_space<semaphore_mem>>) src(%arg10 : memref<80x128xf32, #tpu.memory_space<vmem>>) dst(%dma_wait3A_29 : memref<80x128xf32, #tpu.memory_space<hbm>>)
        tpu.yield
      }) : () -> ()
      "tpu.region"() ({
        %run_scoped3A = tpu.sem_alloc : memref<!tpu.dma_semaphore, #tpu.memory_space<semaphore_mem>>
        %dma_start3A_22 = arith.constant 0 : i32
        %dma_start3A_23 = tpu.memref_slice %arg7[%multiple_of3A, %dma_start3A_22] : memref<320000x128xf32, #tpu.memory_space<hbm>> -> memref<80x128xf32, #tpu.memory_space<hbm>>
        %dma_start3A_24 = arith.constant 0 : i32
        %dma_start3A_25 = tpu.memref_slice %arg7[%multiple_of3A, %dma_start3A_24] : memref<320000x128xf32, #tpu.memory_space<hbm>> -> memref<80x128xf32, #tpu.memory_space<hbm>>
        tpu.enqueue_dma source(%arg11 : memref<80x128xf32, #tpu.memory_space<vmem>>) target(%dma_start3A_25 : memref<80x128xf32, #tpu.memory_space<hbm>>) target_semaphore(%run_scoped3A : memref<!tpu.dma_semaphore, #tpu.memory_space<semaphore_mem>>)
        %dma_wait3A_26 = arith.constant 0 : i32
        %dma_wait3A_27 = tpu.memref_slice %arg7[%multiple_of3A, %dma_wait3A_26] : memref<320000x128xf32, #tpu.memory_space<hbm>> -> memref<80x128xf32, #tpu.memory_space<hbm>>
        %dma_wait3A_28 = arith.constant 0 : i32
        %dma_wait3A_29 = tpu.memref_slice %arg7[%multiple_of3A, %dma_wait3A_28] : memref<320000x128xf32, #tpu.memory_space<hbm>> -> memref<80x128xf32, #tpu.memory_space<hbm>>
        tpu.wait_dma2 semaphore(%run_scoped3A : memref<!tpu.dma_semaphore, #tpu.memory_space<semaphore_mem>>) src(%arg11 : memref<80x128xf32, #tpu.memory_space<vmem>>) dst(%dma_wait3A_29 : memref<80x128xf32, #tpu.memory_space<hbm>>)
        tpu.yield
      }) : () -> ()
    }
    %scan3A_5 = arith.constant 125 : i32
    return
  }
}

#map = affine_map<(d0, d1) -> (0, 0)>
#map1 = affine_map<(d0, d1) -> (0)>
module attributes {stable_mosaic.version = 14 : i64} {
  func.func @k(%arg0: i32, %arg1: i32, %arg2: memref<10000x128xf32, #tpu.memory_space<hbm>>, %arg3: memref<10000x128xf32, #tpu.memory_space<hbm>>, %arg4: memref<320000xi32, #tpu.memory_space<hbm>>, %arg5: memref<320000xi32, #tpu.memory_space<hbm>>, %arg6: memref<320000x128xf32, #tpu.memory_space<hbm>>, %arg7: memref<320000x128xf32, #tpu.memory_space<hbm>>, %arg8: memref<80xi32, #tpu.memory_space<vmem>>, %arg9: memref<80xi32, #tpu.memory_space<vmem>>, %arg10: memref<80x128xf32, #tpu.memory_space<vmem>>, %arg11: memref<80x128xf32, #tpu.memory_space<vmem>>, %arg12: memref<!tpu.dma_semaphore, #tpu.memory_space<semaphore_mem>>, %arg13: memref<!tpu.dma_semaphore, #tpu.memory_space<semaphore_mem>>) attributes {dimension_semantics = [#tpu.dimension_semantics<core_parallel>, #tpu.dimension_semantics<subcore_parallel>], iteration_bounds = array<i64: 2, 16>, scalar_prefetch = 0 : i64, scratch_operands = 6 : i64, tpu.core_type = #tpu.core_type<sc_vector_subcore>, window_params = [{transform_indices = #map}, {transform_indices = #map}, {transform_indices = #map1}, {transform_indices = #map1}, {transform_indices = #map}, {transform_indices = #map}]} {
    %mul3A = arith.constant 2 : i32
    %mul3A_0 = arith.muli %arg1, %mul3A : i32
    %add3A = arith.addi %mul3A_0, %arg0 : i32
    %scan3A = arith.constant 0 : i32
    %scan3A_1 = arith.constant 0 : i32
    %scan3A_2 = arith.constant 125 : i32
    %scan3A_3 = arith.addi %scan3A_1, %scan3A_2 : i32
    %scan3A_4 = arith.constant 1 : i32
    scf.for %scan3A_6 = %scan3A_1 to %scan3A_3 step %scan3A_4  : i32 {
      %mul3A_7 = arith.constant 125 : i32
      %mul3A_8 = arith.muli %add3A, %mul3A_7 : i32
      %add3A_9 = arith.addi %mul3A_8, %scan3A_6 : i32
      %mul3A_10 = arith.constant 80 : i32
      %mul3A_11 = arith.muli %add3A_9, %mul3A_10 : i32
      %multiple_of3A = tpu.assume_multiple %mul3A_11, 80 : i32
      "tpu.region"() ({
        %run_scoped3A = tpu.sem_alloc : memref<!tpu.dma_semaphore, #tpu.memory_space<semaphore_mem>>
        %dma_start3A_22 = tpu.memref_slice %arg4[%multiple_of3A] : memref<320000xi32, #tpu.memory_space<hbm>> -> memref<80xi32, #tpu.memory_space<hbm>>
        %dma_start3A_23 = tpu.memref_slice %arg4[%multiple_of3A] : memref<320000xi32, #tpu.memory_space<hbm>> -> memref<80xi32, #tpu.memory_space<hbm>>
        tpu.enqueue_dma source(%dma_start3A_23 : memref<80xi32, #tpu.memory_space<hbm>>) target(%arg8 : memref<80xi32, #tpu.memory_space<vmem>>) target_semaphore(%run_scoped3A : memref<!tpu.dma_semaphore, #tpu.memory_space<semaphore_mem>>)
        %dma_wait3A_24 = tpu.memref_slice %arg4[%multiple_of3A] : memref<320000xi32, #tpu.memory_space<hbm>> -> memref<80xi32, #tpu.memory_space<hbm>>
        %dma_wait3A_25 = tpu.memref_slice %arg4[%multiple_of3A] : memref<320000xi32, #tpu.memory_space<hbm>> -> memref<80xi32, #tpu.memory_space<hbm>>
        tpu.wait_dma2 semaphore(%run_scoped3A : memref<!tpu.dma_semaphore, #tpu.memory_space<semaphore_mem>>) src(%dma_wait3A_25 : memref<80xi32, #tpu.memory_space<hbm>>) dst(%arg8 : memref<80xi32, #tpu.memory_space<vmem>>)
        tpu.yield
      }) : () -> ()
      "tpu.region"() ({
        %run_scoped3A = tpu.sem_alloc : memref<!tpu.dma_semaphore, #tpu.memory_space<semaphore_mem>>
        %dma_start3A_22 = tpu.memref_slice %arg5[%multiple_of3A] : memref<320000xi32, #tpu.memory_space<hbm>> -> memref<80xi32, #tpu.memory_space<hbm>>
        %dma_start3A_23 = tpu.memref_slice %arg5[%multiple_of3A] : memref<320000xi32, #tpu.memory_space<hbm>> -> memref<80xi32, #tpu.memory_space<hbm>>
        tpu.enqueue_dma source(%dma_start3A_23 : memref<80xi32, #tpu.memory_space<hbm>>) target(%arg9 : memref<80xi32, #tpu.memory_space<vmem>>) target_semaphore(%run_scoped3A : memref<!tpu.dma_semaphore, #tpu.memory_space<semaphore_mem>>)
        %dma_wait3A_24 = tpu.memref_slice %arg5[%multiple_of3A] : memref<320000xi32, #tpu.memory_space<hbm>> -> memref<80xi32, #tpu.memory_space<hbm>>
        %dma_wait3A_25 = tpu.memref_slice %arg5[%multiple_of3A] : memref<320000xi32, #tpu.memory_space<hbm>> -> memref<80xi32, #tpu.memory_space<hbm>>
        tpu.wait_dma2 semaphore(%run_scoped3A : memref<!tpu.dma_semaphore, #tpu.memory_space<semaphore_mem>>) src(%dma_wait3A_25 : memref<80xi32, #tpu.memory_space<hbm>>) dst(%arg9 : memref<80xi32, #tpu.memory_space<vmem>>)
        tpu.yield
      }) : () -> ()
      %dma_start3A = arith.constant 0 : i32
      %dma_start3A_12 = arith.constant 0 : i32
      %dma_start3A_13 = tpu.memref_slice %arg2[%dma_start3A, %dma_start3A_12] : memref<10000x128xf32, #tpu.memory_space<hbm>> -> memref<10000x128xf32, #tpu.memory_space<hbm>>
      tpu.enqueue_indirect_dma source(%dma_start3A_13 : memref<10000x128xf32, #tpu.memory_space<hbm>>) target(%arg10 : memref<80x128xf32, #tpu.memory_space<vmem>>) offsets(%arg8 : memref<80xi32, #tpu.memory_space<vmem>>) semaphore(%arg12 : memref<!tpu.dma_semaphore, #tpu.memory_space<semaphore_mem>>)
      %dma_start3A_14 = arith.constant 0 : i32
      %dma_start3A_15 = arith.constant 0 : i32
      %dma_start3A_16 = tpu.memref_slice %arg3[%dma_start3A_14, %dma_start3A_15] : memref<10000x128xf32, #tpu.memory_space<hbm>> -> memref<10000x128xf32, #tpu.memory_space<hbm>>
      tpu.enqueue_indirect_dma source(%dma_start3A_16 : memref<10000x128xf32, #tpu.memory_space<hbm>>) target(%arg11 : memref<80x128xf32, #tpu.memory_space<vmem>>) offsets(%arg9 : memref<80xi32, #tpu.memory_space<vmem>>) semaphore(%arg13 : memref<!tpu.dma_semaphore, #tpu.memory_space<semaphore_mem>>)
      %dma_wait3A = arith.constant 0 : i32
      %dma_wait3A_17 = arith.constant 0 : i32
      %dma_wait3A_18 = tpu.memref_slice %arg2[%dma_wait3A, %dma_wait3A_17] : memref<10000x128xf32, #tpu.memory_space<hbm>> -> memref<10000x128xf32, #tpu.memory_space<hbm>>
      tpu.wait_indirect_dma semaphore(%arg12 : memref<!tpu.dma_semaphore, #tpu.memory_space<semaphore_mem>>) src(%dma_wait3A_18 : memref<10000x128xf32, #tpu.memory_space<hbm>>) dst(%arg10 : memref<80x128xf32, #tpu.memory_space<vmem>>)
      %dma_wait3A_19 = arith.constant 0 : i32
      %dma_wait3A_20 = arith.constant 0 : i32
      %dma_wait3A_21 = tpu.memref_slice %arg3[%dma_wait3A_19, %dma_wait3A_20] : memref<10000x128xf32, #tpu.memory_space<hbm>> -> memref<10000x128xf32, #tpu.memory_space<hbm>>
      tpu.wait_indirect_dma semaphore(%arg13 : memref<!tpu.dma_semaphore, #tpu.memory_space<semaphore_mem>>) src(%dma_wait3A_21 : memref<10000x128xf32, #tpu.memory_space<hbm>>) dst(%arg11 : memref<80x128xf32, #tpu.memory_space<vmem>>)
      "tpu.region"() ({
        %run_scoped3A = tpu.sem_alloc : memref<!tpu.dma_semaphore, #tpu.memory_space<semaphore_mem>>
        %dma_start3A_22 = arith.constant 0 : i32
        %dma_start3A_23 = tpu.memref_slice %arg6[%multiple_of3A, %dma_start3A_22] : memref<320000x128xf32, #tpu.memory_space<hbm>> -> memref<80x128xf32, #tpu.memory_space<hbm>>
        %dma_start3A_24 = arith.constant 0 : i32
        %dma_start3A_25 = tpu.memref_slice %arg6[%multiple_of3A, %dma_start3A_24] : memref<320000x128xf32, #tpu.memory_space<hbm>> -> memref<80x128xf32, #tpu.memory_space<hbm>>
        tpu.enqueue_dma source(%arg10 : memref<80x128xf32, #tpu.memory_space<vmem>>) target(%dma_start3A_25 : memref<80x128xf32, #tpu.memory_space<hbm>>) target_semaphore(%run_scoped3A : memref<!tpu.dma_semaphore, #tpu.memory_space<semaphore_mem>>)
        %dma_wait3A_26 = arith.constant 0 : i32
        %dma_wait3A_27 = tpu.memref_slice %arg6[%multiple_of3A, %dma_wait3A_26] : memref<320000x128xf32, #tpu.memory_space<hbm>> -> memref<80x128xf32, #tpu.memory_space<hbm>>
        %dma_wait3A_28 = arith.constant 0 : i32
        %dma_wait3A_29 = tpu.memref_slice %arg6[%multiple_of3A, %dma_wait3A_28] : memref<320000x128xf32, #tpu.memory_space<hbm>> -> memref<80x128xf32, #tpu.memory_space<hbm>>
        tpu.wait_dma2 semaphore(%run_scoped3A : memref<!tpu.dma_semaphore, #tpu.memory_space<semaphore_mem>>) src(%arg10 : memref<80x128xf32, #tpu.memory_space<vmem>>) dst(%dma_wait3A_29 : memref<80x128xf32, #tpu.memory_space<hbm>>)
        tpu.yield
      }) : () -> ()
      "tpu.region"() ({
        %run_scoped3A = tpu.sem_alloc : memref<!tpu.dma_semaphore, #tpu.memory_space<semaphore_mem>>
        %dma_start3A_22 = arith.constant 0 : i32
        %dma_start3A_23 = tpu.memref_slice %arg7[%multiple_of3A, %dma_start3A_22] : memref<320000x128xf32, #tpu.memory_space<hbm>> -> memref<80x128xf32, #tpu.memory_space<hbm>>
        %dma_start3A_24 = arith.constant 0 : i32
        %dma_start3A_25 = tpu.memref_slice %arg7[%multiple_of3A, %dma_start3A_24] : memref<320000x128xf32, #tpu.memory_space<hbm>> -> memref<80x128xf32, #tpu.memory_space<hbm>>
        tpu.enqueue_dma source(%arg11 : memref<80x128xf32, #tpu.memory_space<vmem>>) target(%dma_start3A_25 : memref<80x128xf32, #tpu.memory_space<hbm>>) target_semaphore(%run_scoped3A : memref<!tpu.dma_semaphore, #tpu.memory_space<semaphore_mem>>)
        %dma_wait3A_26 = arith.constant 0 : i32
        %dma_wait3A_27 = tpu.memref_slice %arg7[%multiple_of3A, %dma_wait3A_26] : memref<320000x128xf32, #tpu.memory_space<hbm>> -> memref<80x128xf32, #tpu.memory_space<hbm>>
        %dma_wait3A_28 = arith.constant 0 : i32
        %dma_wait3A_29 = tpu.memref_slice %arg7[%multiple_of3A, %dma_wait3A_28] : memref<320000x128xf32, #tpu.memory_space<hbm>> -> memref<80x128xf32, #tpu.memory_space<hbm>>
        tpu.wait_dma2 semaphore(%run_scoped3A : memref<!tpu.dma_semaphore, #tpu.memory_space<semaphore_mem>>) src(%arg11 : memref<80x128xf32, #tpu.memory_space<vmem>>) dst(%dma_wait3A_29 : memref<80x128xf32, #tpu.memory_space<hbm>>)
        tpu.yield
      }) : () -> ()
    }
    %scan3A_5 = arith.constant 125 : i32
    return
  }
}

#map = affine_map<(d0, d1) -> (0, 0)>
#map1 = affine_map<(d0, d1) -> (0)>
#map2 = affine_map<(d0, d1) -> (0, 0, 0)>
module attributes {stable_mosaic.version = 14 : i64} {
  func.func @k(%arg0: i32, %arg1: i32, %arg2: memref<320000x128xf32, #tpu.memory_space<hbm>>, %arg3: memref<320000xi32, #tpu.memory_space<hbm>>, %arg4: memref<10112x128xf32, #tpu.memory_space<hbm>>, %arg5: memref<2x10112x128xf32, #tpu.memory_space<hbm>>, %arg6: memref<80xi32, #tpu.memory_space<vmem>>, %arg7: memref<80x128xf32, #tpu.memory_space<vmem>>, %arg8: memref<10112x128xf32, #tpu.memory_space<vmem_shared>>) attributes {dimension_semantics = [#tpu.dimension_semantics<core_parallel>, #tpu.dimension_semantics<subcore_parallel>], iteration_bounds = array<i64: 2, 16>, scalar_prefetch = 0 : i64, scratch_operands = 3 : i64, tpu.core_type = #tpu.core_type<sc_vector_subcore>, window_params = [{transform_indices = #map}, {transform_indices = #map1}, {transform_indices = #map}, {transform_indices = #map2}]} {
    %mul3A = arith.constant 2 : i32
    %mul3A_0 = arith.muli %arg1, %mul3A : i32
    %add3A = arith.addi %mul3A_0, %arg0 : i32
    %mul3A_1 = arith.constant 632 : i32
    %mul3A_2 = arith.muli %arg1, %mul3A_1 : i32
    %multiple_of3A = tpu.assume_multiple %mul3A_2, 8 : i32
    "tpu.region"() ({
      %run_scoped3A = tpu.sem_alloc : memref<!tpu.dma_semaphore, #tpu.memory_space<semaphore_mem>>
      %dma_start3A = arith.constant 0 : i32
      %dma_start3A_9 = tpu.memref_slice %arg8[%multiple_of3A, %dma_start3A] : memref<10112x128xf32, #tpu.memory_space<vmem_shared>> -> memref<632x128xf32, #tpu.memory_space<vmem_shared>>
      %dma_start3A_10 = arith.constant 0 : i32
      %dma_start3A_11 = tpu.memref_slice %arg4[%multiple_of3A, %dma_start3A_10] : memref<10112x128xf32, #tpu.memory_space<hbm>> -> memref<632x128xf32, #tpu.memory_space<hbm>>
      tpu.enqueue_dma source(%dma_start3A_11 : memref<632x128xf32, #tpu.memory_space<hbm>>) target(%dma_start3A_9 : memref<632x128xf32, #tpu.memory_space<vmem_shared>>) target_semaphore(%run_scoped3A : memref<!tpu.dma_semaphore, #tpu.memory_space<semaphore_mem>>)
      %dma_wait3A = arith.constant 0 : i32
      %dma_wait3A_12 = tpu.memref_slice %arg8[%multiple_of3A, %dma_wait3A] : memref<10112x128xf32, #tpu.memory_space<vmem_shared>> -> memref<632x128xf32, #tpu.memory_space<vmem_shared>>
      %dma_wait3A_13 = arith.constant 0 : i32
      %dma_wait3A_14 = tpu.memref_slice %arg4[%multiple_of3A, %dma_wait3A_13] : memref<10112x128xf32, #tpu.memory_space<hbm>> -> memref<632x128xf32, #tpu.memory_space<hbm>>
      tpu.wait_dma2 semaphore(%run_scoped3A : memref<!tpu.dma_semaphore, #tpu.memory_space<semaphore_mem>>) src(%dma_wait3A_14 : memref<632x128xf32, #tpu.memory_space<hbm>>) dst(%dma_wait3A_12 : memref<632x128xf32, #tpu.memory_space<vmem_shared>>)
      tpu.yield
    }) : () -> ()
    %barrier3A = arith.constant 0 : index
    tpu.barrier barrier_id(%barrier3A)
    %scan3A = arith.constant 0 : i32
    %scan3A_3 = arith.constant 0 : i32
    %scan3A_4 = arith.constant 125 : i32
    %scan3A_5 = arith.addi %scan3A_3, %scan3A_4 : i32
    %scan3A_6 = arith.constant 1 : i32
    scf.for %scan3A_9 = %scan3A_3 to %scan3A_5 step %scan3A_6  : i32 {
      %mul3A_10 = arith.constant 32 : i32
      %mul3A_11 = arith.muli %mul3A_10, %scan3A_9 : i32
      %add3A_12 = arith.addi %add3A, %mul3A_11 : i32
      %lt3A = arith.constant 4000 : i32
      %lt3A_13 = arith.cmpi slt, %add3A_12, %lt3A : i32
      %convert_element_type3A = arith.extui %lt3A_13 : i1 to i32
      %cond3A = arith.constant 0 : i32
      %cond3A_14 = arith.cmpi ne, %convert_element_type3A, %cond3A : i32
      scf.if %cond3A_14 {
        %mul3A_15 = arith.constant 80 : i32
        %mul3A_16 = arith.muli %add3A_12, %mul3A_15 : i32
        %multiple_of3A_17 = tpu.assume_multiple %mul3A_16, 80 : i32
        "tpu.region"() ({
          %run_scoped3A = tpu.sem_alloc : memref<!tpu.dma_semaphore, #tpu.memory_space<semaphore_mem>>
          %dma_start3A = tpu.memref_slice %arg3[%multiple_of3A_17] : memref<320000xi32, #tpu.memory_space<hbm>> -> memref<80xi32, #tpu.memory_space<hbm>>
          %dma_start3A_18 = tpu.memref_slice %arg3[%multiple_of3A_17] : memref<320000xi32, #tpu.memory_space<hbm>> -> memref<80xi32, #tpu.memory_space<hbm>>
          tpu.enqueue_dma source(%dma_start3A_18 : memref<80xi32, #tpu.memory_space<hbm>>) target(%arg6 : memref<80xi32, #tpu.memory_space<vmem>>) target_semaphore(%run_scoped3A : memref<!tpu.dma_semaphore, #tpu.memory_space<semaphore_mem>>)
          %dma_wait3A = tpu.memref_slice %arg3[%multiple_of3A_17] : memref<320000xi32, #tpu.memory_space<hbm>> -> memref<80xi32, #tpu.memory_space<hbm>>
          %dma_wait3A_19 = tpu.memref_slice %arg3[%multiple_of3A_17] : memref<320000xi32, #tpu.memory_space<hbm>> -> memref<80xi32, #tpu.memory_space<hbm>>
          tpu.wait_dma2 semaphore(%run_scoped3A : memref<!tpu.dma_semaphore, #tpu.memory_space<semaphore_mem>>) src(%dma_wait3A_19 : memref<80xi32, #tpu.memory_space<hbm>>) dst(%arg6 : memref<80xi32, #tpu.memory_space<vmem>>)
          tpu.yield
        }) : () -> ()
        "tpu.region"() ({
          %run_scoped3A = tpu.sem_alloc : memref<!tpu.dma_semaphore, #tpu.memory_space<semaphore_mem>>
          %dma_start3A = arith.constant 0 : i32
          %dma_start3A_18 = tpu.memref_slice %arg2[%multiple_of3A_17, %dma_start3A] : memref<320000x128xf32, #tpu.memory_space<hbm>> -> memref<80x128xf32, #tpu.memory_space<hbm>>
          %dma_start3A_19 = arith.constant 0 : i32
          %dma_start3A_20 = tpu.memref_slice %arg2[%multiple_of3A_17, %dma_start3A_19] : memref<320000x128xf32, #tpu.memory_space<hbm>> -> memref<80x128xf32, #tpu.memory_space<hbm>>
          tpu.enqueue_dma source(%dma_start3A_20 : memref<80x128xf32, #tpu.memory_space<hbm>>) target(%arg7 : memref<80x128xf32, #tpu.memory_space<vmem>>) target_semaphore(%run_scoped3A : memref<!tpu.dma_semaphore, #tpu.memory_space<semaphore_mem>>)
          %dma_wait3A = arith.constant 0 : i32
          %dma_wait3A_21 = tpu.memref_slice %arg2[%multiple_of3A_17, %dma_wait3A] : memref<320000x128xf32, #tpu.memory_space<hbm>> -> memref<80x128xf32, #tpu.memory_space<hbm>>
          %dma_wait3A_22 = arith.constant 0 : i32
          %dma_wait3A_23 = tpu.memref_slice %arg2[%multiple_of3A_17, %dma_wait3A_22] : memref<320000x128xf32, #tpu.memory_space<hbm>> -> memref<80x128xf32, #tpu.memory_space<hbm>>
          tpu.wait_dma2 semaphore(%run_scoped3A : memref<!tpu.dma_semaphore, #tpu.memory_space<semaphore_mem>>) src(%dma_wait3A_23 : memref<80x128xf32, #tpu.memory_space<hbm>>) dst(%arg7 : memref<80x128xf32, #tpu.memory_space<vmem>>)
          tpu.yield
        }) : () -> ()
        "tpu.region"() ({
          %run_scoped3A = tpu.sem_alloc : memref<!tpu.dma_semaphore, #tpu.memory_space<semaphore_mem>>
          %dma_start3A = arith.constant 0 : i32
          %dma_start3A_18 = arith.constant 0 : i32
          %dma_start3A_19 = tpu.memref_slice %arg8[%dma_start3A, %dma_start3A_18] : memref<10112x128xf32, #tpu.memory_space<vmem_shared>> -> memref<10112x128xf32, #tpu.memory_space<vmem_shared>>
          tpu.enqueue_indirect_dma source(%arg7 : memref<80x128xf32, #tpu.memory_space<vmem>>) target(%dma_start3A_19 : memref<10112x128xf32, #tpu.memory_space<vmem_shared>>) offsets(%arg6 : memref<80xi32, #tpu.memory_space<vmem>>) semaphore(%run_scoped3A : memref<!tpu.dma_semaphore, #tpu.memory_space<semaphore_mem>>) {add = true}
          %dma_wait3A = arith.constant 0 : i32
          %dma_wait3A_20 = arith.constant 0 : i32
          %dma_wait3A_21 = tpu.memref_slice %arg8[%dma_wait3A, %dma_wait3A_20] : memref<10112x128xf32, #tpu.memory_space<vmem_shared>> -> memref<10112x128xf32, #tpu.memory_space<vmem_shared>>
          tpu.wait_indirect_dma semaphore(%run_scoped3A : memref<!tpu.dma_semaphore, #tpu.memory_space<semaphore_mem>>) src(%arg7 : memref<80x128xf32, #tpu.memory_space<vmem>>) dst(%dma_wait3A_21 : memref<10112x128xf32, #tpu.memory_space<vmem_shared>>)
          tpu.yield
        }) : () -> ()
      } else {
      }
    }
    %scan3A_7 = arith.constant 125 : i32
    %barrier3A_8 = arith.constant 0 : index
    tpu.barrier barrier_id(%barrier3A_8)
    "tpu.region"() ({
      %run_scoped3A = tpu.sem_alloc : memref<!tpu.dma_semaphore, #tpu.memory_space<semaphore_mem>>
      %dma_start3A = arith.constant 0 : i32
      %dma_start3A_9 = tpu.memref_slice %arg5[%arg0, %multiple_of3A, %dma_start3A] : memref<2x10112x128xf32, #tpu.memory_space<hbm>> -> memref<1x632x128xf32, #tpu.memory_space<hbm>>
      %dma_start3A_10 = tpu.memref_squeeze %dma_start3A_9 : memref<1x632x128xf32, #tpu.memory_space<hbm>> -> memref<632x128xf32, #tpu.memory_space<hbm>>
      %dma_start3A_11 = arith.constant 0 : i32
      %dma_start3A_12 = tpu.memref_slice %arg8[%multiple_of3A, %dma_start3A_11] : memref<10112x128xf32, #tpu.memory_space<vmem_shared>> -> memref<632x128xf32, #tpu.memory_space<vmem_shared>>
      tpu.enqueue_dma source(%dma_start3A_12 : memref<632x128xf32, #tpu.memory_space<vmem_shared>>) target(%dma_start3A_10 : memref<632x128xf32, #tpu.memory_space<hbm>>) target_semaphore(%run_scoped3A : memref<!tpu.dma_semaphore, #tpu.memory_space<semaphore_mem>>)
      %dma_wait3A = arith.constant 0 : i32
      %dma_wait3A_13 = tpu.memref_slice %arg5[%arg0, %multiple_of3A, %dma_wait3A] : memref<2x10112x128xf32, #tpu.memory_space<hbm>> -> memref<1x632x128xf32, #tpu.memory_space<hbm>>
      %dma_wait3A_14 = tpu.memref_squeeze %dma_wait3A_13 : memref<1x632x128xf32, #tpu.memory_space<hbm>> -> memref<632x128xf32, #tpu.memory_space<hbm>>
      %dma_wait3A_15 = arith.constant 0 : i32
      %dma_wait3A_16 = tpu.memref_slice %arg8[%multiple_of3A, %dma_wait3A_15] : memref<10112x128xf32, #tpu.memory_space<vmem_shared>> -> memref<632x128xf32, #tpu.memory_space<vmem_shared>>
      tpu.wait_dma2 semaphore(%run_scoped3A : memref<!tpu.dma_semaphore, #tpu.memory_space<semaphore_mem>>) src(%dma_wait3A_16 : memref<632x128xf32, #tpu.memory_space<vmem_shared>>) dst(%dma_wait3A_14 : memref<632x128xf32, #tpu.memory_space<hbm>>)
      tpu.yield
    }) : () -> ()
    return
  }
}

#map = affine_map<(d0, d1) -> (0, 0)>
#map1 = affine_map<(d0, d1) -> (0)>
module attributes {stable_mosaic.version = 14 : i64} {
  func.func @k(%arg0: i32, %arg1: i32, %arg2: memref<10000x128xf32, #tpu.memory_space<hbm>>, %arg3: memref<10000x128xf32, #tpu.memory_space<hbm>>, %arg4: memref<320000xi32, #tpu.memory_space<hbm>>, %arg5: memref<320000xi32, #tpu.memory_space<hbm>>, %arg6: memref<320000x128xf32, #tpu.memory_space<hbm>>, %arg7: memref<320000x128xf32, #tpu.memory_space<hbm>>, %arg8: memref<80xi32, #tpu.memory_space<vmem>>, %arg9: memref<80xi32, #tpu.memory_space<vmem>>, %arg10: memref<80x128xf32, #tpu.memory_space<vmem>>, %arg11: memref<80x128xf32, #tpu.memory_space<vmem>>, %arg12: memref<!tpu.dma_semaphore, #tpu.memory_space<semaphore_mem>>, %arg13: memref<!tpu.dma_semaphore, #tpu.memory_space<semaphore_mem>>) attributes {dimension_semantics = [#tpu.dimension_semantics<core_parallel>, #tpu.dimension_semantics<subcore_parallel>], iteration_bounds = array<i64: 2, 16>, scalar_prefetch = 0 : i64, scratch_operands = 6 : i64, tpu.core_type = #tpu.core_type<sc_vector_subcore>, window_params = [{transform_indices = #map}, {transform_indices = #map}, {transform_indices = #map1}, {transform_indices = #map1}, {transform_indices = #map}, {transform_indices = #map}]} {
    %mul3A = arith.constant 2 : i32
    %mul3A_0 = arith.muli %arg1, %mul3A : i32
    %add3A = arith.addi %mul3A_0, %arg0 : i32
    %scan3A = arith.constant 0 : i32
    %scan3A_1 = arith.constant 0 : i32
    %scan3A_2 = arith.constant 125 : i32
    %scan3A_3 = arith.addi %scan3A_1, %scan3A_2 : i32
    %scan3A_4 = arith.constant 1 : i32
    scf.for %scan3A_6 = %scan3A_1 to %scan3A_3 step %scan3A_4  : i32 {
      %mul3A_7 = arith.constant 125 : i32
      %mul3A_8 = arith.muli %add3A, %mul3A_7 : i32
      %add3A_9 = arith.addi %mul3A_8, %scan3A_6 : i32
      %mul3A_10 = arith.constant 80 : i32
      %mul3A_11 = arith.muli %add3A_9, %mul3A_10 : i32
      %multiple_of3A = tpu.assume_multiple %mul3A_11, 80 : i32
      "tpu.region"() ({
        %run_scoped3A = tpu.sem_alloc : memref<!tpu.dma_semaphore, #tpu.memory_space<semaphore_mem>>
        %dma_start3A_22 = tpu.memref_slice %arg4[%multiple_of3A] : memref<320000xi32, #tpu.memory_space<hbm>> -> memref<80xi32, #tpu.memory_space<hbm>>
        %dma_start3A_23 = tpu.memref_slice %arg4[%multiple_of3A] : memref<320000xi32, #tpu.memory_space<hbm>> -> memref<80xi32, #tpu.memory_space<hbm>>
        tpu.enqueue_dma source(%dma_start3A_23 : memref<80xi32, #tpu.memory_space<hbm>>) target(%arg8 : memref<80xi32, #tpu.memory_space<vmem>>) target_semaphore(%run_scoped3A : memref<!tpu.dma_semaphore, #tpu.memory_space<semaphore_mem>>)
        %dma_wait3A_24 = tpu.memref_slice %arg4[%multiple_of3A] : memref<320000xi32, #tpu.memory_space<hbm>> -> memref<80xi32, #tpu.memory_space<hbm>>
        %dma_wait3A_25 = tpu.memref_slice %arg4[%multiple_of3A] : memref<320000xi32, #tpu.memory_space<hbm>> -> memref<80xi32, #tpu.memory_space<hbm>>
        tpu.wait_dma2 semaphore(%run_scoped3A : memref<!tpu.dma_semaphore, #tpu.memory_space<semaphore_mem>>) src(%dma_wait3A_25 : memref<80xi32, #tpu.memory_space<hbm>>) dst(%arg8 : memref<80xi32, #tpu.memory_space<vmem>>)
        tpu.yield
      }) : () -> ()
      "tpu.region"() ({
        %run_scoped3A = tpu.sem_alloc : memref<!tpu.dma_semaphore, #tpu.memory_space<semaphore_mem>>
        %dma_start3A_22 = tpu.memref_slice %arg5[%multiple_of3A] : memref<320000xi32, #tpu.memory_space<hbm>> -> memref<80xi32, #tpu.memory_space<hbm>>
        %dma_start3A_23 = tpu.memref_slice %arg5[%multiple_of3A] : memref<320000xi32, #tpu.memory_space<hbm>> -> memref<80xi32, #tpu.memory_space<hbm>>
        tpu.enqueue_dma source(%dma_start3A_23 : memref<80xi32, #tpu.memory_space<hbm>>) target(%arg9 : memref<80xi32, #tpu.memory_space<vmem>>) target_semaphore(%run_scoped3A : memref<!tpu.dma_semaphore, #tpu.memory_space<semaphore_mem>>)
        %dma_wait3A_24 = tpu.memref_slice %arg5[%multiple_of3A] : memref<320000xi32, #tpu.memory_space<hbm>> -> memref<80xi32, #tpu.memory_space<hbm>>
        %dma_wait3A_25 = tpu.memref_slice %arg5[%multiple_of3A] : memref<320000xi32, #tpu.memory_space<hbm>> -> memref<80xi32, #tpu.memory_space<hbm>>
        tpu.wait_dma2 semaphore(%run_scoped3A : memref<!tpu.dma_semaphore, #tpu.memory_space<semaphore_mem>>) src(%dma_wait3A_25 : memref<80xi32, #tpu.memory_space<hbm>>) dst(%arg9 : memref<80xi32, #tpu.memory_space<vmem>>)
        tpu.yield
      }) : () -> ()
      %dma_start3A = arith.constant 0 : i32
      %dma_start3A_12 = arith.constant 0 : i32
      %dma_start3A_13 = tpu.memref_slice %arg2[%dma_start3A, %dma_start3A_12] : memref<10000x128xf32, #tpu.memory_space<hbm>> -> memref<10000x128xf32, #tpu.memory_space<hbm>>
      tpu.enqueue_indirect_dma source(%dma_start3A_13 : memref<10000x128xf32, #tpu.memory_space<hbm>>) target(%arg10 : memref<80x128xf32, #tpu.memory_space<vmem>>) offsets(%arg8 : memref<80xi32, #tpu.memory_space<vmem>>) semaphore(%arg12 : memref<!tpu.dma_semaphore, #tpu.memory_space<semaphore_mem>>)
      %dma_start3A_14 = arith.constant 0 : i32
      %dma_start3A_15 = arith.constant 0 : i32
      %dma_start3A_16 = tpu.memref_slice %arg3[%dma_start3A_14, %dma_start3A_15] : memref<10000x128xf32, #tpu.memory_space<hbm>> -> memref<10000x128xf32, #tpu.memory_space<hbm>>
      tpu.enqueue_indirect_dma source(%dma_start3A_16 : memref<10000x128xf32, #tpu.memory_space<hbm>>) target(%arg11 : memref<80x128xf32, #tpu.memory_space<vmem>>) offsets(%arg9 : memref<80xi32, #tpu.memory_space<vmem>>) semaphore(%arg13 : memref<!tpu.dma_semaphore, #tpu.memory_space<semaphore_mem>>)
      %dma_wait3A = arith.constant 0 : i32
      %dma_wait3A_17 = arith.constant 0 : i32
      %dma_wait3A_18 = tpu.memref_slice %arg2[%dma_wait3A, %dma_wait3A_17] : memref<10000x128xf32, #tpu.memory_space<hbm>> -> memref<10000x128xf32, #tpu.memory_space<hbm>>
      tpu.wait_indirect_dma semaphore(%arg12 : memref<!tpu.dma_semaphore, #tpu.memory_space<semaphore_mem>>) src(%dma_wait3A_18 : memref<10000x128xf32, #tpu.memory_space<hbm>>) dst(%arg10 : memref<80x128xf32, #tpu.memory_space<vmem>>)
      %dma_wait3A_19 = arith.constant 0 : i32
      %dma_wait3A_20 = arith.constant 0 : i32
      %dma_wait3A_21 = tpu.memref_slice %arg3[%dma_wait3A_19, %dma_wait3A_20] : memref<10000x128xf32, #tpu.memory_space<hbm>> -> memref<10000x128xf32, #tpu.memory_space<hbm>>
      tpu.wait_indirect_dma semaphore(%arg13 : memref<!tpu.dma_semaphore, #tpu.memory_space<semaphore_mem>>) src(%dma_wait3A_21 : memref<10000x128xf32, #tpu.memory_space<hbm>>) dst(%arg11 : memref<80x128xf32, #tpu.memory_space<vmem>>)
      "tpu.region"() ({
        %run_scoped3A = tpu.sem_alloc : memref<!tpu.dma_semaphore, #tpu.memory_space<semaphore_mem>>
        %dma_start3A_22 = arith.constant 0 : i32
        %dma_start3A_23 = tpu.memref_slice %arg6[%multiple_of3A, %dma_start3A_22] : memref<320000x128xf32, #tpu.memory_space<hbm>> -> memref<80x128xf32, #tpu.memory_space<hbm>>
        %dma_start3A_24 = arith.constant 0 : i32
        %dma_start3A_25 = tpu.memref_slice %arg6[%multiple_of3A, %dma_start3A_24] : memref<320000x128xf32, #tpu.memory_space<hbm>> -> memref<80x128xf32, #tpu.memory_space<hbm>>
        tpu.enqueue_dma source(%arg10 : memref<80x128xf32, #tpu.memory_space<vmem>>) target(%dma_start3A_25 : memref<80x128xf32, #tpu.memory_space<hbm>>) target_semaphore(%run_scoped3A : memref<!tpu.dma_semaphore, #tpu.memory_space<semaphore_mem>>)
        %dma_wait3A_26 = arith.constant 0 : i32
        %dma_wait3A_27 = tpu.memref_slice %arg6[%multiple_of3A, %dma_wait3A_26] : memref<320000x128xf32, #tpu.memory_space<hbm>> -> memref<80x128xf32, #tpu.memory_space<hbm>>
        %dma_wait3A_28 = arith.constant 0 : i32
        %dma_wait3A_29 = tpu.memref_slice %arg6[%multiple_of3A, %dma_wait3A_28] : memref<320000x128xf32, #tpu.memory_space<hbm>> -> memref<80x128xf32, #tpu.memory_space<hbm>>
        tpu.wait_dma2 semaphore(%run_scoped3A : memref<!tpu.dma_semaphore, #tpu.memory_space<semaphore_mem>>) src(%arg10 : memref<80x128xf32, #tpu.memory_space<vmem>>) dst(%dma_wait3A_29 : memref<80x128xf32, #tpu.memory_space<hbm>>)
        tpu.yield
      }) : () -> ()
      "tpu.region"() ({
        %run_scoped3A = tpu.sem_alloc : memref<!tpu.dma_semaphore, #tpu.memory_space<semaphore_mem>>
        %dma_start3A_22 = arith.constant 0 : i32
        %dma_start3A_23 = tpu.memref_slice %arg7[%multiple_of3A, %dma_start3A_22] : memref<320000x128xf32, #tpu.memory_space<hbm>> -> memref<80x128xf32, #tpu.memory_space<hbm>>
        %dma_start3A_24 = arith.constant 0 : i32
        %dma_start3A_25 = tpu.memref_slice %arg7[%multiple_of3A, %dma_start3A_24] : memref<320000x128xf32, #tpu.memory_space<hbm>> -> memref<80x128xf32, #tpu.memory_space<hbm>>
        tpu.enqueue_dma source(%arg11 : memref<80x128xf32, #tpu.memory_space<vmem>>) target(%dma_start3A_25 : memref<80x128xf32, #tpu.memory_space<hbm>>) target_semaphore(%run_scoped3A : memref<!tpu.dma_semaphore, #tpu.memory_space<semaphore_mem>>)
        %dma_wait3A_26 = arith.constant 0 : i32
        %dma_wait3A_27 = tpu.memref_slice %arg7[%multiple_of3A, %dma_wait3A_26] : memref<320000x128xf32, #tpu.memory_space<hbm>> -> memref<80x128xf32, #tpu.memory_space<hbm>>
        %dma_wait3A_28 = arith.constant 0 : i32
        %dma_wait3A_29 = tpu.memref_slice %arg7[%multiple_of3A, %dma_wait3A_28] : memref<320000x128xf32, #tpu.memory_space<hbm>> -> memref<80x128xf32, #tpu.memory_space<hbm>>
        tpu.wait_dma2 semaphore(%run_scoped3A : memref<!tpu.dma_semaphore, #tpu.memory_space<semaphore_mem>>) src(%arg11 : memref<80x128xf32, #tpu.memory_space<vmem>>) dst(%dma_wait3A_29 : memref<80x128xf32, #tpu.memory_space<hbm>>)
        tpu.yield
      }) : () -> ()
    }
    %scan3A_5 = arith.constant 125 : i32
    return
  }
}

#map = affine_map<(d0, d1) -> (0, 0)>
#map1 = affine_map<(d0, d1) -> (0)>
#map2 = affine_map<(d0, d1) -> (0, 0, 0)>
module attributes {stable_mosaic.version = 14 : i64} {
  func.func @k(%arg0: i32, %arg1: i32, %arg2: memref<320000x128xf32, #tpu.memory_space<hbm>>, %arg3: memref<320000xi32, #tpu.memory_space<hbm>>, %arg4: memref<10112x128xf32, #tpu.memory_space<hbm>>, %arg5: memref<2x10112x128xf32, #tpu.memory_space<hbm>>, %arg6: memref<80xi32, #tpu.memory_space<vmem>>, %arg7: memref<80x128xf32, #tpu.memory_space<vmem>>, %arg8: memref<10112x128xf32, #tpu.memory_space<vmem_shared>>) attributes {dimension_semantics = [#tpu.dimension_semantics<core_parallel>, #tpu.dimension_semantics<subcore_parallel>], iteration_bounds = array<i64: 2, 16>, scalar_prefetch = 0 : i64, scratch_operands = 3 : i64, tpu.core_type = #tpu.core_type<sc_vector_subcore>, window_params = [{transform_indices = #map}, {transform_indices = #map1}, {transform_indices = #map}, {transform_indices = #map2}]} {
    %mul3A = arith.constant 2 : i32
    %mul3A_0 = arith.muli %arg1, %mul3A : i32
    %add3A = arith.addi %mul3A_0, %arg0 : i32
    %mul3A_1 = arith.constant 632 : i32
    %mul3A_2 = arith.muli %arg1, %mul3A_1 : i32
    %multiple_of3A = tpu.assume_multiple %mul3A_2, 8 : i32
    "tpu.region"() ({
      %run_scoped3A = tpu.sem_alloc : memref<!tpu.dma_semaphore, #tpu.memory_space<semaphore_mem>>
      %dma_start3A = arith.constant 0 : i32
      %dma_start3A_9 = tpu.memref_slice %arg8[%multiple_of3A, %dma_start3A] : memref<10112x128xf32, #tpu.memory_space<vmem_shared>> -> memref<632x128xf32, #tpu.memory_space<vmem_shared>>
      %dma_start3A_10 = arith.constant 0 : i32
      %dma_start3A_11 = tpu.memref_slice %arg4[%multiple_of3A, %dma_start3A_10] : memref<10112x128xf32, #tpu.memory_space<hbm>> -> memref<632x128xf32, #tpu.memory_space<hbm>>
      tpu.enqueue_dma source(%dma_start3A_11 : memref<632x128xf32, #tpu.memory_space<hbm>>) target(%dma_start3A_9 : memref<632x128xf32, #tpu.memory_space<vmem_shared>>) target_semaphore(%run_scoped3A : memref<!tpu.dma_semaphore, #tpu.memory_space<semaphore_mem>>)
      %dma_wait3A = arith.constant 0 : i32
      %dma_wait3A_12 = tpu.memref_slice %arg8[%multiple_of3A, %dma_wait3A] : memref<10112x128xf32, #tpu.memory_space<vmem_shared>> -> memref<632x128xf32, #tpu.memory_space<vmem_shared>>
      %dma_wait3A_13 = arith.constant 0 : i32
      %dma_wait3A_14 = tpu.memref_slice %arg4[%multiple_of3A, %dma_wait3A_13] : memref<10112x128xf32, #tpu.memory_space<hbm>> -> memref<632x128xf32, #tpu.memory_space<hbm>>
      tpu.wait_dma2 semaphore(%run_scoped3A : memref<!tpu.dma_semaphore, #tpu.memory_space<semaphore_mem>>) src(%dma_wait3A_14 : memref<632x128xf32, #tpu.memory_space<hbm>>) dst(%dma_wait3A_12 : memref<632x128xf32, #tpu.memory_space<vmem_shared>>)
      tpu.yield
    }) : () -> ()
    %barrier3A = arith.constant 0 : index
    tpu.barrier barrier_id(%barrier3A)
    %scan3A = arith.constant 0 : i32
    %scan3A_3 = arith.constant 0 : i32
    %scan3A_4 = arith.constant 125 : i32
    %scan3A_5 = arith.addi %scan3A_3, %scan3A_4 : i32
    %scan3A_6 = arith.constant 1 : i32
    scf.for %scan3A_9 = %scan3A_3 to %scan3A_5 step %scan3A_6  : i32 {
      %mul3A_10 = arith.constant 32 : i32
      %mul3A_11 = arith.muli %mul3A_10, %scan3A_9 : i32
      %add3A_12 = arith.addi %add3A, %mul3A_11 : i32
      %lt3A = arith.constant 4000 : i32
      %lt3A_13 = arith.cmpi slt, %add3A_12, %lt3A : i32
      %convert_element_type3A = arith.extui %lt3A_13 : i1 to i32
      %cond3A = arith.constant 0 : i32
      %cond3A_14 = arith.cmpi ne, %convert_element_type3A, %cond3A : i32
      scf.if %cond3A_14 {
        %mul3A_15 = arith.constant 80 : i32
        %mul3A_16 = arith.muli %add3A_12, %mul3A_15 : i32
        %multiple_of3A_17 = tpu.assume_multiple %mul3A_16, 80 : i32
        "tpu.region"() ({
          %run_scoped3A = tpu.sem_alloc : memref<!tpu.dma_semaphore, #tpu.memory_space<semaphore_mem>>
          %dma_start3A = tpu.memref_slice %arg3[%multiple_of3A_17] : memref<320000xi32, #tpu.memory_space<hbm>> -> memref<80xi32, #tpu.memory_space<hbm>>
          %dma_start3A_18 = tpu.memref_slice %arg3[%multiple_of3A_17] : memref<320000xi32, #tpu.memory_space<hbm>> -> memref<80xi32, #tpu.memory_space<hbm>>
          tpu.enqueue_dma source(%dma_start3A_18 : memref<80xi32, #tpu.memory_space<hbm>>) target(%arg6 : memref<80xi32, #tpu.memory_space<vmem>>) target_semaphore(%run_scoped3A : memref<!tpu.dma_semaphore, #tpu.memory_space<semaphore_mem>>)
          %dma_wait3A = tpu.memref_slice %arg3[%multiple_of3A_17] : memref<320000xi32, #tpu.memory_space<hbm>> -> memref<80xi32, #tpu.memory_space<hbm>>
          %dma_wait3A_19 = tpu.memref_slice %arg3[%multiple_of3A_17] : memref<320000xi32, #tpu.memory_space<hbm>> -> memref<80xi32, #tpu.memory_space<hbm>>
          tpu.wait_dma2 semaphore(%run_scoped3A : memref<!tpu.dma_semaphore, #tpu.memory_space<semaphore_mem>>) src(%dma_wait3A_19 : memref<80xi32, #tpu.memory_space<hbm>>) dst(%arg6 : memref<80xi32, #tpu.memory_space<vmem>>)
          tpu.yield
        }) : () -> ()
        "tpu.region"() ({
          %run_scoped3A = tpu.sem_alloc : memref<!tpu.dma_semaphore, #tpu.memory_space<semaphore_mem>>
          %dma_start3A = arith.constant 0 : i32
          %dma_start3A_18 = tpu.memref_slice %arg2[%multiple_of3A_17, %dma_start3A] : memref<320000x128xf32, #tpu.memory_space<hbm>> -> memref<80x128xf32, #tpu.memory_space<hbm>>
          %dma_start3A_19 = arith.constant 0 : i32
          %dma_start3A_20 = tpu.memref_slice %arg2[%multiple_of3A_17, %dma_start3A_19] : memref<320000x128xf32, #tpu.memory_space<hbm>> -> memref<80x128xf32, #tpu.memory_space<hbm>>
          tpu.enqueue_dma source(%dma_start3A_20 : memref<80x128xf32, #tpu.memory_space<hbm>>) target(%arg7 : memref<80x128xf32, #tpu.memory_space<vmem>>) target_semaphore(%run_scoped3A : memref<!tpu.dma_semaphore, #tpu.memory_space<semaphore_mem>>)
          %dma_wait3A = arith.constant 0 : i32
          %dma_wait3A_21 = tpu.memref_slice %arg2[%multiple_of3A_17, %dma_wait3A] : memref<320000x128xf32, #tpu.memory_space<hbm>> -> memref<80x128xf32, #tpu.memory_space<hbm>>
          %dma_wait3A_22 = arith.constant 0 : i32
          %dma_wait3A_23 = tpu.memref_slice %arg2[%multiple_of3A_17, %dma_wait3A_22] : memref<320000x128xf32, #tpu.memory_space<hbm>> -> memref<80x128xf32, #tpu.memory_space<hbm>>
          tpu.wait_dma2 semaphore(%run_scoped3A : memref<!tpu.dma_semaphore, #tpu.memory_space<semaphore_mem>>) src(%dma_wait3A_23 : memref<80x128xf32, #tpu.memory_space<hbm>>) dst(%arg7 : memref<80x128xf32, #tpu.memory_space<vmem>>)
          tpu.yield
        }) : () -> ()
        "tpu.region"() ({
          %run_scoped3A = tpu.sem_alloc : memref<!tpu.dma_semaphore, #tpu.memory_space<semaphore_mem>>
          %dma_start3A = arith.constant 0 : i32
          %dma_start3A_18 = arith.constant 0 : i32
          %dma_start3A_19 = tpu.memref_slice %arg8[%dma_start3A, %dma_start3A_18] : memref<10112x128xf32, #tpu.memory_space<vmem_shared>> -> memref<10112x128xf32, #tpu.memory_space<vmem_shared>>
          tpu.enqueue_indirect_dma source(%arg7 : memref<80x128xf32, #tpu.memory_space<vmem>>) target(%dma_start3A_19 : memref<10112x128xf32, #tpu.memory_space<vmem_shared>>) offsets(%arg6 : memref<80xi32, #tpu.memory_space<vmem>>) semaphore(%run_scoped3A : memref<!tpu.dma_semaphore, #tpu.memory_space<semaphore_mem>>) {add = true}
          %dma_wait3A = arith.constant 0 : i32
          %dma_wait3A_20 = arith.constant 0 : i32
          %dma_wait3A_21 = tpu.memref_slice %arg8[%dma_wait3A, %dma_wait3A_20] : memref<10112x128xf32, #tpu.memory_space<vmem_shared>> -> memref<10112x128xf32, #tpu.memory_space<vmem_shared>>
          tpu.wait_indirect_dma semaphore(%run_scoped3A : memref<!tpu.dma_semaphore, #tpu.memory_space<semaphore_mem>>) src(%arg7 : memref<80x128xf32, #tpu.memory_space<vmem>>) dst(%dma_wait3A_21 : memref<10112x128xf32, #tpu.memory_space<vmem_shared>>)
          tpu.yield
        }) : () -> ()
      } else {
      }
    }
    %scan3A_7 = arith.constant 125 : i32
    %barrier3A_8 = arith.constant 0 : index
    tpu.barrier barrier_id(%barrier3A_8)
    "tpu.region"() ({
      %run_scoped3A = tpu.sem_alloc : memref<!tpu.dma_semaphore, #tpu.memory_space<semaphore_mem>>
      %dma_start3A = arith.constant 0 : i32
      %dma_start3A_9 = tpu.memref_slice %arg5[%arg0, %multiple_of3A, %dma_start3A] : memref<2x10112x128xf32, #tpu.memory_space<hbm>> -> memref<1x632x128xf32, #tpu.memory_space<hbm>>
      %dma_start3A_10 = tpu.memref_squeeze %dma_start3A_9 : memref<1x632x128xf32, #tpu.memory_space<hbm>> -> memref<632x128xf32, #tpu.memory_space<hbm>>
      %dma_start3A_11 = arith.constant 0 : i32
      %dma_start3A_12 = tpu.memref_slice %arg8[%multiple_of3A, %dma_start3A_11] : memref<10112x128xf32, #tpu.memory_space<vmem_shared>> -> memref<632x128xf32, #tpu.memory_space<vmem_shared>>
      tpu.enqueue_dma source(%dma_start3A_12 : memref<632x128xf32, #tpu.memory_space<vmem_shared>>) target(%dma_start3A_10 : memref<632x128xf32, #tpu.memory_space<hbm>>) target_semaphore(%run_scoped3A : memref<!tpu.dma_semaphore, #tpu.memory_space<semaphore_mem>>)
      %dma_wait3A = arith.constant 0 : i32
      %dma_wait3A_13 = tpu.memref_slice %arg5[%arg0, %multiple_of3A, %dma_wait3A] : memref<2x10112x128xf32, #tpu.memory_space<hbm>> -> memref<1x632x128xf32, #tpu.memory_space<hbm>>
      %dma_wait3A_14 = tpu.memref_squeeze %dma_wait3A_13 : memref<1x632x128xf32, #tpu.memory_space<hbm>> -> memref<632x128xf32, #tpu.memory_space<hbm>>
      %dma_wait3A_15 = arith.constant 0 : i32
      %dma_wait3A_16 = tpu.memref_slice %arg8[%multiple_of3A, %dma_wait3A_15] : memref<10112x128xf32, #tpu.memory_space<vmem_shared>> -> memref<632x128xf32, #tpu.memory_space<vmem_shared>>
      tpu.wait_dma2 semaphore(%run_scoped3A : memref<!tpu.dma_semaphore, #tpu.memory_space<semaphore_mem>>) src(%dma_wait3A_16 : memref<632x128xf32, #tpu.memory_space<vmem_shared>>) dst(%dma_wait3A_14 : memref<632x128xf32, #tpu.memory_space<hbm>>)
      tpu.yield
    }) : () -> ()
    return
  }
}

#map = affine_map<(d0, d1) -> (0, 0)>
#map1 = affine_map<(d0, d1) -> (0)>
#map2 = affine_map<(d0, d1) -> (0, 0, 0)>
module attributes {stable_mosaic.version = 14 : i64} {
  func.func @k(%arg0: i32, %arg1: i32, %arg2: memref<320000x128xf32, #tpu.memory_space<hbm>>, %arg3: memref<320000xi32, #tpu.memory_space<hbm>>, %arg4: memref<10112x128xf32, #tpu.memory_space<hbm>>, %arg5: memref<2x10112x128xf32, #tpu.memory_space<hbm>>, %arg6: memref<80xi32, #tpu.memory_space<vmem>>, %arg7: memref<80x128xf32, #tpu.memory_space<vmem>>, %arg8: memref<10112x128xf32, #tpu.memory_space<vmem_shared>>) attributes {dimension_semantics = [#tpu.dimension_semantics<core_parallel>, #tpu.dimension_semantics<subcore_parallel>], iteration_bounds = array<i64: 2, 16>, scalar_prefetch = 0 : i64, scratch_operands = 3 : i64, tpu.core_type = #tpu.core_type<sc_vector_subcore>, window_params = [{transform_indices = #map}, {transform_indices = #map1}, {transform_indices = #map}, {transform_indices = #map2}]} {
    %mul3A = arith.constant 2 : i32
    %mul3A_0 = arith.muli %arg1, %mul3A : i32
    %add3A = arith.addi %mul3A_0, %arg0 : i32
    %mul3A_1 = arith.constant 632 : i32
    %mul3A_2 = arith.muli %arg1, %mul3A_1 : i32
    %multiple_of3A = tpu.assume_multiple %mul3A_2, 8 : i32
    "tpu.region"() ({
      %run_scoped3A = tpu.sem_alloc : memref<!tpu.dma_semaphore, #tpu.memory_space<semaphore_mem>>
      %dma_start3A = arith.constant 0 : i32
      %dma_start3A_9 = tpu.memref_slice %arg8[%multiple_of3A, %dma_start3A] : memref<10112x128xf32, #tpu.memory_space<vmem_shared>> -> memref<632x128xf32, #tpu.memory_space<vmem_shared>>
      %dma_start3A_10 = arith.constant 0 : i32
      %dma_start3A_11 = tpu.memref_slice %arg4[%multiple_of3A, %dma_start3A_10] : memref<10112x128xf32, #tpu.memory_space<hbm>> -> memref<632x128xf32, #tpu.memory_space<hbm>>
      tpu.enqueue_dma source(%dma_start3A_11 : memref<632x128xf32, #tpu.memory_space<hbm>>) target(%dma_start3A_9 : memref<632x128xf32, #tpu.memory_space<vmem_shared>>) target_semaphore(%run_scoped3A : memref<!tpu.dma_semaphore, #tpu.memory_space<semaphore_mem>>)
      %dma_wait3A = arith.constant 0 : i32
      %dma_wait3A_12 = tpu.memref_slice %arg8[%multiple_of3A, %dma_wait3A] : memref<10112x128xf32, #tpu.memory_space<vmem_shared>> -> memref<632x128xf32, #tpu.memory_space<vmem_shared>>
      %dma_wait3A_13 = arith.constant 0 : i32
      %dma_wait3A_14 = tpu.memref_slice %arg4[%multiple_of3A, %dma_wait3A_13] : memref<10112x128xf32, #tpu.memory_space<hbm>> -> memref<632x128xf32, #tpu.memory_space<hbm>>
      tpu.wait_dma2 semaphore(%run_scoped3A : memref<!tpu.dma_semaphore, #tpu.memory_space<semaphore_mem>>) src(%dma_wait3A_14 : memref<632x128xf32, #tpu.memory_space<hbm>>) dst(%dma_wait3A_12 : memref<632x128xf32, #tpu.memory_space<vmem_shared>>)
      tpu.yield
    }) : () -> ()
    %barrier3A = arith.constant 0 : index
    tpu.barrier barrier_id(%barrier3A)
    %scan3A = arith.constant 0 : i32
    %scan3A_3 = arith.constant 0 : i32
    %scan3A_4 = arith.constant 125 : i32
    %scan3A_5 = arith.addi %scan3A_3, %scan3A_4 : i32
    %scan3A_6 = arith.constant 1 : i32
    scf.for %scan3A_9 = %scan3A_3 to %scan3A_5 step %scan3A_6  : i32 {
      %mul3A_10 = arith.constant 32 : i32
      %mul3A_11 = arith.muli %mul3A_10, %scan3A_9 : i32
      %add3A_12 = arith.addi %add3A, %mul3A_11 : i32
      %lt3A = arith.constant 4000 : i32
      %lt3A_13 = arith.cmpi slt, %add3A_12, %lt3A : i32
      %convert_element_type3A = arith.extui %lt3A_13 : i1 to i32
      %cond3A = arith.constant 0 : i32
      %cond3A_14 = arith.cmpi ne, %convert_element_type3A, %cond3A : i32
      scf.if %cond3A_14 {
        %mul3A_15 = arith.constant 80 : i32
        %mul3A_16 = arith.muli %add3A_12, %mul3A_15 : i32
        %multiple_of3A_17 = tpu.assume_multiple %mul3A_16, 80 : i32
        "tpu.region"() ({
          %run_scoped3A = tpu.sem_alloc : memref<!tpu.dma_semaphore, #tpu.memory_space<semaphore_mem>>
          %dma_start3A = tpu.memref_slice %arg3[%multiple_of3A_17] : memref<320000xi32, #tpu.memory_space<hbm>> -> memref<80xi32, #tpu.memory_space<hbm>>
          %dma_start3A_18 = tpu.memref_slice %arg3[%multiple_of3A_17] : memref<320000xi32, #tpu.memory_space<hbm>> -> memref<80xi32, #tpu.memory_space<hbm>>
          tpu.enqueue_dma source(%dma_start3A_18 : memref<80xi32, #tpu.memory_space<hbm>>) target(%arg6 : memref<80xi32, #tpu.memory_space<vmem>>) target_semaphore(%run_scoped3A : memref<!tpu.dma_semaphore, #tpu.memory_space<semaphore_mem>>)
          %dma_wait3A = tpu.memref_slice %arg3[%multiple_of3A_17] : memref<320000xi32, #tpu.memory_space<hbm>> -> memref<80xi32, #tpu.memory_space<hbm>>
          %dma_wait3A_19 = tpu.memref_slice %arg3[%multiple_of3A_17] : memref<320000xi32, #tpu.memory_space<hbm>> -> memref<80xi32, #tpu.memory_space<hbm>>
          tpu.wait_dma2 semaphore(%run_scoped3A : memref<!tpu.dma_semaphore, #tpu.memory_space<semaphore_mem>>) src(%dma_wait3A_19 : memref<80xi32, #tpu.memory_space<hbm>>) dst(%arg6 : memref<80xi32, #tpu.memory_space<vmem>>)
          tpu.yield
        }) : () -> ()
        "tpu.region"() ({
          %run_scoped3A = tpu.sem_alloc : memref<!tpu.dma_semaphore, #tpu.memory_space<semaphore_mem>>
          %dma_start3A = arith.constant 0 : i32
          %dma_start3A_18 = tpu.memref_slice %arg2[%multiple_of3A_17, %dma_start3A] : memref<320000x128xf32, #tpu.memory_space<hbm>> -> memref<80x128xf32, #tpu.memory_space<hbm>>
          %dma_start3A_19 = arith.constant 0 : i32
          %dma_start3A_20 = tpu.memref_slice %arg2[%multiple_of3A_17, %dma_start3A_19] : memref<320000x128xf32, #tpu.memory_space<hbm>> -> memref<80x128xf32, #tpu.memory_space<hbm>>
          tpu.enqueue_dma source(%dma_start3A_20 : memref<80x128xf32, #tpu.memory_space<hbm>>) target(%arg7 : memref<80x128xf32, #tpu.memory_space<vmem>>) target_semaphore(%run_scoped3A : memref<!tpu.dma_semaphore, #tpu.memory_space<semaphore_mem>>)
          %dma_wait3A = arith.constant 0 : i32
          %dma_wait3A_21 = tpu.memref_slice %arg2[%multiple_of3A_17, %dma_wait3A] : memref<320000x128xf32, #tpu.memory_space<hbm>> -> memref<80x128xf32, #tpu.memory_space<hbm>>
          %dma_wait3A_22 = arith.constant 0 : i32
          %dma_wait3A_23 = tpu.memref_slice %arg2[%multiple_of3A_17, %dma_wait3A_22] : memref<320000x128xf32, #tpu.memory_space<hbm>> -> memref<80x128xf32, #tpu.memory_space<hbm>>
          tpu.wait_dma2 semaphore(%run_scoped3A : memref<!tpu.dma_semaphore, #tpu.memory_space<semaphore_mem>>) src(%dma_wait3A_23 : memref<80x128xf32, #tpu.memory_space<hbm>>) dst(%arg7 : memref<80x128xf32, #tpu.memory_space<vmem>>)
          tpu.yield
        }) : () -> ()
        "tpu.region"() ({
          %run_scoped3A = tpu.sem_alloc : memref<!tpu.dma_semaphore, #tpu.memory_space<semaphore_mem>>
          %dma_start3A = arith.constant 0 : i32
          %dma_start3A_18 = arith.constant 0 : i32
          %dma_start3A_19 = tpu.memref_slice %arg8[%dma_start3A, %dma_start3A_18] : memref<10112x128xf32, #tpu.memory_space<vmem_shared>> -> memref<10112x128xf32, #tpu.memory_space<vmem_shared>>
          tpu.enqueue_indirect_dma source(%arg7 : memref<80x128xf32, #tpu.memory_space<vmem>>) target(%dma_start3A_19 : memref<10112x128xf32, #tpu.memory_space<vmem_shared>>) offsets(%arg6 : memref<80xi32, #tpu.memory_space<vmem>>) semaphore(%run_scoped3A : memref<!tpu.dma_semaphore, #tpu.memory_space<semaphore_mem>>) {add = true}
          %dma_wait3A = arith.constant 0 : i32
          %dma_wait3A_20 = arith.constant 0 : i32
          %dma_wait3A_21 = tpu.memref_slice %arg8[%dma_wait3A, %dma_wait3A_20] : memref<10112x128xf32, #tpu.memory_space<vmem_shared>> -> memref<10112x128xf32, #tpu.memory_space<vmem_shared>>
          tpu.wait_indirect_dma semaphore(%run_scoped3A : memref<!tpu.dma_semaphore, #tpu.memory_space<semaphore_mem>>) src(%arg7 : memref<80x128xf32, #tpu.memory_space<vmem>>) dst(%dma_wait3A_21 : memref<10112x128xf32, #tpu.memory_space<vmem_shared>>)
          tpu.yield
        }) : () -> ()
      } else {
      }
    }
    %scan3A_7 = arith.constant 125 : i32
    %barrier3A_8 = arith.constant 0 : index
    tpu.barrier barrier_id(%barrier3A_8)
    "tpu.region"() ({
      %run_scoped3A = tpu.sem_alloc : memref<!tpu.dma_semaphore, #tpu.memory_space<semaphore_mem>>
      %dma_start3A = arith.constant 0 : i32
      %dma_start3A_9 = tpu.memref_slice %arg5[%arg0, %multiple_of3A, %dma_start3A] : memref<2x10112x128xf32, #tpu.memory_space<hbm>> -> memref<1x632x128xf32, #tpu.memory_space<hbm>>
      %dma_start3A_10 = tpu.memref_squeeze %dma_start3A_9 : memref<1x632x128xf32, #tpu.memory_space<hbm>> -> memref<632x128xf32, #tpu.memory_space<hbm>>
      %dma_start3A_11 = arith.constant 0 : i32
      %dma_start3A_12 = tpu.memref_slice %arg8[%multiple_of3A, %dma_start3A_11] : memref<10112x128xf32, #tpu.memory_space<vmem_shared>> -> memref<632x128xf32, #tpu.memory_space<vmem_shared>>
      tpu.enqueue_dma source(%dma_start3A_12 : memref<632x128xf32, #tpu.memory_space<vmem_shared>>) target(%dma_start3A_10 : memref<632x128xf32, #tpu.memory_space<hbm>>) target_semaphore(%run_scoped3A : memref<!tpu.dma_semaphore, #tpu.memory_space<semaphore_mem>>)
      %dma_wait3A = arith.constant 0 : i32
      %dma_wait3A_13 = tpu.memref_slice %arg5[%arg0, %multiple_of3A, %dma_wait3A] : memref<2x10112x128xf32, #tpu.memory_space<hbm>> -> memref<1x632x128xf32, #tpu.memory_space<hbm>>
      %dma_wait3A_14 = tpu.memref_squeeze %dma_wait3A_13 : memref<1x632x128xf32, #tpu.memory_space<hbm>> -> memref<632x128xf32, #tpu.memory_space<hbm>>
      %dma_wait3A_15 = arith.constant 0 : i32
      %dma_wait3A_16 = tpu.memref_slice %arg8[%multiple_of3A, %dma_wait3A_15] : memref<10112x128xf32, #tpu.memory_space<vmem_shared>> -> memref<632x128xf32, #tpu.memory_space<vmem_shared>>
      tpu.wait_dma2 semaphore(%run_scoped3A : memref<!tpu.dma_semaphore, #tpu.memory_space<semaphore_mem>>) src(%dma_wait3A_16 : memref<632x128xf32, #tpu.memory_space<vmem_shared>>) dst(%dma_wait3A_14 : memref<632x128xf32, #tpu.memory_space<hbm>>)
      tpu.yield
    }) : () -> ()
    return
  }
}

#map = affine_map<(d0, d1) -> (0, 0)>
#map1 = affine_map<(d0, d1) -> (0)>
module attributes {stable_mosaic.version = 14 : i64} {
  func.func @k(%arg0: i32, %arg1: i32, %arg2: memref<10000x128xf32, #tpu.memory_space<hbm>>, %arg3: memref<10000x128xf32, #tpu.memory_space<hbm>>, %arg4: memref<320000xi32, #tpu.memory_space<hbm>>, %arg5: memref<320000xi32, #tpu.memory_space<hbm>>, %arg6: memref<320000x128xf32, #tpu.memory_space<hbm>>, %arg7: memref<320000x128xf32, #tpu.memory_space<hbm>>, %arg8: memref<80xi32, #tpu.memory_space<vmem>>, %arg9: memref<80xi32, #tpu.memory_space<vmem>>, %arg10: memref<80x128xf32, #tpu.memory_space<vmem>>, %arg11: memref<80x128xf32, #tpu.memory_space<vmem>>, %arg12: memref<!tpu.dma_semaphore, #tpu.memory_space<semaphore_mem>>, %arg13: memref<!tpu.dma_semaphore, #tpu.memory_space<semaphore_mem>>) attributes {dimension_semantics = [#tpu.dimension_semantics<core_parallel>, #tpu.dimension_semantics<subcore_parallel>], iteration_bounds = array<i64: 2, 16>, scalar_prefetch = 0 : i64, scratch_operands = 6 : i64, tpu.core_type = #tpu.core_type<sc_vector_subcore>, window_params = [{transform_indices = #map}, {transform_indices = #map}, {transform_indices = #map1}, {transform_indices = #map1}, {transform_indices = #map}, {transform_indices = #map}]} {
    %mul3A = arith.constant 2 : i32
    %mul3A_0 = arith.muli %arg1, %mul3A : i32
    %add3A = arith.addi %mul3A_0, %arg0 : i32
    %scan3A = arith.constant 0 : i32
    %scan3A_1 = arith.constant 0 : i32
    %scan3A_2 = arith.constant 125 : i32
    %scan3A_3 = arith.addi %scan3A_1, %scan3A_2 : i32
    %scan3A_4 = arith.constant 1 : i32
    scf.for %scan3A_6 = %scan3A_1 to %scan3A_3 step %scan3A_4  : i32 {
      %mul3A_7 = arith.constant 125 : i32
      %mul3A_8 = arith.muli %add3A, %mul3A_7 : i32
      %add3A_9 = arith.addi %mul3A_8, %scan3A_6 : i32
      %mul3A_10 = arith.constant 80 : i32
      %mul3A_11 = arith.muli %add3A_9, %mul3A_10 : i32
      %multiple_of3A = tpu.assume_multiple %mul3A_11, 80 : i32
      "tpu.region"() ({
        %run_scoped3A = tpu.sem_alloc : memref<!tpu.dma_semaphore, #tpu.memory_space<semaphore_mem>>
        %dma_start3A_22 = tpu.memref_slice %arg4[%multiple_of3A] : memref<320000xi32, #tpu.memory_space<hbm>> -> memref<80xi32, #tpu.memory_space<hbm>>
        %dma_start3A_23 = tpu.memref_slice %arg4[%multiple_of3A] : memref<320000xi32, #tpu.memory_space<hbm>> -> memref<80xi32, #tpu.memory_space<hbm>>
        tpu.enqueue_dma source(%dma_start3A_23 : memref<80xi32, #tpu.memory_space<hbm>>) target(%arg8 : memref<80xi32, #tpu.memory_space<vmem>>) target_semaphore(%run_scoped3A : memref<!tpu.dma_semaphore, #tpu.memory_space<semaphore_mem>>)
        %dma_wait3A_24 = tpu.memref_slice %arg4[%multiple_of3A] : memref<320000xi32, #tpu.memory_space<hbm>> -> memref<80xi32, #tpu.memory_space<hbm>>
        %dma_wait3A_25 = tpu.memref_slice %arg4[%multiple_of3A] : memref<320000xi32, #tpu.memory_space<hbm>> -> memref<80xi32, #tpu.memory_space<hbm>>
        tpu.wait_dma2 semaphore(%run_scoped3A : memref<!tpu.dma_semaphore, #tpu.memory_space<semaphore_mem>>) src(%dma_wait3A_25 : memref<80xi32, #tpu.memory_space<hbm>>) dst(%arg8 : memref<80xi32, #tpu.memory_space<vmem>>)
        tpu.yield
      }) : () -> ()
      "tpu.region"() ({
        %run_scoped3A = tpu.sem_alloc : memref<!tpu.dma_semaphore, #tpu.memory_space<semaphore_mem>>
        %dma_start3A_22 = tpu.memref_slice %arg5[%multiple_of3A] : memref<320000xi32, #tpu.memory_space<hbm>> -> memref<80xi32, #tpu.memory_space<hbm>>
        %dma_start3A_23 = tpu.memref_slice %arg5[%multiple_of3A] : memref<320000xi32, #tpu.memory_space<hbm>> -> memref<80xi32, #tpu.memory_space<hbm>>
        tpu.enqueue_dma source(%dma_start3A_23 : memref<80xi32, #tpu.memory_space<hbm>>) target(%arg9 : memref<80xi32, #tpu.memory_space<vmem>>) target_semaphore(%run_scoped3A : memref<!tpu.dma_semaphore, #tpu.memory_space<semaphore_mem>>)
        %dma_wait3A_24 = tpu.memref_slice %arg5[%multiple_of3A] : memref<320000xi32, #tpu.memory_space<hbm>> -> memref<80xi32, #tpu.memory_space<hbm>>
        %dma_wait3A_25 = tpu.memref_slice %arg5[%multiple_of3A] : memref<320000xi32, #tpu.memory_space<hbm>> -> memref<80xi32, #tpu.memory_space<hbm>>
        tpu.wait_dma2 semaphore(%run_scoped3A : memref<!tpu.dma_semaphore, #tpu.memory_space<semaphore_mem>>) src(%dma_wait3A_25 : memref<80xi32, #tpu.memory_space<hbm>>) dst(%arg9 : memref<80xi32, #tpu.memory_space<vmem>>)
        tpu.yield
      }) : () -> ()
      %dma_start3A = arith.constant 0 : i32
      %dma_start3A_12 = arith.constant 0 : i32
      %dma_start3A_13 = tpu.memref_slice %arg2[%dma_start3A, %dma_start3A_12] : memref<10000x128xf32, #tpu.memory_space<hbm>> -> memref<10000x128xf32, #tpu.memory_space<hbm>>
      tpu.enqueue_indirect_dma source(%dma_start3A_13 : memref<10000x128xf32, #tpu.memory_space<hbm>>) target(%arg10 : memref<80x128xf32, #tpu.memory_space<vmem>>) offsets(%arg8 : memref<80xi32, #tpu.memory_space<vmem>>) semaphore(%arg12 : memref<!tpu.dma_semaphore, #tpu.memory_space<semaphore_mem>>)
      %dma_start3A_14 = arith.constant 0 : i32
      %dma_start3A_15 = arith.constant 0 : i32
      %dma_start3A_16 = tpu.memref_slice %arg3[%dma_start3A_14, %dma_start3A_15] : memref<10000x128xf32, #tpu.memory_space<hbm>> -> memref<10000x128xf32, #tpu.memory_space<hbm>>
      tpu.enqueue_indirect_dma source(%dma_start3A_16 : memref<10000x128xf32, #tpu.memory_space<hbm>>) target(%arg11 : memref<80x128xf32, #tpu.memory_space<vmem>>) offsets(%arg9 : memref<80xi32, #tpu.memory_space<vmem>>) semaphore(%arg13 : memref<!tpu.dma_semaphore, #tpu.memory_space<semaphore_mem>>)
      %dma_wait3A = arith.constant 0 : i32
      %dma_wait3A_17 = arith.constant 0 : i32
      %dma_wait3A_18 = tpu.memref_slice %arg2[%dma_wait3A, %dma_wait3A_17] : memref<10000x128xf32, #tpu.memory_space<hbm>> -> memref<10000x128xf32, #tpu.memory_space<hbm>>
      tpu.wait_indirect_dma semaphore(%arg12 : memref<!tpu.dma_semaphore, #tpu.memory_space<semaphore_mem>>) src(%dma_wait3A_18 : memref<10000x128xf32, #tpu.memory_space<hbm>>) dst(%arg10 : memref<80x128xf32, #tpu.memory_space<vmem>>)
      %dma_wait3A_19 = arith.constant 0 : i32
      %dma_wait3A_20 = arith.constant 0 : i32
      %dma_wait3A_21 = tpu.memref_slice %arg3[%dma_wait3A_19, %dma_wait3A_20] : memref<10000x128xf32, #tpu.memory_space<hbm>> -> memref<10000x128xf32, #tpu.memory_space<hbm>>
      tpu.wait_indirect_dma semaphore(%arg13 : memref<!tpu.dma_semaphore, #tpu.memory_space<semaphore_mem>>) src(%dma_wait3A_21 : memref<10000x128xf32, #tpu.memory_space<hbm>>) dst(%arg11 : memref<80x128xf32, #tpu.memory_space<vmem>>)
      "tpu.region"() ({
        %run_scoped3A = tpu.sem_alloc : memref<!tpu.dma_semaphore, #tpu.memory_space<semaphore_mem>>
        %dma_start3A_22 = arith.constant 0 : i32
        %dma_start3A_23 = tpu.memref_slice %arg6[%multiple_of3A, %dma_start3A_22] : memref<320000x128xf32, #tpu.memory_space<hbm>> -> memref<80x128xf32, #tpu.memory_space<hbm>>
        %dma_start3A_24 = arith.constant 0 : i32
        %dma_start3A_25 = tpu.memref_slice %arg6[%multiple_of3A, %dma_start3A_24] : memref<320000x128xf32, #tpu.memory_space<hbm>> -> memref<80x128xf32, #tpu.memory_space<hbm>>
        tpu.enqueue_dma source(%arg10 : memref<80x128xf32, #tpu.memory_space<vmem>>) target(%dma_start3A_25 : memref<80x128xf32, #tpu.memory_space<hbm>>) target_semaphore(%run_scoped3A : memref<!tpu.dma_semaphore, #tpu.memory_space<semaphore_mem>>)
        %dma_wait3A_26 = arith.constant 0 : i32
        %dma_wait3A_27 = tpu.memref_slice %arg6[%multiple_of3A, %dma_wait3A_26] : memref<320000x128xf32, #tpu.memory_space<hbm>> -> memref<80x128xf32, #tpu.memory_space<hbm>>
        %dma_wait3A_28 = arith.constant 0 : i32
        %dma_wait3A_29 = tpu.memref_slice %arg6[%multiple_of3A, %dma_wait3A_28] : memref<320000x128xf32, #tpu.memory_space<hbm>> -> memref<80x128xf32, #tpu.memory_space<hbm>>
        tpu.wait_dma2 semaphore(%run_scoped3A : memref<!tpu.dma_semaphore, #tpu.memory_space<semaphore_mem>>) src(%arg10 : memref<80x128xf32, #tpu.memory_space<vmem>>) dst(%dma_wait3A_29 : memref<80x128xf32, #tpu.memory_space<hbm>>)
        tpu.yield
      }) : () -> ()
      "tpu.region"() ({
        %run_scoped3A = tpu.sem_alloc : memref<!tpu.dma_semaphore, #tpu.memory_space<semaphore_mem>>
        %dma_start3A_22 = arith.constant 0 : i32
        %dma_start3A_23 = tpu.memref_slice %arg7[%multiple_of3A, %dma_start3A_22] : memref<320000x128xf32, #tpu.memory_space<hbm>> -> memref<80x128xf32, #tpu.memory_space<hbm>>
        %dma_start3A_24 = arith.constant 0 : i32
        %dma_start3A_25 = tpu.memref_slice %arg7[%multiple_of3A, %dma_start3A_24] : memref<320000x128xf32, #tpu.memory_space<hbm>> -> memref<80x128xf32, #tpu.memory_space<hbm>>
        tpu.enqueue_dma source(%arg11 : memref<80x128xf32, #tpu.memory_space<vmem>>) target(%dma_start3A_25 : memref<80x128xf32, #tpu.memory_space<hbm>>) target_semaphore(%run_scoped3A : memref<!tpu.dma_semaphore, #tpu.memory_space<semaphore_mem>>)
        %dma_wait3A_26 = arith.constant 0 : i32
        %dma_wait3A_27 = tpu.memref_slice %arg7[%multiple_of3A, %dma_wait3A_26] : memref<320000x128xf32, #tpu.memory_space<hbm>> -> memref<80x128xf32, #tpu.memory_space<hbm>>
        %dma_wait3A_28 = arith.constant 0 : i32
        %dma_wait3A_29 = tpu.memref_slice %arg7[%multiple_of3A, %dma_wait3A_28] : memref<320000x128xf32, #tpu.memory_space<hbm>> -> memref<80x128xf32, #tpu.memory_space<hbm>>
        tpu.wait_dma2 semaphore(%run_scoped3A : memref<!tpu.dma_semaphore, #tpu.memory_space<semaphore_mem>>) src(%arg11 : memref<80x128xf32, #tpu.memory_space<vmem>>) dst(%dma_wait3A_29 : memref<80x128xf32, #tpu.memory_space<hbm>>)
        tpu.yield
      }) : () -> ()
    }
    %scan3A_5 = arith.constant 125 : i32
    return
  }
}

#map = affine_map<(d0, d1) -> (0, 0)>
#map1 = affine_map<(d0, d1) -> (0)>
#map2 = affine_map<(d0, d1) -> (0, 0, 0)>
module attributes {stable_mosaic.version = 14 : i64} {
  func.func @k(%arg0: i32, %arg1: i32, %arg2: memref<10000x128xf32, #tpu.memory_space<hbm>>, %arg3: memref<10000xi32, #tpu.memory_space<hbm>>, %arg4: memref<256x128xf32, #tpu.memory_space<hbm>>, %arg5: memref<2x256x128xf32, #tpu.memory_space<hbm>>, %arg6: memref<80xi32, #tpu.memory_space<vmem>>, %arg7: memref<80x128xf32, #tpu.memory_space<vmem>>, %arg8: memref<256x128xf32, #tpu.memory_space<vmem_shared>>) attributes {dimension_semantics = [#tpu.dimension_semantics<core_parallel>, #tpu.dimension_semantics<subcore_parallel>], iteration_bounds = array<i64: 2, 16>, scalar_prefetch = 0 : i64, scratch_operands = 3 : i64, tpu.core_type = #tpu.core_type<sc_vector_subcore>, window_params = [{transform_indices = #map}, {transform_indices = #map1}, {transform_indices = #map}, {transform_indices = #map2}]} {
    %mul3A = arith.constant 2 : i32
    %mul3A_0 = arith.muli %arg1, %mul3A : i32
    %add3A = arith.addi %mul3A_0, %arg0 : i32
    %mul3A_1 = arith.constant 16 : i32
    %mul3A_2 = arith.muli %arg1, %mul3A_1 : i32
    %multiple_of3A = tpu.assume_multiple %mul3A_2, 8 : i32
    "tpu.region"() ({
      %run_scoped3A = tpu.sem_alloc : memref<!tpu.dma_semaphore, #tpu.memory_space<semaphore_mem>>
      %dma_start3A = arith.constant 0 : i32
      %dma_start3A_9 = tpu.memref_slice %arg8[%multiple_of3A, %dma_start3A] : memref<256x128xf32, #tpu.memory_space<vmem_shared>> -> memref<16x128xf32, #tpu.memory_space<vmem_shared>>
      %dma_start3A_10 = arith.constant 0 : i32
      %dma_start3A_11 = tpu.memref_slice %arg4[%multiple_of3A, %dma_start3A_10] : memref<256x128xf32, #tpu.memory_space<hbm>> -> memref<16x128xf32, #tpu.memory_space<hbm>>
      tpu.enqueue_dma source(%dma_start3A_11 : memref<16x128xf32, #tpu.memory_space<hbm>>) target(%dma_start3A_9 : memref<16x128xf32, #tpu.memory_space<vmem_shared>>) target_semaphore(%run_scoped3A : memref<!tpu.dma_semaphore, #tpu.memory_space<semaphore_mem>>)
      %dma_wait3A = arith.constant 0 : i32
      %dma_wait3A_12 = tpu.memref_slice %arg8[%multiple_of3A, %dma_wait3A] : memref<256x128xf32, #tpu.memory_space<vmem_shared>> -> memref<16x128xf32, #tpu.memory_space<vmem_shared>>
      %dma_wait3A_13 = arith.constant 0 : i32
      %dma_wait3A_14 = tpu.memref_slice %arg4[%multiple_of3A, %dma_wait3A_13] : memref<256x128xf32, #tpu.memory_space<hbm>> -> memref<16x128xf32, #tpu.memory_space<hbm>>
      tpu.wait_dma2 semaphore(%run_scoped3A : memref<!tpu.dma_semaphore, #tpu.memory_space<semaphore_mem>>) src(%dma_wait3A_14 : memref<16x128xf32, #tpu.memory_space<hbm>>) dst(%dma_wait3A_12 : memref<16x128xf32, #tpu.memory_space<vmem_shared>>)
      tpu.yield
    }) : () -> ()
    %barrier3A = arith.constant 0 : index
    tpu.barrier barrier_id(%barrier3A)
    %scan3A = arith.constant 0 : i32
    %scan3A_3 = arith.constant 0 : i32
    %scan3A_4 = arith.constant 4 : i32
    %scan3A_5 = arith.addi %scan3A_3, %scan3A_4 : i32
    %scan3A_6 = arith.constant 1 : i32
    scf.for %scan3A_9 = %scan3A_3 to %scan3A_5 step %scan3A_6  : i32 {
      %mul3A_10 = arith.constant 32 : i32
      %mul3A_11 = arith.muli %mul3A_10, %scan3A_9 : i32
      %add3A_12 = arith.addi %add3A, %mul3A_11 : i32
      %lt3A = arith.constant 125 : i32
      %lt3A_13 = arith.cmpi slt, %add3A_12, %lt3A : i32
      %convert_element_type3A = arith.extui %lt3A_13 : i1 to i32
      %cond3A = arith.constant 0 : i32
      %cond3A_14 = arith.cmpi ne, %convert_element_type3A, %cond3A : i32
      scf.if %cond3A_14 {
        %mul3A_15 = arith.constant 80 : i32
        %mul3A_16 = arith.muli %add3A_12, %mul3A_15 : i32
        %multiple_of3A_17 = tpu.assume_multiple %mul3A_16, 80 : i32
        "tpu.region"() ({
          %run_scoped3A = tpu.sem_alloc : memref<!tpu.dma_semaphore, #tpu.memory_space<semaphore_mem>>
          %dma_start3A = tpu.memref_slice %arg3[%multiple_of3A_17] : memref<10000xi32, #tpu.memory_space<hbm>> -> memref<80xi32, #tpu.memory_space<hbm>>
          %dma_start3A_18 = tpu.memref_slice %arg3[%multiple_of3A_17] : memref<10000xi32, #tpu.memory_space<hbm>> -> memref<80xi32, #tpu.memory_space<hbm>>
          tpu.enqueue_dma source(%dma_start3A_18 : memref<80xi32, #tpu.memory_space<hbm>>) target(%arg6 : memref<80xi32, #tpu.memory_space<vmem>>) target_semaphore(%run_scoped3A : memref<!tpu.dma_semaphore, #tpu.memory_space<semaphore_mem>>)
          %dma_wait3A = tpu.memref_slice %arg3[%multiple_of3A_17] : memref<10000xi32, #tpu.memory_space<hbm>> -> memref<80xi32, #tpu.memory_space<hbm>>
          %dma_wait3A_19 = tpu.memref_slice %arg3[%multiple_of3A_17] : memref<10000xi32, #tpu.memory_space<hbm>> -> memref<80xi32, #tpu.memory_space<hbm>>
          tpu.wait_dma2 semaphore(%run_scoped3A : memref<!tpu.dma_semaphore, #tpu.memory_space<semaphore_mem>>) src(%dma_wait3A_19 : memref<80xi32, #tpu.memory_space<hbm>>) dst(%arg6 : memref<80xi32, #tpu.memory_space<vmem>>)
          tpu.yield
        }) : () -> ()
        "tpu.region"() ({
          %run_scoped3A = tpu.sem_alloc : memref<!tpu.dma_semaphore, #tpu.memory_space<semaphore_mem>>
          %dma_start3A = arith.constant 0 : i32
          %dma_start3A_18 = tpu.memref_slice %arg2[%multiple_of3A_17, %dma_start3A] : memref<10000x128xf32, #tpu.memory_space<hbm>> -> memref<80x128xf32, #tpu.memory_space<hbm>>
          %dma_start3A_19 = arith.constant 0 : i32
          %dma_start3A_20 = tpu.memref_slice %arg2[%multiple_of3A_17, %dma_start3A_19] : memref<10000x128xf32, #tpu.memory_space<hbm>> -> memref<80x128xf32, #tpu.memory_space<hbm>>
          tpu.enqueue_dma source(%dma_start3A_20 : memref<80x128xf32, #tpu.memory_space<hbm>>) target(%arg7 : memref<80x128xf32, #tpu.memory_space<vmem>>) target_semaphore(%run_scoped3A : memref<!tpu.dma_semaphore, #tpu.memory_space<semaphore_mem>>)
          %dma_wait3A = arith.constant 0 : i32
          %dma_wait3A_21 = tpu.memref_slice %arg2[%multiple_of3A_17, %dma_wait3A] : memref<10000x128xf32, #tpu.memory_space<hbm>> -> memref<80x128xf32, #tpu.memory_space<hbm>>
          %dma_wait3A_22 = arith.constant 0 : i32
          %dma_wait3A_23 = tpu.memref_slice %arg2[%multiple_of3A_17, %dma_wait3A_22] : memref<10000x128xf32, #tpu.memory_space<hbm>> -> memref<80x128xf32, #tpu.memory_space<hbm>>
          tpu.wait_dma2 semaphore(%run_scoped3A : memref<!tpu.dma_semaphore, #tpu.memory_space<semaphore_mem>>) src(%dma_wait3A_23 : memref<80x128xf32, #tpu.memory_space<hbm>>) dst(%arg7 : memref<80x128xf32, #tpu.memory_space<vmem>>)
          tpu.yield
        }) : () -> ()
        "tpu.region"() ({
          %run_scoped3A = tpu.sem_alloc : memref<!tpu.dma_semaphore, #tpu.memory_space<semaphore_mem>>
          %dma_start3A = arith.constant 0 : i32
          %dma_start3A_18 = arith.constant 0 : i32
          %dma_start3A_19 = tpu.memref_slice %arg8[%dma_start3A, %dma_start3A_18] : memref<256x128xf32, #tpu.memory_space<vmem_shared>> -> memref<256x128xf32, #tpu.memory_space<vmem_shared>>
          tpu.enqueue_indirect_dma source(%arg7 : memref<80x128xf32, #tpu.memory_space<vmem>>) target(%dma_start3A_19 : memref<256x128xf32, #tpu.memory_space<vmem_shared>>) offsets(%arg6 : memref<80xi32, #tpu.memory_space<vmem>>) semaphore(%run_scoped3A : memref<!tpu.dma_semaphore, #tpu.memory_space<semaphore_mem>>) {add = true}
          %dma_wait3A = arith.constant 0 : i32
          %dma_wait3A_20 = arith.constant 0 : i32
          %dma_wait3A_21 = tpu.memref_slice %arg8[%dma_wait3A, %dma_wait3A_20] : memref<256x128xf32, #tpu.memory_space<vmem_shared>> -> memref<256x128xf32, #tpu.memory_space<vmem_shared>>
          tpu.wait_indirect_dma semaphore(%run_scoped3A : memref<!tpu.dma_semaphore, #tpu.memory_space<semaphore_mem>>) src(%arg7 : memref<80x128xf32, #tpu.memory_space<vmem>>) dst(%dma_wait3A_21 : memref<256x128xf32, #tpu.memory_space<vmem_shared>>)
          tpu.yield
        }) : () -> ()
      } else {
      }
    }
    %scan3A_7 = arith.constant 4 : i32
    %barrier3A_8 = arith.constant 0 : index
    tpu.barrier barrier_id(%barrier3A_8)
    "tpu.region"() ({
      %run_scoped3A = tpu.sem_alloc : memref<!tpu.dma_semaphore, #tpu.memory_space<semaphore_mem>>
      %dma_start3A = arith.constant 0 : i32
      %dma_start3A_9 = tpu.memref_slice %arg5[%arg0, %multiple_of3A, %dma_start3A] : memref<2x256x128xf32, #tpu.memory_space<hbm>> -> memref<1x16x128xf32, #tpu.memory_space<hbm>>
      %dma_start3A_10 = tpu.memref_squeeze %dma_start3A_9 : memref<1x16x128xf32, #tpu.memory_space<hbm>> -> memref<16x128xf32, #tpu.memory_space<hbm>>
      %dma_start3A_11 = arith.constant 0 : i32
      %dma_start3A_12 = tpu.memref_slice %arg8[%multiple_of3A, %dma_start3A_11] : memref<256x128xf32, #tpu.memory_space<vmem_shared>> -> memref<16x128xf32, #tpu.memory_space<vmem_shared>>
      tpu.enqueue_dma source(%dma_start3A_12 : memref<16x128xf32, #tpu.memory_space<vmem_shared>>) target(%dma_start3A_10 : memref<16x128xf32, #tpu.memory_space<hbm>>) target_semaphore(%run_scoped3A : memref<!tpu.dma_semaphore, #tpu.memory_space<semaphore_mem>>)
      %dma_wait3A = arith.constant 0 : i32
      %dma_wait3A_13 = tpu.memref_slice %arg5[%arg0, %multiple_of3A, %dma_wait3A] : memref<2x256x128xf32, #tpu.memory_space<hbm>> -> memref<1x16x128xf32, #tpu.memory_space<hbm>>
      %dma_wait3A_14 = tpu.memref_squeeze %dma_wait3A_13 : memref<1x16x128xf32, #tpu.memory_space<hbm>> -> memref<16x128xf32, #tpu.memory_space<hbm>>
      %dma_wait3A_15 = arith.constant 0 : i32
      %dma_wait3A_16 = tpu.memref_slice %arg8[%multiple_of3A, %dma_wait3A_15] : memref<256x128xf32, #tpu.memory_space<vmem_shared>> -> memref<16x128xf32, #tpu.memory_space<vmem_shared>>
      tpu.wait_dma2 semaphore(%run_scoped3A : memref<!tpu.dma_semaphore, #tpu.memory_space<semaphore_mem>>) src(%dma_wait3A_16 : memref<16x128xf32, #tpu.memory_space<vmem_shared>>) dst(%dma_wait3A_14 : memref<16x128xf32, #tpu.memory_space<hbm>>)
      tpu.yield
    }) : () -> ()
    return
  }
}

module attributes {stable_mosaic.version = 14 : i64} {
  func.func @body(%arg0: i32, %arg1: memref<2000x128xf32, #tpu.memory_space<vmem>>, %arg2: memref<2000x128xf32, #tpu.memory_space<vmem>>, %arg3: memref<1x128xf32, #tpu.memory_space<vmem>>, %arg4: memref<1x128xf32, #tpu.memory_space<vmem>>, %arg5: memref<128x128xf32, #tpu.memory_space<vmem>>, %arg6: memref<1x128xf32, #tpu.memory_space<vmem>>, %arg7: memref<1x128xf32, #tpu.memory_space<vmem>>, %arg8: memref<1x128xf32, #tpu.memory_space<vmem>>, %arg9: memref<2000x128xf32, #tpu.memory_space<vmem>>) attributes {dimension_semantics = [#tpu.dimension_semantics<arbitrary>], iteration_bounds = array<i64: 160>, scalar_prefetch = 0 : i64, scratch_operands = 0 : i64, tpu.core_type = #tpu.core_type<tc>, window_params = [{transform_indices = @transform_0, window_bounds = array<i64: 2000, 128>}, {transform_indices = @transform_1, window_bounds = array<i64: 2000, 128>}, {pipeline_mode = #tpu.pipeline_mode<synchronous>, transform_indices = @transform_2, window_bounds = array<i64: 1, 128>}, {pipeline_mode = #tpu.pipeline_mode<synchronous>, transform_indices = @transform_3, window_bounds = array<i64: 1, 128>}, {pipeline_mode = #tpu.pipeline_mode<synchronous>, transform_indices = @transform_4, window_bounds = array<i64: 128, 128>}, {pipeline_mode = #tpu.pipeline_mode<synchronous>, transform_indices = @transform_5, window_bounds = array<i64: 1, 128>}, {pipeline_mode = #tpu.pipeline_mode<synchronous>, transform_indices = @transform_6, window_bounds = array<i64: 1, 128>}, {pipeline_mode = #tpu.pipeline_mode<synchronous>, transform_indices = @transform_7, window_bounds = array<i64: 1, 128>}, {transform_indices = @transform_8, window_bounds = array<i64: 2000, 128>}]} {
    %get3A = arith.constant 0 : index
    %get3A_0 = arith.constant 0 : index
    %get3A_1 = vector.load %arg1[%get3A, %get3A_0] : memref<2000x128xf32, #tpu.memory_space<vmem>>, vector<2000x128xf32>
    %get3A_2 = arith.constant 0 : index
    %get3A_3 = arith.constant 0 : index
    %get3A_4 = vector.load %arg2[%get3A_2, %get3A_3] : memref<2000x128xf32, #tpu.memory_space<vmem>>, vector<2000x128xf32>
    %add3A = arith.addf %get3A_1, %get3A_4 : vector<2000x128xf32>
    %get3A_5 = arith.constant 0 : index
    %get3A_6 = arith.constant 0 : index
    %get3A_7 = vector.load %arg3[%get3A_5, %get3A_6] : memref<1x128xf32, #tpu.memory_space<vmem>>, vector<1x128xf32>
    %get3A_8 = arith.constant 0 : index
    %get3A_9 = arith.constant 0 : index
    %get3A_10 = vector.load %arg4[%get3A_8, %get3A_9] : memref<1x128xf32, #tpu.memory_space<vmem>>, vector<1x128xf32>
    %reduce_sum3A = arith.constant dense<0.000000e+00> : vector<2000xf32>
    %reduce_sum3A_11 = vector.multi_reduction <add>, %add3A, %reduce_sum3A [1] : vector<2000x128xf32> to vector<2000xf32>
    %broadcast_in_dim3A = vector.shape_cast %reduce_sum3A_11 : vector<2000xf32> to vector<2000x1xf32>
    %div3A = arith.constant 1.280000e+02 : f32
    %div3A_12 = vector.broadcast %div3A : f32 to vector<2000x1xf32>
    %div3A_13 = arith.divf %broadcast_in_dim3A, %div3A_12 : vector<2000x1xf32>
    %sub3A = vector.broadcast %div3A_13 : vector<2000x1xf32> to vector<2000x128xf32>
    %sub3A_14 = arith.subf %add3A, %sub3A : vector<2000x128xf32>
    %mul3A = arith.mulf %sub3A_14, %sub3A_14 : vector<2000x128xf32>
    %reduce_sum3A_15 = arith.constant dense<0.000000e+00> : vector<2000xf32>
    %reduce_sum3A_16 = vector.multi_reduction <add>, %mul3A, %reduce_sum3A_15 [1] : vector<2000x128xf32> to vector<2000xf32>
    %broadcast_in_dim3A_17 = vector.shape_cast %reduce_sum3A_16 : vector<2000xf32> to vector<2000x1xf32>
    %div3A_18 = arith.constant 1.280000e+02 : f32
    %div3A_19 = vector.broadcast %div3A_18 : f32 to vector<2000x1xf32>
    %div3A_20 = arith.divf %broadcast_in_dim3A_17, %div3A_19 : vector<2000x1xf32>
    %add3A_21 = arith.constant 9.99999974E-6 : f32
    %add3A_22 = vector.broadcast %add3A_21 : f32 to vector<2000x1xf32>
    %add3A_23 = arith.addf %div3A_20, %add3A_22 : vector<2000x1xf32>
    %rsqrt3A = math.rsqrt %add3A_23 : vector<2000x1xf32>
    %mul3A_24 = vector.broadcast %rsqrt3A : vector<2000x1xf32> to vector<2000x128xf32>
    %mul3A_25 = arith.mulf %sub3A_14, %mul3A_24 : vector<2000x128xf32>
    %mul3A_26 = vector.broadcast %get3A_7 : vector<1x128xf32> to vector<2000x128xf32>
    %mul3A_27 = arith.mulf %mul3A_25, %mul3A_26 : vector<2000x128xf32>
    %add3A_28 = vector.broadcast %get3A_10 : vector<1x128xf32> to vector<2000x128xf32>
    %add3A_29 = arith.addf %mul3A_27, %add3A_28 : vector<2000x128xf32>
    %max3A = arith.constant 0.000000e+00 : f32
    %max3A_30 = vector.broadcast %max3A : f32 to vector<2000x128xf32>
    %max3A_31 = arith.maximumf %add3A_29, %max3A_30 : vector<2000x128xf32>
    %get3A_32 = arith.constant 0 : index
    %get3A_33 = arith.constant 0 : index
    %get3A_34 = vector.load %arg5[%get3A_32, %get3A_33] : memref<128x128xf32, #tpu.memory_space<vmem>>, vector<128x128xf32>
    %dot_general3A = arith.constant dense<0.000000e+00> : vector<2000x128xf32>
    %dot_general3A_35 = tpu.matmul %max3A_31, %get3A_34, %dot_general3A {dimension_numbers = #tpu.dot_dimension_numbers<[1], [0], [0], [1], [0, 0, 1, 1], [], []>, transpose_lhs_hint = false} : vector<2000x128xf32>, vector<128x128xf32>, vector<2000x128xf32> -> vector<2000x128xf32>
    %get3A_36 = arith.constant 0 : index
    %get3A_37 = arith.constant 0 : index
    %get3A_38 = vector.load %arg6[%get3A_36, %get3A_37] : memref<1x128xf32, #tpu.memory_space<vmem>>, vector<1x128xf32>
    %add3A_39 = vector.broadcast %get3A_38 : vector<1x128xf32> to vector<2000x128xf32>
    %add3A_40 = arith.addf %dot_general3A_35, %add3A_39 : vector<2000x128xf32>
    %get3A_41 = arith.constant 0 : index
    %get3A_42 = arith.constant 0 : index
    %get3A_43 = vector.load %arg7[%get3A_41, %get3A_42] : memref<1x128xf32, #tpu.memory_space<vmem>>, vector<1x128xf32>
    %get3A_44 = arith.constant 0 : index
    %get3A_45 = arith.constant 0 : index
    %get3A_46 = vector.load %arg8[%get3A_44, %get3A_45] : memref<1x128xf32, #tpu.memory_space<vmem>>, vector<1x128xf32>
    %reduce_sum3A_47 = arith.constant dense<0.000000e+00> : vector<2000xf32>
    %reduce_sum3A_48 = vector.multi_reduction <add>, %add3A_40, %reduce_sum3A_47 [1] : vector<2000x128xf32> to vector<2000xf32>
    %broadcast_in_dim3A_49 = vector.shape_cast %reduce_sum3A_48 : vector<2000xf32> to vector<2000x1xf32>
    %div3A_50 = arith.constant 1.280000e+02 : f32
    %div3A_51 = vector.broadcast %div3A_50 : f32 to vector<2000x1xf32>
    %div3A_52 = arith.divf %broadcast_in_dim3A_49, %div3A_51 : vector<2000x1xf32>
    %sub3A_53 = vector.broadcast %div3A_52 : vector<2000x1xf32> to vector<2000x128xf32>
    %sub3A_54 = arith.subf %add3A_40, %sub3A_53 : vector<2000x128xf32>
    %mul3A_55 = arith.mulf %sub3A_54, %sub3A_54 : vector<2000x128xf32>
    %reduce_sum3A_56 = arith.constant dense<0.000000e+00> : vector<2000xf32>
    %reduce_sum3A_57 = vector.multi_reduction <add>, %mul3A_55, %reduce_sum3A_56 [1] : vector<2000x128xf32> to vector<2000xf32>
    %broadcast_in_dim3A_58 = vector.shape_cast %reduce_sum3A_57 : vector<2000xf32> to vector<2000x1xf32>
    %div3A_59 = arith.constant 1.280000e+02 : f32
    %div3A_60 = vector.broadcast %div3A_59 : f32 to vector<2000x1xf32>
    %div3A_61 = arith.divf %broadcast_in_dim3A_58, %div3A_60 : vector<2000x1xf32>
    %add3A_62 = arith.constant 9.99999974E-6 : f32
    %add3A_63 = vector.broadcast %add3A_62 : f32 to vector<2000x1xf32>
    %add3A_64 = arith.addf %div3A_61, %add3A_63 : vector<2000x1xf32>
    %rsqrt3A_65 = math.rsqrt %add3A_64 : vector<2000x1xf32>
    %mul3A_66 = vector.broadcast %rsqrt3A_65 : vector<2000x1xf32> to vector<2000x128xf32>
    %mul3A_67 = arith.mulf %sub3A_54, %mul3A_66 : vector<2000x128xf32>
    %mul3A_68 = vector.broadcast %get3A_43 : vector<1x128xf32> to vector<2000x128xf32>
    %mul3A_69 = arith.mulf %mul3A_67, %mul3A_68 : vector<2000x128xf32>
    %add3A_70 = vector.broadcast %get3A_46 : vector<1x128xf32> to vector<2000x128xf32>
    %add3A_71 = arith.addf %mul3A_69, %add3A_70 : vector<2000x128xf32>
    %max3A_72 = arith.constant 0.000000e+00 : f32
    %max3A_73 = vector.broadcast %max3A_72 : f32 to vector<2000x128xf32>
    %max3A_74 = arith.maximumf %add3A_71, %max3A_73 : vector<2000x128xf32>
    %swap3A = arith.constant 0 : index
    %swap3A_75 = arith.constant 0 : index
    %swap3A_76 = vector.load %arg9[%swap3A, %swap3A_75] : memref<2000x128xf32, #tpu.memory_space<vmem>>, vector<2000x128xf32>
    tpu.vector_store %arg9[%swap3A, %swap3A_75], %max3A_74 {strides = array<i32>} : memref<2000x128xf32, #tpu.memory_space<vmem>>, vector<2000x128xf32>,
    return
  }
  func.func @transform_0(%arg0: i32) -> (i32, i32) {
    %c0_i32 = arith.constant 0 : i32
    %c0_i32_0 = arith.constant 0 : i32
    return %arg0, %c0_i32 : i32, i32
  }
  func.func @transform_1(%arg0: i32) -> (i32, i32) {
    %c0_i32 = arith.constant 0 : i32
    %c0_i32_0 = arith.constant 0 : i32
    return %arg0, %c0_i32 : i32, i32
  }
  func.func @transform_2(%arg0: i32) -> (i32, i32) {
    %c0_i32 = arith.constant 0 : i32
    %c0_i32_0 = arith.constant 0 : i32
    %c0_i32_1 = arith.constant 0 : i32
    return %c0_i32, %c0_i32_0 : i32, i32
  }
  func.func @transform_3(%arg0: i32) -> (i32, i32) {
    %c0_i32 = arith.constant 0 : i32
    %c0_i32_0 = arith.constant 0 : i32
    %c0_i32_1 = arith.constant 0 : i32
    return %c0_i32, %c0_i32_0 : i32, i32
  }
  func.func @transform_4(%arg0: i32) -> (i32, i32) {
    %c0_i32 = arith.constant 0 : i32
    %c0_i32_0 = arith.constant 0 : i32
    %c0_i32_1 = arith.constant 0 : i32
    return %c0_i32, %c0_i32_0 : i32, i32
  }
  func.func @transform_5(%arg0: i32) -> (i32, i32) {
    %c0_i32 = arith.constant 0 : i32
    %c0_i32_0 = arith.constant 0 : i32
    %c0_i32_1 = arith.constant 0 : i32
    return %c0_i32, %c0_i32_0 : i32, i32
  }
  func.func @transform_6(%arg0: i32) -> (i32, i32) {
    %c0_i32 = arith.constant 0 : i32
    %c0_i32_0 = arith.constant 0 : i32
    %c0_i32_1 = arith.constant 0 : i32
    return %c0_i32, %c0_i32_0 : i32, i32
  }
  func.func @transform_7(%arg0: i32) -> (i32, i32) {
    %c0_i32 = arith.constant 0 : i32
    %c0_i32_0 = arith.constant 0 : i32
    %c0_i32_1 = arith.constant 0 : i32
    return %c0_i32, %c0_i32_0 : i32, i32
  }
  func.func @transform_8(%arg0: i32) -> (i32, i32) {
    %c0_i32 = arith.constant 0 : i32
    %c0_i32_0 = arith.constant 0 : i32
    return %arg0, %c0_i32 : i32, i32
  }
}

module attributes {stable_mosaic.version = 14 : i64} {
  func.func @body(%arg0: i32, %arg1: memref<1000x1xf32, #tpu.memory_space<vmem>>, %arg2: memref<64x128xf32, #tpu.memory_space<vmem>>, %arg3: memref<128x128xf32, #tpu.memory_space<vmem>>, %arg4: memref<128x128xf32, #tpu.memory_space<vmem>>, %arg5: memref<1x128xf32, #tpu.memory_space<vmem>>, %arg6: memref<1000x128xf32, #tpu.memory_space<vmem>>, %arg7: memref<1000x128xf32, #tpu.memory_space<vmem>>, %arg8: memref<1000x128xf32, #tpu.memory_space<vmem>>) attributes {dimension_semantics = [#tpu.dimension_semantics<arbitrary>], iteration_bounds = array<i64: 10>, scalar_prefetch = 0 : i64, scratch_operands = 0 : i64, tpu.core_type = #tpu.core_type<tc>, window_params = [{transform_indices = @transform_0, window_bounds = array<i64: 1000, 1>}, {pipeline_mode = #tpu.pipeline_mode<synchronous>, transform_indices = @transform_1, window_bounds = array<i64: 64, 128>}, {pipeline_mode = #tpu.pipeline_mode<synchronous>, transform_indices = @transform_2, window_bounds = array<i64: 128, 128>}, {pipeline_mode = #tpu.pipeline_mode<synchronous>, transform_indices = @transform_3, window_bounds = array<i64: 128, 128>}, {pipeline_mode = #tpu.pipeline_mode<synchronous>, transform_indices = @transform_4, window_bounds = array<i64: 1, 128>}, {transform_indices = @transform_5, window_bounds = array<i64: 1000, 128>}, {transform_indices = @transform_6, window_bounds = array<i64: 1000, 128>}, {transform_indices = @transform_7, window_bounds = array<i64: 1000, 128>}]} {
    %iota3A = tpu.iota {dimensions = array<i32: 1>} : vector<1000x64xi32>
    %convert_element_type3A = arith.sitofp %iota3A : vector<1000x64xi32> to vector<1000x64xf32>
    %get3A = arith.constant 0 : index
    %get3A_0 = arith.constant 0 : index
    %get3A_1 = vector.load %arg1[%get3A, %get3A_0] : memref<1000x1xf32, #tpu.memory_space<vmem>>, vector<1000x1xf32>
    %eq3A = vector.broadcast %get3A_1 : vector<1000x1xf32> to vector<1000x64xf32>
    %eq3A_2 = arith.cmpf oeq, %eq3A, %convert_element_type3A : vector<1000x64xf32>
    %convert_element_type3A_3 = arith.extui %eq3A_2 : vector<1000x64xi1> to vector<1000x64xi32>
    %convert_element_type3A_4 = arith.sitofp %convert_element_type3A_3 : vector<1000x64xi32> to vector<1000x64xf32>
    %get3A_5 = arith.constant 0 : index
    %get3A_6 = arith.constant 0 : index
    %get3A_7 = vector.load %arg2[%get3A_5, %get3A_6] : memref<64x128xf32, #tpu.memory_space<vmem>>, vector<64x128xf32>
    %dot_general3A = arith.constant dense<0.000000e+00> : vector<1000x128xf32>
    %dot_general3A_8 = tpu.matmul %convert_element_type3A_4, %get3A_7, %dot_general3A {dimension_numbers = #tpu.dot_dimension_numbers<[1], [0], [0], [1], [0, 0, 1, 1], [], []>, transpose_lhs_hint = false} : vector<1000x64xf32>, vector<64x128xf32>, vector<1000x128xf32> -> vector<1000x128xf32>
    %swap3A = arith.constant 0 : index
    %swap3A_9 = arith.constant 0 : index
    %swap3A_10 = vector.load %arg6[%swap3A, %swap3A_9] : memref<1000x128xf32, #tpu.memory_space<vmem>>, vector<1000x128xf32>
    tpu.vector_store %arg6[%swap3A, %swap3A_9], %dot_general3A_8 {strides = array<i32>} : memref<1000x128xf32, #tpu.memory_space<vmem>>, vector<1000x128xf32>,
    %get3A_11 = arith.constant 0 : index
    %get3A_12 = arith.constant 0 : index
    %get3A_13 = vector.load %arg3[%get3A_11, %get3A_12] : memref<128x128xf32, #tpu.memory_space<vmem>>, vector<128x128xf32>
    %dot_general3A_14 = arith.constant dense<0.000000e+00> : vector<1000x128xf32>
    %dot_general3A_15 = tpu.matmul %dot_general3A_8, %get3A_13, %dot_general3A_14 {dimension_numbers = #tpu.dot_dimension_numbers<[1], [0], [0], [1], [0, 0, 1, 1], [], []>, transpose_lhs_hint = false} : vector<1000x128xf32>, vector<128x128xf32>, vector<1000x128xf32> -> vector<1000x128xf32>
    %get3A_16 = arith.constant 0 : index
    %get3A_17 = arith.constant 0 : index
    %get3A_18 = vector.load %arg5[%get3A_16, %get3A_17] : memref<1x128xf32, #tpu.memory_space<vmem>>, vector<1x128xf32>
    %add3A = vector.broadcast %get3A_18 : vector<1x128xf32> to vector<1000x128xf32>
    %add3A_19 = arith.addf %dot_general3A_15, %add3A : vector<1000x128xf32>
    %swap3A_20 = arith.constant 0 : index
    %swap3A_21 = arith.constant 0 : index
    %swap3A_22 = vector.load %arg7[%swap3A_20, %swap3A_21] : memref<1000x128xf32, #tpu.memory_space<vmem>>, vector<1000x128xf32>
    tpu.vector_store %arg7[%swap3A_20, %swap3A_21], %add3A_19 {strides = array<i32>} : memref<1000x128xf32, #tpu.memory_space<vmem>>, vector<1000x128xf32>,
    %get3A_23 = arith.constant 0 : index
    %get3A_24 = arith.constant 0 : index
    %get3A_25 = vector.load %arg4[%get3A_23, %get3A_24] : memref<128x128xf32, #tpu.memory_space<vmem>>, vector<128x128xf32>
    %dot_general3A_26 = arith.constant dense<0.000000e+00> : vector<1000x128xf32>
    %dot_general3A_27 = tpu.matmul %dot_general3A_8, %get3A_25, %dot_general3A_26 {dimension_numbers = #tpu.dot_dimension_numbers<[1], [0], [0], [1], [0, 0, 1, 1], [], []>, transpose_lhs_hint = false} : vector<1000x128xf32>, vector<128x128xf32>, vector<1000x128xf32> -> vector<1000x128xf32>
    %swap3A_28 = arith.constant 0 : index
    %swap3A_29 = arith.constant 0 : index
    %swap3A_30 = vector.load %arg8[%swap3A_28, %swap3A_29] : memref<1000x128xf32, #tpu.memory_space<vmem>>, vector<1000x128xf32>
    tpu.vector_store %arg8[%swap3A_28, %swap3A_29], %dot_general3A_27 {strides = array<i32>} : memref<1000x128xf32, #tpu.memory_space<vmem>>, vector<1000x128xf32>,
    return
  }
  func.func @transform_0(%arg0: i32) -> (i32, i32) {
    %c0_i32 = arith.constant 0 : i32
    %c0_i32_0 = arith.constant 0 : i32
    return %arg0, %c0_i32 : i32, i32
  }
  func.func @transform_1(%arg0: i32) -> (i32, i32) {
    %c0_i32 = arith.constant 0 : i32
    %c0_i32_0 = arith.constant 0 : i32
    %c0_i32_1 = arith.constant 0 : i32
    return %c0_i32, %c0_i32_0 : i32, i32
  }
  func.func @transform_2(%arg0: i32) -> (i32, i32) {
    %c0_i32 = arith.constant 0 : i32
    %c0_i32_0 = arith.constant 0 : i32
    %c0_i32_1 = arith.constant 0 : i32
    return %c0_i32, %c0_i32_0 : i32, i32
  }
  func.func @transform_3(%arg0: i32) -> (i32, i32) {
    %c0_i32 = arith.constant 0 : i32
    %c0_i32_0 = arith.constant 0 : i32
    %c0_i32_1 = arith.constant 0 : i32
    return %c0_i32, %c0_i32_0 : i32, i32
  }
  func.func @transform_4(%arg0: i32) -> (i32, i32) {
    %c0_i32 = arith.constant 0 : i32
    %c0_i32_0 = arith.constant 0 : i32
    %c0_i32_1 = arith.constant 0 : i32
    return %c0_i32, %c0_i32_0 : i32, i32
  }
  func.func @transform_5(%arg0: i32) -> (i32, i32) {
    %c0_i32 = arith.constant 0 : i32
    %c0_i32_0 = arith.constant 0 : i32
    return %arg0, %c0_i32 : i32, i32
  }
  func.func @transform_6(%arg0: i32) -> (i32, i32) {
    %c0_i32 = arith.constant 0 : i32
    %c0_i32_0 = arith.constant 0 : i32
    return %arg0, %c0_i32 : i32, i32
  }
  func.func @transform_7(%arg0: i32) -> (i32, i32) {
    %c0_i32 = arith.constant 0 : i32
    %c0_i32_0 = arith.constant 0 : i32
    return %arg0, %c0_i32 : i32, i32
  }
}

module attributes {stable_mosaic.version = 14 : i64} {
  func.func @body(%arg0: i32, %arg1: memref<1000x128xf32, #tpu.memory_space<vmem>>, %arg2: memref<2x1000x128xf32, #tpu.memory_space<vmem>>, %arg3: memref<128x128xf32, #tpu.memory_space<vmem>>, %arg4: memref<128x128xf32, #tpu.memory_space<vmem>>, %arg5: memref<1x128xf32, #tpu.memory_space<vmem>>, %arg6: memref<1x128xf32, #tpu.memory_space<vmem>>, %arg7: memref<1x128xf32, #tpu.memory_space<vmem>>, %arg8: memref<128x128xf32, #tpu.memory_space<vmem>>, %arg9: memref<1x128xf32, #tpu.memory_space<vmem>>, %arg10: memref<1x128xf32, #tpu.memory_space<vmem>>, %arg11: memref<1x128xf32, #tpu.memory_space<vmem>>, %arg12: memref<128x128xf32, #tpu.memory_space<vmem>>, %arg13: memref<128x128xf32, #tpu.memory_space<vmem>>, %arg14: memref<1x128xf32, #tpu.memory_space<vmem>>, %arg15: memref<1000x128xf32, #tpu.memory_space<vmem>>, %arg16: memref<1000x128xf32, #tpu.memory_space<vmem>>, %arg17: memref<1000x128xf32, #tpu.memory_space<vmem>>) attributes {dimension_semantics = [#tpu.dimension_semantics<arbitrary>], iteration_bounds = array<i64: 10>, scalar_prefetch = 0 : i64, scratch_operands = 0 : i64, tpu.core_type = #tpu.core_type<tc>, window_params = [{transform_indices = @transform_0, window_bounds = array<i64: 1000, 128>}, {transform_indices = @transform_1, window_bounds = array<i64: 2, 1000, 128>}, {pipeline_mode = #tpu.pipeline_mode<synchronous>, transform_indices = @transform_2, window_bounds = array<i64: 128, 128>}, {pipeline_mode = #tpu.pipeline_mode<synchronous>, transform_indices = @transform_3, window_bounds = array<i64: 128, 128>}, {pipeline_mode = #tpu.pipeline_mode<synchronous>, transform_indices = @transform_4, window_bounds = array<i64: 1, 128>}, {pipeline_mode = #tpu.pipeline_mode<synchronous>, transform_indices = @transform_5, window_bounds = array<i64: 1, 128>}, {pipeline_mode = #tpu.pipeline_mode<synchronous>, transform_indices = @transform_6, window_bounds = array<i64: 1, 128>}, {pipeline_mode = #tpu.pipeline_mode<synchronous>, transform_indices = @transform_7, window_bounds = array<i64: 128, 128>}, {pipeline_mode = #tpu.pipeline_mode<synchronous>, transform_indices = @transform_8, window_bounds = array<i64: 1, 128>}, {pipeline_mode = #tpu.pipeline_mode<synchronous>, transform_indices = @transform_9, window_bounds = array<i64: 1, 128>}, {pipeline_mode = #tpu.pipeline_mode<synchronous>, transform_indices = @transform_10, window_bounds = array<i64: 1, 128>}, {pipeline_mode = #tpu.pipeline_mode<synchronous>, transform_indices = @transform_11, window_bounds = array<i64: 128, 128>}, {pipeline_mode = #tpu.pipeline_mode<synchronous>, transform_indices = @transform_12, window_bounds = array<i64: 128, 128>}, {pipeline_mode = #tpu.pipeline_mode<synchronous>, transform_indices = @transform_13, window_bounds = array<i64: 1, 128>}, {transform_indices = @transform_14, window_bounds = array<i64: 1000, 128>}, {transform_indices = @transform_15, window_bounds = array<i64: 1000, 128>}, {transform_indices = @transform_16, window_bounds = array<i64: 1000, 128>}]} {
    %get3A = arith.constant 0 : index
    %get3A_0 = arith.constant 0 : index
    %get3A_1 = vector.load %arg1[%get3A, %get3A_0] : memref<1000x128xf32, #tpu.memory_space<vmem>>, vector<1000x128xf32>
    %get3A_2 = arith.constant 0 : index
    %get3A_3 = arith.constant 0 : index
    %get3A_4 = arith.constant 0 : index
    %get3A_5 = vector.load %arg2[%get3A_2, %get3A_3, %get3A_4] : memref<2x1000x128xf32, #tpu.memory_space<vmem>>, vector<1x1000x128xf32>
    %get3A_6 = vector.shape_cast %get3A_5 : vector<1x1000x128xf32> to vector<1000x128xf32>
    %get3A_7 = arith.constant 1 : index
    %get3A_8 = arith.constant 0 : index
    %get3A_9 = arith.constant 0 : index
    %get3A_10 = vector.load %arg2[%get3A_7, %get3A_8, %get3A_9] : memref<2x1000x128xf32, #tpu.memory_space<vmem>>, vector<1x1000x128xf32>
    %get3A_11 = vector.shape_cast %get3A_10 : vector<1x1000x128xf32> to vector<1000x128xf32>
    %add3A = arith.addf %get3A_6, %get3A_11 : vector<1000x128xf32>
    %get3A_12 = arith.constant 0 : index
    %get3A_13 = arith.constant 0 : index
    %get3A_14 = vector.load %arg3[%get3A_12, %get3A_13] : memref<128x128xf32, #tpu.memory_space<vmem>>, vector<128x128xf32>
    %dot_general3A = arith.constant dense<0.000000e+00> : vector<1000x128xf32>
    %dot_general3A_15 = tpu.matmul %get3A_1, %get3A_14, %dot_general3A {dimension_numbers = #tpu.dot_dimension_numbers<[1], [0], [0], [1], [0, 0, 1, 1], [], []>, transpose_lhs_hint = false} : vector<1000x128xf32>, vector<128x128xf32>, vector<1000x128xf32> -> vector<1000x128xf32>
    %get3A_16 = arith.constant 0 : index
    %get3A_17 = arith.constant 0 : index
    %get3A_18 = vector.load %arg4[%get3A_16, %get3A_17] : memref<128x128xf32, #tpu.memory_space<vmem>>, vector<128x128xf32>
    %dot_general3A_19 = arith.constant dense<0.000000e+00> : vector<1000x128xf32>
    %dot_general3A_20 = tpu.matmul %add3A, %get3A_18, %dot_general3A_19 {dimension_numbers = #tpu.dot_dimension_numbers<[1], [0], [0], [1], [0, 0, 1, 1], [], []>, transpose_lhs_hint = false} : vector<1000x128xf32>, vector<128x128xf32>, vector<1000x128xf32> -> vector<1000x128xf32>
    %add3A_21 = arith.addf %dot_general3A_15, %dot_general3A_20 : vector<1000x128xf32>
    %get3A_22 = arith.constant 0 : index
    %get3A_23 = arith.constant 0 : index
    %get3A_24 = vector.load %arg5[%get3A_22, %get3A_23] : memref<1x128xf32, #tpu.memory_space<vmem>>, vector<1x128xf32>
    %add3A_25 = vector.broadcast %get3A_24 : vector<1x128xf32> to vector<1000x128xf32>
    %add3A_26 = arith.addf %add3A_21, %add3A_25 : vector<1000x128xf32>
    %get3A_27 = arith.constant 0 : index
    %get3A_28 = arith.constant 0 : index
    %get3A_29 = vector.load %arg6[%get3A_27, %get3A_28] : memref<1x128xf32, #tpu.memory_space<vmem>>, vector<1x128xf32>
    %get3A_30 = arith.constant 0 : index
    %get3A_31 = arith.constant 0 : index
    %get3A_32 = vector.load %arg7[%get3A_30, %get3A_31] : memref<1x128xf32, #tpu.memory_space<vmem>>, vector<1x128xf32>
    %reduce_sum3A = arith.constant dense<0.000000e+00> : vector<1000xf32>
    %reduce_sum3A_33 = vector.multi_reduction <add>, %add3A_26, %reduce_sum3A [1] : vector<1000x128xf32> to vector<1000xf32>
    %broadcast_in_dim3A = vector.shape_cast %reduce_sum3A_33 : vector<1000xf32> to vector<1000x1xf32>
    %div3A = arith.constant 1.280000e+02 : f32
    %div3A_34 = vector.broadcast %div3A : f32 to vector<1000x1xf32>
    %div3A_35 = arith.divf %broadcast_in_dim3A, %div3A_34 : vector<1000x1xf32>
    %sub3A = vector.broadcast %div3A_35 : vector<1000x1xf32> to vector<1000x128xf32>
    %sub3A_36 = arith.subf %add3A_26, %sub3A : vector<1000x128xf32>
    %mul3A = arith.mulf %sub3A_36, %sub3A_36 : vector<1000x128xf32>
    %reduce_sum3A_37 = arith.constant dense<0.000000e+00> : vector<1000xf32>
    %reduce_sum3A_38 = vector.multi_reduction <add>, %mul3A, %reduce_sum3A_37 [1] : vector<1000x128xf32> to vector<1000xf32>
    %broadcast_in_dim3A_39 = vector.shape_cast %reduce_sum3A_38 : vector<1000xf32> to vector<1000x1xf32>
    %div3A_40 = arith.constant 1.280000e+02 : f32
    %div3A_41 = vector.broadcast %div3A_40 : f32 to vector<1000x1xf32>
    %div3A_42 = arith.divf %broadcast_in_dim3A_39, %div3A_41 : vector<1000x1xf32>
    %add3A_43 = arith.constant 9.99999974E-6 : f32
    %add3A_44 = vector.broadcast %add3A_43 : f32 to vector<1000x1xf32>
    %add3A_45 = arith.addf %div3A_42, %add3A_44 : vector<1000x1xf32>
    %rsqrt3A = math.rsqrt %add3A_45 : vector<1000x1xf32>
    %mul3A_46 = vector.broadcast %rsqrt3A : vector<1000x1xf32> to vector<1000x128xf32>
    %mul3A_47 = arith.mulf %sub3A_36, %mul3A_46 : vector<1000x128xf32>
    %mul3A_48 = vector.broadcast %get3A_29 : vector<1x128xf32> to vector<1000x128xf32>
    %mul3A_49 = arith.mulf %mul3A_47, %mul3A_48 : vector<1000x128xf32>
    %add3A_50 = vector.broadcast %get3A_32 : vector<1x128xf32> to vector<1000x128xf32>
    %add3A_51 = arith.addf %mul3A_49, %add3A_50 : vector<1000x128xf32>
    %max3A = arith.constant 0.000000e+00 : f32
    %max3A_52 = vector.broadcast %max3A : f32 to vector<1000x128xf32>
    %max3A_53 = arith.maximumf %add3A_51, %max3A_52 : vector<1000x128xf32>
    %get3A_54 = arith.constant 0 : index
    %get3A_55 = arith.constant 0 : index
    %get3A_56 = vector.load %arg8[%get3A_54, %get3A_55] : memref<128x128xf32, #tpu.memory_space<vmem>>, vector<128x128xf32>
    %dot_general3A_57 = arith.constant dense<0.000000e+00> : vector<1000x128xf32>
    %dot_general3A_58 = tpu.matmul %max3A_53, %get3A_56, %dot_general3A_57 {dimension_numbers = #tpu.dot_dimension_numbers<[1], [0], [0], [1], [0, 0, 1, 1], [], []>, transpose_lhs_hint = false} : vector<1000x128xf32>, vector<128x128xf32>, vector<1000x128xf32> -> vector<1000x128xf32>
    %get3A_59 = arith.constant 0 : index
    %get3A_60 = arith.constant 0 : index
    %get3A_61 = vector.load %arg9[%get3A_59, %get3A_60] : memref<1x128xf32, #tpu.memory_space<vmem>>, vector<1x128xf32>
    %add3A_62 = vector.broadcast %get3A_61 : vector<1x128xf32> to vector<1000x128xf32>
    %add3A_63 = arith.addf %dot_general3A_58, %add3A_62 : vector<1000x128xf32>
    %get3A_64 = arith.constant 0 : index
    %get3A_65 = arith.constant 0 : index
    %get3A_66 = vector.load %arg10[%get3A_64, %get3A_65] : memref<1x128xf32, #tpu.memory_space<vmem>>, vector<1x128xf32>
    %get3A_67 = arith.constant 0 : index
    %get3A_68 = arith.constant 0 : index
    %get3A_69 = vector.load %arg11[%get3A_67, %get3A_68] : memref<1x128xf32, #tpu.memory_space<vmem>>, vector<1x128xf32>
    %reduce_sum3A_70 = arith.constant dense<0.000000e+00> : vector<1000xf32>
    %reduce_sum3A_71 = vector.multi_reduction <add>, %add3A_63, %reduce_sum3A_70 [1] : vector<1000x128xf32> to vector<1000xf32>
    %broadcast_in_dim3A_72 = vector.shape_cast %reduce_sum3A_71 : vector<1000xf32> to vector<1000x1xf32>
    %div3A_73 = arith.constant 1.280000e+02 : f32
    %div3A_74 = vector.broadcast %div3A_73 : f32 to vector<1000x1xf32>
    %div3A_75 = arith.divf %broadcast_in_dim3A_72, %div3A_74 : vector<1000x1xf32>
    %sub3A_76 = vector.broadcast %div3A_75 : vector<1000x1xf32> to vector<1000x128xf32>
    %sub3A_77 = arith.subf %add3A_63, %sub3A_76 : vector<1000x128xf32>
    %mul3A_78 = arith.mulf %sub3A_77, %sub3A_77 : vector<1000x128xf32>
    %reduce_sum3A_79 = arith.constant dense<0.000000e+00> : vector<1000xf32>
    %reduce_sum3A_80 = vector.multi_reduction <add>, %mul3A_78, %reduce_sum3A_79 [1] : vector<1000x128xf32> to vector<1000xf32>
    %broadcast_in_dim3A_81 = vector.shape_cast %reduce_sum3A_80 : vector<1000xf32> to vector<1000x1xf32>
    %div3A_82 = arith.constant 1.280000e+02 : f32
    %div3A_83 = vector.broadcast %div3A_82 : f32 to vector<1000x1xf32>
    %div3A_84 = arith.divf %broadcast_in_dim3A_81, %div3A_83 : vector<1000x1xf32>
    %add3A_85 = arith.constant 9.99999974E-6 : f32
    %add3A_86 = vector.broadcast %add3A_85 : f32 to vector<1000x1xf32>
    %add3A_87 = arith.addf %div3A_84, %add3A_86 : vector<1000x1xf32>
    %rsqrt3A_88 = math.rsqrt %add3A_87 : vector<1000x1xf32>
    %mul3A_89 = vector.broadcast %rsqrt3A_88 : vector<1000x1xf32> to vector<1000x128xf32>
    %mul3A_90 = arith.mulf %sub3A_77, %mul3A_89 : vector<1000x128xf32>
    %mul3A_91 = vector.broadcast %get3A_66 : vector<1x128xf32> to vector<1000x128xf32>
    %mul3A_92 = arith.mulf %mul3A_90, %mul3A_91 : vector<1000x128xf32>
    %add3A_93 = vector.broadcast %get3A_69 : vector<1x128xf32> to vector<1000x128xf32>
    %add3A_94 = arith.addf %mul3A_92, %add3A_93 : vector<1000x128xf32>
    %max3A_95 = arith.constant 0.000000e+00 : f32
    %max3A_96 = vector.broadcast %max3A_95 : f32 to vector<1000x128xf32>
    %max3A_97 = arith.maximumf %add3A_94, %max3A_96 : vector<1000x128xf32>
    %add3A_98 = arith.addf %get3A_1, %max3A_97 : vector<1000x128xf32>
    %swap3A = arith.constant 0 : index
    %swap3A_99 = arith.constant 0 : index
    %swap3A_100 = vector.load %arg15[%swap3A, %swap3A_99] : memref<1000x128xf32, #tpu.memory_space<vmem>>, vector<1000x128xf32>
    tpu.vector_store %arg15[%swap3A, %swap3A_99], %add3A_98 {strides = array<i32>} : memref<1000x128xf32, #tpu.memory_space<vmem>>, vector<1000x128xf32>,
    %get3A_101 = arith.constant 0 : index
    %get3A_102 = arith.constant 0 : index
    %get3A_103 = vector.load %arg12[%get3A_101, %get3A_102] : memref<128x128xf32, #tpu.memory_space<vmem>>, vector<128x128xf32>
    %dot_general3A_104 = arith.constant dense<0.000000e+00> : vector<1000x128xf32>
    %dot_general3A_105 = tpu.matmul %add3A_98, %get3A_103, %dot_general3A_104 {dimension_numbers = #tpu.dot_dimension_numbers<[1], [0], [0], [1], [0, 0, 1, 1], [], []>, transpose_lhs_hint = false} : vector<1000x128xf32>, vector<128x128xf32>, vector<1000x128xf32> -> vector<1000x128xf32>
    %get3A_106 = arith.constant 0 : index
    %get3A_107 = arith.constant 0 : index
    %get3A_108 = vector.load %arg14[%get3A_106, %get3A_107] : memref<1x128xf32, #tpu.memory_space<vmem>>, vector<1x128xf32>
    %add3A_109 = vector.broadcast %get3A_108 : vector<1x128xf32> to vector<1000x128xf32>
    %add3A_110 = arith.addf %dot_general3A_105, %add3A_109 : vector<1000x128xf32>
    %swap3A_111 = arith.constant 0 : index
    %swap3A_112 = arith.constant 0 : index
    %swap3A_113 = vector.load %arg16[%swap3A_111, %swap3A_112] : memref<1000x128xf32, #tpu.memory_space<vmem>>, vector<1000x128xf32>
    tpu.vector_store %arg16[%swap3A_111, %swap3A_112], %add3A_110 {strides = array<i32>} : memref<1000x128xf32, #tpu.memory_space<vmem>>, vector<1000x128xf32>,
    %get3A_114 = arith.constant 0 : index
    %get3A_115 = arith.constant 0 : index
    %get3A_116 = vector.load %arg13[%get3A_114, %get3A_115] : memref<128x128xf32, #tpu.memory_space<vmem>>, vector<128x128xf32>
    %dot_general3A_117 = arith.constant dense<0.000000e+00> : vector<1000x128xf32>
    %dot_general3A_118 = tpu.matmul %add3A_98, %get3A_116, %dot_general3A_117 {dimension_numbers = #tpu.dot_dimension_numbers<[1], [0], [0], [1], [0, 0, 1, 1], [], []>, transpose_lhs_hint = false} : vector<1000x128xf32>, vector<128x128xf32>, vector<1000x128xf32> -> vector<1000x128xf32>
    %swap3A_119 = arith.constant 0 : index
    %swap3A_120 = arith.constant 0 : index
    %swap3A_121 = vector.load %arg17[%swap3A_119, %swap3A_120] : memref<1000x128xf32, #tpu.memory_space<vmem>>, vector<1000x128xf32>
    tpu.vector_store %arg17[%swap3A_119, %swap3A_120], %dot_general3A_118 {strides = array<i32>} : memref<1000x128xf32, #tpu.memory_space<vmem>>, vector<1000x128xf32>,
    return
  }
  func.func @transform_0(%arg0: i32) -> (i32, i32) {
    %c0_i32 = arith.constant 0 : i32
    %c0_i32_0 = arith.constant 0 : i32
    return %arg0, %c0_i32 : i32, i32
  }
  func.func @transform_1(%arg0: i32) -> (i32, i32, i32) {
    %c0_i32 = arith.constant 0 : i32
    %c0_i32_0 = arith.constant 0 : i32
    %c0_i32_1 = arith.constant 0 : i32
    return %c0_i32, %arg0, %c0_i32_0 : i32, i32, i32
  }
  func.func @transform_2(%arg0: i32) -> (i32, i32) {
    %c0_i32 = arith.constant 0 : i32
    %c0_i32_0 = arith.constant 0 : i32
    %c0_i32_1 = arith.constant 0 : i32
    return %c0_i32, %c0_i32_0 : i32, i32
  }
  func.func @transform_3(%arg0: i32) -> (i32, i32) {
    %c0_i32 = arith.constant 0 : i32
    %c0_i32_0 = arith.constant 0 : i32
    %c0_i32_1 = arith.constant 0 : i32
    return %c0_i32, %c0_i32_0 : i32, i32
  }
  func.func @transform_4(%arg0: i32) -> (i32, i32) {
    %c0_i32 = arith.constant 0 : i32
    %c0_i32_0 = arith.constant 0 : i32
    %c0_i32_1 = arith.constant 0 : i32
    return %c0_i32, %c0_i32_0 : i32, i32
  }
  func.func @transform_5(%arg0: i32) -> (i32, i32) {
    %c0_i32 = arith.constant 0 : i32
    %c0_i32_0 = arith.constant 0 : i32
    %c0_i32_1 = arith.constant 0 : i32
    return %c0_i32, %c0_i32_0 : i32, i32
  }
  func.func @transform_6(%arg0: i32) -> (i32, i32) {
    %c0_i32 = arith.constant 0 : i32
    %c0_i32_0 = arith.constant 0 : i32
    %c0_i32_1 = arith.constant 0 : i32
    return %c0_i32, %c0_i32_0 : i32, i32
  }
  func.func @transform_7(%arg0: i32) -> (i32, i32) {
    %c0_i32 = arith.constant 0 : i32
    %c0_i32_0 = arith.constant 0 : i32
    %c0_i32_1 = arith.constant 0 : i32
    return %c0_i32, %c0_i32_0 : i32, i32
  }
  func.func @transform_8(%arg0: i32) -> (i32, i32) {
    %c0_i32 = arith.constant 0 : i32
    %c0_i32_0 = arith.constant 0 : i32
    %c0_i32_1 = arith.constant 0 : i32
    return %c0_i32, %c0_i32_0 : i32, i32
  }
  func.func @transform_9(%arg0: i32) -> (i32, i32) {
    %c0_i32 = arith.constant 0 : i32
    %c0_i32_0 = arith.constant 0 : i32
    %c0_i32_1 = arith.constant 0 : i32
    return %c0_i32, %c0_i32_0 : i32, i32
  }
  func.func @transform_10(%arg0: i32) -> (i32, i32) {
    %c0_i32 = arith.constant 0 : i32
    %c0_i32_0 = arith.constant 0 : i32
    %c0_i32_1 = arith.constant 0 : i32
    return %c0_i32, %c0_i32_0 : i32, i32
  }
  func.func @transform_11(%arg0: i32) -> (i32, i32) {
    %c0_i32 = arith.constant 0 : i32
    %c0_i32_0 = arith.constant 0 : i32
    %c0_i32_1 = arith.constant 0 : i32
    return %c0_i32, %c0_i32_0 : i32, i32
  }
  func.func @transform_12(%arg0: i32) -> (i32, i32) {
    %c0_i32 = arith.constant 0 : i32
    %c0_i32_0 = arith.constant 0 : i32
    %c0_i32_1 = arith.constant 0 : i32
    return %c0_i32, %c0_i32_0 : i32, i32
  }
  func.func @transform_13(%arg0: i32) -> (i32, i32) {
    %c0_i32 = arith.constant 0 : i32
    %c0_i32_0 = arith.constant 0 : i32
    %c0_i32_1 = arith.constant 0 : i32
    return %c0_i32, %c0_i32_0 : i32, i32
  }
  func.func @transform_14(%arg0: i32) -> (i32, i32) {
    %c0_i32 = arith.constant 0 : i32
    %c0_i32_0 = arith.constant 0 : i32
    return %arg0, %c0_i32 : i32, i32
  }
  func.func @transform_15(%arg0: i32) -> (i32, i32) {
    %c0_i32 = arith.constant 0 : i32
    %c0_i32_0 = arith.constant 0 : i32
    return %arg0, %c0_i32 : i32, i32
  }
  func.func @transform_16(%arg0: i32) -> (i32, i32) {
    %c0_i32 = arith.constant 0 : i32
    %c0_i32_0 = arith.constant 0 : i32
    return %arg0, %c0_i32 : i32, i32
  }
}

module attributes {stable_mosaic.version = 14 : i64} {
  func.func @body(%arg0: i32, %arg1: memref<1000x128xf32, #tpu.memory_space<vmem>>, %arg2: memref<2x1000x128xf32, #tpu.memory_space<vmem>>, %arg3: memref<128x128xf32, #tpu.memory_space<vmem>>, %arg4: memref<128x128xf32, #tpu.memory_space<vmem>>, %arg5: memref<1x128xf32, #tpu.memory_space<vmem>>, %arg6: memref<1x128xf32, #tpu.memory_space<vmem>>, %arg7: memref<1x128xf32, #tpu.memory_space<vmem>>, %arg8: memref<128x128xf32, #tpu.memory_space<vmem>>, %arg9: memref<1x128xf32, #tpu.memory_space<vmem>>, %arg10: memref<1x128xf32, #tpu.memory_space<vmem>>, %arg11: memref<1x128xf32, #tpu.memory_space<vmem>>, %arg12: memref<1000x128xf32, #tpu.memory_space<vmem>>) attributes {dimension_semantics = [#tpu.dimension_semantics<arbitrary>], iteration_bounds = array<i64: 10>, scalar_prefetch = 0 : i64, scratch_operands = 0 : i64, tpu.core_type = #tpu.core_type<tc>, window_params = [{transform_indices = @transform_0, window_bounds = array<i64: 1000, 128>}, {transform_indices = @transform_1, window_bounds = array<i64: 2, 1000, 128>}, {pipeline_mode = #tpu.pipeline_mode<synchronous>, transform_indices = @transform_2, window_bounds = array<i64: 128, 128>}, {pipeline_mode = #tpu.pipeline_mode<synchronous>, transform_indices = @transform_3, window_bounds = array<i64: 128, 128>}, {pipeline_mode = #tpu.pipeline_mode<synchronous>, transform_indices = @transform_4, window_bounds = array<i64: 1, 128>}, {pipeline_mode = #tpu.pipeline_mode<synchronous>, transform_indices = @transform_5, window_bounds = array<i64: 1, 128>}, {pipeline_mode = #tpu.pipeline_mode<synchronous>, transform_indices = @transform_6, window_bounds = array<i64: 1, 128>}, {pipeline_mode = #tpu.pipeline_mode<synchronous>, transform_indices = @transform_7, window_bounds = array<i64: 128, 128>}, {pipeline_mode = #tpu.pipeline_mode<synchronous>, transform_indices = @transform_8, window_bounds = array<i64: 1, 128>}, {pipeline_mode = #tpu.pipeline_mode<synchronous>, transform_indices = @transform_9, window_bounds = array<i64: 1, 128>}, {pipeline_mode = #tpu.pipeline_mode<synchronous>, transform_indices = @transform_10, window_bounds = array<i64: 1, 128>}, {transform_indices = @transform_11, window_bounds = array<i64: 1000, 128>}]} {
    %get3A = arith.constant 0 : index
    %get3A_0 = arith.constant 0 : index
    %get3A_1 = vector.load %arg1[%get3A, %get3A_0] : memref<1000x128xf32, #tpu.memory_space<vmem>>, vector<1000x128xf32>
    %get3A_2 = arith.constant 0 : index
    %get3A_3 = arith.constant 0 : index
    %get3A_4 = arith.constant 0 : index
    %get3A_5 = vector.load %arg2[%get3A_2, %get3A_3, %get3A_4] : memref<2x1000x128xf32, #tpu.memory_space<vmem>>, vector<1x1000x128xf32>
    %get3A_6 = vector.shape_cast %get3A_5 : vector<1x1000x128xf32> to vector<1000x128xf32>
    %get3A_7 = arith.constant 1 : index
    %get3A_8 = arith.constant 0 : index
    %get3A_9 = arith.constant 0 : index
    %get3A_10 = vector.load %arg2[%get3A_7, %get3A_8, %get3A_9] : memref<2x1000x128xf32, #tpu.memory_space<vmem>>, vector<1x1000x128xf32>
    %get3A_11 = vector.shape_cast %get3A_10 : vector<1x1000x128xf32> to vector<1000x128xf32>
    %add3A = arith.addf %get3A_6, %get3A_11 : vector<1000x128xf32>
    %get3A_12 = arith.constant 0 : index
    %get3A_13 = arith.constant 0 : index
    %get3A_14 = vector.load %arg3[%get3A_12, %get3A_13] : memref<128x128xf32, #tpu.memory_space<vmem>>, vector<128x128xf32>
    %dot_general3A = arith.constant dense<0.000000e+00> : vector<1000x128xf32>
    %dot_general3A_15 = tpu.matmul %get3A_1, %get3A_14, %dot_general3A {dimension_numbers = #tpu.dot_dimension_numbers<[1], [0], [0], [1], [0, 0, 1, 1], [], []>, transpose_lhs_hint = false} : vector<1000x128xf32>, vector<128x128xf32>, vector<1000x128xf32> -> vector<1000x128xf32>
    %get3A_16 = arith.constant 0 : index
    %get3A_17 = arith.constant 0 : index
    %get3A_18 = vector.load %arg4[%get3A_16, %get3A_17] : memref<128x128xf32, #tpu.memory_space<vmem>>, vector<128x128xf32>
    %dot_general3A_19 = arith.constant dense<0.000000e+00> : vector<1000x128xf32>
    %dot_general3A_20 = tpu.matmul %add3A, %get3A_18, %dot_general3A_19 {dimension_numbers = #tpu.dot_dimension_numbers<[1], [0], [0], [1], [0, 0, 1, 1], [], []>, transpose_lhs_hint = false} : vector<1000x128xf32>, vector<128x128xf32>, vector<1000x128xf32> -> vector<1000x128xf32>
    %add3A_21 = arith.addf %dot_general3A_15, %dot_general3A_20 : vector<1000x128xf32>
    %get3A_22 = arith.constant 0 : index
    %get3A_23 = arith.constant 0 : index
    %get3A_24 = vector.load %arg5[%get3A_22, %get3A_23] : memref<1x128xf32, #tpu.memory_space<vmem>>, vector<1x128xf32>
    %add3A_25 = vector.broadcast %get3A_24 : vector<1x128xf32> to vector<1000x128xf32>
    %add3A_26 = arith.addf %add3A_21, %add3A_25 : vector<1000x128xf32>
    %get3A_27 = arith.constant 0 : index
    %get3A_28 = arith.constant 0 : index
    %get3A_29 = vector.load %arg6[%get3A_27, %get3A_28] : memref<1x128xf32, #tpu.memory_space<vmem>>, vector<1x128xf32>
    %get3A_30 = arith.constant 0 : index
    %get3A_31 = arith.constant 0 : index
    %get3A_32 = vector.load %arg7[%get3A_30, %get3A_31] : memref<1x128xf32, #tpu.memory_space<vmem>>, vector<1x128xf32>
    %reduce_sum3A = arith.constant dense<0.000000e+00> : vector<1000xf32>
    %reduce_sum3A_33 = vector.multi_reduction <add>, %add3A_26, %reduce_sum3A [1] : vector<1000x128xf32> to vector<1000xf32>
    %broadcast_in_dim3A = vector.shape_cast %reduce_sum3A_33 : vector<1000xf32> to vector<1000x1xf32>
    %div3A = arith.constant 1.280000e+02 : f32
    %div3A_34 = vector.broadcast %div3A : f32 to vector<1000x1xf32>
    %div3A_35 = arith.divf %broadcast_in_dim3A, %div3A_34 : vector<1000x1xf32>
    %sub3A = vector.broadcast %div3A_35 : vector<1000x1xf32> to vector<1000x128xf32>
    %sub3A_36 = arith.subf %add3A_26, %sub3A : vector<1000x128xf32>
    %mul3A = arith.mulf %sub3A_36, %sub3A_36 : vector<1000x128xf32>
    %reduce_sum3A_37 = arith.constant dense<0.000000e+00> : vector<1000xf32>
    %reduce_sum3A_38 = vector.multi_reduction <add>, %mul3A, %reduce_sum3A_37 [1] : vector<1000x128xf32> to vector<1000xf32>
    %broadcast_in_dim3A_39 = vector.shape_cast %reduce_sum3A_38 : vector<1000xf32> to vector<1000x1xf32>
    %div3A_40 = arith.constant 1.280000e+02 : f32
    %div3A_41 = vector.broadcast %div3A_40 : f32 to vector<1000x1xf32>
    %div3A_42 = arith.divf %broadcast_in_dim3A_39, %div3A_41 : vector<1000x1xf32>
    %add3A_43 = arith.constant 9.99999974E-6 : f32
    %add3A_44 = vector.broadcast %add3A_43 : f32 to vector<1000x1xf32>
    %add3A_45 = arith.addf %div3A_42, %add3A_44 : vector<1000x1xf32>
    %rsqrt3A = math.rsqrt %add3A_45 : vector<1000x1xf32>
    %mul3A_46 = vector.broadcast %rsqrt3A : vector<1000x1xf32> to vector<1000x128xf32>
    %mul3A_47 = arith.mulf %sub3A_36, %mul3A_46 : vector<1000x128xf32>
    %mul3A_48 = vector.broadcast %get3A_29 : vector<1x128xf32> to vector<1000x128xf32>
    %mul3A_49 = arith.mulf %mul3A_47, %mul3A_48 : vector<1000x128xf32>
    %add3A_50 = vector.broadcast %get3A_32 : vector<1x128xf32> to vector<1000x128xf32>
    %add3A_51 = arith.addf %mul3A_49, %add3A_50 : vector<1000x128xf32>
    %max3A = arith.constant 0.000000e+00 : f32
    %max3A_52 = vector.broadcast %max3A : f32 to vector<1000x128xf32>
    %max3A_53 = arith.maximumf %add3A_51, %max3A_52 : vector<1000x128xf32>
    %get3A_54 = arith.constant 0 : index
    %get3A_55 = arith.constant 0 : index
    %get3A_56 = vector.load %arg8[%get3A_54, %get3A_55] : memref<128x128xf32, #tpu.memory_space<vmem>>, vector<128x128xf32>
    %dot_general3A_57 = arith.constant dense<0.000000e+00> : vector<1000x128xf32>
    %dot_general3A_58 = tpu.matmul %max3A_53, %get3A_56, %dot_general3A_57 {dimension_numbers = #tpu.dot_dimension_numbers<[1], [0], [0], [1], [0, 0, 1, 1], [], []>, transpose_lhs_hint = false} : vector<1000x128xf32>, vector<128x128xf32>, vector<1000x128xf32> -> vector<1000x128xf32>
    %get3A_59 = arith.constant 0 : index
    %get3A_60 = arith.constant 0 : index
    %get3A_61 = vector.load %arg9[%get3A_59, %get3A_60] : memref<1x128xf32, #tpu.memory_space<vmem>>, vector<1x128xf32>
    %add3A_62 = vector.broadcast %get3A_61 : vector<1x128xf32> to vector<1000x128xf32>
    %add3A_63 = arith.addf %dot_general3A_58, %add3A_62 : vector<1000x128xf32>
    %get3A_64 = arith.constant 0 : index
    %get3A_65 = arith.constant 0 : index
    %get3A_66 = vector.load %arg10[%get3A_64, %get3A_65] : memref<1x128xf32, #tpu.memory_space<vmem>>, vector<1x128xf32>
    %get3A_67 = arith.constant 0 : index
    %get3A_68 = arith.constant 0 : index
    %get3A_69 = vector.load %arg11[%get3A_67, %get3A_68] : memref<1x128xf32, #tpu.memory_space<vmem>>, vector<1x128xf32>
    %reduce_sum3A_70 = arith.constant dense<0.000000e+00> : vector<1000xf32>
    %reduce_sum3A_71 = vector.multi_reduction <add>, %add3A_63, %reduce_sum3A_70 [1] : vector<1000x128xf32> to vector<1000xf32>
    %broadcast_in_dim3A_72 = vector.shape_cast %reduce_sum3A_71 : vector<1000xf32> to vector<1000x1xf32>
    %div3A_73 = arith.constant 1.280000e+02 : f32
    %div3A_74 = vector.broadcast %div3A_73 : f32 to vector<1000x1xf32>
    %div3A_75 = arith.divf %broadcast_in_dim3A_72, %div3A_74 : vector<1000x1xf32>
    %sub3A_76 = vector.broadcast %div3A_75 : vector<1000x1xf32> to vector<1000x128xf32>
    %sub3A_77 = arith.subf %add3A_63, %sub3A_76 : vector<1000x128xf32>
    %mul3A_78 = arith.mulf %sub3A_77, %sub3A_77 : vector<1000x128xf32>
    %reduce_sum3A_79 = arith.constant dense<0.000000e+00> : vector<1000xf32>
    %reduce_sum3A_80 = vector.multi_reduction <add>, %mul3A_78, %reduce_sum3A_79 [1] : vector<1000x128xf32> to vector<1000xf32>
    %broadcast_in_dim3A_81 = vector.shape_cast %reduce_sum3A_80 : vector<1000xf32> to vector<1000x1xf32>
    %div3A_82 = arith.constant 1.280000e+02 : f32
    %div3A_83 = vector.broadcast %div3A_82 : f32 to vector<1000x1xf32>
    %div3A_84 = arith.divf %broadcast_in_dim3A_81, %div3A_83 : vector<1000x1xf32>
    %add3A_85 = arith.constant 9.99999974E-6 : f32
    %add3A_86 = vector.broadcast %add3A_85 : f32 to vector<1000x1xf32>
    %add3A_87 = arith.addf %div3A_84, %add3A_86 : vector<1000x1xf32>
    %rsqrt3A_88 = math.rsqrt %add3A_87 : vector<1000x1xf32>
    %mul3A_89 = vector.broadcast %rsqrt3A_88 : vector<1000x1xf32> to vector<1000x128xf32>
    %mul3A_90 = arith.mulf %sub3A_77, %mul3A_89 : vector<1000x128xf32>
    %mul3A_91 = vector.broadcast %get3A_66 : vector<1x128xf32> to vector<1000x128xf32>
    %mul3A_92 = arith.mulf %mul3A_90, %mul3A_91 : vector<1000x128xf32>
    %add3A_93 = vector.broadcast %get3A_69 : vector<1x128xf32> to vector<1000x128xf32>
    %add3A_94 = arith.addf %mul3A_92, %add3A_93 : vector<1000x128xf32>
    %max3A_95 = arith.constant 0.000000e+00 : f32
    %max3A_96 = vector.broadcast %max3A_95 : f32 to vector<1000x128xf32>
    %max3A_97 = arith.maximumf %add3A_94, %max3A_96 : vector<1000x128xf32>
    %add3A_98 = arith.addf %get3A_1, %max3A_97 : vector<1000x128xf32>
    %swap3A = arith.constant 0 : index
    %swap3A_99 = arith.constant 0 : index
    %swap3A_100 = vector.load %arg12[%swap3A, %swap3A_99] : memref<1000x128xf32, #tpu.memory_space<vmem>>, vector<1000x128xf32>
    tpu.vector_store %arg12[%swap3A, %swap3A_99], %add3A_98 {strides = array<i32>} : memref<1000x128xf32, #tpu.memory_space<vmem>>, vector<1000x128xf32>,
    return
  }
  func.func @transform_0(%arg0: i32) -> (i32, i32) {
    %c0_i32 = arith.constant 0 : i32
    %c0_i32_0 = arith.constant 0 : i32
    return %arg0, %c0_i32 : i32, i32
  }
  func.func @transform_1(%arg0: i32) -> (i32, i32, i32) {
    %c0_i32 = arith.constant 0 : i32
    %c0_i32_0 = arith.constant 0 : i32
    %c0_i32_1 = arith.constant 0 : i32
    return %c0_i32, %arg0, %c0_i32_0 : i32, i32, i32
  }
  func.func @transform_2(%arg0: i32) -> (i32, i32) {
    %c0_i32 = arith.constant 0 : i32
    %c0_i32_0 = arith.constant 0 : i32
    %c0_i32_1 = arith.constant 0 : i32
    return %c0_i32, %c0_i32_0 : i32, i32
  }
  func.func @transform_3(%arg0: i32) -> (i32, i32) {
    %c0_i32 = arith.constant 0 : i32
    %c0_i32_0 = arith.constant 0 : i32
    %c0_i32_1 = arith.constant 0 : i32
    return %c0_i32, %c0_i32_0 : i32, i32
  }
  func.func @transform_4(%arg0: i32) -> (i32, i32) {
    %c0_i32 = arith.constant 0 : i32
    %c0_i32_0 = arith.constant 0 : i32
    %c0_i32_1 = arith.constant 0 : i32
    return %c0_i32, %c0_i32_0 : i32, i32
  }
  func.func @transform_5(%arg0: i32) -> (i32, i32) {
    %c0_i32 = arith.constant 0 : i32
    %c0_i32_0 = arith.constant 0 : i32
    %c0_i32_1 = arith.constant 0 : i32
    return %c0_i32, %c0_i32_0 : i32, i32
  }
  func.func @transform_6(%arg0: i32) -> (i32, i32) {
    %c0_i32 = arith.constant 0 : i32
    %c0_i32_0 = arith.constant 0 : i32
    %c0_i32_1 = arith.constant 0 : i32
    return %c0_i32, %c0_i32_0 : i32, i32
  }
  func.func @transform_7(%arg0: i32) -> (i32, i32) {
    %c0_i32 = arith.constant 0 : i32
    %c0_i32_0 = arith.constant 0 : i32
    %c0_i32_1 = arith.constant 0 : i32
    return %c0_i32, %c0_i32_0 : i32, i32
  }
  func.func @transform_8(%arg0: i32) -> (i32, i32) {
    %c0_i32 = arith.constant 0 : i32
    %c0_i32_0 = arith.constant 0 : i32
    %c0_i32_1 = arith.constant 0 : i32
    return %c0_i32, %c0_i32_0 : i32, i32
  }
  func.func @transform_9(%arg0: i32) -> (i32, i32) {
    %c0_i32 = arith.constant 0 : i32
    %c0_i32_0 = arith.constant 0 : i32
    %c0_i32_1 = arith.constant 0 : i32
    return %c0_i32, %c0_i32_0 : i32, i32
  }
  func.func @transform_10(%arg0: i32) -> (i32, i32) {
    %c0_i32 = arith.constant 0 : i32
    %c0_i32_0 = arith.constant 0 : i32
    %c0_i32_1 = arith.constant 0 : i32
    return %c0_i32, %c0_i32_0 : i32, i32
  }
  func.func @transform_11(%arg0: i32) -> (i32, i32) {
    %c0_i32 = arith.constant 0 : i32
    %c0_i32_0 = arith.constant 0 : i32
    return %arg0, %c0_i32 : i32, i32
  }
}

module attributes {stable_mosaic.version = 14 : i64} {
  func.func @body(%arg0: i32, %arg1: memref<2x256x128xf32, #tpu.memory_space<vmem>>, %arg2: memref<128x128xf32, #tpu.memory_space<vmem>>, %arg3: memref<1x128xf32, #tpu.memory_space<vmem>>, %arg4: memref<128x128xf32, #tpu.memory_space<vmem>>, %arg5: memref<1x128xf32, #tpu.memory_space<vmem>>, %arg6: memref<256x128xf32, #tpu.memory_space<vmem>>) attributes {dimension_semantics = [#tpu.dimension_semantics<arbitrary>], iteration_bounds = array<i64: 1>, scalar_prefetch = 0 : i64, scratch_operands = 0 : i64, tpu.core_type = #tpu.core_type<tc>, window_params = [{pipeline_mode = #tpu.pipeline_mode<synchronous>, transform_indices = @transform_0, window_bounds = array<i64: 2, 256, 128>}, {pipeline_mode = #tpu.pipeline_mode<synchronous>, transform_indices = @transform_1, window_bounds = array<i64: 128, 128>}, {pipeline_mode = #tpu.pipeline_mode<synchronous>, transform_indices = @transform_2, window_bounds = array<i64: 1, 128>}, {pipeline_mode = #tpu.pipeline_mode<synchronous>, transform_indices = @transform_3, window_bounds = array<i64: 128, 128>}, {pipeline_mode = #tpu.pipeline_mode<synchronous>, transform_indices = @transform_4, window_bounds = array<i64: 1, 128>}, {pipeline_mode = #tpu.pipeline_mode<synchronous>, transform_indices = @transform_5, window_bounds = array<i64: 256, 128>}]} {
    %get3A = arith.constant 0 : index
    %get3A_0 = arith.constant 0 : index
    %get3A_1 = arith.constant 0 : index
    %get3A_2 = vector.load %arg1[%get3A, %get3A_0, %get3A_1] : memref<2x256x128xf32, #tpu.memory_space<vmem>>, vector<1x256x128xf32>
    %get3A_3 = vector.shape_cast %get3A_2 : vector<1x256x128xf32> to vector<256x128xf32>
    %get3A_4 = arith.constant 1 : index
    %get3A_5 = arith.constant 0 : index
    %get3A_6 = arith.constant 0 : index
    %get3A_7 = vector.load %arg1[%get3A_4, %get3A_5, %get3A_6] : memref<2x256x128xf32, #tpu.memory_space<vmem>>, vector<1x256x128xf32>
    %get3A_8 = vector.shape_cast %get3A_7 : vector<1x256x128xf32> to vector<256x128xf32>
    %add3A = arith.addf %get3A_3, %get3A_8 : vector<256x128xf32>
    %get3A_9 = arith.constant 0 : index
    %get3A_10 = arith.constant 0 : index
    %get3A_11 = vector.load %arg2[%get3A_9, %get3A_10] : memref<128x128xf32, #tpu.memory_space<vmem>>, vector<128x128xf32>
    %dot_general3A = arith.constant dense<0.000000e+00> : vector<256x128xf32>
    %dot_general3A_12 = tpu.matmul %add3A, %get3A_11, %dot_general3A {dimension_numbers = #tpu.dot_dimension_numbers<[1], [0], [0], [1], [0, 0, 1, 1], [], []>, transpose_lhs_hint = false} : vector<256x128xf32>, vector<128x128xf32>, vector<256x128xf32> -> vector<256x128xf32>
    %get3A_13 = arith.constant 0 : index
    %get3A_14 = arith.constant 0 : index
    %get3A_15 = vector.load %arg3[%get3A_13, %get3A_14] : memref<1x128xf32, #tpu.memory_space<vmem>>, vector<1x128xf32>
    %add3A_16 = vector.broadcast %get3A_15 : vector<1x128xf32> to vector<256x128xf32>
    %add3A_17 = arith.addf %dot_general3A_12, %add3A_16 : vector<256x128xf32>
    %max3A = arith.constant 0.000000e+00 : f32
    %max3A_18 = vector.broadcast %max3A : f32 to vector<256x128xf32>
    %max3A_19 = arith.maximumf %add3A_17, %max3A_18 : vector<256x128xf32>
    %get3A_20 = arith.constant 0 : index
    %get3A_21 = arith.constant 0 : index
    %get3A_22 = vector.load %arg4[%get3A_20, %get3A_21] : memref<128x128xf32, #tpu.memory_space<vmem>>, vector<128x128xf32>
    %dot_general3A_23 = arith.constant dense<0.000000e+00> : vector<256x128xf32>
    %dot_general3A_24 = tpu.matmul %max3A_19, %get3A_22, %dot_general3A_23 {dimension_numbers = #tpu.dot_dimension_numbers<[1], [0], [0], [1], [0, 0, 1, 1], [], []>, transpose_lhs_hint = false} : vector<256x128xf32>, vector<128x128xf32>, vector<256x128xf32> -> vector<256x128xf32>
    %get3A_25 = arith.constant 0 : index
    %get3A_26 = arith.constant 0 : index
    %get3A_27 = vector.load %arg5[%get3A_25, %get3A_26] : memref<1x128xf32, #tpu.memory_space<vmem>>, vector<1x128xf32>
    %add3A_28 = vector.broadcast %get3A_27 : vector<1x128xf32> to vector<256x128xf32>
    %add3A_29 = arith.addf %dot_general3A_24, %add3A_28 : vector<256x128xf32>
    %swap3A = arith.constant 0 : index
    %swap3A_30 = arith.constant 0 : index
    %swap3A_31 = vector.load %arg6[%swap3A, %swap3A_30] : memref<256x128xf32, #tpu.memory_space<vmem>>, vector<256x128xf32>
    tpu.vector_store %arg6[%swap3A, %swap3A_30], %add3A_29 {strides = array<i32>} : memref<256x128xf32, #tpu.memory_space<vmem>>, vector<256x128xf32>,
    return
  }
  func.func @transform_0(%arg0: i32) -> (i32, i32, i32) {
    %c0_i32 = arith.constant 0 : i32
    %c0_i32_0 = arith.constant 0 : i32
    %c0_i32_1 = arith.constant 0 : i32
    %c0_i32_2 = arith.constant 0 : i32
    return %c0_i32, %c0_i32_0, %c0_i32_1 : i32, i32, i32
  }
  func.func @transform_1(%arg0: i32) -> (i32, i32) {
    %c0_i32 = arith.constant 0 : i32
    %c0_i32_0 = arith.constant 0 : i32
    %c0_i32_1 = arith.constant 0 : i32
    return %c0_i32, %c0_i32_0 : i32, i32
  }
  func.func @transform_2(%arg0: i32) -> (i32, i32) {
    %c0_i32 = arith.constant 0 : i32
    %c0_i32_0 = arith.constant 0 : i32
    %c0_i32_1 = arith.constant 0 : i32
    return %c0_i32, %c0_i32_0 : i32, i32
  }
  func.func @transform_3(%arg0: i32) -> (i32, i32) {
    %c0_i32 = arith.constant 0 : i32
    %c0_i32_0 = arith.constant 0 : i32
    %c0_i32_1 = arith.constant 0 : i32
    return %c0_i32, %c0_i32_0 : i32, i32
  }
  func.func @transform_4(%arg0: i32) -> (i32, i32) {
    %c0_i32 = arith.constant 0 : i32
    %c0_i32_0 = arith.constant 0 : i32
    %c0_i32_1 = arith.constant 0 : i32
    return %c0_i32, %c0_i32_0 : i32, i32
  }
  func.func @transform_5(%arg0: i32) -> (i32, i32) {
    %c0_i32 = arith.constant 0 : i32
    %c0_i32_0 = arith.constant 0 : i32
    %c0_i32_1 = arith.constant 0 : i32
    return %c0_i32, %c0_i32_0 : i32, i32
  }
}

</mosaic_0001>

<sc_bundles>
// kernel: kernel.25.cloned.1.call-start
scs
__scs_entry_jumppad:
0x0: {  	(pc) =	sbr.rel $0x88, $3  }
0x1: {  	(tag) =	ssettag $0x0;
	lr =	simm.s32 $0x1  }
0x2: {  	[smem:$0x3F49] =	sst lr;
	_ =	strace $0xD0000000  }
0x3: {  	_ = 	snop  }
0x4: {  	_ = 	snop  }
0x5: {  	_ = 	snop  }
0x6: {  	_ = 	snop  }
0x7: {  	_ = 	snop  }
__scs_overlays_trampoline_lowered:
0x8: {  	[smem:$0x3F58] =	sst s0  }
0x9: {  	[smem:$0x3F59] =	sst s1  }
0xa: {  	[smem:$0x3F5A] =	sst s2  }
0xb: {  	[smem:$0x3F5B] =	sst s3  }
0xc: {  	[smem:$0x3F5C] =	sst s4  }
0xd: {  	[smem:$0x3F5D] =	sst s5  }
0xe: {  	[smem:$0x3F5E] =	sst s6  }
0xf: {  	[smem:$0x3F5F] =	sst s7  }
0x10: {  	[smem:$0x3F60] =	sst s8  }
0x11: {  	[smem:$0x3F61] =	sst s9;
	s0 =	simm.s32 @!p0 $0x0  }
0x12: {  	s1 =	sld [smem:$0x3F47];
	s0 =	simm.s32 @p0 $0x1  }
0x13: {  	[smem:$0x3F62] =	sst s0;
	s0 =	simm.s32 @!p1 $0x0  }
0x14: {  	s2 =	sld [smem:$0x3F46];
	s0 =	simm.s32 @p1 $0x1  }
0x15: {  	[smem:$0x3F63] =	sst s0;
	s0 =	simm.s32 @!p2 $0x0  }
0x16: {  	s3 =	sld [smem:$0x3FDB];
	s0 =	simm.s32 @p2 $0x1  }
0x17: {  	s4 =	simm.s32 $0x1BF5;
	[smem:$0x3F65] =	sst s0  }
0x18: {  	s0 =	sld [smem:$0x3F48];
	_ =	swait.ge [sflag:s4], $0x0  }
0x19: {  	s7 =	sld [smem:$0x3F49]  }
0x1a: {  	s8 =	sadd.s32 $0xFFFFE003, lr  }
0x1b: {  	s9 =	sadd.s32 $0xFFFFFEF7, lr;
	s5 =	simm.s32 $0xFFFFFFFF;
	p2 =	slt.u32 s8, $0xFFFFF086  }
0x1c: {  	p1 =	slt.u32 s9, $0xF7A;
	s5 =	simm.s32 @!p2 $0x0  }
0x1d: {  	s5 =	simm.s32 @p1 $0x1;
	p0 =	seq.s32 s7, s2  }
0x1e: {  	s7 =	smul.u32 @!p0 $0xF7A, s2;
	p2 =	seq.s32 @!p0 s5, $0x0  }
0x1f: {  	s9 =	smul.u32 $0xF7A, s1;
	s8 =	simm.s32 @!p0 $0x1BF5;
	p2 =	por !p2, p0  }
0x20: {  	[sflag:s8] =	ssyncset.s32 @!p0 $0xFFFFF086;
	s6 =	sadd.s32 @!p0 s3, s7;
	s7 =	simm.s32 @!p0 $0x108  }
0x21: {  	s3 =	sadd.s32 s3, s9;
	s6 =	sadd.s32 @!p0 $0x88, s6;
	s7 =	simm.s32 @p2 $0x1082  }
0x22: {  	[simem:s7], [sflag:s8] =	dma.local @!p0 [hbm:s6], $0xF7A  }
0x23: {  	s9 =	sor.u32 $0xD0000000, s2;
	s6 =	simm.s32 $0x108;
	_ =	swait.ge @!p0 [sflag:s8], $0x0  }
0x24: {  	s3 =	sadd.s32 $0x88, s3;
	s6 =	simm.s32 @!p1 $0x1082;
	[sflag:s4] =	ssyncset.s32 $0xFFFFF086  }
0x25: {  	[simem:s6], [sflag:s4] =	dma.local [hbm:s3], $0xF7A  }
0x26: {  	[smem:$0x3F49] =	sst s1;
	(tag) =	ssettag s2;
	_ =	strace s9  }
0x27: {  	s1 =	sld [smem:$0x3F59]  }
0x28: {  	s2 =	sld [smem:$0x3F5A]  }
0x29: {  	s4 =	sld [smem:$0x3F5C]  }
0x2a: {  	p0 =	seq.s32 s5, $0x0;
	s5 =	sld [smem:$0x3F5D]  }
0x2b: {  	s6 =	sld [smem:$0x3F5E]  }
0x2c: {  	s7 =	sld [smem:$0x3F5F]  }
0x2d: {  	s3 =	simm.s32 $0x108;
	s8 =	sld [smem:$0x3F60]  }
0x2e: {  	s3 =	simm.s32 @!p0 $0x1082;
	s9 =	sld [smem:$0x3F61]  }
0x2f: {  	lr =	sadd.s32 s0, s3;
	s0 =	sld [smem:$0x3F58]  }
0x30: {  	s3 =	sld [smem:$0x3F5B]  }
0x31: {  	[smem:$0x3F64] =	sst s10  }
0x32: {  	s10 =	sld [smem:$0x3F62];
	_ =	sdelay $0x3  }
0x33: {  	p0 =	seq.s32 s10, $0x1;
	s10 =	sld [smem:$0x3F64];
	_ =	sdelay $0x3  }
0x34: {  	[smem:$0x3F64] =	sst s10  }
0x35: {  	s10 =	sld [smem:$0x3F63];
	_ =	sdelay $0x3  }
0x36: {  	p1 =	seq.s32 s10, $0x1;
	s10 =	sld [smem:$0x3F64];
	_ =	sdelay $0x3  }
0x37: {  	[smem:$0x3F64] =	sst s10  }
0x38: {  	s10 =	sld [smem:$0x3F65]  }
0x39: {  	_ = 	snop;
	(pc) =	sbr.ind lr, $3  }
0x3a: {  	_ = 	snop  }
0x3b: {  	_ = 	snop  }
0x3c: {  	p2 =	seq.s32 s10, $0x1;
	s10 =	sld [smem:$0x3F64]  }
0x3d: {  	_ =	shalt  }
0x3e: {  	_ =	shalt  }
0x3f: {  	_ =	shalt  }
0x40: {  	_ =	shalt  }
0x41: {  	_ =	shalt  }
0x42: {  	_ =	shalt  }
0x43: {  	_ =	shalt  }
0x44: {  	_ =	shalt  }
0x45: {  	_ =	shalt  }
0x46: {  	_ =	shalt  }
0x47: {  	_ =	shalt  }
0x48: {  	_ =	shalt  }
0x49: {  	_ =	shalt  }
0x4a: {  	_ =	shalt  }
0x4b: {  	_ =	shalt  }
0x4c: {  	_ =	shalt  }
0x4d: {  	_ =	shalt  }
0x4e: {  	_ =	shalt  }
0x4f: {  	_ =	shalt  }
0x50: {  	_ =	shalt  }
0x51: {  	_ =	shalt  }
0x52: {  	_ =	shalt  }
0x53: {  	_ =	shalt  }
0x54: {  	_ =	shalt  }
0x55: {  	_ =	shalt  }
0x56: {  	_ =	shalt  }
0x57: {  	_ =	shalt  }
0x58: {  	_ =	shalt  }
0x59: {  	_ =	shalt  }
0x5a: {  	_ =	shalt  }
0x5b: {  	_ =	shalt  }
0x5c: {  	_ =	shalt  }
0x5d: {  	_ =	shalt  }
0x5e: {  	_ =	shalt  }
0x5f: {  	_ =	shalt  }
0x60: {  	_ =	shalt  }
0x61: {  	_ =	shalt  }
0x62: {  	_ =	shalt  }
0x63: {  	_ =	shalt  }
0x64: {  	_ =	shalt  }
0x65: {  	_ =	shalt  }
0x66: {  	_ =	shalt  }
0x67: {  	_ =	shalt  }
0x68: {  	_ =	shalt  }
0x69: {  	_ =	shalt  }
0x6a: {  	_ =	shalt  }
0x6b: {  	_ =	shalt  }
0x6c: {  	_ =	shalt  }
0x6d: {  	_ =	shalt  }
0x6e: {  	_ =	shalt  }
0x6f: {  	_ =	shalt  }
0x70: {  	_ =	shalt  }
0x71: {  	_ =	shalt  }
0x72: {  	_ =	shalt  }
0x73: {  	_ =	shalt  }
0x74: {  	_ =	shalt  }
0x75: {  	_ =	shalt  }
0x76: {  	_ =	shalt  }
0x77: {  	_ =	shalt  }
0x78: {  	_ =	shalt  }
0x79: {  	_ =	shalt  }
0x7a: {  	_ =	shalt  }
0x7b: {  	_ =	shalt  }
0x7c: {  	_ =	shalt  }
0x7d: {  	_ =	shalt  }
0x7e: {  	_ =	shalt  }
0x7f: {  	_ =	shalt  }
0x80: {  	_ =	shalt  }
0x81: {  	_ =	shalt  }
0x82: {  	_ =	shalt  }
0x83: {  	_ =	shalt  }
0x84: {  	_ =	shalt  }
0x85: {  	_ =	shalt  }
0x86: {  	_ =	shalt  }
0x87: {  	_ =	shalt  }
.Lfunc_end0:
.L_simem_size_0:
called_computation_lowered:
.L_overlay_start_0:
0x88: {  	s2 =	sld [smem:$0x3FD9]  }
0x89: {  	s3 =	sld [smem:$0x3FFE];
	_ =	sdelay $0x1  }
0x8a: {  	s1 =	srdreg.scid  }
0x8b: {  	s0 =	sand.u32 $0x1, s1  }
0x8c: {  	s16 =	sshll.u32 s0, $0xA;
	s2 =	sadd.s32 s3, s2  }
0x8d: {  	s2 =	sadd.s32 s2, s16  }
0x8e: {  	[smem:$0x3F70] =	sst s2  }
0x8f: {  	_ = 	snop  }
0x90: {  	(tm) =	ssettm $0x1  }
0x91: {  	s17 =	sld [smem:$0x3FFB];
	_ =	sdelay $0x3  }
0x92: {  	_ =	strace s17  }
0x93: {  	s2 =	sld [smem:$0x3FFC];
	_ =	sdelay $0x3  }
0x94: {  	_ =	strace s2  }
0x95: {  	s2 =	sld [smem:$0x3FFD];
	_ =	sdelay $0x3  }
0x96: {  	_ =	strace s2  }
0x97: {  	_ =	strace $0x8FFFFFFF  }
0x98: {  	s18 =	sld [smem:$0x3FDB];
	_ =	sdelay $0x1  }
0x99: {  	s19 =	simm.s32 $_scs_section_size  }
0x9a: {  	s4 =	simm.s32 $_size__tile_overlayer_lowered;
	s5 =	simm.s32 $_tile_overlayer_lowered  }
0x9b: {  	s22 =	simm.s32 $0x1BFF;
	s21 =	sshll.u32 s5, $0x1;
	s2 =	sadd.s32 s19, s18  }
0x9c: {  	s6 =	simm.s32 $0x0;
	s20 =	sshll.u32 s4, $0x1;
	s4 =	sadd.s32 s21, s2  }
0x9d: {  	[timem:s6], [sflag:s22] =	dma.local [hbm:s4], s20  }
0x9e: {  	_ =	swait.ge [sflag:s22], s20  }
0x9f: {  	s3 =	ssub.s32 $0x0, s20;
	[sflag:s22] =	ssyncset.done $0x0  }
0xa0: {  	[sflag:s22] =	ssyncadd.s32 s3;
	_ =	sdelay $0x1  }
0xa1: {  	s23 =	simm.s32 $0x1B8B  }
0xa2: {  	_ =	swait.ge [sflag:s23], $0x1  }
0xa3: {  	[sflag:s23] =	ssyncset.done $0x0  }
0xa4: {  	s25 =	simm.s32 $0x1B8E;
	s24 =	sld [smem:$0x3FFE];
	[sflag:s23] =	ssyncadd.s32 $0xFFFFFFFF  }
0xa5: {  	s26 =	simm.s32 $execute0_lowered;
	[smem:$0x3FD2] =	sst s25  }
0xa6: {  	s4 =	sshll.u32 s26, $0x1;
	_ =	strace $0x80000046;
	[dreg:$0x1] =	wrdreg $0xFFFFFFFF  }
0xa7: {  	s28 =	simm.s32 $_size_execute0_lowered;
	s2 =	sadd.s32 s2, s4;
	[dreg:$0x0] =	wrdreg $0x0  }
0xa8: {  	s4 =	sshll.u32 s28, $0x1;
	[dreg:$0x2] =	wrdreg s2  }
0xa9: {  	[dreg:$0x3] =	wrdreg s4  }
0xaa: {  	[dreg:$0x4] =	wrdreg $0xC0  }
0xab: {  	_ =	task [dreg:s6], $0x5FFFF  }
0xac: {  	[dreg:$0x1] =	wrdreg $0xFFFFFFFF  }
0xad: {  	[dreg:$0x0] =	wrdreg $0x60  }
0xae: {  	[dreg:$0x2] =	wrdreg s24  }
0xaf: {  	[dreg:$0x3] =	wrdreg $0x9  }
0xb0: {  	_ =	task.clear_ibuf [dreg:s6], $0x4FFFF;
	_ =	strace $0x90000046  }
0xb1: {  	s29 =	simm.s32 $0x9;
	_ =	strace $0x80000048  }
0xb2: {  	_ =	swait.ge [sflag:s29], $0x1  }
0xb3: {  	[sflag:s29] =	ssyncadd.s32 $0xFFFFFFFF  }
0xb4: {  	_ =	strace $0x90000048  }
0xb5: {  	_ =	sfence  }
0xb6: {  	s30 =	sld [smem:$0x0];
	_ =	sdelay $0x2  }
0xb7: {  	s31 =	sshll.u32 s1, $0xD;
	s1 =	sshrl.u32 s1, $0x2  }
0xb8: {  	s3 =	sand.u32 $0x4000, s31;
	s1 =	sadd.s32 s1, s30  }
0xb9: {  	s0 =	sor.u32 s3, s0;
	s1 =	sshll.u32 s1, $0x11  }
0xba: {  	s0 =	sor.u32 s1, s0  }
0xbb: {  	s0 =	sadd.s32 $0x8F2B, s0  }
0xbc: {  	[sflag:s0] =	ssyncadd.remote.s32 $0x1  }
0xbd: {  	_ =	sfence.sel $0xFFFF  }
0xbe: {  	[dreg:$0x0] =	wrdreg $0xFFFFFFFF;
	(pc) =	sbr.abs _section_cstart, $3  }
0xbf: {  	[dreg:$0x1] =	wrdreg $0xFFFFFFFF  }
0xc0: {  	_ =	task.clear_ibuf [dreg:s6], $0x2FFFF;
	_ =	strace $0x9FFFFFFF  }
0xc1: {  	(tm) =	ssettm $0x7FFFFFFF  }
tec
execute0_lowered:
.L_overlay_start_1:
0x0: {  	(tag) =	ssettag $0x1  }
0x1: {  	s5 =	rddreg [dreg:$0x0]  }
0x2: {  	s0 =	rddreg [dreg:$0x1];
	s2 =	simm.s32 $0x0;
	s1 =	stileid.u32  }
0x3: {  	s3 =	srdreg.scid;
	s12 =	simm.s32 $0x50;
	s13 =	simm.s32 $0x100  }
0x4: {  	s14 =	simm.s32 $0x2900;
	s15 =	simm.s32 $0x1;
	s16 =	simm.s32 $0x2  }
0x5: {  	s17 =	simm.s32 $0x0;
	[smem:$0x7FF] =	sst s2;
	s6 =	smul.u32 $0x9C4, s1  }
0x6: {  	s7 =	smul.u32 $0x4E200, s1;
	s8 =	sand.u32 $0x1, s3;
	s3 =	sadd.s32 $0x26200, s5  }
0x7: {  	s4 =	sadd.s32 $0x4D400, s5;
	s9 =	ssub.s32 $0x2, s8;
	s10 =	smul.u32 $0x27100, s8  }
0x8: {  	_ =	strace $0x80000047;
	s8 =	smul.u32 $0x4E2, s8;
	s11 =	sshrl.u32 s9, $0x1  }
0x9: {  	s6 =	sadd.s32 s6, s5;
	s7 =	sadd.s32 s7, s5;
	s30 =	ssub.s32 s9, s11  }
0xa: {  	s7 =	sadd.s32 s10, s7;
	s31 =	sadd.s32 s8, s6;
	s10 =	simm.s32 $0x3  }
0xb: {  	s11 =	simm.s32 $0x80;
	s5 =	smax.u32 s30, $0x1;
	s6 =	sadd.s32 $0x9B800, s7  }
0xc: {  	s7 =	sadd.s32 $0x57D800, s7;
	s8 =	sadd.s32 $0x1C400, s31;
	s9 =	sadd.s32 $0x12600, s31  }
.LBB2_1:
0xd: {  	s18 =	sadd.s32 $0x0, s8  }
0xe: {  	[tilespmem:s2], [sflag:$0x3] =	stream.linear.gather [hbm4b:s18+s2], $0x50, $0x38;
	[tilespmem:$0x5100] =	vst v63  }
0xf: {  	_ =	swait.ge [sflag:s10], $0x50  }
0x10: {  	[sflag:s10] =	ssyncset.done $0x0  }
0x11: {  	s31 =	sadd.s32 $0x0, s9;
	[sflag:s10] =	ssyncadd.s32 $0xFFFFFFB0  }
0x12: {  	[tilespmem:s11], [sflag:$0x3] =	stream.linear.gather [hbm4b:s31+s2], $0x50, $0x38;
	[tilespmem:$0x5100] =	vst v63  }
0x13: {  	_ =	swait.ge [sflag:s10], $0x50  }
0x14: {  	[sflag:s10] =	ssyncset.done $0x0  }
0x15: {  	[sflag:s10] =	ssyncadd.s32 $0xFFFFFFB0  }
0x16: {  	[tilespmem:s13], [sflag:$0x1] =	stream.indirect.gather [hbm4b:s3+s12], $0x80, s2, s12, $0xb8;
	[tilespmem:$0x5100] =	vst v63  }
0x17: {  	_ = 	snop  }
0x18: {  	[tilespmem:s14], [sflag:$0x2] =	stream.indirect.gather [hbm4b:s4+s12], $0x80, s11, s12, $0xb8;
	[tilespmem:$0x5100] =	vst v63  }
0x19: {  	_ =	swait.ge [sflag:s15], $0x2800  }
0x1a: {  	[sflag:s15] =	ssyncset.done $0x0  }
0x1b: {  	[sflag:s15] =	ssyncadd.s32 $0xFFFFD800  }
0x1c: {  	_ =	swait.ge [sflag:s16], $0x2800  }
0x1d: {  	[sflag:s16] =	ssyncset.done $0x0  }
0x1e: {  	[sflag:s16] =	ssyncadd.s32 $0xFFFFD800  }
0x1f: {  	[hbm4b:s6+s2] =	stream.linear.scatter [tilespmem:s13], [sflag:$0x3], $0x2800, $0x38;
	[tilespmem:$0x5100] =	vst v63  }
0x20: {  	_ =	swait.ge [sflag:s10], $0x2800  }
0x21: {  	[sflag:s10] =	ssyncset.done $0x0  }
0x22: {  	[sflag:s10] =	ssyncadd.s32 $0xFFFFD800  }
0x23: {  	[hbm4b:s7+s2] =	stream.linear.scatter [tilespmem:s14], [sflag:$0x3], $0x2800, $0x38;
	[tilespmem:$0x5100] =	vst v63  }
0x24: {  	s20 =	simm.s32 $0xA;
	s21 =	simm.s32 $0x14;
	_ =	swait.ge [sflag:s10], $0x2800  }
0x25: {  	s19 =	sadd.s32 $0x500, s6;
	s18 =	sadd.s32 $0x500, s7;
	[sflag:s10] =	ssyncset.done $0x0  }
.LBB2_2:
0x26: {  	s22 =	sadd.s32 s20, s8  }
0x27: {  	[sflag:s10] =	ssyncadd.s32 $0xFFFFD800;
	s23 =	smov.u32 s21;
	s24 =	sadd.s32 $0xA, s21  }
0x28: {  	[tilespmem:s2], [sflag:$0x3] =	stream.linear.gather [hbm4b:s22+s2], $0x50, $0x38;
	[tilespmem:$0x5100] =	vst v63  }
0x29: {  	p0 =	sne.s32 s21, $0x4D8;
	_ =	swait.ge [sflag:s10], $0x50  }
0x2a: {  	[sflag:s10] =	ssyncset.done $0x0  }
0x2b: {  	s21 =	sadd.s32 s20, s9;
	s20 =	smov.u32 s23;
	[sflag:s10] =	ssyncadd.s32 $0xFFFFFFB0  }
0x2c: {  	[tilespmem:s11], [sflag:$0x3] =	stream.linear.gather [hbm4b:s21+s2], $0x50, $0x38;
	[tilespmem:$0x5100] =	vst v63  }
0x2d: {  	_ =	swait.ge [sflag:s10], $0x50  }
0x2e: {  	[sflag:s10] =	ssyncset.done $0x0  }
0x2f: {  	[sflag:s10] =	ssyncadd.s32 $0xFFFFFFB0  }
0x30: {  	[tilespmem:s13], [sflag:$0x1] =	stream.indirect.gather [hbm4b:s3+s12], $0x80, s2, s12, $0xb8;
	[tilespmem:$0x5100] =	vst v63  }
0x31: {  	_ = 	snop  }
0x32: {  	[tilespmem:s14], [sflag:$0x2] =	stream.indirect.gather [hbm4b:s4+s12], $0x80, s11, s12, $0xb8;
	[tilespmem:$0x5100] =	vst v63  }
0x33: {  	_ =	swait.ge [sflag:s15], $0x2800  }
0x34: {  	[sflag:s15] =	ssyncset.done $0x0  }
0x35: {  	[sflag:s15] =	ssyncadd.s32 $0xFFFFD800  }
0x36: {  	_ =	swait.ge [sflag:s16], $0x2800  }
0x37: {  	[sflag:s16] =	ssyncset.done $0x0  }
0x38: {  	[sflag:s16] =	ssyncadd.s32 $0xFFFFD800  }
0x39: {  	[hbm4b:s19+s2] =	stream.linear.scatter [tilespmem:s13], [sflag:$0x3], $0x2800, $0x38;
	[tilespmem:$0x5100] =	vst v63  }
0x3a: {  	_ =	swait.ge [sflag:s10], $0x2800  }
.Ltmp0:
0x3b: {  	[sflag:s10] =	ssyncset.done $0x0;
	(pc) =	sbr.rel @p0 .LBB2_2-.Ltmp0, $4  }
0x3c: {  	[sflag:s10] =	ssyncadd.s32 $0xFFFFD800  }
0x3d: {  	[hbm4b:s18+s2] =	stream.linear.scatter [tilespmem:s14], [sflag:$0x3], $0x2800, $0x38;
	[tilespmem:$0x5100] =	vst v63  }
0x3e: {  	s21 =	smov.u32 s24;
	_ =	swait.ge [sflag:s10], $0x2800  }
0x3f: {  	s19 =	sadd.s32 $0x500, s19;
	s18 =	sadd.s32 $0x500, s18;
	[sflag:s10] =	ssyncset.done $0x0  }
0x40: {  	s21 =	sadd.s32 s20, s8;
	[sflag:s10] =	ssyncadd.s32 $0xFFFFD800  }
0x41: {  	[tilespmem:s2], [sflag:$0x3] =	stream.linear.gather [hbm4b:s21+s2], $0x50, $0x38;
	[tilespmem:$0x5100] =	vst v63  }
0x42: {  	_ =	swait.ge [sflag:s10], $0x50  }
0x43: {  	[sflag:s10] =	ssyncset.done $0x0  }
0x44: {  	s31 =	sadd.s32 s20, s9;
	[sflag:s10] =	ssyncadd.s32 $0xFFFFFFB0  }
0x45: {  	[tilespmem:s11], [sflag:$0x3] =	stream.linear.gather [hbm4b:s31+s2], $0x50, $0x38;
	[tilespmem:$0x5100] =	vst v63  }
0x46: {  	_ =	swait.ge [sflag:s10], $0x50  }
0x47: {  	[sflag:s10] =	ssyncset.done $0x0  }
0x48: {  	[sflag:s10] =	ssyncadd.s32 $0xFFFFFFB0  }
0x49: {  	[tilespmem:s13], [sflag:$0x1] =	stream.indirect.gather [hbm4b:s3+s12], $0x80, s2, s12, $0xb8;
	[tilespmem:$0x5100] =	vst v63  }
0x4a: {  	_ = 	snop  }
0x4b: {  	[tilespmem:s14], [sflag:$0x2] =	stream.indirect.gather [hbm4b:s4+s12], $0x80, s11, s12, $0xb8;
	[tilespmem:$0x5100] =	vst v63  }
0x4c: {  	_ =	swait.ge [sflag:s15], $0x2800  }
0x4d: {  	[sflag:s15] =	ssyncset.done $0x0  }
0x4e: {  	[sflag:s15] =	ssyncadd.s32 $0xFFFFD800  }
0x4f: {  	_ =	swait.ge [sflag:s16], $0x2800  }
0x50: {  	[sflag:s16] =	ssyncset.done $0x0  }
0x51: {  	[sflag:s16] =	ssyncadd.s32 $0xFFFFD800  }
0x52: {  	[hbm4b:s19+s2] =	stream.linear.scatter [tilespmem:s13], [sflag:$0x3], $0x2800, $0x38;
	[tilespmem:$0x5100] =	vst v63  }
0x53: {  	s17 =	sadd.s32 $0x1, s17;
	_ =	swait.ge [sflag:s10], $0x2800  }
0x54: {  	p0 =	sne.s32 s17, s5;
	[sflag:s10] =	ssyncset.done $0x0  }
.Ltmp1:
0x55: {  	[sflag:s10] =	ssyncadd.s32 $0xFFFFD800;
	(pc) =	sbr.rel @p0 .LBB2_1-.Ltmp1, $4  }
0x56: {  	[hbm4b:s18+s2] =	stream.linear.scatter [tilespmem:s14], [sflag:$0x3], $0x2800, $0x38;
	[tilespmem:$0x5100] =	vst v63  }
0x57: {  	_ =	swait.ge [sflag:s10], $0x2800  }
0x58: {  	[sflag:s10] =	ssyncset.done $0x0  }
0x59: {  	[sflag:s10] =	ssyncadd.s32 $0xFFFFD800  }
0x5a: {  	_ =	sfence.sel $0x180000  }
0x5b: {  	[bflag:$0x0] =	sbarrier.arrive $0xFFFF  }
0x5c: {  	p0 =	sne.s32 s1, $0x0;
	_ =	strace $0x90000047  }
0x5d: {  	s0 =	sadd.s32 @!p0 $0x100000, s0;
	[bflag:$0x2] =	sbarrier.arrive $0xFFFF  }
0x5e: {  	[sflag:s0] =	ssyncadd.tile.s32 @!p0 $0x1;
	_ =	shalt  }
.Lfunc_end2:
_tile_overlayer_lowered:
.L_overlay_start_2:
0x5f: {  	(tag) =	ssettag $0x2  }
0x60: {  	s0 =	rddreg [dreg:$0x0];
	s2 =	stileid.u32  }
0x61: {  	s1 =	rddreg [dreg:$0x1];
	p0 =	sne.s32 s2, $0x0  }
0x62: {  	s3 =	rddreg [dreg:$0x2];
	[bflag:$0x3] =	sbarrier.arrive $0xFFFF;
	s2 =	simm.s32 @!p0 $0x1C03  }
0x63: {  	[timem:s3], [sflag:s2] =	dma.local @!p0 [hbm:s0], s1  }
0x64: {  	s0 =	simm.s32 @!p0 $0x3  }
0x65: {  	_ =	swait.ge @!p0 [sflag:s0], s1  }
0x66: {  	s1 =	ssub.s32 @!p0 $0x0, s1;
	[sflag:s0] =	ssyncset.done @!p0 $0x0  }
0x67: {  	[sflag:s0] =	ssyncadd.s32 @!p0 s1  }
0x68: {  	[bflag:$0x3] =	sbarrier.arrive $0xFFFF  }
0x69: {  	_ =	shalt  }

// kernel: kernel.28.cloned.1.call-start
scs
__scs_entry_jumppad:
0x0: {  	(pc) =	sbr.rel $0x88, $3  }
0x1: {  	(tag) =	ssettag $0x0;
	lr =	simm.s32 $0x1  }
0x2: {  	[smem:$0x3F49] =	sst lr;
	_ =	strace $0xD0000000  }
0x3: {  	_ = 	snop  }
0x4: {  	_ = 	snop  }
0x5: {  	_ = 	snop  }
0x6: {  	_ = 	snop  }
0x7: {  	_ = 	snop  }
__scs_overlays_trampoline_lowered:
0x8: {  	[smem:$0x3F58] =	sst s0  }
0x9: {  	[smem:$0x3F59] =	sst s1  }
0xa: {  	[smem:$0x3F5A] =	sst s2  }
0xb: {  	[smem:$0x3F5B] =	sst s3  }
0xc: {  	[smem:$0x3F5C] =	sst s4  }
0xd: {  	[smem:$0x3F5D] =	sst s5  }
0xe: {  	[smem:$0x3F5E] =	sst s6  }
0xf: {  	[smem:$0x3F5F] =	sst s7  }
0x10: {  	[smem:$0x3F60] =	sst s8  }
0x11: {  	[smem:$0x3F61] =	sst s9;
	s0 =	simm.s32 @!p0 $0x0  }
0x12: {  	s1 =	sld [smem:$0x3F47];
	s0 =	simm.s32 @p0 $0x1  }
0x13: {  	[smem:$0x3F62] =	sst s0;
	s0 =	simm.s32 @!p1 $0x0  }
0x14: {  	s2 =	sld [smem:$0x3F46];
	s0 =	simm.s32 @p1 $0x1  }
0x15: {  	[smem:$0x3F63] =	sst s0;
	s0 =	simm.s32 @!p2 $0x0  }
0x16: {  	s3 =	sld [smem:$0x3FDB];
	s0 =	simm.s32 @p2 $0x1  }
0x17: {  	s4 =	simm.s32 $0x1BF5;
	[smem:$0x3F65] =	sst s0  }
0x18: {  	s0 =	sld [smem:$0x3F48];
	_ =	swait.ge [sflag:s4], $0x0  }
0x19: {  	s7 =	sld [smem:$0x3F49]  }
0x1a: {  	s8 =	sadd.s32 $0xFFFFE003, lr  }
0x1b: {  	s9 =	sadd.s32 $0xFFFFFEF7, lr;
	s5 =	simm.s32 $0xFFFFFFFF;
	p2 =	slt.u32 s8, $0xFFFFF086  }
0x1c: {  	p1 =	slt.u32 s9, $0xF7A;
	s5 =	simm.s32 @!p2 $0x0  }
0x1d: {  	s5 =	simm.s32 @p1 $0x1;
	p0 =	seq.s32 s7, s2  }
0x1e: {  	s7 =	smul.u32 @!p0 $0xF7A, s2;
	p2 =	seq.s32 @!p0 s5, $0x0  }
0x1f: {  	s9 =	smul.u32 $0xF7A, s1;
	s8 =	simm.s32 @!p0 $0x1BF5;
	p2 =	por !p2, p0  }
0x20: {  	[sflag:s8] =	ssyncset.s32 @!p0 $0xFFFFF086;
	s6 =	sadd.s32 @!p0 s3, s7;
	s7 =	simm.s32 @!p0 $0x108  }
0x21: {  	s3 =	sadd.s32 s3, s9;
	s6 =	sadd.s32 @!p0 $0x88, s6;
	s7 =	simm.s32 @p2 $0x1082  }
0x22: {  	[simem:s7], [sflag:s8] =	dma.local @!p0 [hbm:s6], $0xF7A  }
0x23: {  	s9 =	sor.u32 $0xD0000000, s2;
	s6 =	simm.s32 $0x108;
	_ =	swait.ge @!p0 [sflag:s8], $0x0  }
0x24: {  	s3 =	sadd.s32 $0x88, s3;
	s6 =	simm.s32 @!p1 $0x1082;
	[sflag:s4] =	ssyncset.s32 $0xFFFFF086  }
0x25: {  	[simem:s6], [sflag:s4] =	dma.local [hbm:s3], $0xF7A  }
0x26: {  	[smem:$0x3F49] =	sst s1;
	(tag) =	ssettag s2;
	_ =	strace s9  }
0x27: {  	s1 =	sld [smem:$0x3F59]  }
0x28: {  	s2 =	sld [smem:$0x3F5A]  }
0x29: {  	s4 =	sld [smem:$0x3F5C]  }
0x2a: {  	p0 =	seq.s32 s5, $0x0;
	s5 =	sld [smem:$0x3F5D]  }
0x2b: {  	s6 =	sld [smem:$0x3F5E]  }
0x2c: {  	s7 =	sld [smem:$0x3F5F]  }
0x2d: {  	s3 =	simm.s32 $0x108;
	s8 =	sld [smem:$0x3F60]  }
0x2e: {  	s3 =	simm.s32 @!p0 $0x1082;
	s9 =	sld [smem:$0x3F61]  }
0x2f: {  	lr =	sadd.s32 s0, s3;
	s0 =	sld [smem:$0x3F58]  }
0x30: {  	s3 =	sld [smem:$0x3F5B]  }
0x31: {  	[smem:$0x3F64] =	sst s10  }
0x32: {  	s10 =	sld [smem:$0x3F62];
	_ =	sdelay $0x3  }
0x33: {  	p0 =	seq.s32 s10, $0x1;
	s10 =	sld [smem:$0x3F64];
	_ =	sdelay $0x3  }
0x34: {  	[smem:$0x3F64] =	sst s10  }
0x35: {  	s10 =	sld [smem:$0x3F63];
	_ =	sdelay $0x3  }
0x36: {  	p1 =	seq.s32 s10, $0x1;
	s10 =	sld [smem:$0x3F64];
	_ =	sdelay $0x3  }
0x37: {  	[smem:$0x3F64] =	sst s10  }
0x38: {  	s10 =	sld [smem:$0x3F65]  }
0x39: {  	_ = 	snop;
	(pc) =	sbr.ind lr, $3  }
0x3a: {  	_ = 	snop  }
0x3b: {  	_ = 	snop  }
0x3c: {  	p2 =	seq.s32 s10, $0x1;
	s10 =	sld [smem:$0x3F64]  }
0x3d: {  	_ =	shalt  }
0x3e: {  	_ =	shalt  }
0x3f: {  	_ =	shalt  }
0x40: {  	_ =	shalt  }
0x41: {  	_ =	shalt  }
0x42: {  	_ =	shalt  }
0x43: {  	_ =	shalt  }
0x44: {  	_ =	shalt  }
0x45: {  	_ =	shalt  }
0x46: {  	_ =	shalt  }
0x47: {  	_ =	shalt  }
0x48: {  	_ =	shalt  }
0x49: {  	_ =	shalt  }
0x4a: {  	_ =	shalt  }
0x4b: {  	_ =	shalt  }
0x4c: {  	_ =	shalt  }
0x4d: {  	_ =	shalt  }
0x4e: {  	_ =	shalt  }
0x4f: {  	_ =	shalt  }
0x50: {  	_ =	shalt  }
0x51: {  	_ =	shalt  }
0x52: {  	_ =	shalt  }
0x53: {  	_ =	shalt  }
0x54: {  	_ =	shalt  }
0x55: {  	_ =	shalt  }
0x56: {  	_ =	shalt  }
0x57: {  	_ =	shalt  }
0x58: {  	_ =	shalt  }
0x59: {  	_ =	shalt  }
0x5a: {  	_ =	shalt  }
0x5b: {  	_ =	shalt  }
0x5c: {  	_ =	shalt  }
0x5d: {  	_ =	shalt  }
0x5e: {  	_ =	shalt  }
0x5f: {  	_ =	shalt  }
0x60: {  	_ =	shalt  }
0x61: {  	_ =	shalt  }
0x62: {  	_ =	shalt  }
0x63: {  	_ =	shalt  }
0x64: {  	_ =	shalt  }
0x65: {  	_ =	shalt  }
0x66: {  	_ =	shalt  }
0x67: {  	_ =	shalt  }
0x68: {  	_ =	shalt  }
0x69: {  	_ =	shalt  }
0x6a: {  	_ =	shalt  }
0x6b: {  	_ =	shalt  }
0x6c: {  	_ =	shalt  }
0x6d: {  	_ =	shalt  }
0x6e: {  	_ =	shalt  }
0x6f: {  	_ =	shalt  }
0x70: {  	_ =	shalt  }
0x71: {  	_ =	shalt  }
0x72: {  	_ =	shalt  }
0x73: {  	_ =	shalt  }
0x74: {  	_ =	shalt  }
0x75: {  	_ =	shalt  }
0x76: {  	_ =	shalt  }
0x77: {  	_ =	shalt  }
0x78: {  	_ =	shalt  }
0x79: {  	_ =	shalt  }
0x7a: {  	_ =	shalt  }
0x7b: {  	_ =	shalt  }
0x7c: {  	_ =	shalt  }
0x7d: {  	_ =	shalt  }
0x7e: {  	_ =	shalt  }
0x7f: {  	_ =	shalt  }
0x80: {  	_ =	shalt  }
0x81: {  	_ =	shalt  }
0x82: {  	_ =	shalt  }
0x83: {  	_ =	shalt  }
0x84: {  	_ =	shalt  }
0x85: {  	_ =	shalt  }
0x86: {  	_ =	shalt  }
0x87: {  	_ =	shalt  }
.Lfunc_end0:
.L_simem_size_0:
called_computation.1_lowered:
.L_overlay_start_0:
0x88: {  	s2 =	sld [smem:$0x3FD9]  }
0x89: {  	s3 =	sld [smem:$0x3FFE];
	_ =	sdelay $0x1  }
0x8a: {  	s1 =	srdreg.scid  }
0x8b: {  	s0 =	sand.u32 $0x1, s1  }
0x8c: {  	s16 =	sshll.u32 s0, $0xA;
	s2 =	sadd.s32 s3, s2  }
0x8d: {  	s2 =	sadd.s32 s2, s16  }
0x8e: {  	[smem:$0x3F70] =	sst s2  }
0x8f: {  	_ = 	snop  }
0x90: {  	(tm) =	ssettm $0x1  }
0x91: {  	s17 =	sld [smem:$0x3FFB];
	_ =	sdelay $0x3  }
0x92: {  	_ =	strace s17  }
0x93: {  	s2 =	sld [smem:$0x3FFC];
	_ =	sdelay $0x3  }
0x94: {  	_ =	strace s2  }
0x95: {  	s2 =	sld [smem:$0x3FFD];
	_ =	sdelay $0x3  }
0x96: {  	_ =	strace s2  }
0x97: {  	_ =	strace $0x8FFFFFFF  }
0x98: {  	s18 =	sld [smem:$0x3FDB];
	_ =	sdelay $0x1  }
0x99: {  	s19 =	simm.s32 $_scs_section_size  }
0x9a: {  	s4 =	simm.s32 $_size__tile_overlayer_lowered;
	s5 =	simm.s32 $_tile_overlayer_lowered  }
0x9b: {  	s22 =	simm.s32 $0x1BFF;
	s21 =	sshll.u32 s5, $0x1;
	s2 =	sadd.s32 s19, s18  }
0x9c: {  	s6 =	simm.s32 $0x0;
	s20 =	sshll.u32 s4, $0x1;
	s4 =	sadd.s32 s21, s2  }
0x9d: {  	[timem:s6], [sflag:s22] =	dma.local [hbm:s4], s20  }
0x9e: {  	_ =	swait.ge [sflag:s22], s20  }
0x9f: {  	s3 =	ssub.s32 $0x0, s20;
	[sflag:s22] =	ssyncset.done $0x0  }
0xa0: {  	[sflag:s22] =	ssyncadd.s32 s3;
	_ =	sdelay $0x1  }
0xa1: {  	s23 =	simm.s32 $0x1B8B  }
0xa2: {  	_ =	swait.ge [sflag:s23], $0x1  }
0xa3: {  	[sflag:s23] =	ssyncset.done $0x0  }
0xa4: {  	s25 =	simm.s32 $0x1B8E;
	s24 =	sld [smem:$0x3FFE];
	[sflag:s23] =	ssyncadd.s32 $0xFFFFFFFF  }
0xa5: {  	s26 =	simm.s32 $execute0_lowered;
	[smem:$0x3FD2] =	sst s25  }
0xa6: {  	s4 =	sshll.u32 s26, $0x1;
	_ =	strace $0x80000049;
	[dreg:$0x1] =	wrdreg $0xFFFFFFFF  }
0xa7: {  	s28 =	simm.s32 $_size_execute0_lowered;
	s2 =	sadd.s32 s2, s4;
	[dreg:$0x0] =	wrdreg $0x0  }
0xa8: {  	s4 =	sshll.u32 s28, $0x1;
	[dreg:$0x2] =	wrdreg s2  }
0xa9: {  	[dreg:$0x3] =	wrdreg s4  }
0xaa: {  	[dreg:$0x4] =	wrdreg $0xC0  }
0xab: {  	_ =	task [dreg:s6], $0x5FFFF  }
0xac: {  	[dreg:$0x1] =	wrdreg $0xFFFFFFFF  }
0xad: {  	[dreg:$0x0] =	wrdreg $0x60  }
0xae: {  	[dreg:$0x2] =	wrdreg s24  }
0xaf: {  	[dreg:$0x3] =	wrdreg $0x28800  }
0xb0: {  	[dreg:$0x4] =	wrdreg $0x9  }
0xb1: {  	_ =	task.clear_ibuf [dreg:s6], $0x5FFFF;
	_ =	strace $0x90000049  }
0xb2: {  	s29 =	simm.s32 $0x9;
	_ =	strace $0x8000004B  }
0xb3: {  	_ =	swait.ge [sflag:s29], $0x1  }
0xb4: {  	[sflag:s29] =	ssyncadd.s32 $0xFFFFFFFF  }
0xb5: {  	_ =	strace $0x9000004B  }
0xb6: {  	_ =	sfence  }
0xb7: {  	s30 =	sld [smem:$0x0];
	_ =	sdelay $0x2  }
0xb8: {  	s31 =	sshll.u32 s1, $0xD;
	s1 =	sshrl.u32 s1, $0x2  }
0xb9: {  	s3 =	sand.u32 $0x4000, s31;
	s1 =	sadd.s32 s1, s30  }
0xba: {  	s0 =	sor.u32 s3, s0;
	s1 =	sshll.u32 s1, $0x11  }
0xbb: {  	s0 =	sor.u32 s1, s0  }
0xbc: {  	s0 =	sadd.s32 $0x8F2B, s0  }
0xbd: {  	[sflag:s0] =	ssyncadd.remote.s32 $0x1  }
0xbe: {  	_ =	sfence.sel $0xFFFF  }
0xbf: {  	[dreg:$0x0] =	wrdreg $0xFFFFFFFF;
	(pc) =	sbr.abs _section_cstart, $3  }
0xc0: {  	[dreg:$0x1] =	wrdreg $0xFFFFFFFF  }
0xc1: {  	_ =	task.clear_ibuf [dreg:s6], $0x2FFFF;
	_ =	strace $0x9FFFFFFF  }
0xc2: {  	(tm) =	ssettm $0x7FFFFFFF  }
0xc3: {  	_ =	shalt  }
tec
execute0_lowered:
.L_overlay_start_1:
0x0: {  	(tag) =	ssettag $0x1  }
0x1: {  	s4 =	rddreg [dreg:$0x0];
	s1 =	stileid.u32  }
0x2: {  	s2 =	rddreg [dreg:$0x1];
	s5 =	smul.u32 $0xA00, s1  }
0x3: {  	s0 =	rddreg [dreg:$0x2];
	s3 =	simm.s32 $0x0;
	s6 =	smul.u32 $0x14, s1  }
0x4: {  	s7 =	srdreg.scid;
	s14 =	simm.s32 $0x50;
	s8 =	smul.u32 $0x13C00, s1  }
0x5: {  	s15 =	simm.s32 $0x0;
	s7 =	sand.u32 $0x1, s7;
	s12 =	smul.u32 $0x4F000, s1  }
0x6: {  	[smem:$0x7FF] =	sst s3;
	s30 =	sshll.u32 s1, $0x6;
	s9 =	smul.u32 $0x13C000, s7  }
0x7: {  	_ =	strace $0x8000004A;
	s25 =	ssub.s32 $0x2, s7;
	s28 =	smul.u32 $0x500, s7  }
0x8: {  	s7 =	smul.u32 $0xA, s7;
	s10 =	sadd.s32 s5, s4;
	s11 =	sadd.s32 s6, s4  }
0x9: {  	s23 =	sshrl.u32 s8, $0x3;
	s26 =	sshrl.u32 s25, $0x1;
	s29 =	sshrl.u32 s12, $0x2  }
0xa: {  	s12 =	simm.s32 $0x2;
	s5 =	sadd.s32 s23, s4;
	s24 =	sadd.s32 s8, s9  }
0xb: {  	s8 =	ssub.s32 s25, s26;
	s13 =	sadd.s32 s29, s2;
	s9 =	sadd.s32 s28, s10  }
0xc: {  	s31 =	sadd.s32 s7, s11;
	s11 =	simm.s32 $0x1;
	s6 =	sshrl.u32 s24, $0x3  }
0xd: {  	s7 =	smax.u32 s8, $0x1;
	s8 =	sadd.s32 $0xA5F800, s9;
	s9 =	sadd.s32 $0x1C400, s31  }
0xe: {  	s10 =	sshrl.u32 s13, $0x3;
	s13 =	simm.s32 $0x80;
	s6 =	sadd.s32 s6, s4  }
0xf: {  	s4 =	sadd.s32 $0x26200, s5;
	s5 =	sor.u32 $0x1C01, s30;
	s6 =	sadd.s32 $0x9B800, s6  }
.LBB2_1:
0x10: {  	[spmem:s10], [sflag:s5] =	dma.local [hbm:s4], $0x2780  }
0x11: {  	_ =	swait.ge [sflag:s11], $0x2780  }
0x12: {  	[sflag:s11] =	ssyncset.done $0x0  }
0x13: {  	[sflag:s11] =	ssyncadd.s32 $0xFFFFD880  }
0x14: {  	s16 =	sadd.s32 $0x0, s9;
	[bflag:$0x0] =	sbarrier.arrive $0xFFFF  }
0x15: {  	[tilespmem:s3], [sflag:$0x2] =	stream.linear.gather [hbm4b:s16+s3], $0x50, $0x38;
	[tilespmem:$0x16480] =	vst v63  }
0x16: {  	_ =	swait.ge [sflag:s12], $0x50  }
0x17: {  	[sflag:s12] =	ssyncset.done $0x0  }
0x18: {  	[sflag:s12] =	ssyncadd.s32 $0xFFFFFFB0  }
0x19: {  	[tilespmem:s13], [sflag:$0x2] =	stream.linear.gather [hbm4b:s8+s3], $0x2800, $0x38;
	[tilespmem:$0x16480] =	vst v63  }
0x1a: {  	_ =	swait.ge [sflag:s12], $0x2800  }
0x1b: {  	[sflag:s12] =	ssyncset.done $0x0  }
0x1c: {  	[sflag:s12] =	ssyncadd.s32 $0xFFFFD800  }
0x1d: {  	[spmem:s2] =	stream.indirect.scatter.add.f32 [tilespmem:s13], [sflag:$0x1], $0x80, s3, s14, $0xb8;
	[tilespmem:$0x16480] =	vst v63  }
0x1e: {  	s17 =	simm.s32 $0x140;
	_ =	swait.ge [sflag:s11], $0x2800  }
0x1f: {  	s18 =	simm.s32 $0x280;
	s16 =	sadd.s32 $0xA000, s8;
	[sflag:s11] =	ssyncset.done $0x0  }
.LBB2_2:
0x20: {  	s19 =	sadd.s32 s17, s9  }
0x21: {  	[sflag:s11] =	ssyncadd.s32 $0xFFFFD800;
	s17 =	smov.u32 s18;
	s20 =	sadd.s32 $0x140, s18  }
0x22: {  	[tilespmem:s3], [sflag:$0x2] =	stream.linear.gather [hbm4b:s19+s3], $0x50, $0x38;
	[tilespmem:$0x16480] =	vst v63  }
0x23: {  	p0 =	sne.s32 s18, $0x9B00;
	_ =	swait.ge [sflag:s12], $0x50  }
0x24: {  	[sflag:s12] =	ssyncset.done $0x0  }
0x25: {  	[sflag:s12] =	ssyncadd.s32 $0xFFFFFFB0  }
0x26: {  	[tilespmem:s13], [sflag:$0x2] =	stream.linear.gather [hbm4b:s16+s3], $0x2800, $0x38;
	[tilespmem:$0x16480] =	vst v63  }
0x27: {  	_ =	swait.ge [sflag:s12], $0x2800  }
.Ltmp0:
0x28: {  	[sflag:s12] =	ssyncset.done $0x0;
	(pc) =	sbr.rel @p0 .LBB2_2-.Ltmp0, $4  }
0x29: {  	[sflag:s12] =	ssyncadd.s32 $0xFFFFD800  }
0x2a: {  	[spmem:s2] =	stream.indirect.scatter.add.f32 [tilespmem:s13], [sflag:$0x1], $0x80, s3, s14, $0xb8;
	[tilespmem:$0x16480] =	vst v63  }
0x2b: {  	_ =	swait.ge [sflag:s11], $0x2800  }
0x2c: {  	s18 =	smov.u32 s20;
	s16 =	sadd.s32 $0xA000, s16;
	[sflag:s11] =	ssyncset.done $0x0  }
0x2d: {  	s17 =	sadd.s32 s17, s9;
	[sflag:s11] =	ssyncadd.s32 $0xFFFFD800  }
0x2e: {  	[tilespmem:s3], [sflag:$0x2] =	stream.linear.gather [hbm4b:s17+s3], $0x50, $0x38;
	[tilespmem:$0x16480] =	vst v63  }
0x2f: {  	_ =	swait.ge [sflag:s12], $0x50  }
0x30: {  	[sflag:s12] =	ssyncset.done $0x0  }
0x31: {  	[sflag:s12] =	ssyncadd.s32 $0xFFFFFFB0  }
0x32: {  	[tilespmem:s13], [sflag:$0x2] =	stream.linear.gather [hbm4b:s16+s3], $0x2800, $0x38;
	[tilespmem:$0x16480] =	vst v63  }
0x33: {  	_ =	swait.ge [sflag:s12], $0x2800  }
0x34: {  	[sflag:s12] =	ssyncset.done $0x0  }
0x35: {  	[sflag:s12] =	ssyncadd.s32 $0xFFFFD800  }
0x36: {  	[spmem:s2] =	stream.indirect.scatter.add.f32 [tilespmem:s13], [sflag:$0x1], $0x80, s3, s14, $0xb8;
	[tilespmem:$0x16480] =	vst v63  }
0x37: {  	_ =	swait.ge [sflag:s11], $0x2800  }
0x38: {  	s15 =	sadd.s32 $0x1, s15;
	[sflag:s11] =	ssyncset.done $0x0  }
0x39: {  	p0 =	sne.s32 s15, s7;
	[sflag:s11] =	ssyncadd.s32 $0xFFFFD800  }
.Ltmp1:
0x3a: {  	[bflag:$0x0] =	sbarrier.arrive $0xFFFF;
	(pc) =	sbr.rel @p0 .LBB2_1-.Ltmp1, $4  }
0x3b: {  	[hbm:s6], [sflag:s5] =	dma.local [spmem:s10], $0x2780  }
0x3c: {  	_ =	swait.ge [sflag:s11], $0x2780  }
0x3d: {  	[sflag:s11] =	ssyncset.done $0x0  }
0x3e: {  	[sflag:s11] =	ssyncadd.s32 $0xFFFFD880  }
0x3f: {  	_ =	sfence.sel $0x180000  }
0x40: {  	[bflag:$0x0] =	sbarrier.arrive $0xFFFF  }
0x41: {  	p0 =	sne.s32 s1, $0x0;
	_ =	strace $0x9000004A  }
0x42: {  	s0 =	sadd.s32 @!p0 $0x100000, s0;
	[bflag:$0x2] =	sbarrier.arrive $0xFFFF  }
0x43: {  	[sflag:s0] =	ssyncadd.tile.s32 @!p0 $0x1;
	_ =	shalt  }
.Lfunc_end2:
_tile_overlayer_lowered:
.L_overlay_start_2:
0x44: {  	(tag) =	ssettag $0x2  }
0x45: {  	s0 =	rddreg [dreg:$0x0];
	s2 =	stileid.u32  }
0x46: {  	s1 =	rddreg [dreg:$0x1];
	p0 =	sne.s32 s2, $0x0  }
0x47: {  	s3 =	rddreg [dreg:$0x2];
	[bflag:$0x3] =	sbarrier.arrive $0xFFFF;
	s2 =	simm.s32 @!p0 $0x1C01  }
0x48: {  	[timem:s3], [sflag:s2] =	dma.local @!p0 [hbm:s0], s1  }
0x49: {  	s0 =	simm.s32 @!p0 $0x1  }
0x4a: {  	_ =	swait.ge @!p0 [sflag:s0], s1  }
0x4b: {  	s1 =	ssub.s32 @!p0 $0x0, s1;
	[sflag:s0] =	ssyncset.done @!p0 $0x0  }
0x4c: {  	[sflag:s0] =	ssyncadd.s32 @!p0 s1  }
0x4d: {  	[bflag:$0x3] =	sbarrier.arrive $0xFFFF  }
0x4e: {  	_ =	shalt  }

// kernel: kernel.31.cloned.1.call-start
scs
__scs_entry_jumppad:
0x0: {  	(pc) =	sbr.rel $0x88, $3  }
0x1: {  	(tag) =	ssettag $0x0;
	lr =	simm.s32 $0x1  }
0x2: {  	[smem:$0x3F49] =	sst lr;
	_ =	strace $0xD0000000  }
0x3: {  	_ = 	snop  }
0x4: {  	_ = 	snop  }
0x5: {  	_ = 	snop  }
0x6: {  	_ = 	snop  }
0x7: {  	_ = 	snop  }
__scs_overlays_trampoline_lowered:
0x8: {  	[smem:$0x3F58] =	sst s0  }
0x9: {  	[smem:$0x3F59] =	sst s1  }
0xa: {  	[smem:$0x3F5A] =	sst s2  }
0xb: {  	[smem:$0x3F5B] =	sst s3  }
0xc: {  	[smem:$0x3F5C] =	sst s4  }
0xd: {  	[smem:$0x3F5D] =	sst s5  }
0xe: {  	[smem:$0x3F5E] =	sst s6  }
0xf: {  	[smem:$0x3F5F] =	sst s7  }
0x10: {  	[smem:$0x3F60] =	sst s8  }
0x11: {  	[smem:$0x3F61] =	sst s9;
	s0 =	simm.s32 @!p0 $0x0  }
0x12: {  	s1 =	sld [smem:$0x3F47];
	s0 =	simm.s32 @p0 $0x1  }
0x13: {  	[smem:$0x3F62] =	sst s0;
	s0 =	simm.s32 @!p1 $0x0  }
0x14: {  	s2 =	sld [smem:$0x3F46];
	s0 =	simm.s32 @p1 $0x1  }
0x15: {  	[smem:$0x3F63] =	sst s0;
	s0 =	simm.s32 @!p2 $0x0  }
0x16: {  	s3 =	sld [smem:$0x3FDB];
	s0 =	simm.s32 @p2 $0x1  }
0x17: {  	s4 =	simm.s32 $0x1BF5;
	[smem:$0x3F65] =	sst s0  }
0x18: {  	s0 =	sld [smem:$0x3F48];
	_ =	swait.ge [sflag:s4], $0x0  }
0x19: {  	s7 =	sld [smem:$0x3F49]  }
0x1a: {  	s8 =	sadd.s32 $0xFFFFE003, lr  }
0x1b: {  	s9 =	sadd.s32 $0xFFFFFEF7, lr;
	s5 =	simm.s32 $0xFFFFFFFF;
	p2 =	slt.u32 s8, $0xFFFFF086  }
0x1c: {  	p1 =	slt.u32 s9, $0xF7A;
	s5 =	simm.s32 @!p2 $0x0  }
0x1d: {  	s5 =	simm.s32 @p1 $0x1;
	p0 =	seq.s32 s7, s2  }
0x1e: {  	s7 =	smul.u32 @!p0 $0xF7A, s2;
	p2 =	seq.s32 @!p0 s5, $0x0  }
0x1f: {  	s9 =	smul.u32 $0xF7A, s1;
	s8 =	simm.s32 @!p0 $0x1BF5;
	p2 =	por !p2, p0  }
0x20: {  	[sflag:s8] =	ssyncset.s32 @!p0 $0xFFFFF086;
	s6 =	sadd.s32 @!p0 s3, s7;
	s7 =	simm.s32 @!p0 $0x108  }
0x21: {  	s3 =	sadd.s32 s3, s9;
	s6 =	sadd.s32 @!p0 $0x88, s6;
	s7 =	simm.s32 @p2 $0x1082  }
0x22: {  	[simem:s7], [sflag:s8] =	dma.local @!p0 [hbm:s6], $0xF7A  }
0x23: {  	s9 =	sor.u32 $0xD0000000, s2;
	s6 =	simm.s32 $0x108;
	_ =	swait.ge @!p0 [sflag:s8], $0x0  }
0x24: {  	s3 =	sadd.s32 $0x88, s3;
	s6 =	simm.s32 @!p1 $0x1082;
	[sflag:s4] =	ssyncset.s32 $0xFFFFF086  }
0x25: {  	[simem:s6], [sflag:s4] =	dma.local [hbm:s3], $0xF7A  }
0x26: {  	[smem:$0x3F49] =	sst s1;
	(tag) =	ssettag s2;
	_ =	strace s9  }
0x27: {  	s1 =	sld [smem:$0x3F59]  }
0x28: {  	s2 =	sld [smem:$0x3F5A]  }
0x29: {  	s4 =	sld [smem:$0x3F5C]  }
0x2a: {  	p0 =	seq.s32 s5, $0x0;
	s5 =	sld [smem:$0x3F5D]  }
0x2b: {  	s6 =	sld [smem:$0x3F5E]  }
0x2c: {  	s7 =	sld [smem:$0x3F5F]  }
0x2d: {  	s3 =	simm.s32 $0x108;
	s8 =	sld [smem:$0x3F60]  }
0x2e: {  	s3 =	simm.s32 @!p0 $0x1082;
	s9 =	sld [smem:$0x3F61]  }
0x2f: {  	lr =	sadd.s32 s0, s3;
	s0 =	sld [smem:$0x3F58]  }
0x30: {  	s3 =	sld [smem:$0x3F5B]  }
0x31: {  	[smem:$0x3F64] =	sst s10  }
0x32: {  	s10 =	sld [smem:$0x3F62];
	_ =	sdelay $0x3  }
0x33: {  	p0 =	seq.s32 s10, $0x1;
	s10 =	sld [smem:$0x3F64];
	_ =	sdelay $0x3  }
0x34: {  	[smem:$0x3F64] =	sst s10  }
0x35: {  	s10 =	sld [smem:$0x3F63];
	_ =	sdelay $0x3  }
0x36: {  	p1 =	seq.s32 s10, $0x1;
	s10 =	sld [smem:$0x3F64];
	_ =	sdelay $0x3  }
0x37: {  	[smem:$0x3F64] =	sst s10  }
0x38: {  	s10 =	sld [smem:$0x3F65]  }
0x39: {  	_ = 	snop;
	(pc) =	sbr.ind lr, $3  }
0x3a: {  	_ = 	snop  }
0x3b: {  	_ = 	snop  }
0x3c: {  	p2 =	seq.s32 s10, $0x1;
	s10 =	sld [smem:$0x3F64]  }
0x3d: {  	_ =	shalt  }
0x3e: {  	_ =	shalt  }
0x3f: {  	_ =	shalt  }
0x40: {  	_ =	shalt  }
0x41: {  	_ =	shalt  }
0x42: {  	_ =	shalt  }
0x43: {  	_ =	shalt  }
0x44: {  	_ =	shalt  }
0x45: {  	_ =	shalt  }
0x46: {  	_ =	shalt  }
0x47: {  	_ =	shalt  }
0x48: {  	_ =	shalt  }
0x49: {  	_ =	shalt  }
0x4a: {  	_ =	shalt  }
0x4b: {  	_ =	shalt  }
0x4c: {  	_ =	shalt  }
0x4d: {  	_ =	shalt  }
0x4e: {  	_ =	shalt  }
0x4f: {  	_ =	shalt  }
0x50: {  	_ =	shalt  }
0x51: {  	_ =	shalt  }
0x52: {  	_ =	shalt  }
0x53: {  	_ =	shalt  }
0x54: {  	_ =	shalt  }
0x55: {  	_ =	shalt  }
0x56: {  	_ =	shalt  }
0x57: {  	_ =	shalt  }
0x58: {  	_ =	shalt  }
0x59: {  	_ =	shalt  }
0x5a: {  	_ =	shalt  }
0x5b: {  	_ =	shalt  }
0x5c: {  	_ =	shalt  }
0x5d: {  	_ =	shalt  }
0x5e: {  	_ =	shalt  }
0x5f: {  	_ =	shalt  }
0x60: {  	_ =	shalt  }
0x61: {  	_ =	shalt  }
0x62: {  	_ =	shalt  }
0x63: {  	_ =	shalt  }
0x64: {  	_ =	shalt  }
0x65: {  	_ =	shalt  }
0x66: {  	_ =	shalt  }
0x67: {  	_ =	shalt  }
0x68: {  	_ =	shalt  }
0x69: {  	_ =	shalt  }
0x6a: {  	_ =	shalt  }
0x6b: {  	_ =	shalt  }
0x6c: {  	_ =	shalt  }
0x6d: {  	_ =	shalt  }
0x6e: {  	_ =	shalt  }
0x6f: {  	_ =	shalt  }
0x70: {  	_ =	shalt  }
0x71: {  	_ =	shalt  }
0x72: {  	_ =	shalt  }
0x73: {  	_ =	shalt  }
0x74: {  	_ =	shalt  }
0x75: {  	_ =	shalt  }
0x76: {  	_ =	shalt  }
0x77: {  	_ =	shalt  }
0x78: {  	_ =	shalt  }
0x79: {  	_ =	shalt  }
0x7a: {  	_ =	shalt  }
0x7b: {  	_ =	shalt  }
0x7c: {  	_ =	shalt  }
0x7d: {  	_ =	shalt  }
0x7e: {  	_ =	shalt  }
0x7f: {  	_ =	shalt  }
0x80: {  	_ =	shalt  }
0x81: {  	_ =	shalt  }
0x82: {  	_ =	shalt  }
0x83: {  	_ =	shalt  }
0x84: {  	_ =	shalt  }
0x85: {  	_ =	shalt  }
0x86: {  	_ =	shalt  }
0x87: {  	_ =	shalt  }
.Lfunc_end0:
.L_simem_size_0:
called_computation.2_lowered:
.L_overlay_start_0:
0x88: {  	s2 =	sld [smem:$0x3FD9]  }
0x89: {  	s3 =	sld [smem:$0x3FFE];
	_ =	sdelay $0x1  }
0x8a: {  	s1 =	srdreg.scid  }
0x8b: {  	s0 =	sand.u32 $0x1, s1  }
0x8c: {  	s16 =	sshll.u32 s0, $0xA;
	s2 =	sadd.s32 s3, s2  }
0x8d: {  	s2 =	sadd.s32 s2, s16  }
0x8e: {  	[smem:$0x3F70] =	sst s2  }
0x8f: {  	_ = 	snop  }
0x90: {  	(tm) =	ssettm $0x1  }
0x91: {  	s17 =	sld [smem:$0x3FFB];
	_ =	sdelay $0x3  }
0x92: {  	_ =	strace s17  }
0x93: {  	s2 =	sld [smem:$0x3FFC];
	_ =	sdelay $0x3  }
0x94: {  	_ =	strace s2  }
0x95: {  	s2 =	sld [smem:$0x3FFD];
	_ =	sdelay $0x3  }
0x96: {  	_ =	strace s2  }
0x97: {  	_ =	strace $0x8FFFFFFF  }
0x98: {  	s18 =	sld [smem:$0x3FDB];
	_ =	sdelay $0x1  }
0x99: {  	s19 =	simm.s32 $_scs_section_size  }
0x9a: {  	s4 =	simm.s32 $_size__tile_overlayer_lowered;
	s5 =	simm.s32 $_tile_overlayer_lowered  }
0x9b: {  	s22 =	simm.s32 $0x1BFF;
	s21 =	sshll.u32 s5, $0x1;
	s2 =	sadd.s32 s19, s18  }
0x9c: {  	s6 =	simm.s32 $0x0;
	s20 =	sshll.u32 s4, $0x1;
	s4 =	sadd.s32 s21, s2  }
0x9d: {  	[timem:s6], [sflag:s22] =	dma.local [hbm:s4], s20  }
0x9e: {  	_ =	swait.ge [sflag:s22], s20  }
0x9f: {  	s3 =	ssub.s32 $0x0, s20;
	[sflag:s22] =	ssyncset.done $0x0  }
0xa0: {  	[sflag:s22] =	ssyncadd.s32 s3;
	_ =	sdelay $0x1  }
0xa1: {  	s23 =	simm.s32 $0x1B8B  }
0xa2: {  	_ =	swait.ge [sflag:s23], $0x1  }
0xa3: {  	[sflag:s23] =	ssyncset.done $0x0  }
0xa4: {  	s25 =	simm.s32 $0x1B8E;
	s24 =	sld [smem:$0x3FFE];
	[sflag:s23] =	ssyncadd.s32 $0xFFFFFFFF  }
0xa5: {  	s26 =	simm.s32 $execute0_lowered;
	[smem:$0x3FD2] =	sst s25  }
0xa6: {  	s4 =	sshll.u32 s26, $0x1;
	_ =	strace $0x8000004C;
	[dreg:$0x1] =	wrdreg $0xFFFFFFFF  }
0xa7: {  	s28 =	simm.s32 $_size_execute0_lowered;
	s2 =	sadd.s32 s2, s4;
	[dreg:$0x0] =	wrdreg $0x0  }
0xa8: {  	s4 =	sshll.u32 s28, $0x1;
	[dreg:$0x2] =	wrdreg s2  }
0xa9: {  	[dreg:$0x3] =	wrdreg s4  }
0xaa: {  	[dreg:$0x4] =	wrdreg $0xC0  }
0xab: {  	_ =	task [dreg:s6], $0x5FFFF  }
0xac: {  	[dreg:$0x1] =	wrdreg $0xFFFFFFFF  }
0xad: {  	[dreg:$0x0] =	wrdreg $0x60  }
0xae: {  	[dreg:$0x2] =	wrdreg s24  }
0xaf: {  	[dreg:$0x3] =	wrdreg $0x9  }
0xb0: {  	_ =	task.clear_ibuf [dreg:s6], $0x4FFFF;
	_ =	strace $0x9000004C  }
0xb1: {  	s29 =	simm.s32 $0x9;
	_ =	strace $0x8000004E  }
0xb2: {  	_ =	swait.ge [sflag:s29], $0x1  }
0xb3: {  	[sflag:s29] =	ssyncadd.s32 $0xFFFFFFFF  }
0xb4: {  	_ =	strace $0x9000004E  }
0xb5: {  	_ =	sfence  }
0xb6: {  	s30 =	sld [smem:$0x0];
	_ =	sdelay $0x2  }
0xb7: {  	s31 =	sshll.u32 s1, $0xD;
	s1 =	sshrl.u32 s1, $0x2  }
0xb8: {  	s3 =	sand.u32 $0x4000, s31;
	s1 =	sadd.s32 s1, s30  }
0xb9: {  	s0 =	sor.u32 s3, s0;
	s1 =	sshll.u32 s1, $0x11  }
0xba: {  	s0 =	sor.u32 s1, s0  }
0xbb: {  	s0 =	sadd.s32 $0x8F2B, s0  }
0xbc: {  	[sflag:s0] =	ssyncadd.remote.s32 $0x1  }
0xbd: {  	_ =	sfence.sel $0xFFFF  }
0xbe: {  	[dreg:$0x0] =	wrdreg $0xFFFFFFFF;
	(pc) =	sbr.abs _section_cstart, $3  }
0xbf: {  	[dreg:$0x1] =	wrdreg $0xFFFFFFFF  }
0xc0: {  	_ =	task.clear_ibuf [dreg:s6], $0x2FFFF;
	_ =	strace $0x9FFFFFFF  }
0xc1: {  	(tm) =	ssettm $0x7FFFFFFF  }
tec
execute0_lowered:
.L_overlay_start_1:
0x0: {  	(tag) =	ssettag $0x1  }
0x1: {  	s5 =	rddreg [dreg:$0x0]  }
0x2: {  	s0 =	rddreg [dreg:$0x1];
	s2 =	simm.s32 $0x0;
	s1 =	stileid.u32  }
0x3: {  	s3 =	srdreg.scid;
	s12 =	simm.s32 $0x50;
	s13 =	simm.s32 $0x100  }
0x4: {  	s14 =	simm.s32 $0x2900;
	s15 =	simm.s32 $0x1;
	s16 =	simm.s32 $0x2  }
0x5: {  	s17 =	simm.s32 $0x0;
	[smem:$0x7FF] =	sst s2;
	s6 =	smul.u32 $0x9C4, s1  }
0x6: {  	s7 =	smul.u32 $0x4E200, s1;
	s8 =	sand.u32 $0x1, s3;
	s3 =	sadd.s32 $0x4DA00, s5  }
0x7: {  	s4 =	sadd.s32 $0x74C00, s5;
	s9 =	ssub.s32 $0x2, s8;
	s10 =	smul.u32 $0x27100, s8  }
0x8: {  	_ =	strace $0x8000004D;
	s8 =	smul.u32 $0x4E2, s8;
	s11 =	sshrl.u32 s9, $0x1  }
0x9: {  	s6 =	sadd.s32 s6, s5;
	s7 =	sadd.s32 s7, s5;
	s30 =	ssub.s32 s9, s11  }
0xa: {  	s7 =	sadd.s32 s10, s7;
	s31 =	sadd.s32 s8, s6;
	s10 =	simm.s32 $0x3  }
0xb: {  	s11 =	simm.s32 $0x80;
	s5 =	smax.u32 s30, $0x1;
	s6 =	sadd.s32 $0xC3000, s7  }
0xc: {  	s7 =	sadd.s32 $0x5A5000, s7;
	s8 =	sadd.s32 $0x1C400, s31;
	s9 =	sadd.s32 $0x12600, s31  }
.LBB2_1:
0xd: {  	s18 =	sadd.s32 $0x0, s8  }
0xe: {  	[tilespmem:s2], [sflag:$0x3] =	stream.linear.gather [hbm4b:s18+s2], $0x50, $0x38;
	[tilespmem:$0x5100] =	vst v63  }
0xf: {  	_ =	swait.ge [sflag:s10], $0x50  }
0x10: {  	[sflag:s10] =	ssyncset.done $0x0  }
0x11: {  	s31 =	sadd.s32 $0x0, s9;
	[sflag:s10] =	ssyncadd.s32 $0xFFFFFFB0  }
0x12: {  	[tilespmem:s11], [sflag:$0x3] =	stream.linear.gather [hbm4b:s31+s2], $0x50, $0x38;
	[tilespmem:$0x5100] =	vst v63  }
0x13: {  	_ =	swait.ge [sflag:s10], $0x50  }
0x14: {  	[sflag:s10] =	ssyncset.done $0x0  }
0x15: {  	[sflag:s10] =	ssyncadd.s32 $0xFFFFFFB0  }
0x16: {  	[tilespmem:s13], [sflag:$0x1] =	stream.indirect.gather [hbm4b:s3+s12], $0x80, s2, s12, $0xb8;
	[tilespmem:$0x5100] =	vst v63  }
0x17: {  	_ = 	snop  }
0x18: {  	[tilespmem:s14], [sflag:$0x2] =	stream.indirect.gather [hbm4b:s4+s12], $0x80, s11, s12, $0xb8;
	[tilespmem:$0x5100] =	vst v63  }
0x19: {  	_ =	swait.ge [sflag:s15], $0x2800  }
0x1a: {  	[sflag:s15] =	ssyncset.done $0x0  }
0x1b: {  	[sflag:s15] =	ssyncadd.s32 $0xFFFFD800  }
0x1c: {  	_ =	swait.ge [sflag:s16], $0x2800  }
0x1d: {  	[sflag:s16] =	ssyncset.done $0x0  }
0x1e: {  	[sflag:s16] =	ssyncadd.s32 $0xFFFFD800  }
0x1f: {  	[hbm4b:s6+s2] =	stream.linear.scatter [tilespmem:s13], [sflag:$0x3], $0x2800, $0x38;
	[tilespmem:$0x5100] =	vst v63  }
0x20: {  	_ =	swait.ge [sflag:s10], $0x2800  }
0x21: {  	[sflag:s10] =	ssyncset.done $0x0  }
0x22: {  	[sflag:s10] =	ssyncadd.s32 $0xFFFFD800  }
0x23: {  	[hbm4b:s7+s2] =	stream.linear.scatter [tilespmem:s14], [sflag:$0x3], $0x2800, $0x38;
	[tilespmem:$0x5100] =	vst v63  }
0x24: {  	s20 =	simm.s32 $0xA;
	s21 =	simm.s32 $0x14;
	_ =	swait.ge [sflag:s10], $0x2800  }
0x25: {  	s19 =	sadd.s32 $0x500, s6;
	s18 =	sadd.s32 $0x500, s7;
	[sflag:s10] =	ssyncset.done $0x0  }
.LBB2_2:
0x26: {  	s22 =	sadd.s32 s20, s8  }
0x27: {  	[sflag:s10] =	ssyncadd.s32 $0xFFFFD800;
	s23 =	smov.u32 s21;
	s24 =	sadd.s32 $0xA, s21  }
0x28: {  	[tilespmem:s2], [sflag:$0x3] =	stream.linear.gather [hbm4b:s22+s2], $0x50, $0x38;
	[tilespmem:$0x5100] =	vst v63  }
0x29: {  	p0 =	sne.s32 s21, $0x4D8;
	_ =	swait.ge [sflag:s10], $0x50  }
0x2a: {  	[sflag:s10] =	ssyncset.done $0x0  }
0x2b: {  	s21 =	sadd.s32 s20, s9;
	s20 =	smov.u32 s23;
	[sflag:s10] =	ssyncadd.s32 $0xFFFFFFB0  }
0x2c: {  	[tilespmem:s11], [sflag:$0x3] =	stream.linear.gather [hbm4b:s21+s2], $0x50, $0x38;
	[tilespmem:$0x5100] =	vst v63  }
0x2d: {  	_ =	swait.ge [sflag:s10], $0x50  }
0x2e: {  	[sflag:s10] =	ssyncset.done $0x0  }
0x2f: {  	[sflag:s10] =	ssyncadd.s32 $0xFFFFFFB0  }
0x30: {  	[tilespmem:s13], [sflag:$0x1] =	stream.indirect.gather [hbm4b:s3+s12], $0x80, s2, s12, $0xb8;
	[tilespmem:$0x5100] =	vst v63  }
0x31: {  	_ = 	snop  }
0x32: {  	[tilespmem:s14], [sflag:$0x2] =	stream.indirect.gather [hbm4b:s4+s12], $0x80, s11, s12, $0xb8;
	[tilespmem:$0x5100] =	vst v63  }
0x33: {  	_ =	swait.ge [sflag:s15], $0x2800  }
0x34: {  	[sflag:s15] =	ssyncset.done $0x0  }
0x35: {  	[sflag:s15] =	ssyncadd.s32 $0xFFFFD800  }
0x36: {  	_ =	swait.ge [sflag:s16], $0x2800  }
0x37: {  	[sflag:s16] =	ssyncset.done $0x0  }
0x38: {  	[sflag:s16] =	ssyncadd.s32 $0xFFFFD800  }
0x39: {  	[hbm4b:s19+s2] =	stream.linear.scatter [tilespmem:s13], [sflag:$0x3], $0x2800, $0x38;
	[tilespmem:$0x5100] =	vst v63  }
0x3a: {  	_ =	swait.ge [sflag:s10], $0x2800  }
.Ltmp0:
0x3b: {  	[sflag:s10] =	ssyncset.done $0x0;
	(pc) =	sbr.rel @p0 .LBB2_2-.Ltmp0, $4  }
0x3c: {  	[sflag:s10] =	ssyncadd.s32 $0xFFFFD800  }
0x3d: {  	[hbm4b:s18+s2] =	stream.linear.scatter [tilespmem:s14], [sflag:$0x3], $0x2800, $0x38;
	[tilespmem:$0x5100] =	vst v63  }
0x3e: {  	s21 =	smov.u32 s24;
	_ =	swait.ge [sflag:s10], $0x2800  }
0x3f: {  	s19 =	sadd.s32 $0x500, s19;
	s18 =	sadd.s32 $0x500, s18;
	[sflag:s10] =	ssyncset.done $0x0  }
0x40: {  	s21 =	sadd.s32 s20, s8;
	[sflag:s10] =	ssyncadd.s32 $0xFFFFD800  }
0x41: {  	[tilespmem:s2], [sflag:$0x3] =	stream.linear.gather [hbm4b:s21+s2], $0x50, $0x38;
	[tilespmem:$0x5100] =	vst v63  }
0x42: {  	_ =	swait.ge [sflag:s10], $0x50  }
0x43: {  	[sflag:s10] =	ssyncset.done $0x0  }
0x44: {  	s31 =	sadd.s32 s20, s9;
	[sflag:s10] =	ssyncadd.s32 $0xFFFFFFB0  }
0x45: {  	[tilespmem:s11], [sflag:$0x3] =	stream.linear.gather [hbm4b:s31+s2], $0x50, $0x38;
	[tilespmem:$0x5100] =	vst v63  }
0x46: {  	_ =	swait.ge [sflag:s10], $0x50  }
0x47: {  	[sflag:s10] =	ssyncset.done $0x0  }
0x48: {  	[sflag:s10] =	ssyncadd.s32 $0xFFFFFFB0  }
0x49: {  	[tilespmem:s13], [sflag:$0x1] =	stream.indirect.gather [hbm4b:s3+s12], $0x80, s2, s12, $0xb8;
	[tilespmem:$0x5100] =	vst v63  }
0x4a: {  	_ = 	snop  }
0x4b: {  	[tilespmem:s14], [sflag:$0x2] =	stream.indirect.gather [hbm4b:s4+s12], $0x80, s11, s12, $0xb8;
	[tilespmem:$0x5100] =	vst v63  }
0x4c: {  	_ =	swait.ge [sflag:s15], $0x2800  }
0x4d: {  	[sflag:s15] =	ssyncset.done $0x0  }
0x4e: {  	[sflag:s15] =	ssyncadd.s32 $0xFFFFD800  }
0x4f: {  	_ =	swait.ge [sflag:s16], $0x2800  }
0x50: {  	[sflag:s16] =	ssyncset.done $0x0  }
0x51: {  	[sflag:s16] =	ssyncadd.s32 $0xFFFFD800  }
0x52: {  	[hbm4b:s19+s2] =	stream.linear.scatter [tilespmem:s13], [sflag:$0x3], $0x2800, $0x38;
	[tilespmem:$0x5100] =	vst v63  }
0x53: {  	s17 =	sadd.s32 $0x1, s17;
	_ =	swait.ge [sflag:s10], $0x2800  }
0x54: {  	p0 =	sne.s32 s17, s5;
	[sflag:s10] =	ssyncset.done $0x0  }
.Ltmp1:
0x55: {  	[sflag:s10] =	ssyncadd.s32 $0xFFFFD800;
	(pc) =	sbr.rel @p0 .LBB2_1-.Ltmp1, $4  }
0x56: {  	[hbm4b:s18+s2] =	stream.linear.scatter [tilespmem:s14], [sflag:$0x3], $0x2800, $0x38;
	[tilespmem:$0x5100] =	vst v63  }
0x57: {  	_ =	swait.ge [sflag:s10], $0x2800  }
0x58: {  	[sflag:s10] =	ssyncset.done $0x0  }
0x59: {  	[sflag:s10] =	ssyncadd.s32 $0xFFFFD800  }
0x5a: {  	_ =	sfence.sel $0x180000  }
0x5b: {  	[bflag:$0x0] =	sbarrier.arrive $0xFFFF  }
0x5c: {  	p0 =	sne.s32 s1, $0x0;
	_ =	strace $0x9000004D  }
0x5d: {  	s0 =	sadd.s32 @!p0 $0x100000, s0;
	[bflag:$0x2] =	sbarrier.arrive $0xFFFF  }
0x5e: {  	[sflag:s0] =	ssyncadd.tile.s32 @!p0 $0x1;
	_ =	shalt  }
.Lfunc_end2:
_tile_overlayer_lowered:
.L_overlay_start_2:
0x5f: {  	(tag) =	ssettag $0x2  }
0x60: {  	s0 =	rddreg [dreg:$0x0];
	s2 =	stileid.u32  }
0x61: {  	s1 =	rddreg [dreg:$0x1];
	p0 =	sne.s32 s2, $0x0  }
0x62: {  	s3 =	rddreg [dreg:$0x2];
	[bflag:$0x3] =	sbarrier.arrive $0xFFFF;
	s2 =	simm.s32 @!p0 $0x1C03  }
0x63: {  	[timem:s3], [sflag:s2] =	dma.local @!p0 [hbm:s0], s1  }
0x64: {  	s0 =	simm.s32 @!p0 $0x3  }
0x65: {  	_ =	swait.ge @!p0 [sflag:s0], s1  }
0x66: {  	s1 =	ssub.s32 @!p0 $0x0, s1;
	[sflag:s0] =	ssyncset.done @!p0 $0x0  }
0x67: {  	[sflag:s0] =	ssyncadd.s32 @!p0 s1  }
0x68: {  	[bflag:$0x3] =	sbarrier.arrive $0xFFFF  }
0x69: {  	_ =	shalt  }

// kernel: kernel.34.cloned.1.call-start
scs
__scs_entry_jumppad:
0x0: {  	(pc) =	sbr.rel $0x88, $3  }
0x1: {  	(tag) =	ssettag $0x0;
	lr =	simm.s32 $0x1  }
0x2: {  	[smem:$0x3F49] =	sst lr;
	_ =	strace $0xD0000000  }
0x3: {  	_ = 	snop  }
0x4: {  	_ = 	snop  }
0x5: {  	_ = 	snop  }
0x6: {  	_ = 	snop  }
0x7: {  	_ = 	snop  }
__scs_overlays_trampoline_lowered:
0x8: {  	[smem:$0x3F58] =	sst s0  }
0x9: {  	[smem:$0x3F59] =	sst s1  }
0xa: {  	[smem:$0x3F5A] =	sst s2  }
0xb: {  	[smem:$0x3F5B] =	sst s3  }
0xc: {  	[smem:$0x3F5C] =	sst s4  }
0xd: {  	[smem:$0x3F5D] =	sst s5  }
0xe: {  	[smem:$0x3F5E] =	sst s6  }
0xf: {  	[smem:$0x3F5F] =	sst s7  }
0x10: {  	[smem:$0x3F60] =	sst s8  }
0x11: {  	[smem:$0x3F61] =	sst s9;
	s0 =	simm.s32 @!p0 $0x0  }
0x12: {  	s1 =	sld [smem:$0x3F47];
	s0 =	simm.s32 @p0 $0x1  }
0x13: {  	[smem:$0x3F62] =	sst s0;
	s0 =	simm.s32 @!p1 $0x0  }
0x14: {  	s2 =	sld [smem:$0x3F46];
	s0 =	simm.s32 @p1 $0x1  }
0x15: {  	[smem:$0x3F63] =	sst s0;
	s0 =	simm.s32 @!p2 $0x0  }
0x16: {  	s3 =	sld [smem:$0x3FDB];
	s0 =	simm.s32 @p2 $0x1  }
0x17: {  	s4 =	simm.s32 $0x1BF5;
	[smem:$0x3F65] =	sst s0  }
0x18: {  	s0 =	sld [smem:$0x3F48];
	_ =	swait.ge [sflag:s4], $0x0  }
0x19: {  	s7 =	sld [smem:$0x3F49]  }
0x1a: {  	s8 =	sadd.s32 $0xFFFFE003, lr  }
0x1b: {  	s9 =	sadd.s32 $0xFFFFFEF7, lr;
	s5 =	simm.s32 $0xFFFFFFFF;
	p2 =	slt.u32 s8, $0xFFFFF086  }
0x1c: {  	p1 =	slt.u32 s9, $0xF7A;
	s5 =	simm.s32 @!p2 $0x0  }
0x1d: {  	s5 =	simm.s32 @p1 $0x1;
	p0 =	seq.s32 s7, s2  }
0x1e: {  	s7 =	smul.u32 @!p0 $0xF7A, s2;
	p2 =	seq.s32 @!p0 s5, $0x0  }
0x1f: {  	s9 =	smul.u32 $0xF7A, s1;
	s8 =	simm.s32 @!p0 $0x1BF5;
	p2 =	por !p2, p0  }
0x20: {  	[sflag:s8] =	ssyncset.s32 @!p0 $0xFFFFF086;
	s6 =	sadd.s32 @!p0 s3, s7;
	s7 =	simm.s32 @!p0 $0x108  }
0x21: {  	s3 =	sadd.s32 s3, s9;
	s6 =	sadd.s32 @!p0 $0x88, s6;
	s7 =	simm.s32 @p2 $0x1082  }
0x22: {  	[simem:s7], [sflag:s8] =	dma.local @!p0 [hbm:s6], $0xF7A  }
0x23: {  	s9 =	sor.u32 $0xD0000000, s2;
	s6 =	simm.s32 $0x108;
	_ =	swait.ge @!p0 [sflag:s8], $0x0  }
0x24: {  	s3 =	sadd.s32 $0x88, s3;
	s6 =	simm.s32 @!p1 $0x1082;
	[sflag:s4] =	ssyncset.s32 $0xFFFFF086  }
0x25: {  	[simem:s6], [sflag:s4] =	dma.local [hbm:s3], $0xF7A  }
0x26: {  	[smem:$0x3F49] =	sst s1;
	(tag) =	ssettag s2;
	_ =	strace s9  }
0x27: {  	s1 =	sld [smem:$0x3F59]  }
0x28: {  	s2 =	sld [smem:$0x3F5A]  }
0x29: {  	s4 =	sld [smem:$0x3F5C]  }
0x2a: {  	p0 =	seq.s32 s5, $0x0;
	s5 =	sld [smem:$0x3F5D]  }
0x2b: {  	s6 =	sld [smem:$0x3F5E]  }
0x2c: {  	s7 =	sld [smem:$0x3F5F]  }
0x2d: {  	s3 =	simm.s32 $0x108;
	s8 =	sld [smem:$0x3F60]  }
0x2e: {  	s3 =	simm.s32 @!p0 $0x1082;
	s9 =	sld [smem:$0x3F61]  }
0x2f: {  	lr =	sadd.s32 s0, s3;
	s0 =	sld [smem:$0x3F58]  }
0x30: {  	s3 =	sld [smem:$0x3F5B]  }
0x31: {  	[smem:$0x3F64] =	sst s10  }
0x32: {  	s10 =	sld [smem:$0x3F62];
	_ =	sdelay $0x3  }
0x33: {  	p0 =	seq.s32 s10, $0x1;
	s10 =	sld [smem:$0x3F64];
	_ =	sdelay $0x3  }
0x34: {  	[smem:$0x3F64] =	sst s10  }
0x35: {  	s10 =	sld [smem:$0x3F63];
	_ =	sdelay $0x3  }
0x36: {  	p1 =	seq.s32 s10, $0x1;
	s10 =	sld [smem:$0x3F64];
	_ =	sdelay $0x3  }
0x37: {  	[smem:$0x3F64] =	sst s10  }
0x38: {  	s10 =	sld [smem:$0x3F65]  }
0x39: {  	_ = 	snop;
	(pc) =	sbr.ind lr, $3  }
0x3a: {  	_ = 	snop  }
0x3b: {  	_ = 	snop  }
0x3c: {  	p2 =	seq.s32 s10, $0x1;
	s10 =	sld [smem:$0x3F64]  }
0x3d: {  	_ =	shalt  }
0x3e: {  	_ =	shalt  }
0x3f: {  	_ =	shalt  }
0x40: {  	_ =	shalt  }
0x41: {  	_ =	shalt  }
0x42: {  	_ =	shalt  }
0x43: {  	_ =	shalt  }
0x44: {  	_ =	shalt  }
0x45: {  	_ =	shalt  }
0x46: {  	_ =	shalt  }
0x47: {  	_ =	shalt  }
0x48: {  	_ =	shalt  }
0x49: {  	_ =	shalt  }
0x4a: {  	_ =	shalt  }
0x4b: {  	_ =	shalt  }
0x4c: {  	_ =	shalt  }
0x4d: {  	_ =	shalt  }
0x4e: {  	_ =	shalt  }
0x4f: {  	_ =	shalt  }
0x50: {  	_ =	shalt  }
0x51: {  	_ =	shalt  }
0x52: {  	_ =	shalt  }
0x53: {  	_ =	shalt  }
0x54: {  	_ =	shalt  }
0x55: {  	_ =	shalt  }
0x56: {  	_ =	shalt  }
0x57: {  	_ =	shalt  }
0x58: {  	_ =	shalt  }
0x59: {  	_ =	shalt  }
0x5a: {  	_ =	shalt  }
0x5b: {  	_ =	shalt  }
0x5c: {  	_ =	shalt  }
0x5d: {  	_ =	shalt  }
0x5e: {  	_ =	shalt  }
0x5f: {  	_ =	shalt  }
0x60: {  	_ =	shalt  }
0x61: {  	_ =	shalt  }
0x62: {  	_ =	shalt  }
0x63: {  	_ =	shalt  }
0x64: {  	_ =	shalt  }
0x65: {  	_ =	shalt  }
0x66: {  	_ =	shalt  }
0x67: {  	_ =	shalt  }
0x68: {  	_ =	shalt  }
0x69: {  	_ =	shalt  }
0x6a: {  	_ =	shalt  }
0x6b: {  	_ =	shalt  }
0x6c: {  	_ =	shalt  }
0x6d: {  	_ =	shalt  }
0x6e: {  	_ =	shalt  }
0x6f: {  	_ =	shalt  }
0x70: {  	_ =	shalt  }
0x71: {  	_ =	shalt  }
0x72: {  	_ =	shalt  }
0x73: {  	_ =	shalt  }
0x74: {  	_ =	shalt  }
0x75: {  	_ =	shalt  }
0x76: {  	_ =	shalt  }
0x77: {  	_ =	shalt  }
0x78: {  	_ =	shalt  }
0x79: {  	_ =	shalt  }
0x7a: {  	_ =	shalt  }
0x7b: {  	_ =	shalt  }
0x7c: {  	_ =	shalt  }
0x7d: {  	_ =	shalt  }
0x7e: {  	_ =	shalt  }
0x7f: {  	_ =	shalt  }
0x80: {  	_ =	shalt  }
0x81: {  	_ =	shalt  }
0x82: {  	_ =	shalt  }
0x83: {  	_ =	shalt  }
0x84: {  	_ =	shalt  }
0x85: {  	_ =	shalt  }
0x86: {  	_ =	shalt  }
0x87: {  	_ =	shalt  }
.Lfunc_end0:
.L_simem_size_0:
called_computation.3_lowered:
.L_overlay_start_0:
0x88: {  	s2 =	sld [smem:$0x3FD9]  }
0x89: {  	s3 =	sld [smem:$0x3FFE];
	_ =	sdelay $0x1  }
0x8a: {  	s1 =	srdreg.scid  }
0x8b: {  	s0 =	sand.u32 $0x1, s1  }
0x8c: {  	s16 =	sshll.u32 s0, $0xA;
	s2 =	sadd.s32 s3, s2  }
0x8d: {  	s2 =	sadd.s32 s2, s16  }
0x8e: {  	[smem:$0x3F70] =	sst s2  }
0x8f: {  	_ = 	snop  }
0x90: {  	(tm) =	ssettm $0x1  }
0x91: {  	s17 =	sld [smem:$0x3FFB];
	_ =	sdelay $0x3  }
0x92: {  	_ =	strace s17  }
0x93: {  	s2 =	sld [smem:$0x3FFC];
	_ =	sdelay $0x3  }
0x94: {  	_ =	strace s2  }
0x95: {  	s2 =	sld [smem:$0x3FFD];
	_ =	sdelay $0x3  }
0x96: {  	_ =	strace s2  }
0x97: {  	_ =	strace $0x8FFFFFFF  }
0x98: {  	s18 =	sld [smem:$0x3FDB];
	_ =	sdelay $0x1  }
0x99: {  	s19 =	simm.s32 $_scs_section_size  }
0x9a: {  	s4 =	simm.s32 $_size__tile_overlayer_lowered;
	s5 =	simm.s32 $_tile_overlayer_lowered  }
0x9b: {  	s22 =	simm.s32 $0x1BFF;
	s21 =	sshll.u32 s5, $0x1;
	s2 =	sadd.s32 s19, s18  }
0x9c: {  	s6 =	simm.s32 $0x0;
	s20 =	sshll.u32 s4, $0x1;
	s4 =	sadd.s32 s21, s2  }
0x9d: {  	[timem:s6], [sflag:s22] =	dma.local [hbm:s4], s20  }
0x9e: {  	_ =	swait.ge [sflag:s22], s20  }
0x9f: {  	s3 =	ssub.s32 $0x0, s20;
	[sflag:s22] =	ssyncset.done $0x0  }
0xa0: {  	[sflag:s22] =	ssyncadd.s32 s3;
	_ =	sdelay $0x1  }
0xa1: {  	s23 =	simm.s32 $0x1B8B  }
0xa2: {  	_ =	swait.ge [sflag:s23], $0x1  }
0xa3: {  	[sflag:s23] =	ssyncset.done $0x0  }
0xa4: {  	s25 =	simm.s32 $0x1B8E;
	s24 =	sld [smem:$0x3FFE];
	[sflag:s23] =	ssyncadd.s32 $0xFFFFFFFF  }
0xa5: {  	s26 =	simm.s32 $execute0_lowered;
	[smem:$0x3FD2] =	sst s25  }
0xa6: {  	s4 =	sshll.u32 s26, $0x1;
	_ =	strace $0x8000004F;
	[dreg:$0x1] =	wrdreg $0xFFFFFFFF  }
0xa7: {  	s28 =	simm.s32 $_size_execute0_lowered;
	s2 =	sadd.s32 s2, s4;
	[dreg:$0x0] =	wrdreg $0x0  }
0xa8: {  	s4 =	sshll.u32 s28, $0x1;
	[dreg:$0x2] =	wrdreg s2  }
0xa9: {  	[dreg:$0x3] =	wrdreg s4  }
0xaa: {  	[dreg:$0x4] =	wrdreg $0xC0  }
0xab: {  	_ =	task [dreg:s6], $0x5FFFF  }
0xac: {  	[dreg:$0x1] =	wrdreg $0xFFFFFFFF  }
0xad: {  	[dreg:$0x0] =	wrdreg $0x60  }
0xae: {  	[dreg:$0x2] =	wrdreg s24  }
0xaf: {  	[dreg:$0x3] =	wrdreg $0x28800  }
0xb0: {  	[dreg:$0x4] =	wrdreg $0x9  }
0xb1: {  	_ =	task.clear_ibuf [dreg:s6], $0x5FFFF;
	_ =	strace $0x9000004F  }
0xb2: {  	s29 =	simm.s32 $0x9;
	_ =	strace $0x80000051  }
0xb3: {  	_ =	swait.ge [sflag:s29], $0x1  }
0xb4: {  	[sflag:s29] =	ssyncadd.s32 $0xFFFFFFFF  }
0xb5: {  	_ =	strace $0x90000051  }
0xb6: {  	_ =	sfence  }
0xb7: {  	s30 =	sld [smem:$0x0];
	_ =	sdelay $0x2  }
0xb8: {  	s31 =	sshll.u32 s1, $0xD;
	s1 =	sshrl.u32 s1, $0x2  }
0xb9: {  	s3 =	sand.u32 $0x4000, s31;
	s1 =	sadd.s32 s1, s30  }
0xba: {  	s0 =	sor.u32 s3, s0;
	s1 =	sshll.u32 s1, $0x11  }
0xbb: {  	s0 =	sor.u32 s1, s0  }
0xbc: {  	s0 =	sadd.s32 $0x8F2B, s0  }
0xbd: {  	[sflag:s0] =	ssyncadd.remote.s32 $0x1  }
0xbe: {  	_ =	sfence.sel $0xFFFF  }
0xbf: {  	[dreg:$0x0] =	wrdreg $0xFFFFFFFF;
	(pc) =	sbr.abs _section_cstart, $3  }
0xc0: {  	[dreg:$0x1] =	wrdreg $0xFFFFFFFF  }
0xc1: {  	_ =	task.clear_ibuf [dreg:s6], $0x2FFFF;
	_ =	strace $0x9FFFFFFF  }
0xc2: {  	(tm) =	ssettm $0x7FFFFFFF  }
0xc3: {  	_ =	shalt  }
tec
execute0_lowered:
.L_overlay_start_1:
0x0: {  	(tag) =	ssettag $0x1  }
0x1: {  	s4 =	rddreg [dreg:$0x0];
	s1 =	stileid.u32  }
0x2: {  	s2 =	rddreg [dreg:$0x1];
	s5 =	smul.u32 $0xA00, s1  }
0x3: {  	s0 =	rddreg [dreg:$0x2];
	s3 =	simm.s32 $0x0;
	s6 =	smul.u32 $0x14, s1  }
0x4: {  	s7 =	srdreg.scid;
	s14 =	simm.s32 $0x50;
	s8 =	smul.u32 $0x13C00, s1  }
0x5: {  	s15 =	simm.s32 $0x0;
	s7 =	sand.u32 $0x1, s7;
	s12 =	smul.u32 $0x4F000, s1  }
0x6: {  	[smem:$0x7FF] =	sst s3;
	s30 =	sshll.u32 s1, $0x6;
	s9 =	smul.u32 $0x13C000, s7  }
0x7: {  	_ =	strace $0x80000050;
	s25 =	ssub.s32 $0x2, s7;
	s28 =	smul.u32 $0x500, s7  }
0x8: {  	s7 =	smul.u32 $0xA, s7;
	s10 =	sadd.s32 s5, s4;
	s11 =	sadd.s32 s6, s4  }
0x9: {  	s23 =	sshrl.u32 s8, $0x3;
	s26 =	sshrl.u32 s25, $0x1;
	s29 =	sshrl.u32 s12, $0x2  }
0xa: {  	s12 =	simm.s32 $0x2;
	s5 =	sadd.s32 s23, s4;
	s24 =	sadd.s32 s8, s9  }
0xb: {  	s8 =	ssub.s32 s25, s26;
	s13 =	sadd.s32 s29, s2;
	s9 =	sadd.s32 s28, s10  }
0xc: {  	s31 =	sadd.s32 s7, s11;
	s11 =	simm.s32 $0x1;
	s6 =	sshrl.u32 s24, $0x3  }
0xd: {  	s7 =	smax.u32 s8, $0x1;
	s8 =	sadd.s32 $0xA87000, s9;
	s9 =	sadd.s32 $0x1C400, s31  }
0xe: {  	s10 =	sshrl.u32 s13, $0x3;
	s13 =	simm.s32 $0x80;
	s6 =	sadd.s32 s6, s4  }
0xf: {  	s4 =	sadd.s32 $0x26200, s5;
	s5 =	sor.u32 $0x1C01, s30;
	s6 =	sadd.s32 $0xC3000, s6  }
.LBB2_1:
0x10: {  	[spmem:s10], [sflag:s5] =	dma.local [hbm:s4], $0x2780  }
0x11: {  	_ =	swait.ge [sflag:s11], $0x2780  }
0x12: {  	[sflag:s11] =	ssyncset.done $0x0  }
0x13: {  	[sflag:s11] =	ssyncadd.s32 $0xFFFFD880  }
0x14: {  	s16 =	sadd.s32 $0x0, s9;
	[bflag:$0x0] =	sbarrier.arrive $0xFFFF  }
0x15: {  	[tilespmem:s3], [sflag:$0x2] =	stream.linear.gather [hbm4b:s16+s3], $0x50, $0x38;
	[tilespmem:$0x16480] =	vst v63  }
0x16: {  	_ =	swait.ge [sflag:s12], $0x50  }
0x17: {  	[sflag:s12] =	ssyncset.done $0x0  }
0x18: {  	[sflag:s12] =	ssyncadd.s32 $0xFFFFFFB0  }
0x19: {  	[tilespmem:s13], [sflag:$0x2] =	stream.linear.gather [hbm4b:s8+s3], $0x2800, $0x38;
	[tilespmem:$0x16480] =	vst v63  }
0x1a: {  	_ =	swait.ge [sflag:s12], $0x2800  }
0x1b: {  	[sflag:s12] =	ssyncset.done $0x0  }
0x1c: {  	[sflag:s12] =	ssyncadd.s32 $0xFFFFD800  }
0x1d: {  	[spmem:s2] =	stream.indirect.scatter.add.f32 [tilespmem:s13], [sflag:$0x1], $0x80, s3, s14, $0xb8;
	[tilespmem:$0x16480] =	vst v63  }
0x1e: {  	s17 =	simm.s32 $0x140;
	_ =	swait.ge [sflag:s11], $0x2800  }
0x1f: {  	s18 =	simm.s32 $0x280;
	s16 =	sadd.s32 $0xA000, s8;
	[sflag:s11] =	ssyncset.done $0x0  }
.LBB2_2:
0x20: {  	s19 =	sadd.s32 s17, s9  }
0x21: {  	[sflag:s11] =	ssyncadd.s32 $0xFFFFD800;
	s17 =	smov.u32 s18;
	s20 =	sadd.s32 $0x140, s18  }
0x22: {  	[tilespmem:s3], [sflag:$0x2] =	stream.linear.gather [hbm4b:s19+s3], $0x50, $0x38;
	[tilespmem:$0x16480] =	vst v63  }
0x23: {  	p0 =	sne.s32 s18, $0x9B00;
	_ =	swait.ge [sflag:s12], $0x50  }
0x24: {  	[sflag:s12] =	ssyncset.done $0x0  }
0x25: {  	[sflag:s12] =	ssyncadd.s32 $0xFFFFFFB0  }
0x26: {  	[tilespmem:s13], [sflag:$0x2] =	stream.linear.gather [hbm4b:s16+s3], $0x2800, $0x38;
	[tilespmem:$0x16480] =	vst v63  }
0x27: {  	_ =	swait.ge [sflag:s12], $0x2800  }
.Ltmp0:
0x28: {  	[sflag:s12] =	ssyncset.done $0x0;
	(pc) =	sbr.rel @p0 .LBB2_2-.Ltmp0, $4  }
0x29: {  	[sflag:s12] =	ssyncadd.s32 $0xFFFFD800  }
0x2a: {  	[spmem:s2] =	stream.indirect.scatter.add.f32 [tilespmem:s13], [sflag:$0x1], $0x80, s3, s14, $0xb8;
	[tilespmem:$0x16480] =	vst v63  }
0x2b: {  	_ =	swait.ge [sflag:s11], $0x2800  }
0x2c: {  	s18 =	smov.u32 s20;
	s16 =	sadd.s32 $0xA000, s16;
	[sflag:s11] =	ssyncset.done $0x0  }
0x2d: {  	s17 =	sadd.s32 s17, s9;
	[sflag:s11] =	ssyncadd.s32 $0xFFFFD800  }
0x2e: {  	[tilespmem:s3], [sflag:$0x2] =	stream.linear.gather [hbm4b:s17+s3], $0x50, $0x38;
	[tilespmem:$0x16480] =	vst v63  }
0x2f: {  	_ =	swait.ge [sflag:s12], $0x50  }
0x30: {  	[sflag:s12] =	ssyncset.done $0x0  }
0x31: {  	[sflag:s12] =	ssyncadd.s32 $0xFFFFFFB0  }
0x32: {  	[tilespmem:s13], [sflag:$0x2] =	stream.linear.gather [hbm4b:s16+s3], $0x2800, $0x38;
	[tilespmem:$0x16480] =	vst v63  }
0x33: {  	_ =	swait.ge [sflag:s12], $0x2800  }
0x34: {  	[sflag:s12] =	ssyncset.done $0x0  }
0x35: {  	[sflag:s12] =	ssyncadd.s32 $0xFFFFD800  }
0x36: {  	[spmem:s2] =	stream.indirect.scatter.add.f32 [tilespmem:s13], [sflag:$0x1], $0x80, s3, s14, $0xb8;
	[tilespmem:$0x16480] =	vst v63  }
0x37: {  	_ =	swait.ge [sflag:s11], $0x2800  }
0x38: {  	s15 =	sadd.s32 $0x1, s15;
	[sflag:s11] =	ssyncset.done $0x0  }
0x39: {  	p0 =	sne.s32 s15, s7;
	[sflag:s11] =	ssyncadd.s32 $0xFFFFD800  }
.Ltmp1:
0x3a: {  	[bflag:$0x0] =	sbarrier.arrive $0xFFFF;
	(pc) =	sbr.rel @p0 .LBB2_1-.Ltmp1, $4  }
0x3b: {  	[hbm:s6], [sflag:s5] =	dma.local [spmem:s10], $0x2780  }
0x3c: {  	_ =	swait.ge [sflag:s11], $0x2780  }
0x3d: {  	[sflag:s11] =	ssyncset.done $0x0  }
0x3e: {  	[sflag:s11] =	ssyncadd.s32 $0xFFFFD880  }
0x3f: {  	_ =	sfence.sel $0x180000  }
0x40: {  	[bflag:$0x0] =	sbarrier.arrive $0xFFFF  }
0x41: {  	p0 =	sne.s32 s1, $0x0;
	_ =	strace $0x90000050  }
0x42: {  	s0 =	sadd.s32 @!p0 $0x100000, s0;
	[bflag:$0x2] =	sbarrier.arrive $0xFFFF  }
0x43: {  	[sflag:s0] =	ssyncadd.tile.s32 @!p0 $0x1;
	_ =	shalt  }
.Lfunc_end2:
_tile_overlayer_lowered:
.L_overlay_start_2:
0x44: {  	(tag) =	ssettag $0x2  }
0x45: {  	s0 =	rddreg [dreg:$0x0];
	s2 =	stileid.u32  }
0x46: {  	s1 =	rddreg [dreg:$0x1];
	p0 =	sne.s32 s2, $0x0  }
0x47: {  	s3 =	rddreg [dreg:$0x2];
	[bflag:$0x3] =	sbarrier.arrive $0xFFFF;
	s2 =	simm.s32 @!p0 $0x1C01  }
0x48: {  	[timem:s3], [sflag:s2] =	dma.local @!p0 [hbm:s0], s1  }
0x49: {  	s0 =	simm.s32 @!p0 $0x1  }
0x4a: {  	_ =	swait.ge @!p0 [sflag:s0], s1  }
0x4b: {  	s1 =	ssub.s32 @!p0 $0x0, s1;
	[sflag:s0] =	ssyncset.done @!p0 $0x0  }
0x4c: {  	[sflag:s0] =	ssyncadd.s32 @!p0 s1  }
0x4d: {  	[bflag:$0x3] =	sbarrier.arrive $0xFFFF  }
0x4e: {  	_ =	shalt  }

// kernel: kernel.37.cloned.1.call-start
scs
__scs_entry_jumppad:
0x0: {  	(pc) =	sbr.rel $0x88, $3  }
0x1: {  	(tag) =	ssettag $0x0;
	lr =	simm.s32 $0x1  }
0x2: {  	[smem:$0x3F49] =	sst lr;
	_ =	strace $0xD0000000  }
0x3: {  	_ = 	snop  }
0x4: {  	_ = 	snop  }
0x5: {  	_ = 	snop  }
0x6: {  	_ = 	snop  }
0x7: {  	_ = 	snop  }
__scs_overlays_trampoline_lowered:
0x8: {  	[smem:$0x3F58] =	sst s0  }
0x9: {  	[smem:$0x3F59] =	sst s1  }
0xa: {  	[smem:$0x3F5A] =	sst s2  }
0xb: {  	[smem:$0x3F5B] =	sst s3  }
0xc: {  	[smem:$0x3F5C] =	sst s4  }
0xd: {  	[smem:$0x3F5D] =	sst s5  }
0xe: {  	[smem:$0x3F5E] =	sst s6  }
0xf: {  	[smem:$0x3F5F] =	sst s7  }
0x10: {  	[smem:$0x3F60] =	sst s8  }
0x11: {  	[smem:$0x3F61] =	sst s9;
	s0 =	simm.s32 @!p0 $0x0  }
0x12: {  	s1 =	sld [smem:$0x3F47];
	s0 =	simm.s32 @p0 $0x1  }
0x13: {  	[smem:$0x3F62] =	sst s0;
	s0 =	simm.s32 @!p1 $0x0  }
0x14: {  	s2 =	sld [smem:$0x3F46];
	s0 =	simm.s32 @p1 $0x1  }
0x15: {  	[smem:$0x3F63] =	sst s0;
	s0 =	simm.s32 @!p2 $0x0  }
0x16: {  	s3 =	sld [smem:$0x3FDB];
	s0 =	simm.s32 @p2 $0x1  }
0x17: {  	s4 =	simm.s32 $0x1BF5;
	[smem:$0x3F65] =	sst s0  }
0x18: {  	s0 =	sld [smem:$0x3F48];
	_ =	swait.ge [sflag:s4], $0x0  }
0x19: {  	s7 =	sld [smem:$0x3F49]  }
0x1a: {  	s8 =	sadd.s32 $0xFFFFE003, lr  }
0x1b: {  	s9 =	sadd.s32 $0xFFFFFEF7, lr;
	s5 =	simm.s32 $0xFFFFFFFF;
	p2 =	slt.u32 s8, $0xFFFFF086  }
0x1c: {  	p1 =	slt.u32 s9, $0xF7A;
	s5 =	simm.s32 @!p2 $0x0  }
0x1d: {  	s5 =	simm.s32 @p1 $0x1;
	p0 =	seq.s32 s7, s2  }
0x1e: {  	s7 =	smul.u32 @!p0 $0xF7A, s2;
	p2 =	seq.s32 @!p0 s5, $0x0  }
0x1f: {  	s9 =	smul.u32 $0xF7A, s1;
	s8 =	simm.s32 @!p0 $0x1BF5;
	p2 =	por !p2, p0  }
0x20: {  	[sflag:s8] =	ssyncset.s32 @!p0 $0xFFFFF086;
	s6 =	sadd.s32 @!p0 s3, s7;
	s7 =	simm.s32 @!p0 $0x108  }
0x21: {  	s3 =	sadd.s32 s3, s9;
	s6 =	sadd.s32 @!p0 $0x88, s6;
	s7 =	simm.s32 @p2 $0x1082  }
0x22: {  	[simem:s7], [sflag:s8] =	dma.local @!p0 [hbm:s6], $0xF7A  }
0x23: {  	s9 =	sor.u32 $0xD0000000, s2;
	s6 =	simm.s32 $0x108;
	_ =	swait.ge @!p0 [sflag:s8], $0x0  }
0x24: {  	s3 =	sadd.s32 $0x88, s3;
	s6 =	simm.s32 @!p1 $0x1082;
	[sflag:s4] =	ssyncset.s32 $0xFFFFF086  }
0x25: {  	[simem:s6], [sflag:s4] =	dma.local [hbm:s3], $0xF7A  }
0x26: {  	[smem:$0x3F49] =	sst s1;
	(tag) =	ssettag s2;
	_ =	strace s9  }
0x27: {  	s1 =	sld [smem:$0x3F59]  }
0x28: {  	s2 =	sld [smem:$0x3F5A]  }
0x29: {  	s4 =	sld [smem:$0x3F5C]  }
0x2a: {  	p0 =	seq.s32 s5, $0x0;
	s5 =	sld [smem:$0x3F5D]  }
0x2b: {  	s6 =	sld [smem:$0x3F5E]  }
0x2c: {  	s7 =	sld [smem:$0x3F5F]  }
0x2d: {  	s3 =	simm.s32 $0x108;
	s8 =	sld [smem:$0x3F60]  }
0x2e: {  	s3 =	simm.s32 @!p0 $0x1082;
	s9 =	sld [smem:$0x3F61]  }
0x2f: {  	lr =	sadd.s32 s0, s3;
	s0 =	sld [smem:$0x3F58]  }
0x30: {  	s3 =	sld [smem:$0x3F5B]  }
0x31: {  	[smem:$0x3F64] =	sst s10  }
0x32: {  	s10 =	sld [smem:$0x3F62];
	_ =	sdelay $0x3  }
0x33: {  	p0 =	seq.s32 s10, $0x1;
	s10 =	sld [smem:$0x3F64];
	_ =	sdelay $0x3  }
0x34: {  	[smem:$0x3F64] =	sst s10  }
0x35: {  	s10 =	sld [smem:$0x3F63];
	_ =	sdelay $0x3  }
0x36: {  	p1 =	seq.s32 s10, $0x1;
	s10 =	sld [smem:$0x3F64];
	_ =	sdelay $0x3  }
0x37: {  	[smem:$0x3F64] =	sst s10  }
0x38: {  	s10 =	sld [smem:$0x3F65]  }
0x39: {  	_ = 	snop;
	(pc) =	sbr.ind lr, $3  }
0x3a: {  	_ = 	snop  }
0x3b: {  	_ = 	snop  }
0x3c: {  	p2 =	seq.s32 s10, $0x1;
	s10 =	sld [smem:$0x3F64]  }
0x3d: {  	_ =	shalt  }
0x3e: {  	_ =	shalt  }
0x3f: {  	_ =	shalt  }
0x40: {  	_ =	shalt  }
0x41: {  	_ =	shalt  }
0x42: {  	_ =	shalt  }
0x43: {  	_ =	shalt  }
0x44: {  	_ =	shalt  }
0x45: {  	_ =	shalt  }
0x46: {  	_ =	shalt  }
0x47: {  	_ =	shalt  }
0x48: {  	_ =	shalt  }
0x49: {  	_ =	shalt  }
0x4a: {  	_ =	shalt  }
0x4b: {  	_ =	shalt  }
0x4c: {  	_ =	shalt  }
0x4d: {  	_ =	shalt  }
0x4e: {  	_ =	shalt  }
0x4f: {  	_ =	shalt  }
0x50: {  	_ =	shalt  }
0x51: {  	_ =	shalt  }
0x52: {  	_ =	shalt  }
0x53: {  	_ =	shalt  }
0x54: {  	_ =	shalt  }
0x55: {  	_ =	shalt  }
0x56: {  	_ =	shalt  }
0x57: {  	_ =	shalt  }
0x58: {  	_ =	shalt  }
0x59: {  	_ =	shalt  }
0x5a: {  	_ =	shalt  }
0x5b: {  	_ =	shalt  }
0x5c: {  	_ =	shalt  }
0x5d: {  	_ =	shalt  }
0x5e: {  	_ =	shalt  }
0x5f: {  	_ =	shalt  }
0x60: {  	_ =	shalt  }
0x61: {  	_ =	shalt  }
0x62: {  	_ =	shalt  }
0x63: {  	_ =	shalt  }
0x64: {  	_ =	shalt  }
0x65: {  	_ =	shalt  }
0x66: {  	_ =	shalt  }
0x67: {  	_ =	shalt  }
0x68: {  	_ =	shalt  }
0x69: {  	_ =	shalt  }
0x6a: {  	_ =	shalt  }
0x6b: {  	_ =	shalt  }
0x6c: {  	_ =	shalt  }
0x6d: {  	_ =	shalt  }
0x6e: {  	_ =	shalt  }
0x6f: {  	_ =	shalt  }
0x70: {  	_ =	shalt  }
0x71: {  	_ =	shalt  }
0x72: {  	_ =	shalt  }
0x73: {  	_ =	shalt  }
0x74: {  	_ =	shalt  }
0x75: {  	_ =	shalt  }
0x76: {  	_ =	shalt  }
0x77: {  	_ =	shalt  }
0x78: {  	_ =	shalt  }
0x79: {  	_ =	shalt  }
0x7a: {  	_ =	shalt  }
0x7b: {  	_ =	shalt  }
0x7c: {  	_ =	shalt  }
0x7d: {  	_ =	shalt  }
0x7e: {  	_ =	shalt  }
0x7f: {  	_ =	shalt  }
0x80: {  	_ =	shalt  }
0x81: {  	_ =	shalt  }
0x82: {  	_ =	shalt  }
0x83: {  	_ =	shalt  }
0x84: {  	_ =	shalt  }
0x85: {  	_ =	shalt  }
0x86: {  	_ =	shalt  }
0x87: {  	_ =	shalt  }
.Lfunc_end0:
.L_simem_size_0:
called_computation.4_lowered:
.L_overlay_start_0:
0x88: {  	s2 =	sld [smem:$0x3FD9]  }
0x89: {  	s3 =	sld [smem:$0x3FFE];
	_ =	sdelay $0x1  }
0x8a: {  	s1 =	srdreg.scid  }
0x8b: {  	s0 =	sand.u32 $0x1, s1  }
0x8c: {  	s16 =	sshll.u32 s0, $0xA;
	s2 =	sadd.s32 s3, s2  }
0x8d: {  	s2 =	sadd.s32 s2, s16  }
0x8e: {  	[smem:$0x3F70] =	sst s2  }
0x8f: {  	_ = 	snop  }
0x90: {  	(tm) =	ssettm $0x1  }
0x91: {  	s17 =	sld [smem:$0x3FFB];
	_ =	sdelay $0x3  }
0x92: {  	_ =	strace s17  }
0x93: {  	s2 =	sld [smem:$0x3FFC];
	_ =	sdelay $0x3  }
0x94: {  	_ =	strace s2  }
0x95: {  	s2 =	sld [smem:$0x3FFD];
	_ =	sdelay $0x3  }
0x96: {  	_ =	strace s2  }
0x97: {  	_ =	strace $0x8FFFFFFF  }
0x98: {  	s18 =	sld [smem:$0x3FDB];
	_ =	sdelay $0x1  }
0x99: {  	s19 =	simm.s32 $_scs_section_size  }
0x9a: {  	s4 =	simm.s32 $_size__tile_overlayer_lowered;
	s5 =	simm.s32 $_tile_overlayer_lowered  }
0x9b: {  	s22 =	simm.s32 $0x1BFF;
	s21 =	sshll.u32 s5, $0x1;
	s2 =	sadd.s32 s19, s18  }
0x9c: {  	s6 =	simm.s32 $0x0;
	s20 =	sshll.u32 s4, $0x1;
	s4 =	sadd.s32 s21, s2  }
0x9d: {  	[timem:s6], [sflag:s22] =	dma.local [hbm:s4], s20  }
0x9e: {  	_ =	swait.ge [sflag:s22], s20  }
0x9f: {  	s3 =	ssub.s32 $0x0, s20;
	[sflag:s22] =	ssyncset.done $0x0  }
0xa0: {  	[sflag:s22] =	ssyncadd.s32 s3;
	_ =	sdelay $0x1  }
0xa1: {  	s23 =	simm.s32 $0x1B8B  }
0xa2: {  	_ =	swait.ge [sflag:s23], $0x1  }
0xa3: {  	[sflag:s23] =	ssyncset.done $0x0  }
0xa4: {  	s25 =	simm.s32 $0x1B8E;
	s24 =	sld [smem:$0x3FFE];
	[sflag:s23] =	ssyncadd.s32 $0xFFFFFFFF  }
0xa5: {  	s26 =	simm.s32 $execute0_lowered;
	[smem:$0x3FD2] =	sst s25  }
0xa6: {  	s4 =	sshll.u32 s26, $0x1;
	_ =	strace $0x80000052;
	[dreg:$0x1] =	wrdreg $0xFFFFFFFF  }
0xa7: {  	s28 =	simm.s32 $_size_execute0_lowered;
	s2 =	sadd.s32 s2, s4;
	[dreg:$0x0] =	wrdreg $0x0  }
0xa8: {  	s4 =	sshll.u32 s28, $0x1;
	[dreg:$0x2] =	wrdreg s2  }
0xa9: {  	[dreg:$0x3] =	wrdreg s4  }
0xaa: {  	[dreg:$0x4] =	wrdreg $0xC0  }
0xab: {  	_ =	task [dreg:s6], $0x5FFFF  }
0xac: {  	[dreg:$0x1] =	wrdreg $0xFFFFFFFF  }
0xad: {  	[dreg:$0x0] =	wrdreg $0x60  }
0xae: {  	[dreg:$0x2] =	wrdreg s24  }
0xaf: {  	[dreg:$0x3] =	wrdreg $0x9  }
0xb0: {  	_ =	task.clear_ibuf [dreg:s6], $0x4FFFF;
	_ =	strace $0x90000052  }
0xb1: {  	s29 =	simm.s32 $0x9;
	_ =	strace $0x80000054  }
0xb2: {  	_ =	swait.ge [sflag:s29], $0x1  }
0xb3: {  	[sflag:s29] =	ssyncadd.s32 $0xFFFFFFFF  }
0xb4: {  	_ =	strace $0x90000054  }
0xb5: {  	_ =	sfence  }
0xb6: {  	s30 =	sld [smem:$0x0];
	_ =	sdelay $0x2  }
0xb7: {  	s31 =	sshll.u32 s1, $0xD;
	s1 =	sshrl.u32 s1, $0x2  }
0xb8: {  	s3 =	sand.u32 $0x4000, s31;
	s1 =	sadd.s32 s1, s30  }
0xb9: {  	s0 =	sor.u32 s3, s0;
	s1 =	sshll.u32 s1, $0x11  }
0xba: {  	s0 =	sor.u32 s1, s0  }
0xbb: {  	s0 =	sadd.s32 $0x8F2B, s0  }
0xbc: {  	[sflag:s0] =	ssyncadd.remote.s32 $0x1  }
0xbd: {  	_ =	sfence.sel $0xFFFF  }
0xbe: {  	[dreg:$0x0] =	wrdreg $0xFFFFFFFF;
	(pc) =	sbr.abs _section_cstart, $3  }
0xbf: {  	[dreg:$0x1] =	wrdreg $0xFFFFFFFF  }
0xc0: {  	_ =	task.clear_ibuf [dreg:s6], $0x2FFFF;
	_ =	strace $0x9FFFFFFF  }
0xc1: {  	(tm) =	ssettm $0x7FFFFFFF  }
tec
execute0_lowered:
.L_overlay_start_1:
0x0: {  	(tag) =	ssettag $0x1  }
0x1: {  	s5 =	rddreg [dreg:$0x0]  }
0x2: {  	s0 =	rddreg [dreg:$0x1];
	s2 =	simm.s32 $0x0;
	s1 =	stileid.u32  }
0x3: {  	s3 =	srdreg.scid;
	s12 =	simm.s32 $0x50;
	s13 =	simm.s32 $0x100  }
0x4: {  	s14 =	simm.s32 $0x2900;
	s15 =	simm.s32 $0x1;
	s16 =	simm.s32 $0x2  }
0x5: {  	s17 =	simm.s32 $0x0;
	[smem:$0x7FF] =	sst s2;
	s6 =	smul.u32 $0x9C4, s1  }
0x6: {  	s7 =	smul.u32 $0x4E200, s1;
	s8 =	sand.u32 $0x1, s3;
	s3 =	sadd.s32 $0x4DA00, s5  }
0x7: {  	s4 =	sadd.s32 $0x74C00, s5;
	s9 =	ssub.s32 $0x2, s8;
	s10 =	smul.u32 $0x27100, s8  }
0x8: {  	_ =	strace $0x80000053;
	s8 =	smul.u32 $0x4E2, s8;
	s11 =	sshrl.u32 s9, $0x1  }
0x9: {  	s6 =	sadd.s32 s6, s5;
	s7 =	sadd.s32 s7, s5;
	s30 =	ssub.s32 s9, s11  }
0xa: {  	s7 =	sadd.s32 s10, s7;
	s31 =	sadd.s32 s8, s6;
	s10 =	simm.s32 $0x3  }
0xb: {  	s11 =	simm.s32 $0x80;
	s5 =	smax.u32 s30, $0x1;
	s6 =	sadd.s32 $0xC3000, s7  }
0xc: {  	s7 =	sadd.s32 $0x5A5000, s7;
	s8 =	sadd.s32 $0x1C400, s31;
	s9 =	sadd.s32 $0x12600, s31  }
.LBB2_1:
0xd: {  	s18 =	sadd.s32 $0x0, s8  }
0xe: {  	[tilespmem:s2], [sflag:$0x3] =	stream.linear.gather [hbm4b:s18+s2], $0x50, $0x38;
	[tilespmem:$0x5100] =	vst v63  }
0xf: {  	_ =	swait.ge [sflag:s10], $0x50  }
0x10: {  	[sflag:s10] =	ssyncset.done $0x0  }
0x11: {  	s31 =	sadd.s32 $0x0, s9;
	[sflag:s10] =	ssyncadd.s32 $0xFFFFFFB0  }
0x12: {  	[tilespmem:s11], [sflag:$0x3] =	stream.linear.gather [hbm4b:s31+s2], $0x50, $0x38;
	[tilespmem:$0x5100] =	vst v63  }
0x13: {  	_ =	swait.ge [sflag:s10], $0x50  }
0x14: {  	[sflag:s10] =	ssyncset.done $0x0  }
0x15: {  	[sflag:s10] =	ssyncadd.s32 $0xFFFFFFB0  }
0x16: {  	[tilespmem:s13], [sflag:$0x1] =	stream.indirect.gather [hbm4b:s3+s12], $0x80, s2, s12, $0xb8;
	[tilespmem:$0x5100] =	vst v63  }
0x17: {  	_ = 	snop  }
0x18: {  	[tilespmem:s14], [sflag:$0x2] =	stream.indirect.gather [hbm4b:s4+s12], $0x80, s11, s12, $0xb8;
	[tilespmem:$0x5100] =	vst v63  }
0x19: {  	_ =	swait.ge [sflag:s15], $0x2800  }
0x1a: {  	[sflag:s15] =	ssyncset.done $0x0  }
0x1b: {  	[sflag:s15] =	ssyncadd.s32 $0xFFFFD800  }
0x1c: {  	_ =	swait.ge [sflag:s16], $0x2800  }
0x1d: {  	[sflag:s16] =	ssyncset.done $0x0  }
0x1e: {  	[sflag:s16] =	ssyncadd.s32 $0xFFFFD800  }
0x1f: {  	[hbm4b:s6+s2] =	stream.linear.scatter [tilespmem:s13], [sflag:$0x3], $0x2800, $0x38;
	[tilespmem:$0x5100] =	vst v63  }
0x20: {  	_ =	swait.ge [sflag:s10], $0x2800  }
0x21: {  	[sflag:s10] =	ssyncset.done $0x0  }
0x22: {  	[sflag:s10] =	ssyncadd.s32 $0xFFFFD800  }
0x23: {  	[hbm4b:s7+s2] =	stream.linear.scatter [tilespmem:s14], [sflag:$0x3], $0x2800, $0x38;
	[tilespmem:$0x5100] =	vst v63  }
0x24: {  	s20 =	simm.s32 $0xA;
	s21 =	simm.s32 $0x14;
	_ =	swait.ge [sflag:s10], $0x2800  }
0x25: {  	s19 =	sadd.s32 $0x500, s6;
	s18 =	sadd.s32 $0x500, s7;
	[sflag:s10] =	ssyncset.done $0x0  }
.LBB2_2:
0x26: {  	s22 =	sadd.s32 s20, s8  }
0x27: {  	[sflag:s10] =	ssyncadd.s32 $0xFFFFD800;
	s23 =	smov.u32 s21;
	s24 =	sadd.s32 $0xA, s21  }
0x28: {  	[tilespmem:s2], [sflag:$0x3] =	stream.linear.gather [hbm4b:s22+s2], $0x50, $0x38;
	[tilespmem:$0x5100] =	vst v63  }
0x29: {  	p0 =	sne.s32 s21, $0x4D8;
	_ =	swait.ge [sflag:s10], $0x50  }
0x2a: {  	[sflag:s10] =	ssyncset.done $0x0  }
0x2b: {  	s21 =	sadd.s32 s20, s9;
	s20 =	smov.u32 s23;
	[sflag:s10] =	ssyncadd.s32 $0xFFFFFFB0  }
0x2c: {  	[tilespmem:s11], [sflag:$0x3] =	stream.linear.gather [hbm4b:s21+s2], $0x50, $0x38;
	[tilespmem:$0x5100] =	vst v63  }
0x2d: {  	_ =	swait.ge [sflag:s10], $0x50  }
0x2e: {  	[sflag:s10] =	ssyncset.done $0x0  }
0x2f: {  	[sflag:s10] =	ssyncadd.s32 $0xFFFFFFB0  }
0x30: {  	[tilespmem:s13], [sflag:$0x1] =	stream.indirect.gather [hbm4b:s3+s12], $0x80, s2, s12, $0xb8;
	[tilespmem:$0x5100] =	vst v63  }
0x31: {  	_ = 	snop  }
0x32: {  	[tilespmem:s14], [sflag:$0x2] =	stream.indirect.gather [hbm4b:s4+s12], $0x80, s11, s12, $0xb8;
	[tilespmem:$0x5100] =	vst v63  }
0x33: {  	_ =	swait.ge [sflag:s15], $0x2800  }
0x34: {  	[sflag:s15] =	ssyncset.done $0x0  }
0x35: {  	[sflag:s15] =	ssyncadd.s32 $0xFFFFD800  }
0x36: {  	_ =	swait.ge [sflag:s16], $0x2800  }
0x37: {  	[sflag:s16] =	ssyncset.done $0x0  }
0x38: {  	[sflag:s16] =	ssyncadd.s32 $0xFFFFD800  }
0x39: {  	[hbm4b:s19+s2] =	stream.linear.scatter [tilespmem:s13], [sflag:$0x3], $0x2800, $0x38;
	[tilespmem:$0x5100] =	vst v63  }
0x3a: {  	_ =	swait.ge [sflag:s10], $0x2800  }
.Ltmp0:
0x3b: {  	[sflag:s10] =	ssyncset.done $0x0;
	(pc) =	sbr.rel @p0 .LBB2_2-.Ltmp0, $4  }
0x3c: {  	[sflag:s10] =	ssyncadd.s32 $0xFFFFD800  }
0x3d: {  	[hbm4b:s18+s2] =	stream.linear.scatter [tilespmem:s14], [sflag:$0x3], $0x2800, $0x38;
	[tilespmem:$0x5100] =	vst v63  }
0x3e: {  	s21 =	smov.u32 s24;
	_ =	swait.ge [sflag:s10], $0x2800  }
0x3f: {  	s19 =	sadd.s32 $0x500, s19;
	s18 =	sadd.s32 $0x500, s18;
	[sflag:s10] =	ssyncset.done $0x0  }
0x40: {  	s21 =	sadd.s32 s20, s8;
	[sflag:s10] =	ssyncadd.s32 $0xFFFFD800  }
0x41: {  	[tilespmem:s2], [sflag:$0x3] =	stream.linear.gather [hbm4b:s21+s2], $0x50, $0x38;
	[tilespmem:$0x5100] =	vst v63  }
0x42: {  	_ =	swait.ge [sflag:s10], $0x50  }
0x43: {  	[sflag:s10] =	ssyncset.done $0x0  }
0x44: {  	s31 =	sadd.s32 s20, s9;
	[sflag:s10] =	ssyncadd.s32 $0xFFFFFFB0  }
0x45: {  	[tilespmem:s11], [sflag:$0x3] =	stream.linear.gather [hbm4b:s31+s2], $0x50, $0x38;
	[tilespmem:$0x5100] =	vst v63  }
0x46: {  	_ =	swait.ge [sflag:s10], $0x50  }
0x47: {  	[sflag:s10] =	ssyncset.done $0x0  }
0x48: {  	[sflag:s10] =	ssyncadd.s32 $0xFFFFFFB0  }
0x49: {  	[tilespmem:s13], [sflag:$0x1] =	stream.indirect.gather [hbm4b:s3+s12], $0x80, s2, s12, $0xb8;
	[tilespmem:$0x5100] =	vst v63  }
0x4a: {  	_ = 	snop  }
0x4b: {  	[tilespmem:s14], [sflag:$0x2] =	stream.indirect.gather [hbm4b:s4+s12], $0x80, s11, s12, $0xb8;
	[tilespmem:$0x5100] =	vst v63  }
0x4c: {  	_ =	swait.ge [sflag:s15], $0x2800  }
0x4d: {  	[sflag:s15] =	ssyncset.done $0x0  }
0x4e: {  	[sflag:s15] =	ssyncadd.s32 $0xFFFFD800  }
0x4f: {  	_ =	swait.ge [sflag:s16], $0x2800  }
0x50: {  	[sflag:s16] =	ssyncset.done $0x0  }
0x51: {  	[sflag:s16] =	ssyncadd.s32 $0xFFFFD800  }
0x52: {  	[hbm4b:s19+s2] =	stream.linear.scatter [tilespmem:s13], [sflag:$0x3], $0x2800, $0x38;
	[tilespmem:$0x5100] =	vst v63  }
0x53: {  	s17 =	sadd.s32 $0x1, s17;
	_ =	swait.ge [sflag:s10], $0x2800  }
0x54: {  	p0 =	sne.s32 s17, s5;
	[sflag:s10] =	ssyncset.done $0x0  }
.Ltmp1:
0x55: {  	[sflag:s10] =	ssyncadd.s32 $0xFFFFD800;
	(pc) =	sbr.rel @p0 .LBB2_1-.Ltmp1, $4  }
0x56: {  	[hbm4b:s18+s2] =	stream.linear.scatter [tilespmem:s14], [sflag:$0x3], $0x2800, $0x38;
	[tilespmem:$0x5100] =	vst v63  }
0x57: {  	_ =	swait.ge [sflag:s10], $0x2800  }
0x58: {  	[sflag:s10] =	ssyncset.done $0x0  }
0x59: {  	[sflag:s10] =	ssyncadd.s32 $0xFFFFD800  }
0x5a: {  	_ =	sfence.sel $0x180000  }
0x5b: {  	[bflag:$0x0] =	sbarrier.arrive $0xFFFF  }
0x5c: {  	p0 =	sne.s32 s1, $0x0;
	_ =	strace $0x90000053  }
0x5d: {  	s0 =	sadd.s32 @!p0 $0x100000, s0;
	[bflag:$0x2] =	sbarrier.arrive $0xFFFF  }
0x5e: {  	[sflag:s0] =	ssyncadd.tile.s32 @!p0 $0x1;
	_ =	shalt  }
.Lfunc_end2:
_tile_overlayer_lowered:
.L_overlay_start_2:
0x5f: {  	(tag) =	ssettag $0x2  }
0x60: {  	s0 =	rddreg [dreg:$0x0];
	s2 =	stileid.u32  }
0x61: {  	s1 =	rddreg [dreg:$0x1];
	p0 =	sne.s32 s2, $0x0  }
0x62: {  	s3 =	rddreg [dreg:$0x2];
	[bflag:$0x3] =	sbarrier.arrive $0xFFFF;
	s2 =	simm.s32 @!p0 $0x1C03  }
0x63: {  	[timem:s3], [sflag:s2] =	dma.local @!p0 [hbm:s0], s1  }
0x64: {  	s0 =	simm.s32 @!p0 $0x3  }
0x65: {  	_ =	swait.ge @!p0 [sflag:s0], s1  }
0x66: {  	s1 =	ssub.s32 @!p0 $0x0, s1;
	[sflag:s0] =	ssyncset.done @!p0 $0x0  }
0x67: {  	[sflag:s0] =	ssyncadd.s32 @!p0 s1  }
0x68: {  	[bflag:$0x3] =	sbarrier.arrive $0xFFFF  }
0x69: {  	_ =	shalt  }

// kernel: kernel.40.cloned.1.call-start
scs
__scs_entry_jumppad:
0x0: {  	(pc) =	sbr.rel $0x88, $3  }
0x1: {  	(tag) =	ssettag $0x0;
	lr =	simm.s32 $0x1  }
0x2: {  	[smem:$0x3F49] =	sst lr;
	_ =	strace $0xD0000000  }
0x3: {  	_ = 	snop  }
0x4: {  	_ = 	snop  }
0x5: {  	_ = 	snop  }
0x6: {  	_ = 	snop  }
0x7: {  	_ = 	snop  }
__scs_overlays_trampoline_lowered:
0x8: {  	[smem:$0x3F58] =	sst s0  }
0x9: {  	[smem:$0x3F59] =	sst s1  }
0xa: {  	[smem:$0x3F5A] =	sst s2  }
0xb: {  	[smem:$0x3F5B] =	sst s3  }
0xc: {  	[smem:$0x3F5C] =	sst s4  }
0xd: {  	[smem:$0x3F5D] =	sst s5  }
0xe: {  	[smem:$0x3F5E] =	sst s6  }
0xf: {  	[smem:$0x3F5F] =	sst s7  }
0x10: {  	[smem:$0x3F60] =	sst s8  }
0x11: {  	[smem:$0x3F61] =	sst s9;
	s0 =	simm.s32 @!p0 $0x0  }
0x12: {  	s1 =	sld [smem:$0x3F47];
	s0 =	simm.s32 @p0 $0x1  }
0x13: {  	[smem:$0x3F62] =	sst s0;
	s0 =	simm.s32 @!p1 $0x0  }
0x14: {  	s2 =	sld [smem:$0x3F46];
	s0 =	simm.s32 @p1 $0x1  }
0x15: {  	[smem:$0x3F63] =	sst s0;
	s0 =	simm.s32 @!p2 $0x0  }
0x16: {  	s3 =	sld [smem:$0x3FDB];
	s0 =	simm.s32 @p2 $0x1  }
0x17: {  	s4 =	simm.s32 $0x1BF5;
	[smem:$0x3F65] =	sst s0  }
0x18: {  	s0 =	sld [smem:$0x3F48];
	_ =	swait.ge [sflag:s4], $0x0  }
0x19: {  	s7 =	sld [smem:$0x3F49]  }
0x1a: {  	s8 =	sadd.s32 $0xFFFFE003, lr  }
0x1b: {  	s9 =	sadd.s32 $0xFFFFFEF7, lr;
	s5 =	simm.s32 $0xFFFFFFFF;
	p2 =	slt.u32 s8, $0xFFFFF086  }
0x1c: {  	p1 =	slt.u32 s9, $0xF7A;
	s5 =	simm.s32 @!p2 $0x0  }
0x1d: {  	s5 =	simm.s32 @p1 $0x1;
	p0 =	seq.s32 s7, s2  }
0x1e: {  	s7 =	smul.u32 @!p0 $0xF7A, s2;
	p2 =	seq.s32 @!p0 s5, $0x0  }
0x1f: {  	s9 =	smul.u32 $0xF7A, s1;
	s8 =	simm.s32 @!p0 $0x1BF5;
	p2 =	por !p2, p0  }
0x20: {  	[sflag:s8] =	ssyncset.s32 @!p0 $0xFFFFF086;
	s6 =	sadd.s32 @!p0 s3, s7;
	s7 =	simm.s32 @!p0 $0x108  }
0x21: {  	s3 =	sadd.s32 s3, s9;
	s6 =	sadd.s32 @!p0 $0x88, s6;
	s7 =	simm.s32 @p2 $0x1082  }
0x22: {  	[simem:s7], [sflag:s8] =	dma.local @!p0 [hbm:s6], $0xF7A  }
0x23: {  	s9 =	sor.u32 $0xD0000000, s2;
	s6 =	simm.s32 $0x108;
	_ =	swait.ge @!p0 [sflag:s8], $0x0  }
0x24: {  	s3 =	sadd.s32 $0x88, s3;
	s6 =	simm.s32 @!p1 $0x1082;
	[sflag:s4] =	ssyncset.s32 $0xFFFFF086  }
0x25: {  	[simem:s6], [sflag:s4] =	dma.local [hbm:s3], $0xF7A  }
0x26: {  	[smem:$0x3F49] =	sst s1;
	(tag) =	ssettag s2;
	_ =	strace s9  }
0x27: {  	s1 =	sld [smem:$0x3F59]  }
0x28: {  	s2 =	sld [smem:$0x3F5A]  }
0x29: {  	s4 =	sld [smem:$0x3F5C]  }
0x2a: {  	p0 =	seq.s32 s5, $0x0;
	s5 =	sld [smem:$0x3F5D]  }
0x2b: {  	s6 =	sld [smem:$0x3F5E]  }
0x2c: {  	s7 =	sld [smem:$0x3F5F]  }
0x2d: {  	s3 =	simm.s32 $0x108;
	s8 =	sld [smem:$0x3F60]  }
0x2e: {  	s3 =	simm.s32 @!p0 $0x1082;
	s9 =	sld [smem:$0x3F61]  }
0x2f: {  	lr =	sadd.s32 s0, s3;
	s0 =	sld [smem:$0x3F58]  }
0x30: {  	s3 =	sld [smem:$0x3F5B]  }
0x31: {  	[smem:$0x3F64] =	sst s10  }
0x32: {  	s10 =	sld [smem:$0x3F62];
	_ =	sdelay $0x3  }
0x33: {  	p0 =	seq.s32 s10, $0x1;
	s10 =	sld [smem:$0x3F64];
	_ =	sdelay $0x3  }
0x34: {  	[smem:$0x3F64] =	sst s10  }
0x35: {  	s10 =	sld [smem:$0x3F63];
	_ =	sdelay $0x3  }
0x36: {  	p1 =	seq.s32 s10, $0x1;
	s10 =	sld [smem:$0x3F64];
	_ =	sdelay $0x3  }
0x37: {  	[smem:$0x3F64] =	sst s10  }
0x38: {  	s10 =	sld [smem:$0x3F65]  }
0x39: {  	_ = 	snop;
	(pc) =	sbr.ind lr, $3  }
0x3a: {  	_ = 	snop  }
0x3b: {  	_ = 	snop  }
0x3c: {  	p2 =	seq.s32 s10, $0x1;
	s10 =	sld [smem:$0x3F64]  }
0x3d: {  	_ =	shalt  }
0x3e: {  	_ =	shalt  }
0x3f: {  	_ =	shalt  }
0x40: {  	_ =	shalt  }
0x41: {  	_ =	shalt  }
0x42: {  	_ =	shalt  }
0x43: {  	_ =	shalt  }
0x44: {  	_ =	shalt  }
0x45: {  	_ =	shalt  }
0x46: {  	_ =	shalt  }
0x47: {  	_ =	shalt  }
0x48: {  	_ =	shalt  }
0x49: {  	_ =	shalt  }
0x4a: {  	_ =	shalt  }
0x4b: {  	_ =	shalt  }
0x4c: {  	_ =	shalt  }
0x4d: {  	_ =	shalt  }
0x4e: {  	_ =	shalt  }
0x4f: {  	_ =	shalt  }
0x50: {  	_ =	shalt  }
0x51: {  	_ =	shalt  }
0x52: {  	_ =	shalt  }
0x53: {  	_ =	shalt  }
0x54: {  	_ =	shalt  }
0x55: {  	_ =	shalt  }
0x56: {  	_ =	shalt  }
0x57: {  	_ =	shalt  }
0x58: {  	_ =	shalt  }
0x59: {  	_ =	shalt  }
0x5a: {  	_ =	shalt  }
0x5b: {  	_ =	shalt  }
0x5c: {  	_ =	shalt  }
0x5d: {  	_ =	shalt  }
0x5e: {  	_ =	shalt  }
0x5f: {  	_ =	shalt  }
0x60: {  	_ =	shalt  }
0x61: {  	_ =	shalt  }
0x62: {  	_ =	shalt  }
0x63: {  	_ =	shalt  }
0x64: {  	_ =	shalt  }
0x65: {  	_ =	shalt  }
0x66: {  	_ =	shalt  }
0x67: {  	_ =	shalt  }
0x68: {  	_ =	shalt  }
0x69: {  	_ =	shalt  }
0x6a: {  	_ =	shalt  }
0x6b: {  	_ =	shalt  }
0x6c: {  	_ =	shalt  }
0x6d: {  	_ =	shalt  }
0x6e: {  	_ =	shalt  }
0x6f: {  	_ =	shalt  }
0x70: {  	_ =	shalt  }
0x71: {  	_ =	shalt  }
0x72: {  	_ =	shalt  }
0x73: {  	_ =	shalt  }
0x74: {  	_ =	shalt  }
0x75: {  	_ =	shalt  }
0x76: {  	_ =	shalt  }
0x77: {  	_ =	shalt  }
0x78: {  	_ =	shalt  }
0x79: {  	_ =	shalt  }
0x7a: {  	_ =	shalt  }
0x7b: {  	_ =	shalt  }
0x7c: {  	_ =	shalt  }
0x7d: {  	_ =	shalt  }
0x7e: {  	_ =	shalt  }
0x7f: {  	_ =	shalt  }
0x80: {  	_ =	shalt  }
0x81: {  	_ =	shalt  }
0x82: {  	_ =	shalt  }
0x83: {  	_ =	shalt  }
0x84: {  	_ =	shalt  }
0x85: {  	_ =	shalt  }
0x86: {  	_ =	shalt  }
0x87: {  	_ =	shalt  }
.Lfunc_end0:
.L_simem_size_0:
called_computation.5_lowered:
.L_overlay_start_0:
0x88: {  	s2 =	sld [smem:$0x3FD9]  }
0x89: {  	s3 =	sld [smem:$0x3FFE];
	_ =	sdelay $0x1  }
0x8a: {  	s1 =	srdreg.scid  }
0x8b: {  	s0 =	sand.u32 $0x1, s1  }
0x8c: {  	s16 =	sshll.u32 s0, $0xA;
	s2 =	sadd.s32 s3, s2  }
0x8d: {  	s2 =	sadd.s32 s2, s16  }
0x8e: {  	[smem:$0x3F70] =	sst s2  }
0x8f: {  	_ = 	snop  }
0x90: {  	(tm) =	ssettm $0x1  }
0x91: {  	s17 =	sld [smem:$0x3FFB];
	_ =	sdelay $0x3  }
0x92: {  	_ =	strace s17  }
0x93: {  	s2 =	sld [smem:$0x3FFC];
	_ =	sdelay $0x3  }
0x94: {  	_ =	strace s2  }
0x95: {  	s2 =	sld [smem:$0x3FFD];
	_ =	sdelay $0x3  }
0x96: {  	_ =	strace s2  }
0x97: {  	_ =	strace $0x8FFFFFFF  }
0x98: {  	s18 =	sld [smem:$0x3FDB];
	_ =	sdelay $0x1  }
0x99: {  	s19 =	simm.s32 $_scs_section_size  }
0x9a: {  	s4 =	simm.s32 $_size__tile_overlayer_lowered;
	s5 =	simm.s32 $_tile_overlayer_lowered  }
0x9b: {  	s22 =	simm.s32 $0x1BFF;
	s21 =	sshll.u32 s5, $0x1;
	s2 =	sadd.s32 s19, s18  }
0x9c: {  	s6 =	simm.s32 $0x0;
	s20 =	sshll.u32 s4, $0x1;
	s4 =	sadd.s32 s21, s2  }
0x9d: {  	[timem:s6], [sflag:s22] =	dma.local [hbm:s4], s20  }
0x9e: {  	_ =	swait.ge [sflag:s22], s20  }
0x9f: {  	s3 =	ssub.s32 $0x0, s20;
	[sflag:s22] =	ssyncset.done $0x0  }
0xa0: {  	[sflag:s22] =	ssyncadd.s32 s3;
	_ =	sdelay $0x1  }
0xa1: {  	s23 =	simm.s32 $0x1B8B  }
0xa2: {  	_ =	swait.ge [sflag:s23], $0x1  }
0xa3: {  	[sflag:s23] =	ssyncset.done $0x0  }
0xa4: {  	s25 =	simm.s32 $0x1B8E;
	s24 =	sld [smem:$0x3FFE];
	[sflag:s23] =	ssyncadd.s32 $0xFFFFFFFF  }
0xa5: {  	s26 =	simm.s32 $execute0_lowered;
	[smem:$0x3FD2] =	sst s25  }
0xa6: {  	s4 =	sshll.u32 s26, $0x1;
	_ =	strace $0x80000055;
	[dreg:$0x1] =	wrdreg $0xFFFFFFFF  }
0xa7: {  	s28 =	simm.s32 $_size_execute0_lowered;
	s2 =	sadd.s32 s2, s4;
	[dreg:$0x0] =	wrdreg $0x0  }
0xa8: {  	s4 =	sshll.u32 s28, $0x1;
	[dreg:$0x2] =	wrdreg s2  }
0xa9: {  	[dreg:$0x3] =	wrdreg s4  }
0xaa: {  	[dreg:$0x4] =	wrdreg $0xC0  }
0xab: {  	_ =	task [dreg:s6], $0x5FFFF  }
0xac: {  	[dreg:$0x1] =	wrdreg $0xFFFFFFFF  }
0xad: {  	[dreg:$0x0] =	wrdreg $0x60  }
0xae: {  	[dreg:$0x2] =	wrdreg s24  }
0xaf: {  	[dreg:$0x3] =	wrdreg $0x28800  }
0xb0: {  	[dreg:$0x4] =	wrdreg $0x9  }
0xb1: {  	_ =	task.clear_ibuf [dreg:s6], $0x5FFFF;
	_ =	strace $0x90000055  }
0xb2: {  	s29 =	simm.s32 $0x9;
	_ =	strace $0x80000057  }
0xb3: {  	_ =	swait.ge [sflag:s29], $0x1  }
0xb4: {  	[sflag:s29] =	ssyncadd.s32 $0xFFFFFFFF  }
0xb5: {  	_ =	strace $0x90000057  }
0xb6: {  	_ =	sfence  }
0xb7: {  	s30 =	sld [smem:$0x0];
	_ =	sdelay $0x2  }
0xb8: {  	s31 =	sshll.u32 s1, $0xD;
	s1 =	sshrl.u32 s1, $0x2  }
0xb9: {  	s3 =	sand.u32 $0x4000, s31;
	s1 =	sadd.s32 s1, s30  }
0xba: {  	s0 =	sor.u32 s3, s0;
	s1 =	sshll.u32 s1, $0x11  }
0xbb: {  	s0 =	sor.u32 s1, s0  }
0xbc: {  	s0 =	sadd.s32 $0x8F2B, s0  }
0xbd: {  	[sflag:s0] =	ssyncadd.remote.s32 $0x1  }
0xbe: {  	_ =	sfence.sel $0xFFFF  }
0xbf: {  	[dreg:$0x0] =	wrdreg $0xFFFFFFFF;
	(pc) =	sbr.abs _section_cstart, $3  }
0xc0: {  	[dreg:$0x1] =	wrdreg $0xFFFFFFFF  }
0xc1: {  	_ =	task.clear_ibuf [dreg:s6], $0x2FFFF;
	_ =	strace $0x9FFFFFFF  }
0xc2: {  	(tm) =	ssettm $0x7FFFFFFF  }
0xc3: {  	_ =	shalt  }
tec
execute0_lowered:
.L_overlay_start_1:
0x0: {  	(tag) =	ssettag $0x1  }
0x1: {  	s4 =	rddreg [dreg:$0x0];
	s1 =	stileid.u32  }
0x2: {  	s2 =	rddreg [dreg:$0x1];
	s5 =	smul.u32 $0xA00, s1  }
0x3: {  	s0 =	rddreg [dreg:$0x2];
	s3 =	simm.s32 $0x0;
	s6 =	smul.u32 $0x14, s1  }
0x4: {  	s7 =	srdreg.scid;
	s14 =	simm.s32 $0x50;
	s8 =	smul.u32 $0x13C00, s1  }
0x5: {  	s15 =	simm.s32 $0x0;
	s7 =	sand.u32 $0x1, s7;
	s12 =	smul.u32 $0x4F000, s1  }
0x6: {  	[smem:$0x7FF] =	sst s3;
	s30 =	sshll.u32 s1, $0x6;
	s9 =	smul.u32 $0x13C000, s7  }
0x7: {  	_ =	strace $0x80000056;
	s25 =	ssub.s32 $0x2, s7;
	s28 =	smul.u32 $0x500, s7  }
0x8: {  	s7 =	smul.u32 $0xA, s7;
	s10 =	sadd.s32 s5, s4;
	s11 =	sadd.s32 s6, s4  }
0x9: {  	s23 =	sshrl.u32 s8, $0x3;
	s26 =	sshrl.u32 s25, $0x1;
	s29 =	sshrl.u32 s12, $0x2  }
0xa: {  	s12 =	simm.s32 $0x2;
	s5 =	sadd.s32 s23, s4;
	s24 =	sadd.s32 s8, s9  }
0xb: {  	s8 =	ssub.s32 s25, s26;
	s13 =	sadd.s32 s29, s2;
	s9 =	sadd.s32 s28, s10  }
0xc: {  	s31 =	sadd.s32 s7, s11;
	s11 =	simm.s32 $0x1;
	s6 =	sshrl.u32 s24, $0x3  }
0xd: {  	s7 =	smax.u32 s8, $0x1;
	s8 =	sadd.s32 $0xA87000, s9;
	s9 =	sadd.s32 $0x1C400, s31  }
0xe: {  	s10 =	sshrl.u32 s13, $0x3;
	s13 =	simm.s32 $0x80;
	s6 =	sadd.s32 s6, s4  }
0xf: {  	s4 =	sadd.s32 $0x26200, s5;
	s5 =	sor.u32 $0x1C01, s30;
	s6 =	sadd.s32 $0xC3000, s6  }
.LBB2_1:
0x10: {  	[spmem:s10], [sflag:s5] =	dma.local [hbm:s4], $0x2780  }
0x11: {  	_ =	swait.ge [sflag:s11], $0x2780  }
0x12: {  	[sflag:s11] =	ssyncset.done $0x0  }
0x13: {  	[sflag:s11] =	ssyncadd.s32 $0xFFFFD880  }
0x14: {  	s16 =	sadd.s32 $0x0, s9;
	[bflag:$0x0] =	sbarrier.arrive $0xFFFF  }
0x15: {  	[tilespmem:s3], [sflag:$0x2] =	stream.linear.gather [hbm4b:s16+s3], $0x50, $0x38;
	[tilespmem:$0x16480] =	vst v63  }
0x16: {  	_ =	swait.ge [sflag:s12], $0x50  }
0x17: {  	[sflag:s12] =	ssyncset.done $0x0  }
0x18: {  	[sflag:s12] =	ssyncadd.s32 $0xFFFFFFB0  }
0x19: {  	[tilespmem:s13], [sflag:$0x2] =	stream.linear.gather [hbm4b:s8+s3], $0x2800, $0x38;
	[tilespmem:$0x16480] =	vst v63  }
0x1a: {  	_ =	swait.ge [sflag:s12], $0x2800  }
0x1b: {  	[sflag:s12] =	ssyncset.done $0x0  }
0x1c: {  	[sflag:s12] =	ssyncadd.s32 $0xFFFFD800  }
0x1d: {  	[spmem:s2] =	stream.indirect.scatter.add.f32 [tilespmem:s13], [sflag:$0x1], $0x80, s3, s14, $0xb8;
	[tilespmem:$0x16480] =	vst v63  }
0x1e: {  	s17 =	simm.s32 $0x140;
	_ =	swait.ge [sflag:s11], $0x2800  }
0x1f: {  	s18 =	simm.s32 $0x280;
	s16 =	sadd.s32 $0xA000, s8;
	[sflag:s11] =	ssyncset.done $0x0  }
.LBB2_2:
0x20: {  	s19 =	sadd.s32 s17, s9  }
0x21: {  	[sflag:s11] =	ssyncadd.s32 $0xFFFFD800;
	s17 =	smov.u32 s18;
	s20 =	sadd.s32 $0x140, s18  }
0x22: {  	[tilespmem:s3], [sflag:$0x2] =	stream.linear.gather [hbm4b:s19+s3], $0x50, $0x38;
	[tilespmem:$0x16480] =	vst v63  }
0x23: {  	p0 =	sne.s32 s18, $0x9B00;
	_ =	swait.ge [sflag:s12], $0x50  }
0x24: {  	[sflag:s12] =	ssyncset.done $0x0  }
0x25: {  	[sflag:s12] =	ssyncadd.s32 $0xFFFFFFB0  }
0x26: {  	[tilespmem:s13], [sflag:$0x2] =	stream.linear.gather [hbm4b:s16+s3], $0x2800, $0x38;
	[tilespmem:$0x16480] =	vst v63  }
0x27: {  	_ =	swait.ge [sflag:s12], $0x2800  }
.Ltmp0:
0x28: {  	[sflag:s12] =	ssyncset.done $0x0;
	(pc) =	sbr.rel @p0 .LBB2_2-.Ltmp0, $4  }
0x29: {  	[sflag:s12] =	ssyncadd.s32 $0xFFFFD800  }
0x2a: {  	[spmem:s2] =	stream.indirect.scatter.add.f32 [tilespmem:s13], [sflag:$0x1], $0x80, s3, s14, $0xb8;
	[tilespmem:$0x16480] =	vst v63  }
0x2b: {  	_ =	swait.ge [sflag:s11], $0x2800  }
0x2c: {  	s18 =	smov.u32 s20;
	s16 =	sadd.s32 $0xA000, s16;
	[sflag:s11] =	ssyncset.done $0x0  }
0x2d: {  	s17 =	sadd.s32 s17, s9;
	[sflag:s11] =	ssyncadd.s32 $0xFFFFD800  }
0x2e: {  	[tilespmem:s3], [sflag:$0x2] =	stream.linear.gather [hbm4b:s17+s3], $0x50, $0x38;
	[tilespmem:$0x16480] =	vst v63  }
0x2f: {  	_ =	swait.ge [sflag:s12], $0x50  }
0x30: {  	[sflag:s12] =	ssyncset.done $0x0  }
0x31: {  	[sflag:s12] =	ssyncadd.s32 $0xFFFFFFB0  }
0x32: {  	[tilespmem:s13], [sflag:$0x2] =	stream.linear.gather [hbm4b:s16+s3], $0x2800, $0x38;
	[tilespmem:$0x16480] =	vst v63  }
0x33: {  	_ =	swait.ge [sflag:s12], $0x2800  }
0x34: {  	[sflag:s12] =	ssyncset.done $0x0  }
0x35: {  	[sflag:s12] =	ssyncadd.s32 $0xFFFFD800  }
0x36: {  	[spmem:s2] =	stream.indirect.scatter.add.f32 [tilespmem:s13], [sflag:$0x1], $0x80, s3, s14, $0xb8;
	[tilespmem:$0x16480] =	vst v63  }
0x37: {  	_ =	swait.ge [sflag:s11], $0x2800  }
0x38: {  	s15 =	sadd.s32 $0x1, s15;
	[sflag:s11] =	ssyncset.done $0x0  }
0x39: {  	p0 =	sne.s32 s15, s7;
	[sflag:s11] =	ssyncadd.s32 $0xFFFFD800  }
.Ltmp1:
0x3a: {  	[bflag:$0x0] =	sbarrier.arrive $0xFFFF;
	(pc) =	sbr.rel @p0 .LBB2_1-.Ltmp1, $4  }
0x3b: {  	[hbm:s6], [sflag:s5] =	dma.local [spmem:s10], $0x2780  }
0x3c: {  	_ =	swait.ge [sflag:s11], $0x2780  }
0x3d: {  	[sflag:s11] =	ssyncset.done $0x0  }
0x3e: {  	[sflag:s11] =	ssyncadd.s32 $0xFFFFD880  }
0x3f: {  	_ =	sfence.sel $0x180000  }
0x40: {  	[bflag:$0x0] =	sbarrier.arrive $0xFFFF  }
0x41: {  	p0 =	sne.s32 s1, $0x0;
	_ =	strace $0x90000056  }
0x42: {  	s0 =	sadd.s32 @!p0 $0x100000, s0;
	[bflag:$0x2] =	sbarrier.arrive $0xFFFF  }
0x43: {  	[sflag:s0] =	ssyncadd.tile.s32 @!p0 $0x1;
	_ =	shalt  }
.Lfunc_end2:
_tile_overlayer_lowered:
.L_overlay_start_2:
0x44: {  	(tag) =	ssettag $0x2  }
0x45: {  	s0 =	rddreg [dreg:$0x0];
	s2 =	stileid.u32  }
0x46: {  	s1 =	rddreg [dreg:$0x1];
	p0 =	sne.s32 s2, $0x0  }
0x47: {  	s3 =	rddreg [dreg:$0x2];
	[bflag:$0x3] =	sbarrier.arrive $0xFFFF;
	s2 =	simm.s32 @!p0 $0x1C01  }
0x48: {  	[timem:s3], [sflag:s2] =	dma.local @!p0 [hbm:s0], s1  }
0x49: {  	s0 =	simm.s32 @!p0 $0x1  }
0x4a: {  	_ =	swait.ge @!p0 [sflag:s0], s1  }
0x4b: {  	s1 =	ssub.s32 @!p0 $0x0, s1;
	[sflag:s0] =	ssyncset.done @!p0 $0x0  }
0x4c: {  	[sflag:s0] =	ssyncadd.s32 @!p0 s1  }
0x4d: {  	[bflag:$0x3] =	sbarrier.arrive $0xFFFF  }
0x4e: {  	_ =	shalt  }

// kernel: kernel.43.cloned.1.call-start
scs
__scs_entry_jumppad:
0x0: {  	(pc) =	sbr.rel $0x88, $3  }
0x1: {  	(tag) =	ssettag $0x0;
	lr =	simm.s32 $0x1  }
0x2: {  	[smem:$0x3F49] =	sst lr;
	_ =	strace $0xD0000000  }
0x3: {  	_ = 	snop  }
0x4: {  	_ = 	snop  }
0x5: {  	_ = 	snop  }
0x6: {  	_ = 	snop  }
0x7: {  	_ = 	snop  }
__scs_overlays_trampoline_lowered:
0x8: {  	[smem:$0x3F58] =	sst s0  }
0x9: {  	[smem:$0x3F59] =	sst s1  }
0xa: {  	[smem:$0x3F5A] =	sst s2  }
0xb: {  	[smem:$0x3F5B] =	sst s3  }
0xc: {  	[smem:$0x3F5C] =	sst s4  }
0xd: {  	[smem:$0x3F5D] =	sst s5  }
0xe: {  	[smem:$0x3F5E] =	sst s6  }
0xf: {  	[smem:$0x3F5F] =	sst s7  }
0x10: {  	[smem:$0x3F60] =	sst s8  }
0x11: {  	[smem:$0x3F61] =	sst s9;
	s0 =	simm.s32 @!p0 $0x0  }
0x12: {  	s1 =	sld [smem:$0x3F47];
	s0 =	simm.s32 @p0 $0x1  }
0x13: {  	[smem:$0x3F62] =	sst s0;
	s0 =	simm.s32 @!p1 $0x0  }
0x14: {  	s2 =	sld [smem:$0x3F46];
	s0 =	simm.s32 @p1 $0x1  }
0x15: {  	[smem:$0x3F63] =	sst s0;
	s0 =	simm.s32 @!p2 $0x0  }
0x16: {  	s3 =	sld [smem:$0x3FDB];
	s0 =	simm.s32 @p2 $0x1  }
0x17: {  	s4 =	simm.s32 $0x1BF5;
	[smem:$0x3F65] =	sst s0  }
0x18: {  	s0 =	sld [smem:$0x3F48];
	_ =	swait.ge [sflag:s4], $0x0  }
0x19: {  	s7 =	sld [smem:$0x3F49]  }
0x1a: {  	s8 =	sadd.s32 $0xFFFFE003, lr  }
0x1b: {  	s9 =	sadd.s32 $0xFFFFFEF7, lr;
	s5 =	simm.s32 $0xFFFFFFFF;
	p2 =	slt.u32 s8, $0xFFFFF086  }
0x1c: {  	p1 =	slt.u32 s9, $0xF7A;
	s5 =	simm.s32 @!p2 $0x0  }
0x1d: {  	s5 =	simm.s32 @p1 $0x1;
	p0 =	seq.s32 s7, s2  }
0x1e: {  	s7 =	smul.u32 @!p0 $0xF7A, s2;
	p2 =	seq.s32 @!p0 s5, $0x0  }
0x1f: {  	s9 =	smul.u32 $0xF7A, s1;
	s8 =	simm.s32 @!p0 $0x1BF5;
	p2 =	por !p2, p0  }
0x20: {  	[sflag:s8] =	ssyncset.s32 @!p0 $0xFFFFF086;
	s6 =	sadd.s32 @!p0 s3, s7;
	s7 =	simm.s32 @!p0 $0x108  }
0x21: {  	s3 =	sadd.s32 s3, s9;
	s6 =	sadd.s32 @!p0 $0x88, s6;
	s7 =	simm.s32 @p2 $0x1082  }
0x22: {  	[simem:s7], [sflag:s8] =	dma.local @!p0 [hbm:s6], $0xF7A  }
0x23: {  	s9 =	sor.u32 $0xD0000000, s2;
	s6 =	simm.s32 $0x108;
	_ =	swait.ge @!p0 [sflag:s8], $0x0  }
0x24: {  	s3 =	sadd.s32 $0x88, s3;
	s6 =	simm.s32 @!p1 $0x1082;
	[sflag:s4] =	ssyncset.s32 $0xFFFFF086  }
0x25: {  	[simem:s6], [sflag:s4] =	dma.local [hbm:s3], $0xF7A  }
0x26: {  	[smem:$0x3F49] =	sst s1;
	(tag) =	ssettag s2;
	_ =	strace s9  }
0x27: {  	s1 =	sld [smem:$0x3F59]  }
0x28: {  	s2 =	sld [smem:$0x3F5A]  }
0x29: {  	s4 =	sld [smem:$0x3F5C]  }
0x2a: {  	p0 =	seq.s32 s5, $0x0;
	s5 =	sld [smem:$0x3F5D]  }
0x2b: {  	s6 =	sld [smem:$0x3F5E]  }
0x2c: {  	s7 =	sld [smem:$0x3F5F]  }
0x2d: {  	s3 =	simm.s32 $0x108;
	s8 =	sld [smem:$0x3F60]  }
0x2e: {  	s3 =	simm.s32 @!p0 $0x1082;
	s9 =	sld [smem:$0x3F61]  }
0x2f: {  	lr =	sadd.s32 s0, s3;
	s0 =	sld [smem:$0x3F58]  }
0x30: {  	s3 =	sld [smem:$0x3F5B]  }
0x31: {  	[smem:$0x3F64] =	sst s10  }
0x32: {  	s10 =	sld [smem:$0x3F62];
	_ =	sdelay $0x3  }
0x33: {  	p0 =	seq.s32 s10, $0x1;
	s10 =	sld [smem:$0x3F64];
	_ =	sdelay $0x3  }
0x34: {  	[smem:$0x3F64] =	sst s10  }
0x35: {  	s10 =	sld [smem:$0x3F63];
	_ =	sdelay $0x3  }
0x36: {  	p1 =	seq.s32 s10, $0x1;
	s10 =	sld [smem:$0x3F64];
	_ =	sdelay $0x3  }
0x37: {  	[smem:$0x3F64] =	sst s10  }
0x38: {  	s10 =	sld [smem:$0x3F65]  }
0x39: {  	_ = 	snop;
	(pc) =	sbr.ind lr, $3  }
0x3a: {  	_ = 	snop  }
0x3b: {  	_ = 	snop  }
0x3c: {  	p2 =	seq.s32 s10, $0x1;
	s10 =	sld [smem:$0x3F64]  }
0x3d: {  	_ =	shalt  }
0x3e: {  	_ =	shalt  }
0x3f: {  	_ =	shalt  }
0x40: {  	_ =	shalt  }
0x41: {  	_ =	shalt  }
0x42: {  	_ =	shalt  }
0x43: {  	_ =	shalt  }
0x44: {  	_ =	shalt  }
0x45: {  	_ =	shalt  }
0x46: {  	_ =	shalt  }
0x47: {  	_ =	shalt  }
0x48: {  	_ =	shalt  }
0x49: {  	_ =	shalt  }
0x4a: {  	_ =	shalt  }
0x4b: {  	_ =	shalt  }
0x4c: {  	_ =	shalt  }
0x4d: {  	_ =	shalt  }
0x4e: {  	_ =	shalt  }
0x4f: {  	_ =	shalt  }
0x50: {  	_ =	shalt  }
0x51: {  	_ =	shalt  }
0x52: {  	_ =	shalt  }
0x53: {  	_ =	shalt  }
0x54: {  	_ =	shalt  }
0x55: {  	_ =	shalt  }
0x56: {  	_ =	shalt  }
0x57: {  	_ =	shalt  }
0x58: {  	_ =	shalt  }
0x59: {  	_ =	shalt  }
0x5a: {  	_ =	shalt  }
0x5b: {  	_ =	shalt  }
0x5c: {  	_ =	shalt  }
0x5d: {  	_ =	shalt  }
0x5e: {  	_ =	shalt  }
0x5f: {  	_ =	shalt  }
0x60: {  	_ =	shalt  }
0x61: {  	_ =	shalt  }
0x62: {  	_ =	shalt  }
0x63: {  	_ =	shalt  }
0x64: {  	_ =	shalt  }
0x65: {  	_ =	shalt  }
0x66: {  	_ =	shalt  }
0x67: {  	_ =	shalt  }
0x68: {  	_ =	shalt  }
0x69: {  	_ =	shalt  }
0x6a: {  	_ =	shalt  }
0x6b: {  	_ =	shalt  }
0x6c: {  	_ =	shalt  }
0x6d: {  	_ =	shalt  }
0x6e: {  	_ =	shalt  }
0x6f: {  	_ =	shalt  }
0x70: {  	_ =	shalt  }
0x71: {  	_ =	shalt  }
0x72: {  	_ =	shalt  }
0x73: {  	_ =	shalt  }
0x74: {  	_ =	shalt  }
0x75: {  	_ =	shalt  }
0x76: {  	_ =	shalt  }
0x77: {  	_ =	shalt  }
0x78: {  	_ =	shalt  }
0x79: {  	_ =	shalt  }
0x7a: {  	_ =	shalt  }
0x7b: {  	_ =	shalt  }
0x7c: {  	_ =	shalt  }
0x7d: {  	_ =	shalt  }
0x7e: {  	_ =	shalt  }
0x7f: {  	_ =	shalt  }
0x80: {  	_ =	shalt  }
0x81: {  	_ =	shalt  }
0x82: {  	_ =	shalt  }
0x83: {  	_ =	shalt  }
0x84: {  	_ =	shalt  }
0x85: {  	_ =	shalt  }
0x86: {  	_ =	shalt  }
0x87: {  	_ =	shalt  }
.Lfunc_end0:
.L_simem_size_0:
called_computation.6_lowered:
.L_overlay_start_0:
0x88: {  	s2 =	sld [smem:$0x3FD9]  }
0x89: {  	s3 =	sld [smem:$0x3FFE];
	_ =	sdelay $0x1  }
0x8a: {  	s1 =	srdreg.scid  }
0x8b: {  	s0 =	sand.u32 $0x1, s1  }
0x8c: {  	s16 =	sshll.u32 s0, $0xA;
	s2 =	sadd.s32 s3, s2  }
0x8d: {  	s2 =	sadd.s32 s2, s16  }
0x8e: {  	[smem:$0x3F70] =	sst s2  }
0x8f: {  	_ = 	snop  }
0x90: {  	(tm) =	ssettm $0x1  }
0x91: {  	s17 =	sld [smem:$0x3FFB];
	_ =	sdelay $0x3  }
0x92: {  	_ =	strace s17  }
0x93: {  	s2 =	sld [smem:$0x3FFC];
	_ =	sdelay $0x3  }
0x94: {  	_ =	strace s2  }
0x95: {  	s2 =	sld [smem:$0x3FFD];
	_ =	sdelay $0x3  }
0x96: {  	_ =	strace s2  }
0x97: {  	_ =	strace $0x8FFFFFFF  }
0x98: {  	s18 =	sld [smem:$0x3FDB];
	_ =	sdelay $0x1  }
0x99: {  	s19 =	simm.s32 $_scs_section_size  }
0x9a: {  	s4 =	simm.s32 $_size__tile_overlayer_lowered;
	s5 =	simm.s32 $_tile_overlayer_lowered  }
0x9b: {  	s22 =	simm.s32 $0x1BFF;
	s21 =	sshll.u32 s5, $0x1;
	s2 =	sadd.s32 s19, s18  }
0x9c: {  	s6 =	simm.s32 $0x0;
	s20 =	sshll.u32 s4, $0x1;
	s4 =	sadd.s32 s21, s2  }
0x9d: {  	[timem:s6], [sflag:s22] =	dma.local [hbm:s4], s20  }
0x9e: {  	_ =	swait.ge [sflag:s22], s20  }
0x9f: {  	s3 =	ssub.s32 $0x0, s20;
	[sflag:s22] =	ssyncset.done $0x0  }
0xa0: {  	[sflag:s22] =	ssyncadd.s32 s3;
	_ =	sdelay $0x1  }
0xa1: {  	s23 =	simm.s32 $0x1B8B  }
0xa2: {  	_ =	swait.ge [sflag:s23], $0x1  }
0xa3: {  	[sflag:s23] =	ssyncset.done $0x0  }
0xa4: {  	s25 =	simm.s32 $0x1B8E;
	s24 =	sld [smem:$0x3FFE];
	[sflag:s23] =	ssyncadd.s32 $0xFFFFFFFF  }
0xa5: {  	s26 =	simm.s32 $execute0_lowered;
	[smem:$0x3FD2] =	sst s25  }
0xa6: {  	s4 =	sshll.u32 s26, $0x1;
	_ =	strace $0x80000058;
	[dreg:$0x1] =	wrdreg $0xFFFFFFFF  }
0xa7: {  	s28 =	simm.s32 $_size_execute0_lowered;
	s2 =	sadd.s32 s2, s4;
	[dreg:$0x0] =	wrdreg $0x0  }
0xa8: {  	s4 =	sshll.u32 s28, $0x1;
	[dreg:$0x2] =	wrdreg s2  }
0xa9: {  	[dreg:$0x3] =	wrdreg s4  }
0xaa: {  	[dreg:$0x4] =	wrdreg $0xC0  }
0xab: {  	_ =	task [dreg:s6], $0x5FFFF  }
0xac: {  	[dreg:$0x1] =	wrdreg $0xFFFFFFFF  }
0xad: {  	[dreg:$0x0] =	wrdreg $0x60  }
0xae: {  	[dreg:$0x2] =	wrdreg s24  }
0xaf: {  	[dreg:$0x3] =	wrdreg $0x9  }
0xb0: {  	_ =	task.clear_ibuf [dreg:s6], $0x4FFFF;
	_ =	strace $0x90000058  }
0xb1: {  	s29 =	simm.s32 $0x9;
	_ =	strace $0x8000005A  }
0xb2: {  	_ =	swait.ge [sflag:s29], $0x1  }
0xb3: {  	[sflag:s29] =	ssyncadd.s32 $0xFFFFFFFF  }
0xb4: {  	_ =	strace $0x9000005A  }
0xb5: {  	_ =	sfence  }
0xb6: {  	s30 =	sld [smem:$0x0];
	_ =	sdelay $0x2  }
0xb7: {  	s31 =	sshll.u32 s1, $0xD;
	s1 =	sshrl.u32 s1, $0x2  }
0xb8: {  	s3 =	sand.u32 $0x4000, s31;
	s1 =	sadd.s32 s1, s30  }
0xb9: {  	s0 =	sor.u32 s3, s0;
	s1 =	sshll.u32 s1, $0x11  }
0xba: {  	s0 =	sor.u32 s1, s0  }
0xbb: {  	s0 =	sadd.s32 $0x8F2B, s0  }
0xbc: {  	[sflag:s0] =	ssyncadd.remote.s32 $0x1  }
0xbd: {  	_ =	sfence.sel $0xFFFF  }
0xbe: {  	[dreg:$0x0] =	wrdreg $0xFFFFFFFF;
	(pc) =	sbr.abs _section_cstart, $3  }
0xbf: {  	[dreg:$0x1] =	wrdreg $0xFFFFFFFF  }
0xc0: {  	_ =	task.clear_ibuf [dreg:s6], $0x2FFFF;
	_ =	strace $0x9FFFFFFF  }
0xc1: {  	(tm) =	ssettm $0x7FFFFFFF  }
tec
execute0_lowered:
.L_overlay_start_1:
0x0: {  	(tag) =	ssettag $0x1  }
0x1: {  	s5 =	rddreg [dreg:$0x0]  }
0x2: {  	s0 =	rddreg [dreg:$0x1];
	s2 =	simm.s32 $0x0;
	s1 =	stileid.u32  }
0x3: {  	s3 =	srdreg.scid;
	s12 =	simm.s32 $0x50;
	s13 =	simm.s32 $0x100  }
0x4: {  	s14 =	simm.s32 $0x2900;
	s15 =	simm.s32 $0x1;
	s16 =	simm.s32 $0x2  }
0x5: {  	s17 =	simm.s32 $0x0;
	[smem:$0x7FF] =	sst s2;
	s6 =	smul.u32 $0x9C4, s1  }
0x6: {  	s7 =	smul.u32 $0x4E200, s1;
	s8 =	sand.u32 $0x1, s3;
	s3 =	sadd.s32 $0x4DA00, s5  }
0x7: {  	s4 =	sadd.s32 $0x74C00, s5;
	s9 =	ssub.s32 $0x2, s8;
	s10 =	smul.u32 $0x27100, s8  }
0x8: {  	_ =	strace $0x80000059;
	s8 =	smul.u32 $0x4E2, s8;
	s11 =	sshrl.u32 s9, $0x1  }
0x9: {  	s6 =	sadd.s32 s6, s5;
	s7 =	sadd.s32 s7, s5;
	s30 =	ssub.s32 s9, s11  }
0xa: {  	s7 =	sadd.s32 s10, s7;
	s31 =	sadd.s32 s8, s6;
	s10 =	simm.s32 $0x3  }
0xb: {  	s11 =	simm.s32 $0x80;
	s5 =	smax.u32 s30, $0x1;
	s6 =	sadd.s32 $0xC3000, s7  }
0xc: {  	s7 =	sadd.s32 $0x5A5000, s7;
	s8 =	sadd.s32 $0x1C400, s31;
	s9 =	sadd.s32 $0x12600, s31  }
.LBB2_1:
0xd: {  	s18 =	sadd.s32 $0x0, s8  }
0xe: {  	[tilespmem:s2], [sflag:$0x3] =	stream.linear.gather [hbm4b:s18+s2], $0x50, $0x38;
	[tilespmem:$0x5100] =	vst v63  }
0xf: {  	_ =	swait.ge [sflag:s10], $0x50  }
0x10: {  	[sflag:s10] =	ssyncset.done $0x0  }
0x11: {  	s31 =	sadd.s32 $0x0, s9;
	[sflag:s10] =	ssyncadd.s32 $0xFFFFFFB0  }
0x12: {  	[tilespmem:s11], [sflag:$0x3] =	stream.linear.gather [hbm4b:s31+s2], $0x50, $0x38;
	[tilespmem:$0x5100] =	vst v63  }
0x13: {  	_ =	swait.ge [sflag:s10], $0x50  }
0x14: {  	[sflag:s10] =	ssyncset.done $0x0  }
0x15: {  	[sflag:s10] =	ssyncadd.s32 $0xFFFFFFB0  }
0x16: {  	[tilespmem:s13], [sflag:$0x1] =	stream.indirect.gather [hbm4b:s3+s12], $0x80, s2, s12, $0xb8;
	[tilespmem:$0x5100] =	vst v63  }
0x17: {  	_ = 	snop  }
0x18: {  	[tilespmem:s14], [sflag:$0x2] =	stream.indirect.gather [hbm4b:s4+s12], $0x80, s11, s12, $0xb8;
	[tilespmem:$0x5100] =	vst v63  }
0x19: {  	_ =	swait.ge [sflag:s15], $0x2800  }
0x1a: {  	[sflag:s15] =	ssyncset.done $0x0  }
0x1b: {  	[sflag:s15] =	ssyncadd.s32 $0xFFFFD800  }
0x1c: {  	_ =	swait.ge [sflag:s16], $0x2800  }
0x1d: {  	[sflag:s16] =	ssyncset.done $0x0  }
0x1e: {  	[sflag:s16] =	ssyncadd.s32 $0xFFFFD800  }
0x1f: {  	[hbm4b:s6+s2] =	stream.linear.scatter [tilespmem:s13], [sflag:$0x3], $0x2800, $0x38;
	[tilespmem:$0x5100] =	vst v63  }
0x20: {  	_ =	swait.ge [sflag:s10], $0x2800  }
0x21: {  	[sflag:s10] =	ssyncset.done $0x0  }
0x22: {  	[sflag:s10] =	ssyncadd.s32 $0xFFFFD800  }
0x23: {  	[hbm4b:s7+s2] =	stream.linear.scatter [tilespmem:s14], [sflag:$0x3], $0x2800, $0x38;
	[tilespmem:$0x5100] =	vst v63  }
0x24: {  	s20 =	simm.s32 $0xA;
	s21 =	simm.s32 $0x14;
	_ =	swait.ge [sflag:s10], $0x2800  }
0x25: {  	s19 =	sadd.s32 $0x500, s6;
	s18 =	sadd.s32 $0x500, s7;
	[sflag:s10] =	ssyncset.done $0x0  }
.LBB2_2:
0x26: {  	s22 =	sadd.s32 s20, s8  }
0x27: {  	[sflag:s10] =	ssyncadd.s32 $0xFFFFD800;
	s23 =	smov.u32 s21;
	s24 =	sadd.s32 $0xA, s21  }
0x28: {  	[tilespmem:s2], [sflag:$0x3] =	stream.linear.gather [hbm4b:s22+s2], $0x50, $0x38;
	[tilespmem:$0x5100] =	vst v63  }
0x29: {  	p0 =	sne.s32 s21, $0x4D8;
	_ =	swait.ge [sflag:s10], $0x50  }
0x2a: {  	[sflag:s10] =	ssyncset.done $0x0  }
0x2b: {  	s21 =	sadd.s32 s20, s9;
	s20 =	smov.u32 s23;
	[sflag:s10] =	ssyncadd.s32 $0xFFFFFFB0  }
0x2c: {  	[tilespmem:s11], [sflag:$0x3] =	stream.linear.gather [hbm4b:s21+s2], $0x50, $0x38;
	[tilespmem:$0x5100] =	vst v63  }
0x2d: {  	_ =	swait.ge [sflag:s10], $0x50  }
0x2e: {  	[sflag:s10] =	ssyncset.done $0x0  }
0x2f: {  	[sflag:s10] =	ssyncadd.s32 $0xFFFFFFB0  }
0x30: {  	[tilespmem:s13], [sflag:$0x1] =	stream.indirect.gather [hbm4b:s3+s12], $0x80, s2, s12, $0xb8;
	[tilespmem:$0x5100] =	vst v63  }
0x31: {  	_ = 	snop  }
0x32: {  	[tilespmem:s14], [sflag:$0x2] =	stream.indirect.gather [hbm4b:s4+s12], $0x80, s11, s12, $0xb8;
	[tilespmem:$0x5100] =	vst v63  }
0x33: {  	_ =	swait.ge [sflag:s15], $0x2800  }
0x34: {  	[sflag:s15] =	ssyncset.done $0x0  }
0x35: {  	[sflag:s15] =	ssyncadd.s32 $0xFFFFD800  }
0x36: {  	_ =	swait.ge [sflag:s16], $0x2800  }
0x37: {  	[sflag:s16] =	ssyncset.done $0x0  }
0x38: {  	[sflag:s16] =	ssyncadd.s32 $0xFFFFD800  }
0x39: {  	[hbm4b:s19+s2] =	stream.linear.scatter [tilespmem:s13], [sflag:$0x3], $0x2800, $0x38;
	[tilespmem:$0x5100] =	vst v63  }
0x3a: {  	_ =	swait.ge [sflag:s10], $0x2800  }
.Ltmp0:
0x3b: {  	[sflag:s10] =	ssyncset.done $0x0;
	(pc) =	sbr.rel @p0 .LBB2_2-.Ltmp0, $4  }
0x3c: {  	[sflag:s10] =	ssyncadd.s32 $0xFFFFD800  }
0x3d: {  	[hbm4b:s18+s2] =	stream.linear.scatter [tilespmem:s14], [sflag:$0x3], $0x2800, $0x38;
	[tilespmem:$0x5100] =	vst v63  }
0x3e: {  	s21 =	smov.u32 s24;
	_ =	swait.ge [sflag:s10], $0x2800  }
0x3f: {  	s19 =	sadd.s32 $0x500, s19;
	s18 =	sadd.s32 $0x500, s18;
	[sflag:s10] =	ssyncset.done $0x0  }
0x40: {  	s21 =	sadd.s32 s20, s8;
	[sflag:s10] =	ssyncadd.s32 $0xFFFFD800  }
0x41: {  	[tilespmem:s2], [sflag:$0x3] =	stream.linear.gather [hbm4b:s21+s2], $0x50, $0x38;
	[tilespmem:$0x5100] =	vst v63  }
0x42: {  	_ =	swait.ge [sflag:s10], $0x50  }
0x43: {  	[sflag:s10] =	ssyncset.done $0x0  }
0x44: {  	s31 =	sadd.s32 s20, s9;
	[sflag:s10] =	ssyncadd.s32 $0xFFFFFFB0  }
0x45: {  	[tilespmem:s11], [sflag:$0x3] =	stream.linear.gather [hbm4b:s31+s2], $0x50, $0x38;
	[tilespmem:$0x5100] =	vst v63  }
0x46: {  	_ =	swait.ge [sflag:s10], $0x50  }
0x47: {  	[sflag:s10] =	ssyncset.done $0x0  }
0x48: {  	[sflag:s10] =	ssyncadd.s32 $0xFFFFFFB0  }
0x49: {  	[tilespmem:s13], [sflag:$0x1] =	stream.indirect.gather [hbm4b:s3+s12], $0x80, s2, s12, $0xb8;
	[tilespmem:$0x5100] =	vst v63  }
0x4a: {  	_ = 	snop  }
0x4b: {  	[tilespmem:s14], [sflag:$0x2] =	stream.indirect.gather [hbm4b:s4+s12], $0x80, s11, s12, $0xb8;
	[tilespmem:$0x5100] =	vst v63  }
0x4c: {  	_ =	swait.ge [sflag:s15], $0x2800  }
0x4d: {  	[sflag:s15] =	ssyncset.done $0x0  }
0x4e: {  	[sflag:s15] =	ssyncadd.s32 $0xFFFFD800  }
0x4f: {  	_ =	swait.ge [sflag:s16], $0x2800  }
0x50: {  	[sflag:s16] =	ssyncset.done $0x0  }
0x51: {  	[sflag:s16] =	ssyncadd.s32 $0xFFFFD800  }
0x52: {  	[hbm4b:s19+s2] =	stream.linear.scatter [tilespmem:s13], [sflag:$0x3], $0x2800, $0x38;
	[tilespmem:$0x5100] =	vst v63  }
0x53: {  	s17 =	sadd.s32 $0x1, s17;
	_ =	swait.ge [sflag:s10], $0x2800  }
0x54: {  	p0 =	sne.s32 s17, s5;
	[sflag:s10] =	ssyncset.done $0x0  }
.Ltmp1:
0x55: {  	[sflag:s10] =	ssyncadd.s32 $0xFFFFD800;
	(pc) =	sbr.rel @p0 .LBB2_1-.Ltmp1, $4  }
0x56: {  	[hbm4b:s18+s2] =	stream.linear.scatter [tilespmem:s14], [sflag:$0x3], $0x2800, $0x38;
	[tilespmem:$0x5100] =	vst v63  }
0x57: {  	_ =	swait.ge [sflag:s10], $0x2800  }
0x58: {  	[sflag:s10] =	ssyncset.done $0x0  }
0x59: {  	[sflag:s10] =	ssyncadd.s32 $0xFFFFD800  }
0x5a: {  	_ =	sfence.sel $0x180000  }
0x5b: {  	[bflag:$0x0] =	sbarrier.arrive $0xFFFF  }
0x5c: {  	p0 =	sne.s32 s1, $0x0;
	_ =	strace $0x90000059  }
0x5d: {  	s0 =	sadd.s32 @!p0 $0x100000, s0;
	[bflag:$0x2] =	sbarrier.arrive $0xFFFF  }
0x5e: {  	[sflag:s0] =	ssyncadd.tile.s32 @!p0 $0x1;
	_ =	shalt  }
.Lfunc_end2:
_tile_overlayer_lowered:
.L_overlay_start_2:
0x5f: {  	(tag) =	ssettag $0x2  }
0x60: {  	s0 =	rddreg [dreg:$0x0];
	s2 =	stileid.u32  }
0x61: {  	s1 =	rddreg [dreg:$0x1];
	p0 =	sne.s32 s2, $0x0  }
0x62: {  	s3 =	rddreg [dreg:$0x2];
	[bflag:$0x3] =	sbarrier.arrive $0xFFFF;
	s2 =	simm.s32 @!p0 $0x1C03  }
0x63: {  	[timem:s3], [sflag:s2] =	dma.local @!p0 [hbm:s0], s1  }
0x64: {  	s0 =	simm.s32 @!p0 $0x3  }
0x65: {  	_ =	swait.ge @!p0 [sflag:s0], s1  }
0x66: {  	s1 =	ssub.s32 @!p0 $0x0, s1;
	[sflag:s0] =	ssyncset.done @!p0 $0x0  }
0x67: {  	[sflag:s0] =	ssyncadd.s32 @!p0 s1  }
0x68: {  	[bflag:$0x3] =	sbarrier.arrive $0xFFFF  }
0x69: {  	_ =	shalt  }

// kernel: kernel.46.cloned.1.call-start
scs
__scs_entry_jumppad:
0x0: {  	(pc) =	sbr.rel $0x88, $3  }
0x1: {  	(tag) =	ssettag $0x0;
	lr =	simm.s32 $0x1  }
0x2: {  	[smem:$0x3F49] =	sst lr;
	_ =	strace $0xD0000000  }
0x3: {  	_ = 	snop  }
0x4: {  	_ = 	snop  }
0x5: {  	_ = 	snop  }
0x6: {  	_ = 	snop  }
0x7: {  	_ = 	snop  }
__scs_overlays_trampoline_lowered:
0x8: {  	[smem:$0x3F58] =	sst s0  }
0x9: {  	[smem:$0x3F59] =	sst s1  }
0xa: {  	[smem:$0x3F5A] =	sst s2  }
0xb: {  	[smem:$0x3F5B] =	sst s3  }
0xc: {  	[smem:$0x3F5C] =	sst s4  }
0xd: {  	[smem:$0x3F5D] =	sst s5  }
0xe: {  	[smem:$0x3F5E] =	sst s6  }
0xf: {  	[smem:$0x3F5F] =	sst s7  }
0x10: {  	[smem:$0x3F60] =	sst s8  }
0x11: {  	[smem:$0x3F61] =	sst s9;
	s0 =	simm.s32 @!p0 $0x0  }
0x12: {  	s1 =	sld [smem:$0x3F47];
	s0 =	simm.s32 @p0 $0x1  }
0x13: {  	[smem:$0x3F62] =	sst s0;
	s0 =	simm.s32 @!p1 $0x0  }
0x14: {  	s2 =	sld [smem:$0x3F46];
	s0 =	simm.s32 @p1 $0x1  }
0x15: {  	[smem:$0x3F63] =	sst s0;
	s0 =	simm.s32 @!p2 $0x0  }
0x16: {  	s3 =	sld [smem:$0x3FDB];
	s0 =	simm.s32 @p2 $0x1  }
0x17: {  	s4 =	simm.s32 $0x1BF5;
	[smem:$0x3F65] =	sst s0  }
0x18: {  	s0 =	sld [smem:$0x3F48];
	_ =	swait.ge [sflag:s4], $0x0  }
0x19: {  	s7 =	sld [smem:$0x3F49]  }
0x1a: {  	s8 =	sadd.s32 $0xFFFFE003, lr  }
0x1b: {  	s9 =	sadd.s32 $0xFFFFFEF7, lr;
	s5 =	simm.s32 $0xFFFFFFFF;
	p2 =	slt.u32 s8, $0xFFFFF086  }
0x1c: {  	p1 =	slt.u32 s9, $0xF7A;
	s5 =	simm.s32 @!p2 $0x0  }
0x1d: {  	s5 =	simm.s32 @p1 $0x1;
	p0 =	seq.s32 s7, s2  }
0x1e: {  	s7 =	smul.u32 @!p0 $0xF7A, s2;
	p2 =	seq.s32 @!p0 s5, $0x0  }
0x1f: {  	s9 =	smul.u32 $0xF7A, s1;
	s8 =	simm.s32 @!p0 $0x1BF5;
	p2 =	por !p2, p0  }
0x20: {  	[sflag:s8] =	ssyncset.s32 @!p0 $0xFFFFF086;
	s6 =	sadd.s32 @!p0 s3, s7;
	s7 =	simm.s32 @!p0 $0x108  }
0x21: {  	s3 =	sadd.s32 s3, s9;
	s6 =	sadd.s32 @!p0 $0x88, s6;
	s7 =	simm.s32 @p2 $0x1082  }
0x22: {  	[simem:s7], [sflag:s8] =	dma.local @!p0 [hbm:s6], $0xF7A  }
0x23: {  	s9 =	sor.u32 $0xD0000000, s2;
	s6 =	simm.s32 $0x108;
	_ =	swait.ge @!p0 [sflag:s8], $0x0  }
0x24: {  	s3 =	sadd.s32 $0x88, s3;
	s6 =	simm.s32 @!p1 $0x1082;
	[sflag:s4] =	ssyncset.s32 $0xFFFFF086  }
0x25: {  	[simem:s6], [sflag:s4] =	dma.local [hbm:s3], $0xF7A  }
0x26: {  	[smem:$0x3F49] =	sst s1;
	(tag) =	ssettag s2;
	_ =	strace s9  }
0x27: {  	s1 =	sld [smem:$0x3F59]  }
0x28: {  	s2 =	sld [smem:$0x3F5A]  }
0x29: {  	s4 =	sld [smem:$0x3F5C]  }
0x2a: {  	p0 =	seq.s32 s5, $0x0;
	s5 =	sld [smem:$0x3F5D]  }
0x2b: {  	s6 =	sld [smem:$0x3F5E]  }
0x2c: {  	s7 =	sld [smem:$0x3F5F]  }
0x2d: {  	s3 =	simm.s32 $0x108;
	s8 =	sld [smem:$0x3F60]  }
0x2e: {  	s3 =	simm.s32 @!p0 $0x1082;
	s9 =	sld [smem:$0x3F61]  }
0x2f: {  	lr =	sadd.s32 s0, s3;
	s0 =	sld [smem:$0x3F58]  }
0x30: {  	s3 =	sld [smem:$0x3F5B]  }
0x31: {  	[smem:$0x3F64] =	sst s10  }
0x32: {  	s10 =	sld [smem:$0x3F62];
	_ =	sdelay $0x3  }
0x33: {  	p0 =	seq.s32 s10, $0x1;
	s10 =	sld [smem:$0x3F64];
	_ =	sdelay $0x3  }
0x34: {  	[smem:$0x3F64] =	sst s10  }
0x35: {  	s10 =	sld [smem:$0x3F63];
	_ =	sdelay $0x3  }
0x36: {  	p1 =	seq.s32 s10, $0x1;
	s10 =	sld [smem:$0x3F64];
	_ =	sdelay $0x3  }
0x37: {  	[smem:$0x3F64] =	sst s10  }
0x38: {  	s10 =	sld [smem:$0x3F65]  }
0x39: {  	_ = 	snop;
	(pc) =	sbr.ind lr, $3  }
0x3a: {  	_ = 	snop  }
0x3b: {  	_ = 	snop  }
0x3c: {  	p2 =	seq.s32 s10, $0x1;
	s10 =	sld [smem:$0x3F64]  }
0x3d: {  	_ =	shalt  }
0x3e: {  	_ =	shalt  }
0x3f: {  	_ =	shalt  }
0x40: {  	_ =	shalt  }
0x41: {  	_ =	shalt  }
0x42: {  	_ =	shalt  }
0x43: {  	_ =	shalt  }
0x44: {  	_ =	shalt  }
0x45: {  	_ =	shalt  }
0x46: {  	_ =	shalt  }
0x47: {  	_ =	shalt  }
0x48: {  	_ =	shalt  }
0x49: {  	_ =	shalt  }
0x4a: {  	_ =	shalt  }
0x4b: {  	_ =	shalt  }
0x4c: {  	_ =	shalt  }
0x4d: {  	_ =	shalt  }
0x4e: {  	_ =	shalt  }
0x4f: {  	_ =	shalt  }
0x50: {  	_ =	shalt  }
0x51: {  	_ =	shalt  }
0x52: {  	_ =	shalt  }
0x53: {  	_ =	shalt  }
0x54: {  	_ =	shalt  }
0x55: {  	_ =	shalt  }
0x56: {  	_ =	shalt  }
0x57: {  	_ =	shalt  }
0x58: {  	_ =	shalt  }
0x59: {  	_ =	shalt  }
0x5a: {  	_ =	shalt  }
0x5b: {  	_ =	shalt  }
0x5c: {  	_ =	shalt  }
0x5d: {  	_ =	shalt  }
0x5e: {  	_ =	shalt  }
0x5f: {  	_ =	shalt  }
0x60: {  	_ =	shalt  }
0x61: {  	_ =	shalt  }
0x62: {  	_ =	shalt  }
0x63: {  	_ =	shalt  }
0x64: {  	_ =	shalt  }
0x65: {  	_ =	shalt  }
0x66: {  	_ =	shalt  }
0x67: {  	_ =	shalt  }
0x68: {  	_ =	shalt  }
0x69: {  	_ =	shalt  }
0x6a: {  	_ =	shalt  }
0x6b: {  	_ =	shalt  }
0x6c: {  	_ =	shalt  }
0x6d: {  	_ =	shalt  }
0x6e: {  	_ =	shalt  }
0x6f: {  	_ =	shalt  }
0x70: {  	_ =	shalt  }
0x71: {  	_ =	shalt  }
0x72: {  	_ =	shalt  }
0x73: {  	_ =	shalt  }
0x74: {  	_ =	shalt  }
0x75: {  	_ =	shalt  }
0x76: {  	_ =	shalt  }
0x77: {  	_ =	shalt  }
0x78: {  	_ =	shalt  }
0x79: {  	_ =	shalt  }
0x7a: {  	_ =	shalt  }
0x7b: {  	_ =	shalt  }
0x7c: {  	_ =	shalt  }
0x7d: {  	_ =	shalt  }
0x7e: {  	_ =	shalt  }
0x7f: {  	_ =	shalt  }
0x80: {  	_ =	shalt  }
0x81: {  	_ =	shalt  }
0x82: {  	_ =	shalt  }
0x83: {  	_ =	shalt  }
0x84: {  	_ =	shalt  }
0x85: {  	_ =	shalt  }
0x86: {  	_ =	shalt  }
0x87: {  	_ =	shalt  }
.Lfunc_end0:
.L_simem_size_0:
called_computation.7_lowered:
.L_overlay_start_0:
0x88: {  	s2 =	sld [smem:$0x3FD9]  }
0x89: {  	s3 =	sld [smem:$0x3FFE];
	_ =	sdelay $0x1  }
0x8a: {  	s1 =	srdreg.scid  }
0x8b: {  	s0 =	sand.u32 $0x1, s1  }
0x8c: {  	s16 =	sshll.u32 s0, $0xA;
	s2 =	sadd.s32 s3, s2  }
0x8d: {  	s2 =	sadd.s32 s2, s16  }
0x8e: {  	[smem:$0x3F70] =	sst s2  }
0x8f: {  	_ = 	snop  }
0x90: {  	(tm) =	ssettm $0x1  }
0x91: {  	s17 =	sld [smem:$0x3FFB];
	_ =	sdelay $0x3  }
0x92: {  	_ =	strace s17  }
0x93: {  	s2 =	sld [smem:$0x3FFC];
	_ =	sdelay $0x3  }
0x94: {  	_ =	strace s2  }
0x95: {  	s2 =	sld [smem:$0x3FFD];
	_ =	sdelay $0x3  }
0x96: {  	_ =	strace s2  }
0x97: {  	_ =	strace $0x8FFFFFFF  }
0x98: {  	s18 =	sld [smem:$0x3FDB];
	_ =	sdelay $0x1  }
0x99: {  	s19 =	simm.s32 $_scs_section_size  }
0x9a: {  	s4 =	simm.s32 $_size__tile_overlayer_lowered;
	s5 =	simm.s32 $_tile_overlayer_lowered  }
0x9b: {  	s22 =	simm.s32 $0x1BFF;
	s21 =	sshll.u32 s5, $0x1;
	s2 =	sadd.s32 s19, s18  }
0x9c: {  	s6 =	simm.s32 $0x0;
	s20 =	sshll.u32 s4, $0x1;
	s4 =	sadd.s32 s21, s2  }
0x9d: {  	[timem:s6], [sflag:s22] =	dma.local [hbm:s4], s20  }
0x9e: {  	_ =	swait.ge [sflag:s22], s20  }
0x9f: {  	s3 =	ssub.s32 $0x0, s20;
	[sflag:s22] =	ssyncset.done $0x0  }
0xa0: {  	[sflag:s22] =	ssyncadd.s32 s3;
	_ =	sdelay $0x1  }
0xa1: {  	s23 =	simm.s32 $0x1B8B  }
0xa2: {  	_ =	swait.ge [sflag:s23], $0x1  }
0xa3: {  	[sflag:s23] =	ssyncset.done $0x0  }
0xa4: {  	s25 =	simm.s32 $0x1B8E;
	s24 =	sld [smem:$0x3FFE];
	[sflag:s23] =	ssyncadd.s32 $0xFFFFFFFF  }
0xa5: {  	s26 =	simm.s32 $execute0_lowered;
	[smem:$0x3FD2] =	sst s25  }
0xa6: {  	s4 =	sshll.u32 s26, $0x1;
	_ =	strace $0x8000005B;
	[dreg:$0x1] =	wrdreg $0xFFFFFFFF  }
0xa7: {  	s28 =	simm.s32 $_size_execute0_lowered;
	s2 =	sadd.s32 s2, s4;
	[dreg:$0x0] =	wrdreg $0x0  }
0xa8: {  	s4 =	sshll.u32 s28, $0x1;
	[dreg:$0x2] =	wrdreg s2  }
0xa9: {  	[dreg:$0x3] =	wrdreg s4  }
0xaa: {  	[dreg:$0x4] =	wrdreg $0xC0  }
0xab: {  	_ =	task [dreg:s6], $0x5FFFF  }
0xac: {  	[dreg:$0x1] =	wrdreg $0xFFFFFFFF  }
0xad: {  	[dreg:$0x0] =	wrdreg $0x60  }
0xae: {  	[dreg:$0x2] =	wrdreg s24  }
0xaf: {  	[dreg:$0x3] =	wrdreg $0x28800  }
0xb0: {  	[dreg:$0x4] =	wrdreg $0x9  }
0xb1: {  	_ =	task.clear_ibuf [dreg:s6], $0x5FFFF;
	_ =	strace $0x9000005B  }
0xb2: {  	s29 =	simm.s32 $0x9;
	_ =	strace $0x8000005D  }
0xb3: {  	_ =	swait.ge [sflag:s29], $0x1  }
0xb4: {  	[sflag:s29] =	ssyncadd.s32 $0xFFFFFFFF  }
0xb5: {  	_ =	strace $0x9000005D  }
0xb6: {  	_ =	sfence  }
0xb7: {  	s30 =	sld [smem:$0x0];
	_ =	sdelay $0x2  }
0xb8: {  	s31 =	sshll.u32 s1, $0xD;
	s1 =	sshrl.u32 s1, $0x2  }
0xb9: {  	s3 =	sand.u32 $0x4000, s31;
	s1 =	sadd.s32 s1, s30  }
0xba: {  	s0 =	sor.u32 s3, s0;
	s1 =	sshll.u32 s1, $0x11  }
0xbb: {  	s0 =	sor.u32 s1, s0  }
0xbc: {  	s0 =	sadd.s32 $0x8F2B, s0  }
0xbd: {  	[sflag:s0] =	ssyncadd.remote.s32 $0x1  }
0xbe: {  	_ =	sfence.sel $0xFFFF  }
0xbf: {  	[dreg:$0x0] =	wrdreg $0xFFFFFFFF;
	(pc) =	sbr.abs _section_cstart, $3  }
0xc0: {  	[dreg:$0x1] =	wrdreg $0xFFFFFFFF  }
0xc1: {  	_ =	task.clear_ibuf [dreg:s6], $0x2FFFF;
	_ =	strace $0x9FFFFFFF  }
0xc2: {  	(tm) =	ssettm $0x7FFFFFFF  }
0xc3: {  	_ =	shalt  }
tec
execute0_lowered:
.L_overlay_start_1:
0x0: {  	(tag) =	ssettag $0x1  }
0x1: {  	s4 =	rddreg [dreg:$0x0];
	s1 =	stileid.u32  }
0x2: {  	s2 =	rddreg [dreg:$0x1];
	s5 =	smul.u32 $0xA00, s1  }
0x3: {  	s0 =	rddreg [dreg:$0x2];
	s3 =	simm.s32 $0x0;
	s6 =	smul.u32 $0x14, s1  }
0x4: {  	s7 =	srdreg.scid;
	s14 =	simm.s32 $0x50;
	s8 =	smul.u32 $0x13C00, s1  }
0x5: {  	s15 =	simm.s32 $0x0;
	s7 =	sand.u32 $0x1, s7;
	s12 =	smul.u32 $0x4F000, s1  }
0x6: {  	[smem:$0x7FF] =	sst s3;
	s30 =	sshll.u32 s1, $0x6;
	s9 =	smul.u32 $0x13C000, s7  }
0x7: {  	_ =	strace $0x8000005C;
	s25 =	ssub.s32 $0x2, s7;
	s28 =	smul.u32 $0x500, s7  }
0x8: {  	s7 =	smul.u32 $0xA, s7;
	s10 =	sadd.s32 s5, s4;
	s11 =	sadd.s32 s6, s4  }
0x9: {  	s23 =	sshrl.u32 s8, $0x3;
	s26 =	sshrl.u32 s25, $0x1;
	s29 =	sshrl.u32 s12, $0x2  }
0xa: {  	s12 =	simm.s32 $0x2;
	s5 =	sadd.s32 s23, s4;
	s24 =	sadd.s32 s8, s9  }
0xb: {  	s8 =	ssub.s32 s25, s26;
	s13 =	sadd.s32 s29, s2;
	s9 =	sadd.s32 s28, s10  }
0xc: {  	s31 =	sadd.s32 s7, s11;
	s11 =	simm.s32 $0x1;
	s6 =	sshrl.u32 s24, $0x3  }
0xd: {  	s7 =	smax.u32 s8, $0x1;
	s8 =	sadd.s32 $0xA87000, s9;
	s9 =	sadd.s32 $0x1C400, s31  }
0xe: {  	s10 =	sshrl.u32 s13, $0x3;
	s13 =	simm.s32 $0x80;
	s6 =	sadd.s32 s6, s4  }
0xf: {  	s4 =	sadd.s32 $0x26200, s5;
	s5 =	sor.u32 $0x1C01, s30;
	s6 =	sadd.s32 $0xC3000, s6  }
.LBB2_1:
0x10: {  	[spmem:s10], [sflag:s5] =	dma.local [hbm:s4], $0x2780  }
0x11: {  	_ =	swait.ge [sflag:s11], $0x2780  }
0x12: {  	[sflag:s11] =	ssyncset.done $0x0  }
0x13: {  	[sflag:s11] =	ssyncadd.s32 $0xFFFFD880  }
0x14: {  	s16 =	sadd.s32 $0x0, s9;
	[bflag:$0x0] =	sbarrier.arrive $0xFFFF  }
0x15: {  	[tilespmem:s3], [sflag:$0x2] =	stream.linear.gather [hbm4b:s16+s3], $0x50, $0x38;
	[tilespmem:$0x16480] =	vst v63  }
0x16: {  	_ =	swait.ge [sflag:s12], $0x50  }
0x17: {  	[sflag:s12] =	ssyncset.done $0x0  }
0x18: {  	[sflag:s12] =	ssyncadd.s32 $0xFFFFFFB0  }
0x19: {  	[tilespmem:s13], [sflag:$0x2] =	stream.linear.gather [hbm4b:s8+s3], $0x2800, $0x38;
	[tilespmem:$0x16480] =	vst v63  }
0x1a: {  	_ =	swait.ge [sflag:s12], $0x2800  }
0x1b: {  	[sflag:s12] =	ssyncset.done $0x0  }
0x1c: {  	[sflag:s12] =	ssyncadd.s32 $0xFFFFD800  }
0x1d: {  	[spmem:s2] =	stream.indirect.scatter.add.f32 [tilespmem:s13], [sflag:$0x1], $0x80, s3, s14, $0xb8;
	[tilespmem:$0x16480] =	vst v63  }
0x1e: {  	s17 =	simm.s32 $0x140;
	_ =	swait.ge [sflag:s11], $0x2800  }
0x1f: {  	s18 =	simm.s32 $0x280;
	s16 =	sadd.s32 $0xA000, s8;
	[sflag:s11] =	ssyncset.done $0x0  }
.LBB2_2:
0x20: {  	s19 =	sadd.s32 s17, s9  }
0x21: {  	[sflag:s11] =	ssyncadd.s32 $0xFFFFD800;
	s17 =	smov.u32 s18;
	s20 =	sadd.s32 $0x140, s18  }
0x22: {  	[tilespmem:s3], [sflag:$0x2] =	stream.linear.gather [hbm4b:s19+s3], $0x50, $0x38;
	[tilespmem:$0x16480] =	vst v63  }
0x23: {  	p0 =	sne.s32 s18, $0x9B00;
	_ =	swait.ge [sflag:s12], $0x50  }
0x24: {  	[sflag:s12] =	ssyncset.done $0x0  }
0x25: {  	[sflag:s12] =	ssyncadd.s32 $0xFFFFFFB0  }
0x26: {  	[tilespmem:s13], [sflag:$0x2] =	stream.linear.gather [hbm4b:s16+s3], $0x2800, $0x38;
	[tilespmem:$0x16480] =	vst v63  }
0x27: {  	_ =	swait.ge [sflag:s12], $0x2800  }
.Ltmp0:
0x28: {  	[sflag:s12] =	ssyncset.done $0x0;
	(pc) =	sbr.rel @p0 .LBB2_2-.Ltmp0, $4  }
0x29: {  	[sflag:s12] =	ssyncadd.s32 $0xFFFFD800  }
0x2a: {  	[spmem:s2] =	stream.indirect.scatter.add.f32 [tilespmem:s13], [sflag:$0x1], $0x80, s3, s14, $0xb8;
	[tilespmem:$0x16480] =	vst v63  }
0x2b: {  	_ =	swait.ge [sflag:s11], $0x2800  }
0x2c: {  	s18 =	smov.u32 s20;
	s16 =	sadd.s32 $0xA000, s16;
	[sflag:s11] =	ssyncset.done $0x0  }
0x2d: {  	s17 =	sadd.s32 s17, s9;
	[sflag:s11] =	ssyncadd.s32 $0xFFFFD800  }
0x2e: {  	[tilespmem:s3], [sflag:$0x2] =	stream.linear.gather [hbm4b:s17+s3], $0x50, $0x38;
	[tilespmem:$0x16480] =	vst v63  }
0x2f: {  	_ =	swait.ge [sflag:s12], $0x50  }
0x30: {  	[sflag:s12] =	ssyncset.done $0x0  }
0x31: {  	[sflag:s12] =	ssyncadd.s32 $0xFFFFFFB0  }
0x32: {  	[tilespmem:s13], [sflag:$0x2] =	stream.linear.gather [hbm4b:s16+s3], $0x2800, $0x38;
	[tilespmem:$0x16480] =	vst v63  }
0x33: {  	_ =	swait.ge [sflag:s12], $0x2800  }
0x34: {  	[sflag:s12] =	ssyncset.done $0x0  }
0x35: {  	[sflag:s12] =	ssyncadd.s32 $0xFFFFD800  }
0x36: {  	[spmem:s2] =	stream.indirect.scatter.add.f32 [tilespmem:s13], [sflag:$0x1], $0x80, s3, s14, $0xb8;
	[tilespmem:$0x16480] =	vst v63  }
0x37: {  	_ =	swait.ge [sflag:s11], $0x2800  }
0x38: {  	s15 =	sadd.s32 $0x1, s15;
	[sflag:s11] =	ssyncset.done $0x0  }
0x39: {  	p0 =	sne.s32 s15, s7;
	[sflag:s11] =	ssyncadd.s32 $0xFFFFD800  }
.Ltmp1:
0x3a: {  	[bflag:$0x0] =	sbarrier.arrive $0xFFFF;
	(pc) =	sbr.rel @p0 .LBB2_1-.Ltmp1, $4  }
0x3b: {  	[hbm:s6], [sflag:s5] =	dma.local [spmem:s10], $0x2780  }
0x3c: {  	_ =	swait.ge [sflag:s11], $0x2780  }
0x3d: {  	[sflag:s11] =	ssyncset.done $0x0  }
0x3e: {  	[sflag:s11] =	ssyncadd.s32 $0xFFFFD880  }
0x3f: {  	_ =	sfence.sel $0x180000  }
0x40: {  	[bflag:$0x0] =	sbarrier.arrive $0xFFFF  }
0x41: {  	p0 =	sne.s32 s1, $0x0;
	_ =	strace $0x9000005C  }
0x42: {  	s0 =	sadd.s32 @!p0 $0x100000, s0;
	[bflag:$0x2] =	sbarrier.arrive $0xFFFF  }
0x43: {  	[sflag:s0] =	ssyncadd.tile.s32 @!p0 $0x1;
	_ =	shalt  }
.Lfunc_end2:
_tile_overlayer_lowered:
.L_overlay_start_2:
0x44: {  	(tag) =	ssettag $0x2  }
0x45: {  	s0 =	rddreg [dreg:$0x0];
	s2 =	stileid.u32  }
0x46: {  	s1 =	rddreg [dreg:$0x1];
	p0 =	sne.s32 s2, $0x0  }
0x47: {  	s3 =	rddreg [dreg:$0x2];
	[bflag:$0x3] =	sbarrier.arrive $0xFFFF;
	s2 =	simm.s32 @!p0 $0x1C01  }
0x48: {  	[timem:s3], [sflag:s2] =	dma.local @!p0 [hbm:s0], s1  }
0x49: {  	s0 =	simm.s32 @!p0 $0x1  }
0x4a: {  	_ =	swait.ge @!p0 [sflag:s0], s1  }
0x4b: {  	s1 =	ssub.s32 @!p0 $0x0, s1;
	[sflag:s0] =	ssyncset.done @!p0 $0x0  }
0x4c: {  	[sflag:s0] =	ssyncadd.s32 @!p0 s1  }
0x4d: {  	[bflag:$0x3] =	sbarrier.arrive $0xFFFF  }
0x4e: {  	_ =	shalt  }

// kernel: kernel.49.cloned.1.call-start
scs
__scs_entry_jumppad:
0x0: {  	(pc) =	sbr.rel $0x88, $3  }
0x1: {  	(tag) =	ssettag $0x0;
	lr =	simm.s32 $0x1  }
0x2: {  	[smem:$0x3F49] =	sst lr;
	_ =	strace $0xD0000000  }
0x3: {  	_ = 	snop  }
0x4: {  	_ = 	snop  }
0x5: {  	_ = 	snop  }
0x6: {  	_ = 	snop  }
0x7: {  	_ = 	snop  }
__scs_overlays_trampoline_lowered:
0x8: {  	[smem:$0x3F58] =	sst s0  }
0x9: {  	[smem:$0x3F59] =	sst s1  }
0xa: {  	[smem:$0x3F5A] =	sst s2  }
0xb: {  	[smem:$0x3F5B] =	sst s3  }
0xc: {  	[smem:$0x3F5C] =	sst s4  }
0xd: {  	[smem:$0x3F5D] =	sst s5  }
0xe: {  	[smem:$0x3F5E] =	sst s6  }
0xf: {  	[smem:$0x3F5F] =	sst s7  }
0x10: {  	[smem:$0x3F60] =	sst s8  }
0x11: {  	[smem:$0x3F61] =	sst s9;
	s0 =	simm.s32 @!p0 $0x0  }
0x12: {  	s1 =	sld [smem:$0x3F47];
	s0 =	simm.s32 @p0 $0x1  }
0x13: {  	[smem:$0x3F62] =	sst s0;
	s0 =	simm.s32 @!p1 $0x0  }
0x14: {  	s2 =	sld [smem:$0x3F46];
	s0 =	simm.s32 @p1 $0x1  }
0x15: {  	[smem:$0x3F63] =	sst s0;
	s0 =	simm.s32 @!p2 $0x0  }
0x16: {  	s3 =	sld [smem:$0x3FDB];
	s0 =	simm.s32 @p2 $0x1  }
0x17: {  	s4 =	simm.s32 $0x1BF5;
	[smem:$0x3F65] =	sst s0  }
0x18: {  	s0 =	sld [smem:$0x3F48];
	_ =	swait.ge [sflag:s4], $0x0  }
0x19: {  	s7 =	sld [smem:$0x3F49]  }
0x1a: {  	s8 =	sadd.s32 $0xFFFFE003, lr  }
0x1b: {  	s9 =	sadd.s32 $0xFFFFFEF7, lr;
	s5 =	simm.s32 $0xFFFFFFFF;
	p2 =	slt.u32 s8, $0xFFFFF086  }
0x1c: {  	p1 =	slt.u32 s9, $0xF7A;
	s5 =	simm.s32 @!p2 $0x0  }
0x1d: {  	s5 =	simm.s32 @p1 $0x1;
	p0 =	seq.s32 s7, s2  }
0x1e: {  	s7 =	smul.u32 @!p0 $0xF7A, s2;
	p2 =	seq.s32 @!p0 s5, $0x0  }
0x1f: {  	s9 =	smul.u32 $0xF7A, s1;
	s8 =	simm.s32 @!p0 $0x1BF5;
	p2 =	por !p2, p0  }
0x20: {  	[sflag:s8] =	ssyncset.s32 @!p0 $0xFFFFF086;
	s6 =	sadd.s32 @!p0 s3, s7;
	s7 =	simm.s32 @!p0 $0x108  }
0x21: {  	s3 =	sadd.s32 s3, s9;
	s6 =	sadd.s32 @!p0 $0x88, s6;
	s7 =	simm.s32 @p2 $0x1082  }
0x22: {  	[simem:s7], [sflag:s8] =	dma.local @!p0 [hbm:s6], $0xF7A  }
0x23: {  	s9 =	sor.u32 $0xD0000000, s2;
	s6 =	simm.s32 $0x108;
	_ =	swait.ge @!p0 [sflag:s8], $0x0  }
0x24: {  	s3 =	sadd.s32 $0x88, s3;
	s6 =	simm.s32 @!p1 $0x1082;
	[sflag:s4] =	ssyncset.s32 $0xFFFFF086  }
0x25: {  	[simem:s6], [sflag:s4] =	dma.local [hbm:s3], $0xF7A  }
0x26: {  	[smem:$0x3F49] =	sst s1;
	(tag) =	ssettag s2;
	_ =	strace s9  }
0x27: {  	s1 =	sld [smem:$0x3F59]  }
0x28: {  	s2 =	sld [smem:$0x3F5A]  }
0x29: {  	s4 =	sld [smem:$0x3F5C]  }
0x2a: {  	p0 =	seq.s32 s5, $0x0;
	s5 =	sld [smem:$0x3F5D]  }
0x2b: {  	s6 =	sld [smem:$0x3F5E]  }
0x2c: {  	s7 =	sld [smem:$0x3F5F]  }
0x2d: {  	s3 =	simm.s32 $0x108;
	s8 =	sld [smem:$0x3F60]  }
0x2e: {  	s3 =	simm.s32 @!p0 $0x1082;
	s9 =	sld [smem:$0x3F61]  }
0x2f: {  	lr =	sadd.s32 s0, s3;
	s0 =	sld [smem:$0x3F58]  }
0x30: {  	s3 =	sld [smem:$0x3F5B]  }
0x31: {  	[smem:$0x3F64] =	sst s10  }
0x32: {  	s10 =	sld [smem:$0x3F62];
	_ =	sdelay $0x3  }
0x33: {  	p0 =	seq.s32 s10, $0x1;
	s10 =	sld [smem:$0x3F64];
	_ =	sdelay $0x3  }
0x34: {  	[smem:$0x3F64] =	sst s10  }
0x35: {  	s10 =	sld [smem:$0x3F63];
	_ =	sdelay $0x3  }
0x36: {  	p1 =	seq.s32 s10, $0x1;
	s10 =	sld [smem:$0x3F64];
	_ =	sdelay $0x3  }
0x37: {  	[smem:$0x3F64] =	sst s10  }
0x38: {  	s10 =	sld [smem:$0x3F65]  }
0x39: {  	_ = 	snop;
	(pc) =	sbr.ind lr, $3  }
0x3a: {  	_ = 	snop  }
0x3b: {  	_ = 	snop  }
0x3c: {  	p2 =	seq.s32 s10, $0x1;
	s10 =	sld [smem:$0x3F64]  }
0x3d: {  	_ =	shalt  }
0x3e: {  	_ =	shalt  }
0x3f: {  	_ =	shalt  }
0x40: {  	_ =	shalt  }
0x41: {  	_ =	shalt  }
0x42: {  	_ =	shalt  }
0x43: {  	_ =	shalt  }
0x44: {  	_ =	shalt  }
0x45: {  	_ =	shalt  }
0x46: {  	_ =	shalt  }
0x47: {  	_ =	shalt  }
0x48: {  	_ =	shalt  }
0x49: {  	_ =	shalt  }
0x4a: {  	_ =	shalt  }
0x4b: {  	_ =	shalt  }
0x4c: {  	_ =	shalt  }
0x4d: {  	_ =	shalt  }
0x4e: {  	_ =	shalt  }
0x4f: {  	_ =	shalt  }
0x50: {  	_ =	shalt  }
0x51: {  	_ =	shalt  }
0x52: {  	_ =	shalt  }
0x53: {  	_ =	shalt  }
0x54: {  	_ =	shalt  }
0x55: {  	_ =	shalt  }
0x56: {  	_ =	shalt  }
0x57: {  	_ =	shalt  }
0x58: {  	_ =	shalt  }
0x59: {  	_ =	shalt  }
0x5a: {  	_ =	shalt  }
0x5b: {  	_ =	shalt  }
0x5c: {  	_ =	shalt  }
0x5d: {  	_ =	shalt  }
0x5e: {  	_ =	shalt  }
0x5f: {  	_ =	shalt  }
0x60: {  	_ =	shalt  }
0x61: {  	_ =	shalt  }
0x62: {  	_ =	shalt  }
0x63: {  	_ =	shalt  }
0x64: {  	_ =	shalt  }
0x65: {  	_ =	shalt  }
0x66: {  	_ =	shalt  }
0x67: {  	_ =	shalt  }
0x68: {  	_ =	shalt  }
0x69: {  	_ =	shalt  }
0x6a: {  	_ =	shalt  }
0x6b: {  	_ =	shalt  }
0x6c: {  	_ =	shalt  }
0x6d: {  	_ =	shalt  }
0x6e: {  	_ =	shalt  }
0x6f: {  	_ =	shalt  }
0x70: {  	_ =	shalt  }
0x71: {  	_ =	shalt  }
0x72: {  	_ =	shalt  }
0x73: {  	_ =	shalt  }
0x74: {  	_ =	shalt  }
0x75: {  	_ =	shalt  }
0x76: {  	_ =	shalt  }
0x77: {  	_ =	shalt  }
0x78: {  	_ =	shalt  }
0x79: {  	_ =	shalt  }
0x7a: {  	_ =	shalt  }
0x7b: {  	_ =	shalt  }
0x7c: {  	_ =	shalt  }
0x7d: {  	_ =	shalt  }
0x7e: {  	_ =	shalt  }
0x7f: {  	_ =	shalt  }
0x80: {  	_ =	shalt  }
0x81: {  	_ =	shalt  }
0x82: {  	_ =	shalt  }
0x83: {  	_ =	shalt  }
0x84: {  	_ =	shalt  }
0x85: {  	_ =	shalt  }
0x86: {  	_ =	shalt  }
0x87: {  	_ =	shalt  }
.Lfunc_end0:
.L_simem_size_0:
called_computation.8_lowered:
.L_overlay_start_0:
0x88: {  	s2 =	sld [smem:$0x3FD9]  }
0x89: {  	s3 =	sld [smem:$0x3FFE];
	_ =	sdelay $0x1  }
0x8a: {  	s1 =	srdreg.scid  }
0x8b: {  	s0 =	sand.u32 $0x1, s1  }
0x8c: {  	s16 =	sshll.u32 s0, $0xA;
	s2 =	sadd.s32 s3, s2  }
0x8d: {  	s2 =	sadd.s32 s2, s16  }
0x8e: {  	[smem:$0x3F70] =	sst s2  }
0x8f: {  	_ = 	snop  }
0x90: {  	(tm) =	ssettm $0x1  }
0x91: {  	s17 =	sld [smem:$0x3FFB];
	_ =	sdelay $0x3  }
0x92: {  	_ =	strace s17  }
0x93: {  	s2 =	sld [smem:$0x3FFC];
	_ =	sdelay $0x3  }
0x94: {  	_ =	strace s2  }
0x95: {  	s2 =	sld [smem:$0x3FFD];
	_ =	sdelay $0x3  }
0x96: {  	_ =	strace s2  }
0x97: {  	_ =	strace $0x8FFFFFFF  }
0x98: {  	s18 =	sld [smem:$0x3FDB];
	_ =	sdelay $0x1  }
0x99: {  	s19 =	simm.s32 $_scs_section_size  }
0x9a: {  	s4 =	simm.s32 $_size__tile_overlayer_lowered;
	s5 =	simm.s32 $_tile_overlayer_lowered  }
0x9b: {  	s22 =	simm.s32 $0x1BFF;
	s21 =	sshll.u32 s5, $0x1;
	s2 =	sadd.s32 s19, s18  }
0x9c: {  	s6 =	simm.s32 $0x0;
	s20 =	sshll.u32 s4, $0x1;
	s4 =	sadd.s32 s21, s2  }
0x9d: {  	[timem:s6], [sflag:s22] =	dma.local [hbm:s4], s20  }
0x9e: {  	_ =	swait.ge [sflag:s22], s20  }
0x9f: {  	s3 =	ssub.s32 $0x0, s20;
	[sflag:s22] =	ssyncset.done $0x0  }
0xa0: {  	[sflag:s22] =	ssyncadd.s32 s3;
	_ =	sdelay $0x1  }
0xa1: {  	s23 =	simm.s32 $0x1B8B  }
0xa2: {  	_ =	swait.ge [sflag:s23], $0x1  }
0xa3: {  	[sflag:s23] =	ssyncset.done $0x0  }
0xa4: {  	s25 =	simm.s32 $0x1B8E;
	s24 =	sld [smem:$0x3FFE];
	[sflag:s23] =	ssyncadd.s32 $0xFFFFFFFF  }
0xa5: {  	s26 =	simm.s32 $execute0_lowered;
	[smem:$0x3FD2] =	sst s25  }
0xa6: {  	s4 =	sshll.u32 s26, $0x1;
	_ =	strace $0x8000005E;
	[dreg:$0x1] =	wrdreg $0xFFFFFFFF  }
0xa7: {  	s28 =	simm.s32 $_size_execute0_lowered;
	s2 =	sadd.s32 s2, s4;
	[dreg:$0x0] =	wrdreg $0x0  }
0xa8: {  	s4 =	sshll.u32 s28, $0x1;
	[dreg:$0x2] =	wrdreg s2  }
0xa9: {  	[dreg:$0x3] =	wrdreg s4  }
0xaa: {  	[dreg:$0x4] =	wrdreg $0xC0  }
0xab: {  	_ =	task [dreg:s6], $0x5FFFF  }
0xac: {  	[dreg:$0x1] =	wrdreg $0xFFFFFFFF  }
0xad: {  	[dreg:$0x0] =	wrdreg $0x60  }
0xae: {  	[dreg:$0x2] =	wrdreg s24  }
0xaf: {  	[dreg:$0x3] =	wrdreg $0x9  }
0xb0: {  	_ =	task.clear_ibuf [dreg:s6], $0x4FFFF;
	_ =	strace $0x9000005E  }
0xb1: {  	s29 =	simm.s32 $0x9;
	_ =	strace $0x80000060  }
0xb2: {  	_ =	swait.ge [sflag:s29], $0x1  }
0xb3: {  	[sflag:s29] =	ssyncadd.s32 $0xFFFFFFFF  }
0xb4: {  	_ =	strace $0x90000060  }
0xb5: {  	_ =	sfence  }
0xb6: {  	s30 =	sld [smem:$0x0];
	_ =	sdelay $0x2  }
0xb7: {  	s31 =	sshll.u32 s1, $0xD;
	s1 =	sshrl.u32 s1, $0x2  }
0xb8: {  	s3 =	sand.u32 $0x4000, s31;
	s1 =	sadd.s32 s1, s30  }
0xb9: {  	s0 =	sor.u32 s3, s0;
	s1 =	sshll.u32 s1, $0x11  }
0xba: {  	s0 =	sor.u32 s1, s0  }
0xbb: {  	s0 =	sadd.s32 $0x8F2B, s0  }
0xbc: {  	[sflag:s0] =	ssyncadd.remote.s32 $0x1  }
0xbd: {  	_ =	sfence.sel $0xFFFF  }
0xbe: {  	[dreg:$0x0] =	wrdreg $0xFFFFFFFF;
	(pc) =	sbr.abs _section_cstart, $3  }
0xbf: {  	[dreg:$0x1] =	wrdreg $0xFFFFFFFF  }
0xc0: {  	_ =	task.clear_ibuf [dreg:s6], $0x2FFFF;
	_ =	strace $0x9FFFFFFF  }
0xc1: {  	(tm) =	ssettm $0x7FFFFFFF  }
tec
execute0_lowered:
.L_overlay_start_1:
0x0: {  	(tag) =	ssettag $0x1  }
0x1: {  	s5 =	rddreg [dreg:$0x0]  }
0x2: {  	s0 =	rddreg [dreg:$0x1];
	s2 =	simm.s32 $0x0;
	s1 =	stileid.u32  }
0x3: {  	s3 =	srdreg.scid;
	s12 =	simm.s32 $0x50;
	s13 =	simm.s32 $0x100  }
0x4: {  	s14 =	simm.s32 $0x2900;
	s15 =	simm.s32 $0x1;
	s16 =	simm.s32 $0x2  }
0x5: {  	s17 =	simm.s32 $0x0;
	[smem:$0x7FF] =	sst s2;
	s6 =	smul.u32 $0x9C4, s1  }
0x6: {  	s7 =	smul.u32 $0x4E200, s1;
	s8 =	sand.u32 $0x1, s3;
	s3 =	sadd.s32 $0x4DA00, s5  }
0x7: {  	s4 =	sadd.s32 $0x74C00, s5;
	s9 =	ssub.s32 $0x2, s8;
	s10 =	smul.u32 $0x27100, s8  }
0x8: {  	_ =	strace $0x8000005F;
	s8 =	smul.u32 $0x4E2, s8;
	s11 =	sshrl.u32 s9, $0x1  }
0x9: {  	s6 =	sadd.s32 s6, s5;
	s7 =	sadd.s32 s7, s5;
	s30 =	ssub.s32 s9, s11  }
0xa: {  	s7 =	sadd.s32 s10, s7;
	s31 =	sadd.s32 s8, s6;
	s10 =	simm.s32 $0x3  }
0xb: {  	s11 =	simm.s32 $0x80;
	s5 =	smax.u32 s30, $0x1;
	s6 =	sadd.s32 $0xC3000, s7  }
0xc: {  	s7 =	sadd.s32 $0x5A5000, s7;
	s8 =	sadd.s32 $0x1C400, s31;
	s9 =	sadd.s32 $0x12600, s31  }
.LBB2_1:
0xd: {  	s18 =	sadd.s32 $0x0, s8  }
0xe: {  	[tilespmem:s2], [sflag:$0x3] =	stream.linear.gather [hbm4b:s18+s2], $0x50, $0x38;
	[tilespmem:$0x5100] =	vst v63  }
0xf: {  	_ =	swait.ge [sflag:s10], $0x50  }
0x10: {  	[sflag:s10] =	ssyncset.done $0x0  }
0x11: {  	s31 =	sadd.s32 $0x0, s9;
	[sflag:s10] =	ssyncadd.s32 $0xFFFFFFB0  }
0x12: {  	[tilespmem:s11], [sflag:$0x3] =	stream.linear.gather [hbm4b:s31+s2], $0x50, $0x38;
	[tilespmem:$0x5100] =	vst v63  }
0x13: {  	_ =	swait.ge [sflag:s10], $0x50  }
0x14: {  	[sflag:s10] =	ssyncset.done $0x0  }
0x15: {  	[sflag:s10] =	ssyncadd.s32 $0xFFFFFFB0  }
0x16: {  	[tilespmem:s13], [sflag:$0x1] =	stream.indirect.gather [hbm4b:s3+s12], $0x80, s2, s12, $0xb8;
	[tilespmem:$0x5100] =	vst v63  }
0x17: {  	_ = 	snop  }
0x18: {  	[tilespmem:s14], [sflag:$0x2] =	stream.indirect.gather [hbm4b:s4+s12], $0x80, s11, s12, $0xb8;
	[tilespmem:$0x5100] =	vst v63  }
0x19: {  	_ =	swait.ge [sflag:s15], $0x2800  }
0x1a: {  	[sflag:s15] =	ssyncset.done $0x0  }
0x1b: {  	[sflag:s15] =	ssyncadd.s32 $0xFFFFD800  }
0x1c: {  	_ =	swait.ge [sflag:s16], $0x2800  }
0x1d: {  	[sflag:s16] =	ssyncset.done $0x0  }
0x1e: {  	[sflag:s16] =	ssyncadd.s32 $0xFFFFD800  }
0x1f: {  	[hbm4b:s6+s2] =	stream.linear.scatter [tilespmem:s13], [sflag:$0x3], $0x2800, $0x38;
	[tilespmem:$0x5100] =	vst v63  }
0x20: {  	_ =	swait.ge [sflag:s10], $0x2800  }
0x21: {  	[sflag:s10] =	ssyncset.done $0x0  }
0x22: {  	[sflag:s10] =	ssyncadd.s32 $0xFFFFD800  }
0x23: {  	[hbm4b:s7+s2] =	stream.linear.scatter [tilespmem:s14], [sflag:$0x3], $0x2800, $0x38;
	[tilespmem:$0x5100] =	vst v63  }
0x24: {  	s20 =	simm.s32 $0xA;
	s21 =	simm.s32 $0x14;
	_ =	swait.ge [sflag:s10], $0x2800  }
0x25: {  	s19 =	sadd.s32 $0x500, s6;
	s18 =	sadd.s32 $0x500, s7;
	[sflag:s10] =	ssyncset.done $0x0  }
.LBB2_2:
0x26: {  	s22 =	sadd.s32 s20, s8  }
0x27: {  	[sflag:s10] =	ssyncadd.s32 $0xFFFFD800;
	s23 =	smov.u32 s21;
	s24 =	sadd.s32 $0xA, s21  }
0x28: {  	[tilespmem:s2], [sflag:$0x3] =	stream.linear.gather [hbm4b:s22+s2], $0x50, $0x38;
	[tilespmem:$0x5100] =	vst v63  }
0x29: {  	p0 =	sne.s32 s21, $0x4D8;
	_ =	swait.ge [sflag:s10], $0x50  }
0x2a: {  	[sflag:s10] =	ssyncset.done $0x0  }
0x2b: {  	s21 =	sadd.s32 s20, s9;
	s20 =	smov.u32 s23;
	[sflag:s10] =	ssyncadd.s32 $0xFFFFFFB0  }
0x2c: {  	[tilespmem:s11], [sflag:$0x3] =	stream.linear.gather [hbm4b:s21+s2], $0x50, $0x38;
	[tilespmem:$0x5100] =	vst v63  }
0x2d: {  	_ =	swait.ge [sflag:s10], $0x50  }
0x2e: {  	[sflag:s10] =	ssyncset.done $0x0  }
0x2f: {  	[sflag:s10] =	ssyncadd.s32 $0xFFFFFFB0  }
0x30: {  	[tilespmem:s13], [sflag:$0x1] =	stream.indirect.gather [hbm4b:s3+s12], $0x80, s2, s12, $0xb8;
	[tilespmem:$0x5100] =	vst v63  }
0x31: {  	_ = 	snop  }
0x32: {  	[tilespmem:s14], [sflag:$0x2] =	stream.indirect.gather [hbm4b:s4+s12], $0x80, s11, s12, $0xb8;
	[tilespmem:$0x5100] =	vst v63  }
0x33: {  	_ =	swait.ge [sflag:s15], $0x2800  }
0x34: {  	[sflag:s15] =	ssyncset.done $0x0  }
0x35: {  	[sflag:s15] =	ssyncadd.s32 $0xFFFFD800  }
0x36: {  	_ =	swait.ge [sflag:s16], $0x2800  }
0x37: {  	[sflag:s16] =	ssyncset.done $0x0  }
0x38: {  	[sflag:s16] =	ssyncadd.s32 $0xFFFFD800  }
0x39: {  	[hbm4b:s19+s2] =	stream.linear.scatter [tilespmem:s13], [sflag:$0x3], $0x2800, $0x38;
	[tilespmem:$0x5100] =	vst v63  }
0x3a: {  	_ =	swait.ge [sflag:s10], $0x2800  }
.Ltmp0:
0x3b: {  	[sflag:s10] =	ssyncset.done $0x0;
	(pc) =	sbr.rel @p0 .LBB2_2-.Ltmp0, $4  }
0x3c: {  	[sflag:s10] =	ssyncadd.s32 $0xFFFFD800  }
0x3d: {  	[hbm4b:s18+s2] =	stream.linear.scatter [tilespmem:s14], [sflag:$0x3], $0x2800, $0x38;
	[tilespmem:$0x5100] =	vst v63  }
0x3e: {  	s21 =	smov.u32 s24;
	_ =	swait.ge [sflag:s10], $0x2800  }
0x3f: {  	s19 =	sadd.s32 $0x500, s19;
	s18 =	sadd.s32 $0x500, s18;
	[sflag:s10] =	ssyncset.done $0x0  }
0x40: {  	s21 =	sadd.s32 s20, s8;
	[sflag:s10] =	ssyncadd.s32 $0xFFFFD800  }
0x41: {  	[tilespmem:s2], [sflag:$0x3] =	stream.linear.gather [hbm4b:s21+s2], $0x50, $0x38;
	[tilespmem:$0x5100] =	vst v63  }
0x42: {  	_ =	swait.ge [sflag:s10], $0x50  }
0x43: {  	[sflag:s10] =	ssyncset.done $0x0  }
0x44: {  	s31 =	sadd.s32 s20, s9;
	[sflag:s10] =	ssyncadd.s32 $0xFFFFFFB0  }
0x45: {  	[tilespmem:s11], [sflag:$0x3] =	stream.linear.gather [hbm4b:s31+s2], $0x50, $0x38;
	[tilespmem:$0x5100] =	vst v63  }
0x46: {  	_ =	swait.ge [sflag:s10], $0x50  }
0x47: {  	[sflag:s10] =	ssyncset.done $0x0  }
0x48: {  	[sflag:s10] =	ssyncadd.s32 $0xFFFFFFB0  }
0x49: {  	[tilespmem:s13], [sflag:$0x1] =	stream.indirect.gather [hbm4b:s3+s12], $0x80, s2, s12, $0xb8;
	[tilespmem:$0x5100] =	vst v63  }
0x4a: {  	_ = 	snop  }
0x4b: {  	[tilespmem:s14], [sflag:$0x2] =	stream.indirect.gather [hbm4b:s4+s12], $0x80, s11, s12, $0xb8;
	[tilespmem:$0x5100] =	vst v63  }
0x4c: {  	_ =	swait.ge [sflag:s15], $0x2800  }
0x4d: {  	[sflag:s15] =	ssyncset.done $0x0  }
0x4e: {  	[sflag:s15] =	ssyncadd.s32 $0xFFFFD800  }
0x4f: {  	_ =	swait.ge [sflag:s16], $0x2800  }
0x50: {  	[sflag:s16] =	ssyncset.done $0x0  }
0x51: {  	[sflag:s16] =	ssyncadd.s32 $0xFFFFD800  }
0x52: {  	[hbm4b:s19+s2] =	stream.linear.scatter [tilespmem:s13], [sflag:$0x3], $0x2800, $0x38;
	[tilespmem:$0x5100] =	vst v63  }
0x53: {  	s17 =	sadd.s32 $0x1, s17;
	_ =	swait.ge [sflag:s10], $0x2800  }
0x54: {  	p0 =	sne.s32 s17, s5;
	[sflag:s10] =	ssyncset.done $0x0  }
.Ltmp1:
0x55: {  	[sflag:s10] =	ssyncadd.s32 $0xFFFFD800;
	(pc) =	sbr.rel @p0 .LBB2_1-.Ltmp1, $4  }
0x56: {  	[hbm4b:s18+s2] =	stream.linear.scatter [tilespmem:s14], [sflag:$0x3], $0x2800, $0x38;
	[tilespmem:$0x5100] =	vst v63  }
0x57: {  	_ =	swait.ge [sflag:s10], $0x2800  }
0x58: {  	[sflag:s10] =	ssyncset.done $0x0  }
0x59: {  	[sflag:s10] =	ssyncadd.s32 $0xFFFFD800  }
0x5a: {  	_ =	sfence.sel $0x180000  }
0x5b: {  	[bflag:$0x0] =	sbarrier.arrive $0xFFFF  }
0x5c: {  	p0 =	sne.s32 s1, $0x0;
	_ =	strace $0x9000005F  }
0x5d: {  	s0 =	sadd.s32 @!p0 $0x100000, s0;
	[bflag:$0x2] =	sbarrier.arrive $0xFFFF  }
0x5e: {  	[sflag:s0] =	ssyncadd.tile.s32 @!p0 $0x1;
	_ =	shalt  }
.Lfunc_end2:
_tile_overlayer_lowered:
.L_overlay_start_2:
0x5f: {  	(tag) =	ssettag $0x2  }
0x60: {  	s0 =	rddreg [dreg:$0x0];
	s2 =	stileid.u32  }
0x61: {  	s1 =	rddreg [dreg:$0x1];
	p0 =	sne.s32 s2, $0x0  }
0x62: {  	s3 =	rddreg [dreg:$0x2];
	[bflag:$0x3] =	sbarrier.arrive $0xFFFF;
	s2 =	simm.s32 @!p0 $0x1C03  }
0x63: {  	[timem:s3], [sflag:s2] =	dma.local @!p0 [hbm:s0], s1  }
0x64: {  	s0 =	simm.s32 @!p0 $0x3  }
0x65: {  	_ =	swait.ge @!p0 [sflag:s0], s1  }
0x66: {  	s1 =	ssub.s32 @!p0 $0x0, s1;
	[sflag:s0] =	ssyncset.done @!p0 $0x0  }
0x67: {  	[sflag:s0] =	ssyncadd.s32 @!p0 s1  }
0x68: {  	[bflag:$0x3] =	sbarrier.arrive $0xFFFF  }
0x69: {  	_ =	shalt  }

// kernel: kernel.52.cloned.1.call-start
scs
__scs_entry_jumppad:
0x0: {  	(pc) =	sbr.rel $0x88, $3  }
0x1: {  	(tag) =	ssettag $0x0;
	lr =	simm.s32 $0x1  }
0x2: {  	[smem:$0x3F49] =	sst lr;
	_ =	strace $0xD0000000  }
0x3: {  	_ = 	snop  }
0x4: {  	_ = 	snop  }
0x5: {  	_ = 	snop  }
0x6: {  	_ = 	snop  }
0x7: {  	_ = 	snop  }
__scs_overlays_trampoline_lowered:
0x8: {  	[smem:$0x3F58] =	sst s0  }
0x9: {  	[smem:$0x3F59] =	sst s1  }
0xa: {  	[smem:$0x3F5A] =	sst s2  }
0xb: {  	[smem:$0x3F5B] =	sst s3  }
0xc: {  	[smem:$0x3F5C] =	sst s4  }
0xd: {  	[smem:$0x3F5D] =	sst s5  }
0xe: {  	[smem:$0x3F5E] =	sst s6  }
0xf: {  	[smem:$0x3F5F] =	sst s7  }
0x10: {  	[smem:$0x3F60] =	sst s8  }
0x11: {  	[smem:$0x3F61] =	sst s9;
	s0 =	simm.s32 @!p0 $0x0  }
0x12: {  	s1 =	sld [smem:$0x3F47];
	s0 =	simm.s32 @p0 $0x1  }
0x13: {  	[smem:$0x3F62] =	sst s0;
	s0 =	simm.s32 @!p1 $0x0  }
0x14: {  	s2 =	sld [smem:$0x3F46];
	s0 =	simm.s32 @p1 $0x1  }
0x15: {  	[smem:$0x3F63] =	sst s0;
	s0 =	simm.s32 @!p2 $0x0  }
0x16: {  	s3 =	sld [smem:$0x3FDB];
	s0 =	simm.s32 @p2 $0x1  }
0x17: {  	s4 =	simm.s32 $0x1BF5;
	[smem:$0x3F65] =	sst s0  }
0x18: {  	s0 =	sld [smem:$0x3F48];
	_ =	swait.ge [sflag:s4], $0x0  }
0x19: {  	s7 =	sld [smem:$0x3F49]  }
0x1a: {  	s8 =	sadd.s32 $0xFFFFE003, lr  }
0x1b: {  	s9 =	sadd.s32 $0xFFFFFEF7, lr;
	s5 =	simm.s32 $0xFFFFFFFF;
	p2 =	slt.u32 s8, $0xFFFFF086  }
0x1c: {  	p1 =	slt.u32 s9, $0xF7A;
	s5 =	simm.s32 @!p2 $0x0  }
0x1d: {  	s5 =	simm.s32 @p1 $0x1;
	p0 =	seq.s32 s7, s2  }
0x1e: {  	s7 =	smul.u32 @!p0 $0xF7A, s2;
	p2 =	seq.s32 @!p0 s5, $0x0  }
0x1f: {  	s9 =	smul.u32 $0xF7A, s1;
	s8 =	simm.s32 @!p0 $0x1BF5;
	p2 =	por !p2, p0  }
0x20: {  	[sflag:s8] =	ssyncset.s32 @!p0 $0xFFFFF086;
	s6 =	sadd.s32 @!p0 s3, s7;
	s7 =	simm.s32 @!p0 $0x108  }
0x21: {  	s3 =	sadd.s32 s3, s9;
	s6 =	sadd.s32 @!p0 $0x88, s6;
	s7 =	simm.s32 @p2 $0x1082  }
0x22: {  	[simem:s7], [sflag:s8] =	dma.local @!p0 [hbm:s6], $0xF7A  }
0x23: {  	s9 =	sor.u32 $0xD0000000, s2;
	s6 =	simm.s32 $0x108;
	_ =	swait.ge @!p0 [sflag:s8], $0x0  }
0x24: {  	s3 =	sadd.s32 $0x88, s3;
	s6 =	simm.s32 @!p1 $0x1082;
	[sflag:s4] =	ssyncset.s32 $0xFFFFF086  }
0x25: {  	[simem:s6], [sflag:s4] =	dma.local [hbm:s3], $0xF7A  }
0x26: {  	[smem:$0x3F49] =	sst s1;
	(tag) =	ssettag s2;
	_ =	strace s9  }
0x27: {  	s1 =	sld [smem:$0x3F59]  }
0x28: {  	s2 =	sld [smem:$0x3F5A]  }
0x29: {  	s4 =	sld [smem:$0x3F5C]  }
0x2a: {  	p0 =	seq.s32 s5, $0x0;
	s5 =	sld [smem:$0x3F5D]  }
0x2b: {  	s6 =	sld [smem:$0x3F5E]  }
0x2c: {  	s7 =	sld [smem:$0x3F5F]  }
0x2d: {  	s3 =	simm.s32 $0x108;
	s8 =	sld [smem:$0x3F60]  }
0x2e: {  	s3 =	simm.s32 @!p0 $0x1082;
	s9 =	sld [smem:$0x3F61]  }
0x2f: {  	lr =	sadd.s32 s0, s3;
	s0 =	sld [smem:$0x3F58]  }
0x30: {  	s3 =	sld [smem:$0x3F5B]  }
0x31: {  	[smem:$0x3F64] =	sst s10  }
0x32: {  	s10 =	sld [smem:$0x3F62];
	_ =	sdelay $0x3  }
0x33: {  	p0 =	seq.s32 s10, $0x1;
	s10 =	sld [smem:$0x3F64];
	_ =	sdelay $0x3  }
0x34: {  	[smem:$0x3F64] =	sst s10  }
0x35: {  	s10 =	sld [smem:$0x3F63];
	_ =	sdelay $0x3  }
0x36: {  	p1 =	seq.s32 s10, $0x1;
	s10 =	sld [smem:$0x3F64];
	_ =	sdelay $0x3  }
0x37: {  	[smem:$0x3F64] =	sst s10  }
0x38: {  	s10 =	sld [smem:$0x3F65]  }
0x39: {  	_ = 	snop;
	(pc) =	sbr.ind lr, $3  }
0x3a: {  	_ = 	snop  }
0x3b: {  	_ = 	snop  }
0x3c: {  	p2 =	seq.s32 s10, $0x1;
	s10 =	sld [smem:$0x3F64]  }
0x3d: {  	_ =	shalt  }
0x3e: {  	_ =	shalt  }
0x3f: {  	_ =	shalt  }
0x40: {  	_ =	shalt  }
0x41: {  	_ =	shalt  }
0x42: {  	_ =	shalt  }
0x43: {  	_ =	shalt  }
0x44: {  	_ =	shalt  }
0x45: {  	_ =	shalt  }
0x46: {  	_ =	shalt  }
0x47: {  	_ =	shalt  }
0x48: {  	_ =	shalt  }
0x49: {  	_ =	shalt  }
0x4a: {  	_ =	shalt  }
0x4b: {  	_ =	shalt  }
0x4c: {  	_ =	shalt  }
0x4d: {  	_ =	shalt  }
0x4e: {  	_ =	shalt  }
0x4f: {  	_ =	shalt  }
0x50: {  	_ =	shalt  }
0x51: {  	_ =	shalt  }
0x52: {  	_ =	shalt  }
0x53: {  	_ =	shalt  }
0x54: {  	_ =	shalt  }
0x55: {  	_ =	shalt  }
0x56: {  	_ =	shalt  }
0x57: {  	_ =	shalt  }
0x58: {  	_ =	shalt  }
0x59: {  	_ =	shalt  }
0x5a: {  	_ =	shalt  }
0x5b: {  	_ =	shalt  }
0x5c: {  	_ =	shalt  }
0x5d: {  	_ =	shalt  }
0x5e: {  	_ =	shalt  }
0x5f: {  	_ =	shalt  }
0x60: {  	_ =	shalt  }
0x61: {  	_ =	shalt  }
0x62: {  	_ =	shalt  }
0x63: {  	_ =	shalt  }
0x64: {  	_ =	shalt  }
0x65: {  	_ =	shalt  }
0x66: {  	_ =	shalt  }
0x67: {  	_ =	shalt  }
0x68: {  	_ =	shalt  }
0x69: {  	_ =	shalt  }
0x6a: {  	_ =	shalt  }
0x6b: {  	_ =	shalt  }
0x6c: {  	_ =	shalt  }
0x6d: {  	_ =	shalt  }
0x6e: {  	_ =	shalt  }
0x6f: {  	_ =	shalt  }
0x70: {  	_ =	shalt  }
0x71: {  	_ =	shalt  }
0x72: {  	_ =	shalt  }
0x73: {  	_ =	shalt  }
0x74: {  	_ =	shalt  }
0x75: {  	_ =	shalt  }
0x76: {  	_ =	shalt  }
0x77: {  	_ =	shalt  }
0x78: {  	_ =	shalt  }
0x79: {  	_ =	shalt  }
0x7a: {  	_ =	shalt  }
0x7b: {  	_ =	shalt  }
0x7c: {  	_ =	shalt  }
0x7d: {  	_ =	shalt  }
0x7e: {  	_ =	shalt  }
0x7f: {  	_ =	shalt  }
0x80: {  	_ =	shalt  }
0x81: {  	_ =	shalt  }
0x82: {  	_ =	shalt  }
0x83: {  	_ =	shalt  }
0x84: {  	_ =	shalt  }
0x85: {  	_ =	shalt  }
0x86: {  	_ =	shalt  }
0x87: {  	_ =	shalt  }
.Lfunc_end0:
.L_simem_size_0:
called_computation.9_lowered:
.L_overlay_start_0:
0x88: {  	s2 =	sld [smem:$0x3FD9]  }
0x89: {  	s3 =	sld [smem:$0x3FFE];
	_ =	sdelay $0x1  }
0x8a: {  	s1 =	srdreg.scid  }
0x8b: {  	s0 =	sand.u32 $0x1, s1  }
0x8c: {  	s16 =	sshll.u32 s0, $0xA;
	s2 =	sadd.s32 s3, s2  }
0x8d: {  	s2 =	sadd.s32 s2, s16  }
0x8e: {  	[smem:$0x3F70] =	sst s2  }
0x8f: {  	_ = 	snop  }
0x90: {  	(tm) =	ssettm $0x1  }
0x91: {  	s17 =	sld [smem:$0x3FFB];
	_ =	sdelay $0x3  }
0x92: {  	_ =	strace s17  }
0x93: {  	s2 =	sld [smem:$0x3FFC];
	_ =	sdelay $0x3  }
0x94: {  	_ =	strace s2  }
0x95: {  	s2 =	sld [smem:$0x3FFD];
	_ =	sdelay $0x3  }
0x96: {  	_ =	strace s2  }
0x97: {  	_ =	strace $0x8FFFFFFF  }
0x98: {  	s18 =	sld [smem:$0x3FDB];
	_ =	sdelay $0x1  }
0x99: {  	s19 =	simm.s32 $_scs_section_size  }
0x9a: {  	s4 =	simm.s32 $_size__tile_overlayer_lowered;
	s5 =	simm.s32 $_tile_overlayer_lowered  }
0x9b: {  	s22 =	simm.s32 $0x1BFF;
	s21 =	sshll.u32 s5, $0x1;
	s2 =	sadd.s32 s19, s18  }
0x9c: {  	s6 =	simm.s32 $0x0;
	s20 =	sshll.u32 s4, $0x1;
	s4 =	sadd.s32 s21, s2  }
0x9d: {  	[timem:s6], [sflag:s22] =	dma.local [hbm:s4], s20  }
0x9e: {  	_ =	swait.ge [sflag:s22], s20  }
0x9f: {  	s3 =	ssub.s32 $0x0, s20;
	[sflag:s22] =	ssyncset.done $0x0  }
0xa0: {  	[sflag:s22] =	ssyncadd.s32 s3;
	_ =	sdelay $0x1  }
0xa1: {  	s23 =	simm.s32 $0x1B8B  }
0xa2: {  	_ =	swait.ge [sflag:s23], $0x1  }
0xa3: {  	[sflag:s23] =	ssyncset.done $0x0  }
0xa4: {  	s25 =	simm.s32 $0x1B8E;
	s24 =	sld [smem:$0x3FFE];
	[sflag:s23] =	ssyncadd.s32 $0xFFFFFFFF  }
0xa5: {  	s26 =	simm.s32 $execute0_lowered;
	[smem:$0x3FD2] =	sst s25  }
0xa6: {  	s4 =	sshll.u32 s26, $0x1;
	_ =	strace $0x80000061;
	[dreg:$0x1] =	wrdreg $0xFFFFFFFF  }
0xa7: {  	s28 =	simm.s32 $_size_execute0_lowered;
	s2 =	sadd.s32 s2, s4;
	[dreg:$0x0] =	wrdreg $0x0  }
0xa8: {  	s4 =	sshll.u32 s28, $0x1;
	[dreg:$0x2] =	wrdreg s2  }
0xa9: {  	[dreg:$0x3] =	wrdreg s4  }
0xaa: {  	[dreg:$0x4] =	wrdreg $0xC0  }
0xab: {  	_ =	task [dreg:s6], $0x5FFFF  }
0xac: {  	[dreg:$0x1] =	wrdreg $0xFFFFFFFF  }
0xad: {  	[dreg:$0x0] =	wrdreg $0x60  }
0xae: {  	[dreg:$0x2] =	wrdreg s24  }
0xaf: {  	[dreg:$0x3] =	wrdreg $0x28800  }
0xb0: {  	[dreg:$0x4] =	wrdreg $0x9  }
0xb1: {  	_ =	task.clear_ibuf [dreg:s6], $0x5FFFF;
	_ =	strace $0x90000061  }
0xb2: {  	s29 =	simm.s32 $0x9;
	_ =	strace $0x80000063  }
0xb3: {  	_ =	swait.ge [sflag:s29], $0x1  }
0xb4: {  	[sflag:s29] =	ssyncadd.s32 $0xFFFFFFFF  }
0xb5: {  	_ =	strace $0x90000063  }
0xb6: {  	_ =	sfence  }
0xb7: {  	s30 =	sld [smem:$0x0];
	_ =	sdelay $0x2  }
0xb8: {  	s31 =	sshll.u32 s1, $0xD;
	s1 =	sshrl.u32 s1, $0x2  }
0xb9: {  	s3 =	sand.u32 $0x4000, s31;
	s1 =	sadd.s32 s1, s30  }
0xba: {  	s0 =	sor.u32 s3, s0;
	s1 =	sshll.u32 s1, $0x11  }
0xbb: {  	s0 =	sor.u32 s1, s0  }
0xbc: {  	s0 =	sadd.s32 $0x8F2B, s0  }
0xbd: {  	[sflag:s0] =	ssyncadd.remote.s32 $0x1  }
0xbe: {  	_ =	sfence.sel $0xFFFF  }
0xbf: {  	[dreg:$0x0] =	wrdreg $0xFFFFFFFF;
	(pc) =	sbr.abs _section_cstart, $3  }
0xc0: {  	[dreg:$0x1] =	wrdreg $0xFFFFFFFF  }
0xc1: {  	_ =	task.clear_ibuf [dreg:s6], $0x2FFFF;
	_ =	strace $0x9FFFFFFF  }
0xc2: {  	(tm) =	ssettm $0x7FFFFFFF  }
0xc3: {  	_ =	shalt  }
tec
execute0_lowered:
.L_overlay_start_1:
0x0: {  	(tag) =	ssettag $0x1  }
0x1: {  	s4 =	rddreg [dreg:$0x0];
	s1 =	stileid.u32  }
0x2: {  	s2 =	rddreg [dreg:$0x1];
	s5 =	smul.u32 $0xA00, s1  }
0x3: {  	s0 =	rddreg [dreg:$0x2];
	s3 =	simm.s32 $0x0;
	s6 =	smul.u32 $0x14, s1  }
0x4: {  	s7 =	srdreg.scid;
	s14 =	simm.s32 $0x50;
	s8 =	smul.u32 $0x13C00, s1  }
0x5: {  	s15 =	simm.s32 $0x0;
	s7 =	sand.u32 $0x1, s7;
	s12 =	smul.u32 $0x4F000, s1  }
0x6: {  	[smem:$0x7FF] =	sst s3;
	s30 =	sshll.u32 s1, $0x6;
	s9 =	smul.u32 $0x13C000, s7  }
0x7: {  	_ =	strace $0x80000062;
	s25 =	ssub.s32 $0x2, s7;
	s28 =	smul.u32 $0x500, s7  }
0x8: {  	s7 =	smul.u32 $0xA, s7;
	s10 =	sadd.s32 s5, s4;
	s11 =	sadd.s32 s6, s4  }
0x9: {  	s23 =	sshrl.u32 s8, $0x3;
	s26 =	sshrl.u32 s25, $0x1;
	s29 =	sshrl.u32 s12, $0x2  }
0xa: {  	s12 =	simm.s32 $0x2;
	s5 =	sadd.s32 s23, s4;
	s24 =	sadd.s32 s8, s9  }
0xb: {  	s8 =	ssub.s32 s25, s26;
	s13 =	sadd.s32 s29, s2;
	s9 =	sadd.s32 s28, s10  }
0xc: {  	s31 =	sadd.s32 s7, s11;
	s11 =	simm.s32 $0x1;
	s6 =	sshrl.u32 s24, $0x3  }
0xd: {  	s7 =	smax.u32 s8, $0x1;
	s8 =	sadd.s32 $0xA87000, s9;
	s9 =	sadd.s32 $0x1C400, s31  }
0xe: {  	s10 =	sshrl.u32 s13, $0x3;
	s13 =	simm.s32 $0x80;
	s6 =	sadd.s32 s6, s4  }
0xf: {  	s4 =	sadd.s32 $0x26200, s5;
	s5 =	sor.u32 $0x1C01, s30;
	s6 =	sadd.s32 $0xC3000, s6  }
.LBB2_1:
0x10: {  	[spmem:s10], [sflag:s5] =	dma.local [hbm:s4], $0x2780  }
0x11: {  	_ =	swait.ge [sflag:s11], $0x2780  }
0x12: {  	[sflag:s11] =	ssyncset.done $0x0  }
0x13: {  	[sflag:s11] =	ssyncadd.s32 $0xFFFFD880  }
0x14: {  	s16 =	sadd.s32 $0x0, s9;
	[bflag:$0x0] =	sbarrier.arrive $0xFFFF  }
0x15: {  	[tilespmem:s3], [sflag:$0x2] =	stream.linear.gather [hbm4b:s16+s3], $0x50, $0x38;
	[tilespmem:$0x16480] =	vst v63  }
0x16: {  	_ =	swait.ge [sflag:s12], $0x50  }
0x17: {  	[sflag:s12] =	ssyncset.done $0x0  }
0x18: {  	[sflag:s12] =	ssyncadd.s32 $0xFFFFFFB0  }
0x19: {  	[tilespmem:s13], [sflag:$0x2] =	stream.linear.gather [hbm4b:s8+s3], $0x2800, $0x38;
	[tilespmem:$0x16480] =	vst v63  }
0x1a: {  	_ =	swait.ge [sflag:s12], $0x2800  }
0x1b: {  	[sflag:s12] =	ssyncset.done $0x0  }
0x1c: {  	[sflag:s12] =	ssyncadd.s32 $0xFFFFD800  }
0x1d: {  	[spmem:s2] =	stream.indirect.scatter.add.f32 [tilespmem:s13], [sflag:$0x1], $0x80, s3, s14, $0xb8;
	[tilespmem:$0x16480] =	vst v63  }
0x1e: {  	s17 =	simm.s32 $0x140;
	_ =	swait.ge [sflag:s11], $0x2800  }
0x1f: {  	s18 =	simm.s32 $0x280;
	s16 =	sadd.s32 $0xA000, s8;
	[sflag:s11] =	ssyncset.done $0x0  }
.LBB2_2:
0x20: {  	s19 =	sadd.s32 s17, s9  }
0x21: {  	[sflag:s11] =	ssyncadd.s32 $0xFFFFD800;
	s17 =	smov.u32 s18;
	s20 =	sadd.s32 $0x140, s18  }
0x22: {  	[tilespmem:s3], [sflag:$0x2] =	stream.linear.gather [hbm4b:s19+s3], $0x50, $0x38;
	[tilespmem:$0x16480] =	vst v63  }
0x23: {  	p0 =	sne.s32 s18, $0x9B00;
	_ =	swait.ge [sflag:s12], $0x50  }
0x24: {  	[sflag:s12] =	ssyncset.done $0x0  }
0x25: {  	[sflag:s12] =	ssyncadd.s32 $0xFFFFFFB0  }
0x26: {  	[tilespmem:s13], [sflag:$0x2] =	stream.linear.gather [hbm4b:s16+s3], $0x2800, $0x38;
	[tilespmem:$0x16480] =	vst v63  }
0x27: {  	_ =	swait.ge [sflag:s12], $0x2800  }
.Ltmp0:
0x28: {  	[sflag:s12] =	ssyncset.done $0x0;
	(pc) =	sbr.rel @p0 .LBB2_2-.Ltmp0, $4  }
0x29: {  	[sflag:s12] =	ssyncadd.s32 $0xFFFFD800  }
0x2a: {  	[spmem:s2] =	stream.indirect.scatter.add.f32 [tilespmem:s13], [sflag:$0x1], $0x80, s3, s14, $0xb8;
	[tilespmem:$0x16480] =	vst v63  }
0x2b: {  	_ =	swait.ge [sflag:s11], $0x2800  }
0x2c: {  	s18 =	smov.u32 s20;
	s16 =	sadd.s32 $0xA000, s16;
	[sflag:s11] =	ssyncset.done $0x0  }
0x2d: {  	s17 =	sadd.s32 s17, s9;
	[sflag:s11] =	ssyncadd.s32 $0xFFFFD800  }
0x2e: {  	[tilespmem:s3], [sflag:$0x2] =	stream.linear.gather [hbm4b:s17+s3], $0x50, $0x38;
	[tilespmem:$0x16480] =	vst v63  }
0x2f: {  	_ =	swait.ge [sflag:s12], $0x50  }
0x30: {  	[sflag:s12] =	ssyncset.done $0x0  }
0x31: {  	[sflag:s12] =	ssyncadd.s32 $0xFFFFFFB0  }
0x32: {  	[tilespmem:s13], [sflag:$0x2] =	stream.linear.gather [hbm4b:s16+s3], $0x2800, $0x38;
	[tilespmem:$0x16480] =	vst v63  }
0x33: {  	_ =	swait.ge [sflag:s12], $0x2800  }
0x34: {  	[sflag:s12] =	ssyncset.done $0x0  }
0x35: {  	[sflag:s12] =	ssyncadd.s32 $0xFFFFD800  }
0x36: {  	[spmem:s2] =	stream.indirect.scatter.add.f32 [tilespmem:s13], [sflag:$0x1], $0x80, s3, s14, $0xb8;
	[tilespmem:$0x16480] =	vst v63  }
0x37: {  	_ =	swait.ge [sflag:s11], $0x2800  }
0x38: {  	s15 =	sadd.s32 $0x1, s15;
	[sflag:s11] =	ssyncset.done $0x0  }
0x39: {  	p0 =	sne.s32 s15, s7;
	[sflag:s11] =	ssyncadd.s32 $0xFFFFD800  }
.Ltmp1:
0x3a: {  	[bflag:$0x0] =	sbarrier.arrive $0xFFFF;
	(pc) =	sbr.rel @p0 .LBB2_1-.Ltmp1, $4  }
0x3b: {  	[hbm:s6], [sflag:s5] =	dma.local [spmem:s10], $0x2780  }
0x3c: {  	_ =	swait.ge [sflag:s11], $0x2780  }
0x3d: {  	[sflag:s11] =	ssyncset.done $0x0  }
0x3e: {  	[sflag:s11] =	ssyncadd.s32 $0xFFFFD880  }
0x3f: {  	_ =	sfence.sel $0x180000  }
0x40: {  	[bflag:$0x0] =	sbarrier.arrive $0xFFFF  }
0x41: {  	p0 =	sne.s32 s1, $0x0;
	_ =	strace $0x90000062  }
0x42: {  	s0 =	sadd.s32 @!p0 $0x100000, s0;
	[bflag:$0x2] =	sbarrier.arrive $0xFFFF  }
0x43: {  	[sflag:s0] =	ssyncadd.tile.s32 @!p0 $0x1;
	_ =	shalt  }
.Lfunc_end2:
_tile_overlayer_lowered:
.L_overlay_start_2:
0x44: {  	(tag) =	ssettag $0x2  }
0x45: {  	s0 =	rddreg [dreg:$0x0];
	s2 =	stileid.u32  }
0x46: {  	s1 =	rddreg [dreg:$0x1];
	p0 =	sne.s32 s2, $0x0  }
0x47: {  	s3 =	rddreg [dreg:$0x2];
	[bflag:$0x3] =	sbarrier.arrive $0xFFFF;
	s2 =	simm.s32 @!p0 $0x1C01  }
0x48: {  	[timem:s3], [sflag:s2] =	dma.local @!p0 [hbm:s0], s1  }
0x49: {  	s0 =	simm.s32 @!p0 $0x1  }
0x4a: {  	_ =	swait.ge @!p0 [sflag:s0], s1  }
0x4b: {  	s1 =	ssub.s32 @!p0 $0x0, s1;
	[sflag:s0] =	ssyncset.done @!p0 $0x0  }
0x4c: {  	[sflag:s0] =	ssyncadd.s32 @!p0 s1  }
0x4d: {  	[bflag:$0x3] =	sbarrier.arrive $0xFFFF  }
0x4e: {  	_ =	shalt  }

// kernel: kernel.55.cloned.1.call-start
scs
__scs_entry_jumppad:
0x0: {  	(pc) =	sbr.rel $0x88, $3  }
0x1: {  	(tag) =	ssettag $0x0;
	lr =	simm.s32 $0x1  }
0x2: {  	[smem:$0x3F49] =	sst lr;
	_ =	strace $0xD0000000  }
0x3: {  	_ = 	snop  }
0x4: {  	_ = 	snop  }
0x5: {  	_ = 	snop  }
0x6: {  	_ = 	snop  }
0x7: {  	_ = 	snop  }
__scs_overlays_trampoline_lowered:
0x8: {  	[smem:$0x3F58] =	sst s0  }
0x9: {  	[smem:$0x3F59] =	sst s1  }
0xa: {  	[smem:$0x3F5A] =	sst s2  }
0xb: {  	[smem:$0x3F5B] =	sst s3  }
0xc: {  	[smem:$0x3F5C] =	sst s4  }
0xd: {  	[smem:$0x3F5D] =	sst s5  }
0xe: {  	[smem:$0x3F5E] =	sst s6  }
0xf: {  	[smem:$0x3F5F] =	sst s7  }
0x10: {  	[smem:$0x3F60] =	sst s8  }
0x11: {  	[smem:$0x3F61] =	sst s9;
	s0 =	simm.s32 @!p0 $0x0  }
0x12: {  	s1 =	sld [smem:$0x3F47];
	s0 =	simm.s32 @p0 $0x1  }
0x13: {  	[smem:$0x3F62] =	sst s0;
	s0 =	simm.s32 @!p1 $0x0  }
0x14: {  	s2 =	sld [smem:$0x3F46];
	s0 =	simm.s32 @p1 $0x1  }
0x15: {  	[smem:$0x3F63] =	sst s0;
	s0 =	simm.s32 @!p2 $0x0  }
0x16: {  	s3 =	sld [smem:$0x3FDB];
	s0 =	simm.s32 @p2 $0x1  }
0x17: {  	s4 =	simm.s32 $0x1BF5;
	[smem:$0x3F65] =	sst s0  }
0x18: {  	s0 =	sld [smem:$0x3F48];
	_ =	swait.ge [sflag:s4], $0x0  }
0x19: {  	s7 =	sld [smem:$0x3F49]  }
0x1a: {  	s8 =	sadd.s32 $0xFFFFE003, lr  }
0x1b: {  	s9 =	sadd.s32 $0xFFFFFEF7, lr;
	s5 =	simm.s32 $0xFFFFFFFF;
	p2 =	slt.u32 s8, $0xFFFFF086  }
0x1c: {  	p1 =	slt.u32 s9, $0xF7A;
	s5 =	simm.s32 @!p2 $0x0  }
0x1d: {  	s5 =	simm.s32 @p1 $0x1;
	p0 =	seq.s32 s7, s2  }
0x1e: {  	s7 =	smul.u32 @!p0 $0xF7A, s2;
	p2 =	seq.s32 @!p0 s5, $0x0  }
0x1f: {  	s9 =	smul.u32 $0xF7A, s1;
	s8 =	simm.s32 @!p0 $0x1BF5;
	p2 =	por !p2, p0  }
0x20: {  	[sflag:s8] =	ssyncset.s32 @!p0 $0xFFFFF086;
	s6 =	sadd.s32 @!p0 s3, s7;
	s7 =	simm.s32 @!p0 $0x108  }
0x21: {  	s3 =	sadd.s32 s3, s9;
	s6 =	sadd.s32 @!p0 $0x88, s6;
	s7 =	simm.s32 @p2 $0x1082  }
0x22: {  	[simem:s7], [sflag:s8] =	dma.local @!p0 [hbm:s6], $0xF7A  }
0x23: {  	s9 =	sor.u32 $0xD0000000, s2;
	s6 =	simm.s32 $0x108;
	_ =	swait.ge @!p0 [sflag:s8], $0x0  }
0x24: {  	s3 =	sadd.s32 $0x88, s3;
	s6 =	simm.s32 @!p1 $0x1082;
	[sflag:s4] =	ssyncset.s32 $0xFFFFF086  }
0x25: {  	[simem:s6], [sflag:s4] =	dma.local [hbm:s3], $0xF7A  }
0x26: {  	[smem:$0x3F49] =	sst s1;
	(tag) =	ssettag s2;
	_ =	strace s9  }
0x27: {  	s1 =	sld [smem:$0x3F59]  }
0x28: {  	s2 =	sld [smem:$0x3F5A]  }
0x29: {  	s4 =	sld [smem:$0x3F5C]  }
0x2a: {  	p0 =	seq.s32 s5, $0x0;
	s5 =	sld [smem:$0x3F5D]  }
0x2b: {  	s6 =	sld [smem:$0x3F5E]  }
0x2c: {  	s7 =	sld [smem:$0x3F5F]  }
0x2d: {  	s3 =	simm.s32 $0x108;
	s8 =	sld [smem:$0x3F60]  }
0x2e: {  	s3 =	simm.s32 @!p0 $0x1082;
	s9 =	sld [smem:$0x3F61]  }
0x2f: {  	lr =	sadd.s32 s0, s3;
	s0 =	sld [smem:$0x3F58]  }
0x30: {  	s3 =	sld [smem:$0x3F5B]  }
0x31: {  	[smem:$0x3F64] =	sst s10  }
0x32: {  	s10 =	sld [smem:$0x3F62];
	_ =	sdelay $0x3  }
0x33: {  	p0 =	seq.s32 s10, $0x1;
	s10 =	sld [smem:$0x3F64];
	_ =	sdelay $0x3  }
0x34: {  	[smem:$0x3F64] =	sst s10  }
0x35: {  	s10 =	sld [smem:$0x3F63];
	_ =	sdelay $0x3  }
0x36: {  	p1 =	seq.s32 s10, $0x1;
	s10 =	sld [smem:$0x3F64];
	_ =	sdelay $0x3  }
0x37: {  	[smem:$0x3F64] =	sst s10  }
0x38: {  	s10 =	sld [smem:$0x3F65]  }
0x39: {  	_ = 	snop;
	(pc) =	sbr.ind lr, $3  }
0x3a: {  	_ = 	snop  }
0x3b: {  	_ = 	snop  }
0x3c: {  	p2 =	seq.s32 s10, $0x1;
	s10 =	sld [smem:$0x3F64]  }
0x3d: {  	_ =	shalt  }
0x3e: {  	_ =	shalt  }
0x3f: {  	_ =	shalt  }
0x40: {  	_ =	shalt  }
0x41: {  	_ =	shalt  }
0x42: {  	_ =	shalt  }
0x43: {  	_ =	shalt  }
0x44: {  	_ =	shalt  }
0x45: {  	_ =	shalt  }
0x46: {  	_ =	shalt  }
0x47: {  	_ =	shalt  }
0x48: {  	_ =	shalt  }
0x49: {  	_ =	shalt  }
0x4a: {  	_ =	shalt  }
0x4b: {  	_ =	shalt  }
0x4c: {  	_ =	shalt  }
0x4d: {  	_ =	shalt  }
0x4e: {  	_ =	shalt  }
0x4f: {  	_ =	shalt  }
0x50: {  	_ =	shalt  }
0x51: {  	_ =	shalt  }
0x52: {  	_ =	shalt  }
0x53: {  	_ =	shalt  }
0x54: {  	_ =	shalt  }
0x55: {  	_ =	shalt  }
0x56: {  	_ =	shalt  }
0x57: {  	_ =	shalt  }
0x58: {  	_ =	shalt  }
0x59: {  	_ =	shalt  }
0x5a: {  	_ =	shalt  }
0x5b: {  	_ =	shalt  }
0x5c: {  	_ =	shalt  }
0x5d: {  	_ =	shalt  }
0x5e: {  	_ =	shalt  }
0x5f: {  	_ =	shalt  }
0x60: {  	_ =	shalt  }
0x61: {  	_ =	shalt  }
0x62: {  	_ =	shalt  }
0x63: {  	_ =	shalt  }
0x64: {  	_ =	shalt  }
0x65: {  	_ =	shalt  }
0x66: {  	_ =	shalt  }
0x67: {  	_ =	shalt  }
0x68: {  	_ =	shalt  }
0x69: {  	_ =	shalt  }
0x6a: {  	_ =	shalt  }
0x6b: {  	_ =	shalt  }
0x6c: {  	_ =	shalt  }
0x6d: {  	_ =	shalt  }
0x6e: {  	_ =	shalt  }
0x6f: {  	_ =	shalt  }
0x70: {  	_ =	shalt  }
0x71: {  	_ =	shalt  }
0x72: {  	_ =	shalt  }
0x73: {  	_ =	shalt  }
0x74: {  	_ =	shalt  }
0x75: {  	_ =	shalt  }
0x76: {  	_ =	shalt  }
0x77: {  	_ =	shalt  }
0x78: {  	_ =	shalt  }
0x79: {  	_ =	shalt  }
0x7a: {  	_ =	shalt  }
0x7b: {  	_ =	shalt  }
0x7c: {  	_ =	shalt  }
0x7d: {  	_ =	shalt  }
0x7e: {  	_ =	shalt  }
0x7f: {  	_ =	shalt  }
0x80: {  	_ =	shalt  }
0x81: {  	_ =	shalt  }
0x82: {  	_ =	shalt  }
0x83: {  	_ =	shalt  }
0x84: {  	_ =	shalt  }
0x85: {  	_ =	shalt  }
0x86: {  	_ =	shalt  }
0x87: {  	_ =	shalt  }
.Lfunc_end0:
.L_simem_size_0:
called_computation.10_lowered:
.L_overlay_start_0:
0x88: {  	s2 =	sld [smem:$0x3FD9]  }
0x89: {  	s3 =	sld [smem:$0x3FFE];
	_ =	sdelay $0x1  }
0x8a: {  	s1 =	srdreg.scid  }
0x8b: {  	s0 =	sand.u32 $0x1, s1  }
0x8c: {  	s17 =	sshll.u32 s0, $0xA;
	s2 =	sadd.s32 s3, s2  }
0x8d: {  	s2 =	sadd.s32 s2, s17  }
0x8e: {  	[smem:$0x3F70] =	sst s2  }
0x8f: {  	_ = 	snop  }
0x90: {  	s2 =	sld [smem:$0x3FC7];
	(tm) =	ssettm $0x1  }
0x91: {  	s18 =	sld [smem:$0x3FFB];
	_ =	sdelay $0x3  }
0x92: {  	_ =	strace s18  }
0x93: {  	s3 =	sld [smem:$0x3FFC];
	_ =	sdelay $0x3  }
0x94: {  	_ =	strace s3  }
0x95: {  	s3 =	sld [smem:$0x3FFD];
	_ =	sdelay $0x3  }
0x96: {  	_ =	strace s3  }
0x97: {  	_ =	strace $0x8FFFFFFF  }
0x98: {  	s19 =	sld [smem:$0x3FDB];
	_ =	sdelay $0x1  }
0x99: {  	s4 =	simm.s32 $_scs_section_size  }
0x9a: {  	s5 =	simm.s32 $_size__tile_overlayer_lowered;
	s6 =	simm.s32 $_tile_overlayer_lowered  }
0x9b: {  	s22 =	simm.s32 $0x1BFF;
	s21 =	sshll.u32 s6, $0x1;
	s3 =	sadd.s32 s4, s19  }
0x9c: {  	s7 =	simm.s32 $0x0;
	s20 =	sshll.u32 s5, $0x1;
	s5 =	sadd.s32 s21, s3  }
0x9d: {  	[timem:s7], [sflag:s22] =	dma.local [hbm:s5], s20  }
0x9e: {  	_ =	swait.ge [sflag:s22], s20  }
0x9f: {  	s4 =	ssub.s32 $0x0, s20;
	[sflag:s22] =	ssyncset.done $0x0  }
0xa0: {  	[sflag:s22] =	ssyncadd.s32 s4;
	_ =	sdelay $0x1  }
0xa1: {  	s23 =	simm.s32 $0x1B8B  }
0xa2: {  	_ =	swait.ge [sflag:s23], $0x1  }
0xa3: {  	[sflag:s23] =	ssyncset.done $0x0  }
0xa4: {  	s25 =	simm.s32 $0x1B8E;
	s24 =	sld [smem:$0x3FFE];
	[sflag:s23] =	ssyncadd.s32 $0xFFFFFFFF  }
0xa5: {  	s26 =	simm.s32 $execute0_lowered;
	[smem:$0x3FD2] =	sst s25  }
0xa6: {  	s5 =	sshll.u32 s26, $0x1;
	_ =	strace $0x80000064;
	[dreg:$0x1] =	wrdreg $0xFFFFFFFF  }
0xa7: {  	s28 =	simm.s32 $_size_execute0_lowered;
	s3 =	sadd.s32 s3, s5;
	[dreg:$0x0] =	wrdreg $0x0  }
0xa8: {  	s5 =	sshll.u32 s28, $0x1;
	[dreg:$0x2] =	wrdreg s3  }
0xa9: {  	[dreg:$0x3] =	wrdreg s5  }
0xaa: {  	[dreg:$0x4] =	wrdreg $0xC0  }
0xab: {  	_ =	task [dreg:s7], $0x5FFFF  }
0xac: {  	[dreg:$0x1] =	wrdreg $0xFFFFFFFF  }
0xad: {  	[dreg:$0x0] =	wrdreg $0x60  }
0xae: {  	[dreg:$0x2] =	wrdreg s24  }
0xaf: {  	[dreg:$0x3] =	wrdreg s2  }
0xb0: {  	[dreg:$0x4] =	wrdreg $0x28800  }
0xb1: {  	[dreg:$0x5] =	wrdreg $0x9  }
0xb2: {  	_ =	task.clear_ibuf [dreg:s7], $0x6FFFF;
	_ =	strace $0x90000064  }
0xb3: {  	s29 =	simm.s32 $0x9;
	_ =	strace $0x80000066  }
0xb4: {  	_ =	swait.ge [sflag:s29], $0x1  }
0xb5: {  	[sflag:s29] =	ssyncadd.s32 $0xFFFFFFFF  }
0xb6: {  	_ =	strace $0x90000066  }
0xb7: {  	_ =	sfence  }
0xb8: {  	s30 =	sld [smem:$0x0];
	_ =	sdelay $0x2  }
0xb9: {  	s31 =	sshll.u32 s1, $0xD;
	s1 =	sshrl.u32 s1, $0x2  }
0xba: {  	s3 =	sand.u32 $0x4000, s31;
	s1 =	sadd.s32 s1, s30  }
0xbb: {  	s0 =	sor.u32 s3, s0;
	s1 =	sshll.u32 s1, $0x11  }
0xbc: {  	s0 =	sor.u32 s1, s0  }
0xbd: {  	s0 =	sadd.s32 $0x8F2B, s0  }
0xbe: {  	[sflag:s0] =	ssyncadd.remote.s32 $0x1  }
0xbf: {  	_ =	sfence.sel $0xFFFF  }
0xc0: {  	[dreg:$0x0] =	wrdreg $0xFFFFFFFF;
	(pc) =	sbr.abs _section_cstart, $3  }
0xc1: {  	[dreg:$0x1] =	wrdreg $0xFFFFFFFF  }
0xc2: {  	_ =	task.clear_ibuf [dreg:s7], $0x2FFFF;
	_ =	strace $0x9FFFFFFF  }
0xc3: {  	(tm) =	ssettm $0x7FFFFFFF  }
tec
execute0_lowered:
.L_overlay_start_1:
0x0: {  	(tag) =	ssettag $0x1  }
0x1: {  	s10 =	rddreg [dreg:$0x0]  }
0x2: {  	s17 =	rddreg [dreg:$0x1]  }
0x3: {  	s2 =	rddreg [dreg:$0x2]  }
0x4: {  	s0 =	rddreg [dreg:$0x3];
	s3 =	simm.s32 $0x0;
	s1 =	stileid.u32  }
0x5: {  	s29 =	srdreg.scid;
	[smem:$0x7FF] =	sst s3  }
0x6: {  	s4 =	sshll.u32 s1, $0x8;
	s25 =	sand.u32 $0x1, s29;
	s8 =	sshll.u32 s1, $0x1  }
0x7: {  	s30 =	sshll.u32 s1, $0xB;
	s5 =	sshll.u32 s1, $0x6;
	_ =	strace $0x80000065  }
0x8: {  	s24 =	sadd.s32 s4, s10;
	s6 =	sadd.s32 s30, s2;
	s5 =	sor.u32 $0x1C01, s5  }
0x9: {  	s4 =	sadd.s32 $0x39800, s24;
	s7 =	sshrl.u32 s6, $0x3;
	s6 =	simm.s32 $0x1  }
0xa: {  	[spmem:s7], [sflag:s5] =	dma.local [hbm:s4], $0x100  }
0xb: {  	s18 =	sor.u32 s25, s8;
	_ =	swait.ge [sflag:s6], $0x100  }
0xc: {  	s8 =	smul.u32 $0xA, s18;
	[sflag:s6] =	ssyncset.done $0x0  }
0xd: {  	[sflag:s6] =	ssyncadd.s32 $0xFFFFFF00  }
0xe: {  	s9 =	simm.s32 $0x2;
	s8 =	sadd.s32 s17, s8;
	[bflag:$0x0] =	sbarrier.arrive $0xFFFF  }
0xf: {  	[tilespmem:s3], [sflag:$0x2] =	stream.linear.gather [hbm4b:s8+s3], $0x50, $0x38;
	[tilespmem:$0x3080] =	vst v63  }
0x10: {  	s11 =	smul.u32 $0x500, s18;
	_ =	swait.ge [sflag:s9], $0x50  }
0x11: {  	s20 =	sadd.s32 $0x12600, s10;
	[sflag:s9] =	ssyncset.done $0x0  }
0x12: {  	s10 =	sadd.s32 s20, s11;
	s11 =	simm.s32 $0x80;
	[sflag:s9] =	ssyncadd.s32 $0xFFFFFFB0  }
0x13: {  	[tilespmem:s11], [sflag:$0x2] =	stream.linear.gather [hbm4b:s10+s3], $0x2800, $0x38;
	[tilespmem:$0x3080] =	vst v63  }
0x14: {  	_ =	swait.ge [sflag:s9], $0x2800  }
0x15: {  	[sflag:s9] =	ssyncset.done $0x0  }
0x16: {  	s12 =	simm.s32 $0x50;
	s14 =	sor.u32 $0x20, s18;
	[sflag:s9] =	ssyncadd.s32 $0xFFFFD800  }
0x17: {  	[spmem:s2] =	stream.indirect.scatter.add.f32 [tilespmem:s11], [sflag:$0x1], $0x80, s3, s12, $0xb8;
	[tilespmem:$0x3080] =	vst v63  }
0x18: {  	s13 =	smul.u32 $0xA, s14;
	_ =	swait.ge [sflag:s6], $0x2800  }
0x19: {  	[sflag:s6] =	ssyncset.done $0x0  }
0x1a: {  	s13 =	sadd.s32 s17, s13;
	[sflag:s6] =	ssyncadd.s32 $0xFFFFD800  }
0x1b: {  	[tilespmem:s3], [sflag:$0x2] =	stream.linear.gather [hbm4b:s13+s3], $0x50, $0x38;
	[tilespmem:$0x3080] =	vst v63  }
0x1c: {  	s14 =	smul.u32 $0x500, s14;
	_ =	swait.ge [sflag:s9], $0x50  }
0x1d: {  	[sflag:s9] =	ssyncset.done $0x0  }
0x1e: {  	s14 =	sadd.s32 s20, s14;
	[sflag:s9] =	ssyncadd.s32 $0xFFFFFFB0  }
0x1f: {  	[tilespmem:s11], [sflag:$0x2] =	stream.linear.gather [hbm4b:s14+s3], $0x2800, $0x38;
	[tilespmem:$0x3080] =	vst v63  }
0x20: {  	_ =	swait.ge [sflag:s9], $0x2800  }
0x21: {  	[sflag:s9] =	ssyncset.done $0x0  }
0x22: {  	s16 =	sor.u32 $0x40, s18;
	[sflag:s9] =	ssyncadd.s32 $0xFFFFD800  }
0x23: {  	[spmem:s2] =	stream.indirect.scatter.add.f32 [tilespmem:s11], [sflag:$0x1], $0x80, s3, s12, $0xb8;
	[tilespmem:$0x3080] =	vst v63  }
0x24: {  	s15 =	smul.u32 $0xA, s16;
	_ =	swait.ge [sflag:s6], $0x2800  }
0x25: {  	[sflag:s6] =	ssyncset.done $0x0  }
0x26: {  	s15 =	sadd.s32 s17, s15;
	[sflag:s6] =	ssyncadd.s32 $0xFFFFD800  }
0x27: {  	[tilespmem:s3], [sflag:$0x2] =	stream.linear.gather [hbm4b:s15+s3], $0x50, $0x38;
	[tilespmem:$0x3080] =	vst v63  }
0x28: {  	s16 =	smul.u32 $0x500, s16;
	_ =	swait.ge [sflag:s9], $0x50  }
0x29: {  	[sflag:s9] =	ssyncset.done $0x0  }
0x2a: {  	s16 =	sadd.s32 s20, s16;
	[sflag:s9] =	ssyncadd.s32 $0xFFFFFFB0  }
0x2b: {  	[tilespmem:s11], [sflag:$0x2] =	stream.linear.gather [hbm4b:s16+s3], $0x2800, $0x38;
	[tilespmem:$0x3080] =	vst v63  }
0x2c: {  	_ =	swait.ge [sflag:s9], $0x2800  }
0x2d: {  	[sflag:s9] =	ssyncset.done $0x0  }
0x2e: {  	s21 =	sor.u32 $0x60, s18;
	[sflag:s9] =	ssyncadd.s32 $0xFFFFD800  }
0x2f: {  	[spmem:s2] =	stream.indirect.scatter.add.f32 [tilespmem:s11], [sflag:$0x1], $0x80, s3, s12, $0xb8;
	[tilespmem:$0x3080] =	vst v63  }
0x30: {  	s18 =	smul.u32 $0xA, s21;
	p0 =	sgt.u32 s21, $0x7C;
	_ =	swait.ge [sflag:s6], $0x2800  }
0x31: {  	s19 =	simm.s32 @!p0 $0x2;
	[sflag:s6] =	ssyncset.done $0x0  }
0x32: {  	s17 =	sadd.s32 s17, s18;
	s18 =	simm.s32 @!p0 $0x0;
	[sflag:s6] =	ssyncadd.s32 $0xFFFFD800  }
0x33: {  	[tilespmem:s18], [sflag:$0x2] =	stream.linear.gather @!p0 [hbm4b:s17+s18], $0x50, $0x38;
	[tilespmem:$0x3080] =	vst v63  }
0x34: {  	s21 =	smul.u32 $0x500, s21;
	_ =	swait.ge @!p0 [sflag:s19], $0x50  }
0x35: {  	s26 =	ssub.s32 $0x2, s25;
	[sflag:s19] =	ssyncset.done @!p0 $0x0  }
0x36: {  	s20 =	sadd.s32 s20, s21;
	s21 =	simm.s32 @!p0 $0x80;
	[sflag:s19] =	ssyncadd.s32 @!p0 $0xFFFFFFB0  }
0x37: {  	[tilespmem:s21], [sflag:$0x2] =	stream.linear.gather @!p0 [hbm4b:s20+s18], $0x2800, $0x38;
	[tilespmem:$0x3080] =	vst v63  }
0x38: {  	s25 =	sshll.u32 s25, $0xC;
	s28 =	sshrl.u32 s26, $0x1;
	_ =	swait.ge @!p0 [sflag:s19], $0x2800  }
0x39: {  	s26 =	ssub.s32 s26, s28;
	s22 =	simm.s32 @!p0 $0x50;
	[sflag:s19] =	ssyncset.done @!p0 $0x0  }
0x3a: {  	s23 =	simm.s32 @!p0 $0x1;
	s31 =	smax.u32 s26, $0x1;
	[sflag:s19] =	ssyncadd.s32 @!p0 $0xFFFFD800  }
0x3b: {  	[spmem:s2] =	stream.indirect.scatter.add.f32 @!p0 [tilespmem:s21], [sflag:$0x1], $0x80, s18, s22, $0xb8;
	[tilespmem:$0x3080] =	vst v63  }
0x3c: {  	s24 =	sadd.s32 s25, s24;
	s25 =	sadd.s32 $0xFFFFFFFF, s31;
	_ =	swait.ge @!p0 [sflag:s23], $0x2800  }
0x3d: {  	p1 =	sne.s32 s25, $0x0;
	[sflag:s23] =	ssyncset.done @!p0 $0x0  }
.Ltmp0:
0x3e: {  	[sflag:s23] =	ssyncadd.s32 @!p0 $0xFFFFD800;
	(pc) =	sbr.rel @!p1 .LBB2_2-.Ltmp0, $4  }
0x3f: {  	s24 =	sadd.s32 $0x3A800, s24;
	[bflag:$0x0] =	sbarrier.arrive $0xFFFF  }
0x40: {  	[hbm:s24], [sflag:s5] =	dma.local [spmem:s7], $0x100  }
0x41: {  	_ =	swait.ge [sflag:s6], $0x100  }
0x42: {  	[sflag:s6] =	ssyncset.done $0x0  }
.LBB2_1:
0x43: {  	s25 =	sadd.s32 $0xFFFFFFFF, s25;
	[sflag:s6] =	ssyncadd.s32 $0xFFFFFF00  }
0x44: {  	[spmem:s7], [sflag:s5] =	dma.local [hbm:s4], $0x100  }
0x45: {  	p1 =	sne.s32 s25, $0x0;
	_ =	swait.ge [sflag:s6], $0x100  }
0x46: {  	[sflag:s6] =	ssyncset.done $0x0  }
0x47: {  	[sflag:s6] =	ssyncadd.s32 $0xFFFFFF00  }
0x48: {  	[bflag:$0x0] =	sbarrier.arrive $0xFFFF  }
0x49: {  	[tilespmem:s3], [sflag:$0x2] =	stream.linear.gather [hbm4b:s8+s3], $0x50, $0x38;
	[tilespmem:$0x3080] =	vst v63  }
0x4a: {  	_ =	swait.ge [sflag:s9], $0x50  }
0x4b: {  	[sflag:s9] =	ssyncset.done $0x0  }
0x4c: {  	[sflag:s9] =	ssyncadd.s32 $0xFFFFFFB0  }
0x4d: {  	[tilespmem:s11], [sflag:$0x2] =	stream.linear.gather [hbm4b:s10+s3], $0x2800, $0x38;
	[tilespmem:$0x3080] =	vst v63  }
0x4e: {  	_ =	swait.ge [sflag:s9], $0x2800  }
0x4f: {  	[sflag:s9] =	ssyncset.done $0x0  }
0x50: {  	[sflag:s9] =	ssyncadd.s32 $0xFFFFD800  }
0x51: {  	[spmem:s2] =	stream.indirect.scatter.add.f32 [tilespmem:s11], [sflag:$0x1], $0x80, s3, s12, $0xb8;
	[tilespmem:$0x3080] =	vst v63  }
0x52: {  	_ =	swait.ge [sflag:s6], $0x2800  }
0x53: {  	[sflag:s6] =	ssyncset.done $0x0  }
0x54: {  	[sflag:s6] =	ssyncadd.s32 $0xFFFFD800  }
0x55: {  	[tilespmem:s3], [sflag:$0x2] =	stream.linear.gather [hbm4b:s13+s3], $0x50, $0x38;
	[tilespmem:$0x3080] =	vst v63  }
0x56: {  	_ =	swait.ge [sflag:s9], $0x50  }
0x57: {  	[sflag:s9] =	ssyncset.done $0x0  }
0x58: {  	[sflag:s9] =	ssyncadd.s32 $0xFFFFFFB0  }
0x59: {  	[tilespmem:s11], [sflag:$0x2] =	stream.linear.gather [hbm4b:s14+s3], $0x2800, $0x38;
	[tilespmem:$0x3080] =	vst v63  }
0x5a: {  	_ =	swait.ge [sflag:s9], $0x2800  }
0x5b: {  	[sflag:s9] =	ssyncset.done $0x0  }
0x5c: {  	[sflag:s9] =	ssyncadd.s32 $0xFFFFD800  }
0x5d: {  	[spmem:s2] =	stream.indirect.scatter.add.f32 [tilespmem:s11], [sflag:$0x1], $0x80, s3, s12, $0xb8;
	[tilespmem:$0x3080] =	vst v63  }
0x5e: {  	_ =	swait.ge [sflag:s6], $0x2800  }
0x5f: {  	[sflag:s6] =	ssyncset.done $0x0  }
0x60: {  	[sflag:s6] =	ssyncadd.s32 $0xFFFFD800  }
0x61: {  	[tilespmem:s3], [sflag:$0x2] =	stream.linear.gather [hbm4b:s15+s3], $0x50, $0x38;
	[tilespmem:$0x3080] =	vst v63  }
0x62: {  	_ =	swait.ge [sflag:s9], $0x50  }
0x63: {  	[sflag:s9] =	ssyncset.done $0x0  }
0x64: {  	[sflag:s9] =	ssyncadd.s32 $0xFFFFFFB0  }
0x65: {  	[tilespmem:s11], [sflag:$0x2] =	stream.linear.gather [hbm4b:s16+s3], $0x2800, $0x38;
	[tilespmem:$0x3080] =	vst v63  }
0x66: {  	_ =	swait.ge [sflag:s9], $0x2800  }
0x67: {  	[sflag:s9] =	ssyncset.done $0x0  }
0x68: {  	[sflag:s9] =	ssyncadd.s32 $0xFFFFD800  }
0x69: {  	[spmem:s2] =	stream.indirect.scatter.add.f32 [tilespmem:s11], [sflag:$0x1], $0x80, s3, s12, $0xb8;
	[tilespmem:$0x3080] =	vst v63  }
0x6a: {  	_ =	swait.ge [sflag:s6], $0x2800  }
0x6b: {  	[sflag:s6] =	ssyncset.done $0x0  }
0x6c: {  	[sflag:s6] =	ssyncadd.s32 $0xFFFFD800  }
0x6d: {  	[tilespmem:s18], [sflag:$0x2] =	stream.linear.gather @!p0 [hbm4b:s17+s18], $0x50, $0x38;
	[tilespmem:$0x3080] =	vst v63  }
0x6e: {  	_ =	swait.ge @!p0 [sflag:s19], $0x50  }
0x6f: {  	[sflag:s19] =	ssyncset.done @!p0 $0x0  }
0x70: {  	[sflag:s19] =	ssyncadd.s32 @!p0 $0xFFFFFFB0  }
0x71: {  	[tilespmem:s21], [sflag:$0x2] =	stream.linear.gather @!p0 [hbm4b:s20+s18], $0x2800, $0x38;
	[tilespmem:$0x3080] =	vst v63  }
0x72: {  	_ =	swait.ge @!p0 [sflag:s19], $0x2800  }
0x73: {  	[sflag:s19] =	ssyncset.done @!p0 $0x0  }
0x74: {  	[sflag:s19] =	ssyncadd.s32 @!p0 $0xFFFFD800  }
0x75: {  	[spmem:s2] =	stream.indirect.scatter.add.f32 @!p0 [tilespmem:s21], [sflag:$0x1], $0x80, s18, s22, $0xb8;
	[tilespmem:$0x3080] =	vst v63  }
0x76: {  	_ =	swait.ge @!p0 [sflag:s23], $0x2800  }
0x77: {  	[sflag:s23] =	ssyncset.done @!p0 $0x0  }
.Ltmp1:
0x78: {  	[sflag:s23] =	ssyncadd.s32 @!p0 $0xFFFFD800;
	(pc) =	sbr.rel @p1 .LBB2_1-.Ltmp1, $4  }
0x79: {  	[bflag:$0x0] =	sbarrier.arrive $0xFFFF  }
0x7a: {  	[hbm:s24], [sflag:s5] =	dma.local [spmem:s7], $0x100  }
0x7b: {  	_ =	swait.ge [sflag:s6], $0x100  }
0x7c: {  	[sflag:s6] =	ssyncset.done $0x0  }
.LBB2_2:
0x7d: {  	[sflag:s6] =	ssyncadd.s32 $0xFFFFFF00  }
0x7e: {  	_ =	sfence.sel $0x180000  }
0x7f: {  	[bflag:$0x0] =	sbarrier.arrive $0xFFFF  }
0x80: {  	p0 =	sne.s32 s1, $0x0;
	_ =	strace $0x90000065  }
0x81: {  	s0 =	sadd.s32 @!p0 $0x100000, s0;
	[bflag:$0x2] =	sbarrier.arrive $0xFFFF  }
0x82: {  	[sflag:s0] =	ssyncadd.tile.s32 @!p0 $0x1;
	_ =	shalt  }
.Lfunc_end2:
_tile_overlayer_lowered:
.L_overlay_start_2:
0x83: {  	(tag) =	ssettag $0x2  }
0x84: {  	s0 =	rddreg [dreg:$0x0];
	s2 =	stileid.u32  }
0x85: {  	s1 =	rddreg [dreg:$0x1];
	p0 =	sne.s32 s2, $0x0  }
0x86: {  	s3 =	rddreg [dreg:$0x2];
	[bflag:$0x3] =	sbarrier.arrive $0xFFFF;
	s2 =	simm.s32 @!p0 $0x1C01  }
0x87: {  	[timem:s3], [sflag:s2] =	dma.local @!p0 [hbm:s0], s1  }
0x88: {  	s0 =	simm.s32 @!p0 $0x1  }
0x89: {  	_ =	swait.ge @!p0 [sflag:s0], s1  }
0x8a: {  	s1 =	ssub.s32 @!p0 $0x0, s1;
	[sflag:s0] =	ssyncset.done @!p0 $0x0  }
0x8b: {  	[sflag:s0] =	ssyncadd.s32 @!p0 s1  }
0x8c: {  	[bflag:$0x3] =	sbarrier.arrive $0xFFFF  }
0x8d: {  	_ =	shalt  }

</sc_bundles>
